<compile_context>
chip_gen: v7x
topology: tpu7x:2x2x1
jax: 0.10.2.dev20260603
libtpu: 0.0.44.dev20260713+nightly
codegen_flags: <defaults>
</compile_context>

<pallas_src>
import functools
import math

import jax
import jax.numpy as jnp
import numpy as np
from jax import lax
from jax.experimental import pallas as pl
from jax.experimental.pallas import tpu as pltpu
from jax.experimental.pallas import tpu_sc as plsc

_Rcr = 5.2
_Rca = 3.5
_EtaR = 16.0
_EtaA = 8.0
_ShfR = [0.9, 1.16875, 1.4375, 1.70625, 1.975, 2.24375, 2.5125, 2.78125,
         3.05, 3.31875, 3.5875, 3.85625, 4.125, 4.39375, 4.6625, 4.93125]
_ShfA = [0.9, 1.55, 2.2, 2.85]
_ShfZ = np.array([0.19634954, 0.58904862, 0.9817477, 1.3744468, 1.7671459,
                  2.1598449, 2.552544, 2.9452431], dtype=np.float64)
_COSZ = np.cos(_ShfZ).astype(np.float32).tolist()
_SINZ = np.sin(_ShfZ).astype(np.float32).tolist()
_C, _A = 32, 32
_NS = 4
_NSP = 10

_ygrid = np.linspace(0.0, math.pi ** 2, 4096)
_cheb = np.polynomial.Chebyshev.fit(_ygrid, np.cos(np.sqrt(_ygrid)), 10,
                                    domain=[0.0, math.pi ** 2])
_COSC = _cheb.convert(kind=np.polynomial.Polynomial).coef.astype(
    np.float32).tolist()


def _cos_poly(y):
    acc = jnp.full((16,), _COSC[-1], jnp.float32)
    for c in reversed(_COSC[:-1]):
        acc = acc * y + c
    return acc


def _rsqrt(x):
    i = plsc.bitcast(x, jnp.int32)
    i = 0x5F3759DF - lax.shift_right_logical(i, 1)
    y = plsc.bitcast(i, jnp.float32)
    for _ in range(3):
        y = y * (1.5 - 0.5 * x * y * y)
    return y


def _iota16():
    return lax.broadcasted_iota(jnp.int32, (16,), 0)


def _sc_body(ct_hbm, sp_hbm, outr_hbm, outa_hbm,
             ct_v, sp_v,
             dx_v, dy_v, dz_v, dd_v, di_v, fca_v, fcr_v, pt_v,
             acc2_v, accr2_v, accr_v, acca_v, sem):
    m = lax.axis_index("c") * 16 + lax.axis_index("s")

    pltpu.sync_copy(ct_hbm.at[m], ct_v)
    pltpu.sync_copy(sp_hbm.at[m], sp_v)

    zero16 = jnp.zeros((16,), jnp.float32)

    @plsc.parallel_loop(0, 640)
    def _z(i):
        acc2_v[pl.ds(i * 16, 16)] = zero16

        @pl.when(i < 128)
        def _():
            accr2_v[pl.ds(i * 16, 16)] = zero16

    @plsc.parallel_loop(0, 32)
    def _tab(a):
        av = jnp.broadcast_to(a, (16,))
        cxa = plsc.load_gather(ct_v, [av])
        cya = plsc.load_gather(ct_v, [av + 32])
        cza = plsc.load_gather(ct_v, [av + 64])
        for c in range(2):
            jv = c * 16 + _iota16()
            base = a * 32 + c * 16
            dxc = cxa - ct_v[pl.ds(c * 16, 16)]
            dyc = cya - ct_v[pl.ds(32 + c * 16, 16)]
            dzc = cza - ct_v[pl.ds(64 + c * 16, 16)]
            d2 = dxc * dxc + dyc * dyc + dzc * dzc
            rs = _rsqrt(d2)
            dist = d2 * rs
            offd = jv != av
            yr = d2 * (math.pi / _Rcr) ** 2
            fcr = 0.125 * _cos_poly(yr) + 0.125
            mr = (dist <= _Rcr) & offd
            fcr = jnp.where(mr, fcr, zero16)
            ya = d2 * (math.pi / _Rca) ** 2
            fca = 0.5 * _cos_poly(ya) + 0.5
            ma = (dist <= _Rca) & offd
            fca = jnp.where(ma, 1.4142135623730951 * fca, zero16)
            dx_v[pl.ds(base, 16)] = dxc
            dy_v[pl.ds(base, 16)] = dyc
            dz_v[pl.ds(base, 16)] = dzc
            dd_v[pl.ds(base, 16)] = dist
            di_v[pl.ds(base, 16)] = rs
            fca_v[pl.ds(base, 16)] = fca
            fcr_v[pl.ds(base, 16)] = fcr

    @plsc.parallel_loop(0, 32)
    def _ptab(j):
        spjv = plsc.load_gather(sp_v, [jnp.broadcast_to(j, (16,))])
        for c in range(2):
            spk = sp_v[pl.ds(c * 16, 16)]
            mn = jnp.minimum(spjv, spk)
            mx = jnp.maximum(spjv, spk)
            pidx = (mn * _NS - lax.shift_right_logical(mn * (mn + 1), 1)
                    + mx)
            pt_v[pl.ds(j * 32 + c * 16, 16)] = lax.shift_left(pidx, 10)

    a_vec = [c * 16 + _iota16() for c in range(2)]
    a32 = [lax.shift_left(v, 5) for v in a_vec]

    @plsc.parallel_loop(0, 32)
    def _rad(j):
        spjv = plsc.load_gather(sp_v, [jnp.broadcast_to(j, (16,))])
        sbase = lax.shift_left(spjv[0], 9)
        for c in range(2):
            ij = a32[c] + j
            d = plsc.load_gather(dd_v, [ij])
            fr = plsc.load_gather(fcr_v, [ij])
            for f in range(16):
                w = d - _ShfR[f]
                val = jnp.exp(w * w * (-_EtaR)) * fr
                plsc.addupdate(accr2_v.at[pl.ds(sbase + f * 32 + c * 16, 16)],
                               val)

    def _ango(j, _):
        jside = []
        for c in range(2):
            ij = a32[c] + j
            jside.append((plsc.load_gather(dd_v, [ij]),
                          plsc.load_gather(di_v, [ij]),
                          plsc.load_gather(fca_v, [ij]),
                          plsc.load_gather(dx_v, [ij]),
                          plsc.load_gather(dy_v, [ij]),
                          plsc.load_gather(dz_v, [ij])))

        @plsc.parallel_loop(0, j)
        def _angi(k):
            pv = plsc.load_gather(pt_v, [jnp.broadcast_to(j * 32 + k, (16,))])
            pbase = pv[0]
            for c in range(2):
                ik = a32[c] + k
                d1, r1, fj, dxj, dyj, dzj = jside[c]
                d2g = plsc.load_gather(dd_v, [ik])
                r2 = plsc.load_gather(di_v, [ik])
                fk = plsc.load_gather(fca_v, [ik])
                dxk = plsc.load_gather(dx_v, [ik])
                dyk = plsc.load_gather(dy_v, [ik])
                dzk = plsc.load_gather(dz_v, [ik])
                fcp = fj * fk
                dots = dxj * dxk + dyj * dyk + dzj * dzk
                cc = 0.95 * dots * (r1 * r2)
                x = 1.0 - cc * cc
                ss = x * _rsqrt(x)
                u = 0.5 * cc
                v = 0.5 * ss
                avg = 0.5 * (d1 + d2g)
                gs = []
                for s in range(4):
                    w = avg - _ShfA[s]
                    gs.append(jnp.exp(w * w * (-_EtaA)) * fcp)
                t32 = []
                for z in range(8):
                    t = 0.5 + _COSZ[z] * u + _SINZ[z] * v
                    t = t * t
                    t = t * t
                    t = t * t
                    t = t * t
                    t = t * t
                    t32.append(t)
                for s in range(4):
                    for z in range(8):
                        plsc.addupdate(
                            acc2_v.at[pl.ds(pbase + (s * 8 + z) * 32 + c * 16,
                                            16)],
                            gs[s] * t32[z])
        return ()

    lax.fori_loop(1, 32, _ango, ())

    f32s = _iota16() * 32

    @plsc.parallel_loop(0, 32)
    def _tr(a):
        for p in range(_NSP):
            for c in range(2):
                src = plsc.load_gather(
                    acc2_v, [p * 1024 + (c * 16) * 32 + f32s + a])
                acca_v[pl.ds(a * 320 + p * 32 + c * 16, 16)] = src
        for s in range(_NS):
            srcr = plsc.load_gather(accr2_v, [s * 512 + f32s + a])
            accr_v[pl.ds(a * 64 + s * 16, 16)] = srcr

    pltpu.sync_copy(accr_v, outr_hbm.at[m])
    pltpu.sync_copy(acca_v, outa_hbm.at[m])


@functools.partial(jax.jit, static_argnums=())
def _sc_call(ct, sp):
    mesh = plsc.VectorSubcoreMesh(core_axis_name="c", subcore_axis_name="s")
    f = pl.kernel(
        _sc_body,
        out_type=(jax.ShapeDtypeStruct((_C, _A * _NS * 16), jnp.float32),
                  jax.ShapeDtypeStruct((_C, _A * _NSP * 32), jnp.float32)),
        mesh=mesh,
        compiler_params=pltpu.CompilerParams(needs_layout_passes=False),
        scratch_types=[
            pltpu.VMEM((96,), jnp.float32),
            pltpu.VMEM((_A,), jnp.int32),
            pltpu.VMEM((_A * _A,), jnp.float32),
            pltpu.VMEM((_A * _A,), jnp.float32),
            pltpu.VMEM((_A * _A,), jnp.float32),
            pltpu.VMEM((_A * _A,), jnp.float32),
            pltpu.VMEM((_A * _A,), jnp.float32),
            pltpu.VMEM((_A * _A,), jnp.float32),
            pltpu.VMEM((_A * _A,), jnp.float32),
            pltpu.VMEM((_A * _A,), jnp.int32),
            pltpu.VMEM((_NSP * 32 * _A,), jnp.float32),
            pltpu.VMEM((_NS * 16 * _A,), jnp.float32),
            pltpu.VMEM((_A * _NS * 16,), jnp.float32),
            pltpu.VMEM((_A * _NSP * 32,), jnp.float32),
            pltpu.SemaphoreType.DMA,
        ],
    )
    return f(ct, sp)


def kernel(species, coordinates):
    ct = jnp.transpose(coordinates, (0, 2, 1)).reshape(_C, 96)
    sp = species.astype(jnp.int32)
    outr, outa = _sc_call(ct, sp)
    rad = outr.reshape(_C, _A, _NS * 16)
    ang = outa.reshape(_C, _A, _NSP * 32)
    return jnp.concatenate([rad, ang], axis=-1)

# --- scband reference (transcript-rebuilt; emitter-appended) ---
"""Pipeline reference for scband-lrccomputer-12369505812590 (READ-ONLY COPY).

The authoritative reference and input builder live on the scoring server;
editing this copy changes nothing except your own understanding.
"""

import math
import jax, jax.numpy as jnp
import numpy as np

Rcr = 5.2
Rca = 3.5
EtaR = 16.0
ShfR = np.array([0.9, 1.16875, 1.4375, 1.70625, 1.975, 2.24375, 2.5125, 2.78125, 3.05, 3.31875, 3.5875, 3.85625, 4.125, 4.39375, 4.6625, 4.93125], dtype=np.float32)
EtaA = 8.0
Zeta = 32.0
ShfA = np.array([0.9, 1.55, 2.2, 2.85], dtype=np.float32)
ShfZ = np.array([0.19634954, 0.58904862, 0.9817477, 1.3744468, 1.7671459, 2.1598449, 2.552544, 2.9452431], dtype=np.float32)
NUM_SPECIES = 4
C, A = 32, 32
RADIAL_SUB = 16
ANGULAR_SUB = 32
NUM_SP_PAIRS = NUM_SPECIES * (NUM_SPECIES + 1) // 2

def _triu_table(ns):
    t = np.zeros((ns, ns), dtype=np.int64)
    i, j = np.triu_indices(ns)
    t[i, j] = np.arange(len(i))
    t[j, i] = np.arange(len(i))
    return t

TRIU = _triu_table(NUM_SPECIES)

IU, JU = np.triu_indices(A, 1)
IU = IU.astype(np.int32)
JU = JU.astype(np.int32)
NEI = ((np.arange(A)[:, None] + 1 + np.arange(A - 1)[None, :]) % A).astype(np.int32)
TU, TV = np.tril_indices(A - 1, -1)
JATOM = NEI[:, TU.astype(np.int32)]
KATOM = NEI[:, TV.astype(np.int32)]
NPAIR = JATOM.shape[1]
TRIU32 = TRIU.astype(np.int32)

def setup_inputs(seed: int = 0):
    key = jax.random.key(seed)
    k1, k2 = jax.random.split(key)
    species = jax.random.randint(k1, (C, A), 0, NUM_SPECIES, dtype=jnp.int32)
    coordinates = jax.random.normal(k2, (C, A, 3), dtype=jnp.float32)
    return {"species": species, "coordinates": coordinates}

def reference(species, coordinates):
    sp = species
    coords = coordinates
    diff = coords[:, IU, :] - coords[:, JU, :]
    dist = jnp.sqrt(jnp.sum(diff * diff, axis=-1))
    pad = (sp[:, IU] == -1) | (sp[:, JU] == -1)
    maskR = (dist <= Rcr) & (~pad)
    fc = 0.5 * jnp.cos(dist * (math.pi / Rcr)) + 0.5
    rt = 0.25 * jnp.exp(-EtaR * (dist[..., None] - jnp.asarray(ShfR)[None, None, :]) ** 2) * fc[..., None]
    rt = jnp.where(maskR[..., None], rt, 0.0)
    mol = jnp.arange(C, dtype=jnp.int32)[:, None]
    a1 = mol * A + IU[None, :]
    a2 = mol * A + JU[None, :]
    index1 = jnp.where(maskR, a1 * NUM_SPECIES + sp[:, JU], 0)
    index2 = jnp.where(maskR, a2 * NUM_SPECIES + sp[:, IU], 0)
    rtf = rt.reshape(-1, RADIAL_SUB)
    radial = jnp.zeros((C * A * NUM_SPECIES, RADIAL_SUB), dtype=coords.dtype)
    radial = radial.at[index1.reshape(-1)].add(rtf).at[index2.reshape(-1)].add(rtf)
    radial = radial.reshape(C, A, NUM_SPECIES * RADIAL_SUB)
    maskA = (dist <= Rca) & (~pad)
    adj = jnp.zeros((C, A, A), dtype=bool)
    adj = adj.at[:, IU, JU].set(maskA).at[:, JU, IU].set(maskA)
    cen = np.arange(A, dtype=np.int32)
    v1 = coords[:, cen[:, None], :] - coords[:, JATOM, :]
    v2 = coords[:, cen[:, None], :] - coords[:, KATOM, :]
    m3 = adj[:, cen[:, None], JATOM] & adj[:, cen[:, None], KATOM]
    d1 = jnp.sqrt(jnp.sum(v1 * v1, axis=-1))
    d2 = jnp.sqrt(jnp.sum(v2 * v2, axis=-1))
    cosang = 0.95 * jnp.sum(v1 * v2, axis=-1) / (d1 * d2)
    ang = jnp.arccos(cosang)
    fc1 = 0.5 * jnp.cos(d1 * (math.pi / Rca)) + 0.5
    fc2 = 0.5 * jnp.cos(d2 * (math.pi / Rca)) + 0.5
    f1 = ((1.0 + jnp.cos(ang[..., None, None] - jnp.asarray(ShfZ)[None, None, None, None, :])) / 2.0) ** Zeta
    f2 = jnp.exp(-EtaA * (((d1 + d2)[..., None, None] / 2.0) - jnp.asarray(ShfA)[None, None, None, :, None]) ** 2)
    at = 2.0 * f1 * f2 * (fc1 * fc2)[..., None, None]
    at = at.reshape(C, A, NPAIR, ANGULAR_SUB)
    at = jnp.where(m3[..., None], at, 0.0)
    spj = sp[:, JATOM]
    spk = sp[:, KATOM]
    pairidx = jnp.asarray(TRIU32)[spj, spk]
    central = jnp.arange(C, dtype=jnp.int32)[:, None] * A + jnp.asarray(cen)[None, :]
    ang_index = central[:, :, None] * NUM_SP_PAIRS + pairidx
    ang_index = jnp.where(m3, ang_index, 0)
    angular = jnp.zeros((C * A * NUM_SP_PAIRS, ANGULAR_SUB), dtype=coords.dtype)
    angular = angular.at[ang_index.reshape(-1)].add(at.reshape(-1, ANGULAR_SUB))
    angular = angular.reshape(C, A, NUM_SP_PAIRS * ANGULAR_SUB)
    return jnp.concatenate([radial, angular], axis=-1)

if __name__ == "__main__":
    import jax
    _d = setup_inputs()
    print(jax.jit(kernel)(*tuple(_d.values())))

</pallas_src>

<mosaic_0001>
#map = affine_map<(d0, d1) -> (0, 0)>
module attributes {stable_mosaic.version = 14 : i64} {
  func.func @_sc_body(%arg0: i32, %arg1: i32, %arg2: memref<32x96xf32, #tpu.memory_space<hbm>>, %arg3: memref<32x32xi32, #tpu.memory_space<hbm>>, %arg4: memref<32x2048xf32, #tpu.memory_space<hbm>>, %arg5: memref<32x10240xf32, #tpu.memory_space<hbm>>, %arg6: memref<96xf32, #tpu.memory_space<vmem>>, %arg7: memref<32xi32, #tpu.memory_space<vmem>>, %arg8: memref<1024xf32, #tpu.memory_space<vmem>>, %arg9: memref<1024xf32, #tpu.memory_space<vmem>>, %arg10: memref<1024xf32, #tpu.memory_space<vmem>>, %arg11: memref<1024xf32, #tpu.memory_space<vmem>>, %arg12: memref<1024xf32, #tpu.memory_space<vmem>>, %arg13: memref<1024xf32, #tpu.memory_space<vmem>>, %arg14: memref<1024xf32, #tpu.memory_space<vmem>>, %arg15: memref<1024xi32, #tpu.memory_space<vmem>>, %arg16: memref<10240xf32, #tpu.memory_space<vmem>>, %arg17: memref<2048xf32, #tpu.memory_space<vmem>>, %arg18: memref<2048xf32, #tpu.memory_space<vmem>>, %arg19: memref<10240xf32, #tpu.memory_space<vmem>>, %arg20: memref<!tpu.dma_semaphore, #tpu.memory_space<semaphore_mem>>) attributes {dimension_semantics = [#tpu.dimension_semantics<core_parallel>, #tpu.dimension_semantics<subcore_parallel>], iteration_bounds = array<i64: 2, 16>, scalar_prefetch = 0 : i64, scratch_operands = 15 : i64, tpu.core_type = #tpu.core_type<sc_vector_subcore>, window_params = [{transform_indices = #map}, {transform_indices = #map}, {transform_indices = #map}, {transform_indices = #map}]} {
    %mul3A = arith.constant 16 : i32
    %mul3A_0 = arith.muli %arg0, %mul3A : i32
    %add3A = arith.addi %mul3A_0, %arg1 : i32
    "tpu.region"() ({
      %run_scoped3A = tpu.sem_alloc : memref<!tpu.dma_semaphore, #tpu.memory_space<semaphore_mem>>
      %dma_start3A = arith.constant 0 : i32
      %dma_start3A_36 = tpu.memref_slice %arg2[%add3A, %dma_start3A] : memref<32x96xf32, #tpu.memory_space<hbm>> -> memref<1x96xf32, #tpu.memory_space<hbm>>
      %dma_start3A_37 = tpu.memref_squeeze %dma_start3A_36 : memref<1x96xf32, #tpu.memory_space<hbm>> -> memref<96xf32, #tpu.memory_space<hbm>>
      %dma_start3A_38 = arith.constant 0 : i32
      %dma_start3A_39 = tpu.memref_slice %arg2[%add3A, %dma_start3A_38] : memref<32x96xf32, #tpu.memory_space<hbm>> -> memref<1x96xf32, #tpu.memory_space<hbm>>
      %dma_start3A_40 = tpu.memref_squeeze %dma_start3A_39 : memref<1x96xf32, #tpu.memory_space<hbm>> -> memref<96xf32, #tpu.memory_space<hbm>>
      tpu.enqueue_dma source(%dma_start3A_40 : memref<96xf32, #tpu.memory_space<hbm>>) target(%arg6 : memref<96xf32, #tpu.memory_space<vmem>>) target_semaphore(%run_scoped3A : memref<!tpu.dma_semaphore, #tpu.memory_space<semaphore_mem>>)
      %dma_wait3A = arith.constant 0 : i32
      %dma_wait3A_41 = tpu.memref_slice %arg2[%add3A, %dma_wait3A] : memref<32x96xf32, #tpu.memory_space<hbm>> -> memref<1x96xf32, #tpu.memory_space<hbm>>
      %dma_wait3A_42 = tpu.memref_squeeze %dma_wait3A_41 : memref<1x96xf32, #tpu.memory_space<hbm>> -> memref<96xf32, #tpu.memory_space<hbm>>
      %dma_wait3A_43 = arith.constant 0 : i32
      %dma_wait3A_44 = tpu.memref_slice %arg2[%add3A, %dma_wait3A_43] : memref<32x96xf32, #tpu.memory_space<hbm>> -> memref<1x96xf32, #tpu.memory_space<hbm>>
      %dma_wait3A_45 = tpu.memref_squeeze %dma_wait3A_44 : memref<1x96xf32, #tpu.memory_space<hbm>> -> memref<96xf32, #tpu.memory_space<hbm>>
      tpu.wait_dma2 semaphore(%run_scoped3A : memref<!tpu.dma_semaphore, #tpu.memory_space<semaphore_mem>>) src(%dma_wait3A_45 : memref<96xf32, #tpu.memory_space<hbm>>) dst(%arg6 : memref<96xf32, #tpu.memory_space<vmem>>)
      tpu.yield
    }) : () -> ()
    "tpu.region"() ({
      %run_scoped3A = tpu.sem_alloc : memref<!tpu.dma_semaphore, #tpu.memory_space<semaphore_mem>>
      %dma_start3A = arith.constant 0 : i32
      %dma_start3A_36 = tpu.memref_slice %arg3[%add3A, %dma_start3A] : memref<32x32xi32, #tpu.memory_space<hbm>> -> memref<1x32xi32, #tpu.memory_space<hbm>>
      %dma_start3A_37 = tpu.memref_squeeze %dma_start3A_36 : memref<1x32xi32, #tpu.memory_space<hbm>> -> memref<32xi32, #tpu.memory_space<hbm>>
      %dma_start3A_38 = arith.constant 0 : i32
      %dma_start3A_39 = tpu.memref_slice %arg3[%add3A, %dma_start3A_38] : memref<32x32xi32, #tpu.memory_space<hbm>> -> memref<1x32xi32, #tpu.memory_space<hbm>>
      %dma_start3A_40 = tpu.memref_squeeze %dma_start3A_39 : memref<1x32xi32, #tpu.memory_space<hbm>> -> memref<32xi32, #tpu.memory_space<hbm>>
      tpu.enqueue_dma source(%dma_start3A_40 : memref<32xi32, #tpu.memory_space<hbm>>) target(%arg7 : memref<32xi32, #tpu.memory_space<vmem>>) target_semaphore(%run_scoped3A : memref<!tpu.dma_semaphore, #tpu.memory_space<semaphore_mem>>)
      %dma_wait3A = arith.constant 0 : i32
      %dma_wait3A_41 = tpu.memref_slice %arg3[%add3A, %dma_wait3A] : memref<32x32xi32, #tpu.memory_space<hbm>> -> memref<1x32xi32, #tpu.memory_space<hbm>>
      %dma_wait3A_42 = tpu.memref_squeeze %dma_wait3A_41 : memref<1x32xi32, #tpu.memory_space<hbm>> -> memref<32xi32, #tpu.memory_space<hbm>>
      %dma_wait3A_43 = arith.constant 0 : i32
      %dma_wait3A_44 = tpu.memref_slice %arg3[%add3A, %dma_wait3A_43] : memref<32x32xi32, #tpu.memory_space<hbm>> -> memref<1x32xi32, #tpu.memory_space<hbm>>
      %dma_wait3A_45 = tpu.memref_squeeze %dma_wait3A_44 : memref<1x32xi32, #tpu.memory_space<hbm>> -> memref<32xi32, #tpu.memory_space<hbm>>
      tpu.wait_dma2 semaphore(%run_scoped3A : memref<!tpu.dma_semaphore, #tpu.memory_space<semaphore_mem>>) src(%dma_wait3A_45 : memref<32xi32, #tpu.memory_space<hbm>>) dst(%arg7 : memref<32xi32, #tpu.memory_space<vmem>>)
      tpu.yield
    }) : () -> ()
    %broadcast_in_dim3A = arith.constant 0.000000e+00 : f32
    %broadcast_in_dim3A_1 = vector.broadcast %broadcast_in_dim3A : f32 to vector<16xf32>
    %parallel_loop3A = arith.constant 0 : i32
    %parallel_loop3A_2 = arith.constant 640 : i32
    %parallel_loop3A_3 = arith.constant 1 : i32
    scf.for %parallel_loop3A_36 = %parallel_loop3A to %parallel_loop3A_2 step %parallel_loop3A_3  : i32 {
      %parallel_loop3A_37 = arith.constant 16 : i32
      %parallel_loop3A_38 = arith.muli %parallel_loop3A_36, %parallel_loop3A_37 : i32
      %parallel_loop3A_39 = arith.index_cast %parallel_loop3A_38 : i32 to index
      %parallel_loop3A_40 = tpu.vector_load %arg16[%parallel_loop3A_39] {strides = array<i32>} : memref<10240xf32, #tpu.memory_space<vmem>>, vector<16xf32>,
      tpu.vector_store %arg16[%parallel_loop3A_39], %broadcast_in_dim3A_1 {strides = array<i32>} : memref<10240xf32, #tpu.memory_space<vmem>>, vector<16xf32>,
      %parallel_loop3A_41 = arith.constant 128 : i32
      %parallel_loop3A_42 = arith.cmpi slt, %parallel_loop3A_36, %parallel_loop3A_41 : i32
      %parallel_loop3A_43 = arith.extui %parallel_loop3A_42 : i1 to i32
      %parallel_loop3A_44 = arith.constant 0 : i32
      %parallel_loop3A_45 = arith.cmpi ne, %parallel_loop3A_43, %parallel_loop3A_44 : i32
      scf.if %parallel_loop3A_45 {
        %parallel_loop3A_46 = arith.constant 16 : i32
        %parallel_loop3A_47 = arith.muli %parallel_loop3A_36, %parallel_loop3A_46 : i32
        %parallel_loop3A_48 = arith.index_cast %parallel_loop3A_47 : i32 to index
        %parallel_loop3A_49 = tpu.vector_load %arg17[%parallel_loop3A_48] {strides = array<i32>} : memref<2048xf32, #tpu.memory_space<vmem>>, vector<16xf32>,
        tpu.vector_store %arg17[%parallel_loop3A_48], %broadcast_in_dim3A_1 {strides = array<i32>} : memref<2048xf32, #tpu.memory_space<vmem>>, vector<16xf32>,
      } else {
      }
    } {sc.loop_unroll_factor = 1 : i64, sc.parallel_access}
    %parallel_loop3A_4 = arith.constant 0 : i32
    %parallel_loop3A_5 = arith.constant 32 : i32
    %parallel_loop3A_6 = arith.constant 1 : i32
    scf.for %parallel_loop3A_36 = %parallel_loop3A_4 to %parallel_loop3A_5 step %parallel_loop3A_6  : i32 {
      %parallel_loop3A_37 = vector.broadcast %parallel_loop3A_36 : i32 to vector<16xi32>
      %parallel_loop3A_38 = tpu.vector_load_idx %arg6[%parallel_loop3A_37] : memref<96xf32, #tpu.memory_space<vmem>>[vector<16xi32>], vector<16xf32>,
      %parallel_loop3A_39 = arith.constant 32 : i32
      %parallel_loop3A_40 = vector.broadcast %parallel_loop3A_39 : i32 to vector<16xi32>
      %parallel_loop3A_41 = arith.addi %parallel_loop3A_37, %parallel_loop3A_40 : vector<16xi32>
      %parallel_loop3A_42 = tpu.vector_load_idx %arg6[%parallel_loop3A_41] : memref<96xf32, #tpu.memory_space<vmem>>[vector<16xi32>], vector<16xf32>,
      %parallel_loop3A_43 = arith.constant 64 : i32
      %parallel_loop3A_44 = vector.broadcast %parallel_loop3A_43 : i32 to vector<16xi32>
      %parallel_loop3A_45 = arith.addi %parallel_loop3A_37, %parallel_loop3A_44 : vector<16xi32>
      %parallel_loop3A_46 = tpu.vector_load_idx %arg6[%parallel_loop3A_45] : memref<96xf32, #tpu.memory_space<vmem>>[vector<16xi32>], vector<16xf32>,
      %parallel_loop3A_47 = tpu.iota {dimensions = array<i32: 0>} : vector<16xi32>
      %parallel_loop3A_48 = arith.constant 0 : i32
      %parallel_loop3A_49 = vector.broadcast %parallel_loop3A_48 : i32 to vector<16xi32>
      %parallel_loop3A_50 = arith.addi %parallel_loop3A_49, %parallel_loop3A_47 : vector<16xi32>
      %parallel_loop3A_51 = arith.constant 32 : i32
      %parallel_loop3A_52 = arith.muli %parallel_loop3A_36, %parallel_loop3A_51 : i32
      %parallel_loop3A_53 = arith.constant 0 : i32
      %parallel_loop3A_54 = arith.addi %parallel_loop3A_52, %parallel_loop3A_53 : i32
      %parallel_loop3A_55 = arith.constant 0 : index
      %parallel_loop3A_56 = tpu.vector_load %arg6[%parallel_loop3A_55] {strides = array<i32>} : memref<96xf32, #tpu.memory_space<vmem>>, vector<16xf32>,
      %parallel_loop3A_57 = arith.subf %parallel_loop3A_38, %parallel_loop3A_56 : vector<16xf32>
      %parallel_loop3A_58 = arith.constant 32 : index
      %parallel_loop3A_59 = tpu.vector_load %arg6[%parallel_loop3A_58] {strides = array<i32>} : memref<96xf32, #tpu.memory_space<vmem>>, vector<16xf32>,
      %parallel_loop3A_60 = arith.subf %parallel_loop3A_42, %parallel_loop3A_59 : vector<16xf32>
      %parallel_loop3A_61 = arith.constant 64 : index
      %parallel_loop3A_62 = tpu.vector_load %arg6[%parallel_loop3A_61] {strides = array<i32>} : memref<96xf32, #tpu.memory_space<vmem>>, vector<16xf32>,
      %parallel_loop3A_63 = arith.subf %parallel_loop3A_46, %parallel_loop3A_62 : vector<16xf32>
      %parallel_loop3A_64 = arith.mulf %parallel_loop3A_57, %parallel_loop3A_57 : vector<16xf32>
      %parallel_loop3A_65 = arith.mulf %parallel_loop3A_60, %parallel_loop3A_60 : vector<16xf32>
      %parallel_loop3A_66 = arith.addf %parallel_loop3A_64, %parallel_loop3A_65 : vector<16xf32>
      %parallel_loop3A_67 = arith.mulf %parallel_loop3A_63, %parallel_loop3A_63 : vector<16xf32>
      %parallel_loop3A_68 = arith.addf %parallel_loop3A_66, %parallel_loop3A_67 : vector<16xf32>
      %parallel_loop3A_69 = vector.bitcast %parallel_loop3A_68 : vector<16xf32> to vector<16xi32>
      %parallel_loop3A_70 = arith.constant 1 : i32
      %parallel_loop3A_71 = vector.broadcast %parallel_loop3A_70 : i32 to vector<16xi32>
      %parallel_loop3A_72 = arith.shrui %parallel_loop3A_69, %parallel_loop3A_71 : vector<16xi32>
      %parallel_loop3A_73 = arith.constant 1597463007 : i32
      %parallel_loop3A_74 = vector.broadcast %parallel_loop3A_73 : i32 to vector<16xi32>
      %parallel_loop3A_75 = arith.subi %parallel_loop3A_74, %parallel_loop3A_72 : vector<16xi32>
      %parallel_loop3A_76 = vector.bitcast %parallel_loop3A_75 : vector<16xi32> to vector<16xf32>
      %parallel_loop3A_77 = arith.constant 5.000000e-01 : f32
      %parallel_loop3A_78 = vector.broadcast %parallel_loop3A_77 : f32 to vector<16xf32>
      %parallel_loop3A_79 = arith.mulf %parallel_loop3A_78, %parallel_loop3A_68 : vector<16xf32>
      %parallel_loop3A_80 = arith.mulf %parallel_loop3A_79, %parallel_loop3A_76 : vector<16xf32>
      %parallel_loop3A_81 = arith.mulf %parallel_loop3A_80, %parallel_loop3A_76 : vector<16xf32>
      %parallel_loop3A_82 = arith.constant 1.500000e+00 : f32
      %parallel_loop3A_83 = vector.broadcast %parallel_loop3A_82 : f32 to vector<16xf32>
      %parallel_loop3A_84 = arith.subf %parallel_loop3A_83, %parallel_loop3A_81 : vector<16xf32>
      %parallel_loop3A_85 = arith.mulf %parallel_loop3A_76, %parallel_loop3A_84 : vector<16xf32>
      %parallel_loop3A_86 = arith.constant 5.000000e-01 : f32
      %parallel_loop3A_87 = vector.broadcast %parallel_loop3A_86 : f32 to vector<16xf32>
      %parallel_loop3A_88 = arith.mulf %parallel_loop3A_87, %parallel_loop3A_68 : vector<16xf32>
      %parallel_loop3A_89 = arith.mulf %parallel_loop3A_88, %parallel_loop3A_85 : vector<16xf32>
      %parallel_loop3A_90 = arith.mulf %parallel_loop3A_89, %parallel_loop3A_85 : vector<16xf32>
      %parallel_loop3A_91 = arith.constant 1.500000e+00 : f32
      %parallel_loop3A_92 = vector.broadcast %parallel_loop3A_91 : f32 to vector<16xf32>
      %parallel_loop3A_93 = arith.subf %parallel_loop3A_92, %parallel_loop3A_90 : vector<16xf32>
      %parallel_loop3A_94 = arith.mulf %parallel_loop3A_85, %parallel_loop3A_93 : vector<16xf32>
      %parallel_loop3A_95 = arith.constant 5.000000e-01 : f32
      %parallel_loop3A_96 = vector.broadcast %parallel_loop3A_95 : f32 to vector<16xf32>
      %parallel_loop3A_97 = arith.mulf %parallel_loop3A_96, %parallel_loop3A_68 : vector<16xf32>
      %parallel_loop3A_98 = arith.mulf %parallel_loop3A_97, %parallel_loop3A_94 : vector<16xf32>
      %parallel_loop3A_99 = arith.mulf %parallel_loop3A_98, %parallel_loop3A_94 : vector<16xf32>
      %parallel_loop3A_100 = arith.constant 1.500000e+00 : f32
      %parallel_loop3A_101 = vector.broadcast %parallel_loop3A_100 : f32 to vector<16xf32>
      %parallel_loop3A_102 = arith.subf %parallel_loop3A_101, %parallel_loop3A_99 : vector<16xf32>
      %parallel_loop3A_103 = arith.mulf %parallel_loop3A_94, %parallel_loop3A_102 : vector<16xf32>
      %parallel_loop3A_104 = arith.mulf %parallel_loop3A_68, %parallel_loop3A_103 : vector<16xf32>
      %parallel_loop3A_105 = arith.cmpi ne, %parallel_loop3A_50, %parallel_loop3A_37 : vector<16xi32>
      %parallel_loop3A_106 = arith.constant 0.365000159 : f32
      %parallel_loop3A_107 = vector.broadcast %parallel_loop3A_106 : f32 to vector<16xf32>
      %parallel_loop3A_108 = arith.mulf %parallel_loop3A_68, %parallel_loop3A_107 : vector<16xf32>
      %parallel_loop3A_109 = arith.constant 3.79301835E-19 : f32
      %parallel_loop3A_110 = vector.broadcast %parallel_loop3A_109 : f32 to vector<16xf32>
      %parallel_loop3A_111 = arith.mulf %parallel_loop3A_110, %parallel_loop3A_108 : vector<16xf32>
      %parallel_loop3A_112 = arith.constant -1.55918516E-16 : f32
      %parallel_loop3A_113 = vector.broadcast %parallel_loop3A_112 : f32 to vector<16xf32>
      %parallel_loop3A_114 = arith.addf %parallel_loop3A_111, %parallel_loop3A_113 : vector<16xf32>
      %parallel_loop3A_115 = arith.mulf %parallel_loop3A_114, %parallel_loop3A_108 : vector<16xf32>
      %parallel_loop3A_116 = arith.constant 4.77994821E-14 : f32
      %parallel_loop3A_117 = vector.broadcast %parallel_loop3A_116 : f32 to vector<16xf32>
      %parallel_loop3A_118 = arith.addf %parallel_loop3A_115, %parallel_loop3A_117 : vector<16xf32>
      %parallel_loop3A_119 = arith.mulf %parallel_loop3A_118, %parallel_loop3A_108 : vector<16xf32>
      %parallel_loop3A_120 = arith.constant -1.14708781E-11 : f32
      %parallel_loop3A_121 = vector.broadcast %parallel_loop3A_120 : f32 to vector<16xf32>
      %parallel_loop3A_122 = arith.addf %parallel_loop3A_119, %parallel_loop3A_121 : vector<16xf32>
      %parallel_loop3A_123 = arith.mulf %parallel_loop3A_122, %parallel_loop3A_108 : vector<16xf32>
      %parallel_loop3A_124 = arith.constant 2.08767714E-9 : f32
      %parallel_loop3A_125 = vector.broadcast %parallel_loop3A_124 : f32 to vector<16xf32>
      %parallel_loop3A_126 = arith.addf %parallel_loop3A_123, %parallel_loop3A_125 : vector<16xf32>
      %parallel_loop3A_127 = arith.mulf %parallel_loop3A_126, %parallel_loop3A_108 : vector<16xf32>
      %parallel_loop3A_128 = arith.constant -2.755732E-7 : f32
      %parallel_loop3A_129 = vector.broadcast %parallel_loop3A_128 : f32 to vector<16xf32>
      %parallel_loop3A_130 = arith.addf %parallel_loop3A_127, %parallel_loop3A_129 : vector<16xf32>
      %parallel_loop3A_131 = arith.mulf %parallel_loop3A_130, %parallel_loop3A_108 : vector<16xf32>
      %parallel_loop3A_132 = arith.constant 2.48015876E-5 : f32
      %parallel_loop3A_133 = vector.broadcast %parallel_loop3A_132 : f32 to vector<16xf32>
      %parallel_loop3A_134 = arith.addf %parallel_loop3A_131, %parallel_loop3A_133 : vector<16xf32>
      %parallel_loop3A_135 = arith.mulf %parallel_loop3A_134, %parallel_loop3A_108 : vector<16xf32>
      %parallel_loop3A_136 = arith.constant -0.00138888892 : f32
      %parallel_loop3A_137 = vector.broadcast %parallel_loop3A_136 : f32 to vector<16xf32>
      %parallel_loop3A_138 = arith.addf %parallel_loop3A_135, %parallel_loop3A_137 : vector<16xf32>
      %parallel_loop3A_139 = arith.mulf %parallel_loop3A_138, %parallel_loop3A_108 : vector<16xf32>
      %parallel_loop3A_140 = arith.constant 0.0416666679 : f32
      %parallel_loop3A_141 = vector.broadcast %parallel_loop3A_140 : f32 to vector<16xf32>
      %parallel_loop3A_142 = arith.addf %parallel_loop3A_139, %parallel_loop3A_141 : vector<16xf32>
      %parallel_loop3A_143 = arith.mulf %parallel_loop3A_142, %parallel_loop3A_108 : vector<16xf32>
      %parallel_loop3A_144 = arith.constant -5.000000e-01 : f32
      %parallel_loop3A_145 = vector.broadcast %parallel_loop3A_144 : f32 to vector<16xf32>
      %parallel_loop3A_146 = arith.addf %parallel_loop3A_143, %parallel_loop3A_145 : vector<16xf32>
      %parallel_loop3A_147 = arith.mulf %parallel_loop3A_146, %parallel_loop3A_108 : vector<16xf32>
      %parallel_loop3A_148 = arith.constant 1.000000e+00 : f32
      %parallel_loop3A_149 = vector.broadcast %parallel_loop3A_148 : f32 to vector<16xf32>
      %parallel_loop3A_150 = arith.addf %parallel_loop3A_147, %parallel_loop3A_149 : vector<16xf32>
      %parallel_loop3A_151 = arith.constant 1.250000e-01 : f32
      %parallel_loop3A_152 = vector.broadcast %parallel_loop3A_151 : f32 to vector<16xf32>
      %parallel_loop3A_153 = arith.mulf %parallel_loop3A_152, %parallel_loop3A_150 : vector<16xf32>
      %parallel_loop3A_154 = arith.constant 1.250000e-01 : f32
      %parallel_loop3A_155 = vector.broadcast %parallel_loop3A_154 : f32 to vector<16xf32>
      %parallel_loop3A_156 = arith.addf %parallel_loop3A_153, %parallel_loop3A_155 : vector<16xf32>
      %parallel_loop3A_157 = arith.constant 5.200000e+00 : f32
      %parallel_loop3A_158 = vector.broadcast %parallel_loop3A_157 : f32 to vector<16xf32>
      %parallel_loop3A_159 = arith.cmpf ole, %parallel_loop3A_104, %parallel_loop3A_158 : vector<16xf32>
      %parallel_loop3A_160 = arith.andi %parallel_loop3A_159, %parallel_loop3A_105 : vector<16xi1>
      %parallel_loop3A_161 = arith.select %parallel_loop3A_160, %parallel_loop3A_156, %broadcast_in_dim3A_1 : vector<16xi1>, vector<16xf32>
      %parallel_loop3A_162 = arith.constant 8.056820e-01 : f32
      %parallel_loop3A_163 = vector.broadcast %parallel_loop3A_162 : f32 to vector<16xf32>
      %parallel_loop3A_164 = arith.mulf %parallel_loop3A_68, %parallel_loop3A_163 : vector<16xf32>
      %parallel_loop3A_165 = arith.constant 3.79301835E-19 : f32
      %parallel_loop3A_166 = vector.broadcast %parallel_loop3A_165 : f32 to vector<16xf32>
      %parallel_loop3A_167 = arith.mulf %parallel_loop3A_166, %parallel_loop3A_164 : vector<16xf32>
      %parallel_loop3A_168 = arith.constant -1.55918516E-16 : f32
      %parallel_loop3A_169 = vector.broadcast %parallel_loop3A_168 : f32 to vector<16xf32>
      %parallel_loop3A_170 = arith.addf %parallel_loop3A_167, %parallel_loop3A_169 : vector<16xf32>
      %parallel_loop3A_171 = arith.mulf %parallel_loop3A_170, %parallel_loop3A_164 : vector<16xf32>
      %parallel_loop3A_172 = arith.constant 4.77994821E-14 : f32
      %parallel_loop3A_173 = vector.broadcast %parallel_loop3A_172 : f32 to vector<16xf32>
      %parallel_loop3A_174 = arith.addf %parallel_loop3A_171, %parallel_loop3A_173 : vector<16xf32>
      %parallel_loop3A_175 = arith.mulf %parallel_loop3A_174, %parallel_loop3A_164 : vector<16xf32>
      %parallel_loop3A_176 = arith.constant -1.14708781E-11 : f32
      %parallel_loop3A_177 = vector.broadcast %parallel_loop3A_176 : f32 to vector<16xf32>
      %parallel_loop3A_178 = arith.addf %parallel_loop3A_175, %parallel_loop3A_177 : vector<16xf32>
      %parallel_loop3A_179 = arith.mulf %parallel_loop3A_178, %parallel_loop3A_164 : vector<16xf32>
      %parallel_loop3A_180 = arith.constant 2.08767714E-9 : f32
      %parallel_loop3A_181 = vector.broadcast %parallel_loop3A_180 : f32 to vector<16xf32>
      %parallel_loop3A_182 = arith.addf %parallel_loop3A_179, %parallel_loop3A_181 : vector<16xf32>
      %parallel_loop3A_183 = arith.mulf %parallel_loop3A_182, %parallel_loop3A_164 : vector<16xf32>
      %parallel_loop3A_184 = arith.constant -2.755732E-7 : f32
      %parallel_loop3A_185 = vector.broadcast %parallel_loop3A_184 : f32 to vector<16xf32>
      %parallel_loop3A_186 = arith.addf %parallel_loop3A_183, %parallel_loop3A_185 : vector<16xf32>
      %parallel_loop3A_187 = arith.mulf %parallel_loop3A_186, %parallel_loop3A_164 : vector<16xf32>
      %parallel_loop3A_188 = arith.constant 2.48015876E-5 : f32
      %parallel_loop3A_189 = vector.broadcast %parallel_loop3A_188 : f32 to vector<16xf32>
      %parallel_loop3A_190 = arith.addf %parallel_loop3A_187, %parallel_loop3A_189 : vector<16xf32>
      %parallel_loop3A_191 = arith.mulf %parallel_loop3A_190, %parallel_loop3A_164 : vector<16xf32>
      %parallel_loop3A_192 = arith.constant -0.00138888892 : f32
      %parallel_loop3A_193 = vector.broadcast %parallel_loop3A_192 : f32 to vector<16xf32>
      %parallel_loop3A_194 = arith.addf %parallel_loop3A_191, %parallel_loop3A_193 : vector<16xf32>
      %parallel_loop3A_195 = arith.mulf %parallel_loop3A_194, %parallel_loop3A_164 : vector<16xf32>
      %parallel_loop3A_196 = arith.constant 0.0416666679 : f32
      %parallel_loop3A_197 = vector.broadcast %parallel_loop3A_196 : f32 to vector<16xf32>
      %parallel_loop3A_198 = arith.addf %parallel_loop3A_195, %parallel_loop3A_197 : vector<16xf32>
      %parallel_loop3A_199 = arith.mulf %parallel_loop3A_198, %parallel_loop3A_164 : vector<16xf32>
      %parallel_loop3A_200 = arith.constant -5.000000e-01 : f32
      %parallel_loop3A_201 = vector.broadcast %parallel_loop3A_200 : f32 to vector<16xf32>
      %parallel_loop3A_202 = arith.addf %parallel_loop3A_199, %parallel_loop3A_201 : vector<16xf32>
      %parallel_loop3A_203 = arith.mulf %parallel_loop3A_202, %parallel_loop3A_164 : vector<16xf32>
      %parallel_loop3A_204 = arith.constant 1.000000e+00 : f32
      %parallel_loop3A_205 = vector.broadcast %parallel_loop3A_204 : f32 to vector<16xf32>
      %parallel_loop3A_206 = arith.addf %parallel_loop3A_203, %parallel_loop3A_205 : vector<16xf32>
      %parallel_loop3A_207 = arith.constant 5.000000e-01 : f32
      %parallel_loop3A_208 = vector.broadcast %parallel_loop3A_207 : f32 to vector<16xf32>
      %parallel_loop3A_209 = arith.mulf %parallel_loop3A_208, %parallel_loop3A_206 : vector<16xf32>
      %parallel_loop3A_210 = arith.constant 5.000000e-01 : f32
      %parallel_loop3A_211 = vector.broadcast %parallel_loop3A_210 : f32 to vector<16xf32>
      %parallel_loop3A_212 = arith.addf %parallel_loop3A_209, %parallel_loop3A_211 : vector<16xf32>
      %parallel_loop3A_213 = arith.constant 3.500000e+00 : f32
      %parallel_loop3A_214 = vector.broadcast %parallel_loop3A_213 : f32 to vector<16xf32>
      %parallel_loop3A_215 = arith.cmpf ole, %parallel_loop3A_104, %parallel_loop3A_214 : vector<16xf32>
      %parallel_loop3A_216 = arith.andi %parallel_loop3A_215, %parallel_loop3A_105 : vector<16xi1>
      %parallel_loop3A_217 = arith.constant 1.41421354 : f32
      %parallel_loop3A_218 = vector.broadcast %parallel_loop3A_217 : f32 to vector<16xf32>
      %parallel_loop3A_219 = arith.mulf %parallel_loop3A_218, %parallel_loop3A_212 : vector<16xf32>
      %parallel_loop3A_220 = arith.select %parallel_loop3A_216, %parallel_loop3A_219, %broadcast_in_dim3A_1 : vector<16xi1>, vector<16xf32>
      %parallel_loop3A_221 = arith.index_cast %parallel_loop3A_54 : i32 to index
      %parallel_loop3A_222 = tpu.vector_load %arg8[%parallel_loop3A_221] {strides = array<i32>} : memref<1024xf32, #tpu.memory_space<vmem>>, vector<16xf32>,
      tpu.vector_store %arg8[%parallel_loop3A_221], %parallel_loop3A_57 {strides = array<i32>} : memref<1024xf32, #tpu.memory_space<vmem>>, vector<16xf32>,
      %parallel_loop3A_223 = arith.index_cast %parallel_loop3A_54 : i32 to index
      %parallel_loop3A_224 = tpu.vector_load %arg9[%parallel_loop3A_223] {strides = array<i32>} : memref<1024xf32, #tpu.memory_space<vmem>>, vector<16xf32>,
      tpu.vector_store %arg9[%parallel_loop3A_223], %parallel_loop3A_60 {strides = array<i32>} : memref<1024xf32, #tpu.memory_space<vmem>>, vector<16xf32>,
      %parallel_loop3A_225 = arith.index_cast %parallel_loop3A_54 : i32 to index
      %parallel_loop3A_226 = tpu.vector_load %arg10[%parallel_loop3A_225] {strides = array<i32>} : memref<1024xf32, #tpu.memory_space<vmem>>, vector<16xf32>,
      tpu.vector_store %arg10[%parallel_loop3A_225], %parallel_loop3A_63 {strides = array<i32>} : memref<1024xf32, #tpu.memory_space<vmem>>, vector<16xf32>,
      %parallel_loop3A_227 = arith.index_cast %parallel_loop3A_54 : i32 to index
      %parallel_loop3A_228 = tpu.vector_load %arg11[%parallel_loop3A_227] {strides = array<i32>} : memref<1024xf32, #tpu.memory_space<vmem>>, vector<16xf32>,
      tpu.vector_store %arg11[%parallel_loop3A_227], %parallel_loop3A_104 {strides = array<i32>} : memref<1024xf32, #tpu.memory_space<vmem>>, vector<16xf32>,
      %parallel_loop3A_229 = arith.index_cast %parallel_loop3A_54 : i32 to index
      %parallel_loop3A_230 = tpu.vector_load %arg12[%parallel_loop3A_229] {strides = array<i32>} : memref<1024xf32, #tpu.memory_space<vmem>>, vector<16xf32>,
      tpu.vector_store %arg12[%parallel_loop3A_229], %parallel_loop3A_103 {strides = array<i32>} : memref<1024xf32, #tpu.memory_space<vmem>>, vector<16xf32>,
      %parallel_loop3A_231 = arith.index_cast %parallel_loop3A_54 : i32 to index
      %parallel_loop3A_232 = tpu.vector_load %arg13[%parallel_loop3A_231] {strides = array<i32>} : memref<1024xf32, #tpu.memory_space<vmem>>, vector<16xf32>,
      tpu.vector_store %arg13[%parallel_loop3A_231], %parallel_loop3A_220 {strides = array<i32>} : memref<1024xf32, #tpu.memory_space<vmem>>, vector<16xf32>,
      %parallel_loop3A_233 = arith.index_cast %parallel_loop3A_54 : i32 to index
      %parallel_loop3A_234 = tpu.vector_load %arg14[%parallel_loop3A_233] {strides = array<i32>} : memref<1024xf32, #tpu.memory_space<vmem>>, vector<16xf32>,
      tpu.vector_store %arg14[%parallel_loop3A_233], %parallel_loop3A_161 {strides = array<i32>} : memref<1024xf32, #tpu.memory_space<vmem>>, vector<16xf32>,
      %parallel_loop3A_235 = tpu.iota {dimensions = array<i32: 0>} : vector<16xi32>
      %parallel_loop3A_236 = arith.constant 16 : i32
      %parallel_loop3A_237 = vector.broadcast %parallel_loop3A_236 : i32 to vector<16xi32>
      %parallel_loop3A_238 = arith.addi %parallel_loop3A_237, %parallel_loop3A_235 : vector<16xi32>
      %parallel_loop3A_239 = arith.constant 32 : i32
      %parallel_loop3A_240 = arith.muli %parallel_loop3A_36, %parallel_loop3A_239 : i32
      %parallel_loop3A_241 = arith.constant 16 : i32
      %parallel_loop3A_242 = arith.addi %parallel_loop3A_240, %parallel_loop3A_241 : i32
      %parallel_loop3A_243 = arith.constant 16 : index
      %parallel_loop3A_244 = tpu.vector_load %arg6[%parallel_loop3A_243] {strides = array<i32>} : memref<96xf32, #tpu.memory_space<vmem>>, vector<16xf32>,
      %parallel_loop3A_245 = arith.subf %parallel_loop3A_38, %parallel_loop3A_244 : vector<16xf32>
      %parallel_loop3A_246 = arith.constant 48 : index
      %parallel_loop3A_247 = tpu.vector_load %arg6[%parallel_loop3A_246] {strides = array<i32>} : memref<96xf32, #tpu.memory_space<vmem>>, vector<16xf32>,
      %parallel_loop3A_248 = arith.subf %parallel_loop3A_42, %parallel_loop3A_247 : vector<16xf32>
      %parallel_loop3A_249 = arith.constant 80 : index
      %parallel_loop3A_250 = tpu.vector_load %arg6[%parallel_loop3A_249] {strides = array<i32>} : memref<96xf32, #tpu.memory_space<vmem>>, vector<16xf32>,
      %parallel_loop3A_251 = arith.subf %parallel_loop3A_46, %parallel_loop3A_250 : vector<16xf32>
      %parallel_loop3A_252 = arith.mulf %parallel_loop3A_245, %parallel_loop3A_245 : vector<16xf32>
      %parallel_loop3A_253 = arith.mulf %parallel_loop3A_248, %parallel_loop3A_248 : vector<16xf32>
      %parallel_loop3A_254 = arith.addf %parallel_loop3A_252, %parallel_loop3A_253 : vector<16xf32>
      %parallel_loop3A_255 = arith.mulf %parallel_loop3A_251, %parallel_loop3A_251 : vector<16xf32>
      %parallel_loop3A_256 = arith.addf %parallel_loop3A_254, %parallel_loop3A_255 : vector<16xf32>
      %parallel_loop3A_257 = vector.bitcast %parallel_loop3A_256 : vector<16xf32> to vector<16xi32>
      %parallel_loop3A_258 = arith.constant 1 : i32
      %parallel_loop3A_259 = vector.broadcast %parallel_loop3A_258 : i32 to vector<16xi32>
      %parallel_loop3A_260 = arith.shrui %parallel_loop3A_257, %parallel_loop3A_259 : vector<16xi32>
      %parallel_loop3A_261 = arith.constant 1597463007 : i32
      %parallel_loop3A_262 = vector.broadcast %parallel_loop3A_261 : i32 to vector<16xi32>
      %parallel_loop3A_263 = arith.subi %parallel_loop3A_262, %parallel_loop3A_260 : vector<16xi32>
      %parallel_loop3A_264 = vector.bitcast %parallel_loop3A_263 : vector<16xi32> to vector<16xf32>
      %parallel_loop3A_265 = arith.constant 5.000000e-01 : f32
      %parallel_loop3A_266 = vector.broadcast %parallel_loop3A_265 : f32 to vector<16xf32>
      %parallel_loop3A_267 = arith.mulf %parallel_loop3A_266, %parallel_loop3A_256 : vector<16xf32>
      %parallel_loop3A_268 = arith.mulf %parallel_loop3A_267, %parallel_loop3A_264 : vector<16xf32>
      %parallel_loop3A_269 = arith.mulf %parallel_loop3A_268, %parallel_loop3A_264 : vector<16xf32>
      %parallel_loop3A_270 = arith.constant 1.500000e+00 : f32
      %parallel_loop3A_271 = vector.broadcast %parallel_loop3A_270 : f32 to vector<16xf32>
      %parallel_loop3A_272 = arith.subf %parallel_loop3A_271, %parallel_loop3A_269 : vector<16xf32>
      %parallel_loop3A_273 = arith.mulf %parallel_loop3A_264, %parallel_loop3A_272 : vector<16xf32>
      %parallel_loop3A_274 = arith.constant 5.000000e-01 : f32
      %parallel_loop3A_275 = vector.broadcast %parallel_loop3A_274 : f32 to vector<16xf32>
      %parallel_loop3A_276 = arith.mulf %parallel_loop3A_275, %parallel_loop3A_256 : vector<16xf32>
      %parallel_loop3A_277 = arith.mulf %parallel_loop3A_276, %parallel_loop3A_273 : vector<16xf32>
      %parallel_loop3A_278 = arith.mulf %parallel_loop3A_277, %parallel_loop3A_273 : vector<16xf32>
      %parallel_loop3A_279 = arith.constant 1.500000e+00 : f32
      %parallel_loop3A_280 = vector.broadcast %parallel_loop3A_279 : f32 to vector<16xf32>
      %parallel_loop3A_281 = arith.subf %parallel_loop3A_280, %parallel_loop3A_278 : vector<16xf32>
      %parallel_loop3A_282 = arith.mulf %parallel_loop3A_273, %parallel_loop3A_281 : vector<16xf32>
      %parallel_loop3A_283 = arith.constant 5.000000e-01 : f32
      %parallel_loop3A_284 = vector.broadcast %parallel_loop3A_283 : f32 to vector<16xf32>
      %parallel_loop3A_285 = arith.mulf %parallel_loop3A_284, %parallel_loop3A_256 : vector<16xf32>
      %parallel_loop3A_286 = arith.mulf %parallel_loop3A_285, %parallel_loop3A_282 : vector<16xf32>
      %parallel_loop3A_287 = arith.mulf %parallel_loop3A_286, %parallel_loop3A_282 : vector<16xf32>
      %parallel_loop3A_288 = arith.constant 1.500000e+00 : f32
      %parallel_loop3A_289 = vector.broadcast %parallel_loop3A_288 : f32 to vector<16xf32>
      %parallel_loop3A_290 = arith.subf %parallel_loop3A_289, %parallel_loop3A_287 : vector<16xf32>
      %parallel_loop3A_291 = arith.mulf %parallel_loop3A_282, %parallel_loop3A_290 : vector<16xf32>
      %parallel_loop3A_292 = arith.mulf %parallel_loop3A_256, %parallel_loop3A_291 : vector<16xf32>
      %parallel_loop3A_293 = arith.cmpi ne, %parallel_loop3A_238, %parallel_loop3A_37 : vector<16xi32>
      %parallel_loop3A_294 = arith.constant 0.365000159 : f32
      %parallel_loop3A_295 = vector.broadcast %parallel_loop3A_294 : f32 to vector<16xf32>
      %parallel_loop3A_296 = arith.mulf %parallel_loop3A_256, %parallel_loop3A_295 : vector<16xf32>
      %parallel_loop3A_297 = arith.constant 3.79301835E-19 : f32
      %parallel_loop3A_298 = vector.broadcast %parallel_loop3A_297 : f32 to vector<16xf32>
      %parallel_loop3A_299 = arith.mulf %parallel_loop3A_298, %parallel_loop3A_296 : vector<16xf32>
      %parallel_loop3A_300 = arith.constant -1.55918516E-16 : f32
      %parallel_loop3A_301 = vector.broadcast %parallel_loop3A_300 : f32 to vector<16xf32>
      %parallel_loop3A_302 = arith.addf %parallel_loop3A_299, %parallel_loop3A_301 : vector<16xf32>
      %parallel_loop3A_303 = arith.mulf %parallel_loop3A_302, %parallel_loop3A_296 : vector<16xf32>
      %parallel_loop3A_304 = arith.constant 4.77994821E-14 : f32
      %parallel_loop3A_305 = vector.broadcast %parallel_loop3A_304 : f32 to vector<16xf32>
      %parallel_loop3A_306 = arith.addf %parallel_loop3A_303, %parallel_loop3A_305 : vector<16xf32>
      %parallel_loop3A_307 = arith.mulf %parallel_loop3A_306, %parallel_loop3A_296 : vector<16xf32>
      %parallel_loop3A_308 = arith.constant -1.14708781E-11 : f32
      %parallel_loop3A_309 = vector.broadcast %parallel_loop3A_308 : f32 to vector<16xf32>
      %parallel_loop3A_310 = arith.addf %parallel_loop3A_307, %parallel_loop3A_309 : vector<16xf32>
      %parallel_loop3A_311 = arith.mulf %parallel_loop3A_310, %parallel_loop3A_296 : vector<16xf32>
      %parallel_loop3A_312 = arith.constant 2.08767714E-9 : f32
      %parallel_loop3A_313 = vector.broadcast %parallel_loop3A_312 : f32 to vector<16xf32>
      %parallel_loop3A_314 = arith.addf %parallel_loop3A_311, %parallel_loop3A_313 : vector<16xf32>
      %parallel_loop3A_315 = arith.mulf %parallel_loop3A_314, %parallel_loop3A_296 : vector<16xf32>
      %parallel_loop3A_316 = arith.constant -2.755732E-7 : f32
      %parallel_loop3A_317 = vector.broadcast %parallel_loop3A_316 : f32 to vector<16xf32>
      %parallel_loop3A_318 = arith.addf %parallel_loop3A_315, %parallel_loop3A_317 : vector<16xf32>
      %parallel_loop3A_319 = arith.mulf %parallel_loop3A_318, %parallel_loop3A_296 : vector<16xf32>
      %parallel_loop3A_320 = arith.constant 2.48015876E-5 : f32
      %parallel_loop3A_321 = vector.broadcast %parallel_loop3A_320 : f32 to vector<16xf32>
      %parallel_loop3A_322 = arith.addf %parallel_loop3A_319, %parallel_loop3A_321 : vector<16xf32>
      %parallel_loop3A_323 = arith.mulf %parallel_loop3A_322, %parallel_loop3A_296 : vector<16xf32>
      %parallel_loop3A_324 = arith.constant -0.00138888892 : f32
      %parallel_loop3A_325 = vector.broadcast %parallel_loop3A_324 : f32 to vector<16xf32>
      %parallel_loop3A_326 = arith.addf %parallel_loop3A_323, %parallel_loop3A_325 : vector<16xf32>
      %parallel_loop3A_327 = arith.mulf %parallel_loop3A_326, %parallel_loop3A_296 : vector<16xf32>
      %parallel_loop3A_328 = arith.constant 0.0416666679 : f32
      %parallel_loop3A_329 = vector.broadcast %parallel_loop3A_328 : f32 to vector<16xf32>
      %parallel_loop3A_330 = arith.addf %parallel_loop3A_327, %parallel_loop3A_329 : vector<16xf32>
      %parallel_loop3A_331 = arith.mulf %parallel_loop3A_330, %parallel_loop3A_296 : vector<16xf32>
      %parallel_loop3A_332 = arith.constant -5.000000e-01 : f32
      %parallel_loop3A_333 = vector.broadcast %parallel_loop3A_332 : f32 to vector<16xf32>
      %parallel_loop3A_334 = arith.addf %parallel_loop3A_331, %parallel_loop3A_333 : vector<16xf32>
      %parallel_loop3A_335 = arith.mulf %parallel_loop3A_334, %parallel_loop3A_296 : vector<16xf32>
      %parallel_loop3A_336 = arith.constant 1.000000e+00 : f32
      %parallel_loop3A_337 = vector.broadcast %parallel_loop3A_336 : f32 to vector<16xf32>
      %parallel_loop3A_338 = arith.addf %parallel_loop3A_335, %parallel_loop3A_337 : vector<16xf32>
      %parallel_loop3A_339 = arith.constant 1.250000e-01 : f32
      %parallel_loop3A_340 = vector.broadcast %parallel_loop3A_339 : f32 to vector<16xf32>
      %parallel_loop3A_341 = arith.mulf %parallel_loop3A_340, %parallel_loop3A_338 : vector<16xf32>
      %parallel_loop3A_342 = arith.constant 1.250000e-01 : f32
      %parallel_loop3A_343 = vector.broadcast %parallel_loop3A_342 : f32 to vector<16xf32>
      %parallel_loop3A_344 = arith.addf %parallel_loop3A_341, %parallel_loop3A_343 : vector<16xf32>
      %parallel_loop3A_345 = arith.constant 5.200000e+00 : f32
      %parallel_loop3A_346 = vector.broadcast %parallel_loop3A_345 : f32 to vector<16xf32>
      %parallel_loop3A_347 = arith.cmpf ole, %parallel_loop3A_292, %parallel_loop3A_346 : vector<16xf32>
      %parallel_loop3A_348 = arith.andi %parallel_loop3A_347, %parallel_loop3A_293 : vector<16xi1>
      %parallel_loop3A_349 = arith.select %parallel_loop3A_348, %parallel_loop3A_344, %broadcast_in_dim3A_1 : vector<16xi1>, vector<16xf32>
      %parallel_loop3A_350 = arith.constant 8.056820e-01 : f32
      %parallel_loop3A_351 = vector.broadcast %parallel_loop3A_350 : f32 to vector<16xf32>
      %parallel_loop3A_352 = arith.mulf %parallel_loop3A_256, %parallel_loop3A_351 : vector<16xf32>
      %parallel_loop3A_353 = arith.constant 3.79301835E-19 : f32
      %parallel_loop3A_354 = vector.broadcast %parallel_loop3A_353 : f32 to vector<16xf32>
      %parallel_loop3A_355 = arith.mulf %parallel_loop3A_354, %parallel_loop3A_352 : vector<16xf32>
      %parallel_loop3A_356 = arith.constant -1.55918516E-16 : f32
      %parallel_loop3A_357 = vector.broadcast %parallel_loop3A_356 : f32 to vector<16xf32>
      %parallel_loop3A_358 = arith.addf %parallel_loop3A_355, %parallel_loop3A_357 : vector<16xf32>
      %parallel_loop3A_359 = arith.mulf %parallel_loop3A_358, %parallel_loop3A_352 : vector<16xf32>
      %parallel_loop3A_360 = arith.constant 4.77994821E-14 : f32
      %parallel_loop3A_361 = vector.broadcast %parallel_loop3A_360 : f32 to vector<16xf32>
      %parallel_loop3A_362 = arith.addf %parallel_loop3A_359, %parallel_loop3A_361 : vector<16xf32>
      %parallel_loop3A_363 = arith.mulf %parallel_loop3A_362, %parallel_loop3A_352 : vector<16xf32>
      %parallel_loop3A_364 = arith.constant -1.14708781E-11 : f32
      %parallel_loop3A_365 = vector.broadcast %parallel_loop3A_364 : f32 to vector<16xf32>
      %parallel_loop3A_366 = arith.addf %parallel_loop3A_363, %parallel_loop3A_365 : vector<16xf32>
      %parallel_loop3A_367 = arith.mulf %parallel_loop3A_366, %parallel_loop3A_352 : vector<16xf32>
      %parallel_loop3A_368 = arith.constant 2.08767714E-9 : f32
      %parallel_loop3A_369 = vector.broadcast %parallel_loop3A_368 : f32 to vector<16xf32>
      %parallel_loop3A_370 = arith.addf %parallel_loop3A_367, %parallel_loop3A_369 : vector<16xf32>
      %parallel_loop3A_371 = arith.mulf %parallel_loop3A_370, %parallel_loop3A_352 : vector<16xf32>
      %parallel_loop3A_372 = arith.constant -2.755732E-7 : f32
      %parallel_loop3A_373 = vector.broadcast %parallel_loop3A_372 : f32 to vector<16xf32>
      %parallel_loop3A_374 = arith.addf %parallel_loop3A_371, %parallel_loop3A_373 : vector<16xf32>
      %parallel_loop3A_375 = arith.mulf %parallel_loop3A_374, %parallel_loop3A_352 : vector<16xf32>
      %parallel_loop3A_376 = arith.constant 2.48015876E-5 : f32
      %parallel_loop3A_377 = vector.broadcast %parallel_loop3A_376 : f32 to vector<16xf32>
      %parallel_loop3A_378 = arith.addf %parallel_loop3A_375, %parallel_loop3A_377 : vector<16xf32>
      %parallel_loop3A_379 = arith.mulf %parallel_loop3A_378, %parallel_loop3A_352 : vector<16xf32>
      %parallel_loop3A_380 = arith.constant -0.00138888892 : f32
      %parallel_loop3A_381 = vector.broadcast %parallel_loop3A_380 : f32 to vector<16xf32>
      %parallel_loop3A_382 = arith.addf %parallel_loop3A_379, %parallel_loop3A_381 : vector<16xf32>
      %parallel_loop3A_383 = arith.mulf %parallel_loop3A_382, %parallel_loop3A_352 : vector<16xf32>
      %parallel_loop3A_384 = arith.constant 0.0416666679 : f32
      %parallel_loop3A_385 = vector.broadcast %parallel_loop3A_384 : f32 to vector<16xf32>
      %parallel_loop3A_386 = arith.addf %parallel_loop3A_383, %parallel_loop3A_385 : vector<16xf32>
      %parallel_loop3A_387 = arith.mulf %parallel_loop3A_386, %parallel_loop3A_352 : vector<16xf32>
      %parallel_loop3A_388 = arith.constant -5.000000e-01 : f32
      %parallel_loop3A_389 = vector.broadcast %parallel_loop3A_388 : f32 to vector<16xf32>
      %parallel_loop3A_390 = arith.addf %parallel_loop3A_387, %parallel_loop3A_389 : vector<16xf32>
      %parallel_loop3A_391 = arith.mulf %parallel_loop3A_390, %parallel_loop3A_352 : vector<16xf32>
      %parallel_loop3A_392 = arith.constant 1.000000e+00 : f32
      %parallel_loop3A_393 = vector.broadcast %parallel_loop3A_392 : f32 to vector<16xf32>
      %parallel_loop3A_394 = arith.addf %parallel_loop3A_391, %parallel_loop3A_393 : vector<16xf32>
      %parallel_loop3A_395 = arith.constant 5.000000e-01 : f32
      %parallel_loop3A_396 = vector.broadcast %parallel_loop3A_395 : f32 to vector<16xf32>
      %parallel_loop3A_397 = arith.mulf %parallel_loop3A_396, %parallel_loop3A_394 : vector<16xf32>
      %parallel_loop3A_398 = arith.constant 5.000000e-01 : f32
      %parallel_loop3A_399 = vector.broadcast %parallel_loop3A_398 : f32 to vector<16xf32>
      %parallel_loop3A_400 = arith.addf %parallel_loop3A_397, %parallel_loop3A_399 : vector<16xf32>
      %parallel_loop3A_401 = arith.constant 3.500000e+00 : f32
      %parallel_loop3A_402 = vector.broadcast %parallel_loop3A_401 : f32 to vector<16xf32>
      %parallel_loop3A_403 = arith.cmpf ole, %parallel_loop3A_292, %parallel_loop3A_402 : vector<16xf32>
      %parallel_loop3A_404 = arith.andi %parallel_loop3A_403, %parallel_loop3A_293 : vector<16xi1>
      %parallel_loop3A_405 = arith.constant 1.41421354 : f32
      %parallel_loop3A_406 = vector.broadcast %parallel_loop3A_405 : f32 to vector<16xf32>
      %parallel_loop3A_407 = arith.mulf %parallel_loop3A_406, %parallel_loop3A_400 : vector<16xf32>
      %parallel_loop3A_408 = arith.select %parallel_loop3A_404, %parallel_loop3A_407, %broadcast_in_dim3A_1 : vector<16xi1>, vector<16xf32>
      %parallel_loop3A_409 = arith.index_cast %parallel_loop3A_242 : i32 to index
      %parallel_loop3A_410 = tpu.vector_load %arg8[%parallel_loop3A_409] {strides = array<i32>} : memref<1024xf32, #tpu.memory_space<vmem>>, vector<16xf32>,
      tpu.vector_store %arg8[%parallel_loop3A_409], %parallel_loop3A_245 {strides = array<i32>} : memref<1024xf32, #tpu.memory_space<vmem>>, vector<16xf32>,
      %parallel_loop3A_411 = arith.index_cast %parallel_loop3A_242 : i32 to index
      %parallel_loop3A_412 = tpu.vector_load %arg9[%parallel_loop3A_411] {strides = array<i32>} : memref<1024xf32, #tpu.memory_space<vmem>>, vector<16xf32>,
      tpu.vector_store %arg9[%parallel_loop3A_411], %parallel_loop3A_248 {strides = array<i32>} : memref<1024xf32, #tpu.memory_space<vmem>>, vector<16xf32>,
      %parallel_loop3A_413 = arith.index_cast %parallel_loop3A_242 : i32 to index
      %parallel_loop3A_414 = tpu.vector_load %arg10[%parallel_loop3A_413] {strides = array<i32>} : memref<1024xf32, #tpu.memory_space<vmem>>, vector<16xf32>,
      tpu.vector_store %arg10[%parallel_loop3A_413], %parallel_loop3A_251 {strides = array<i32>} : memref<1024xf32, #tpu.memory_space<vmem>>, vector<16xf32>,
      %parallel_loop3A_415 = arith.index_cast %parallel_loop3A_242 : i32 to index
      %parallel_loop3A_416 = tpu.vector_load %arg11[%parallel_loop3A_415] {strides = array<i32>} : memref<1024xf32, #tpu.memory_space<vmem>>, vector<16xf32>,
      tpu.vector_store %arg11[%parallel_loop3A_415], %parallel_loop3A_292 {strides = array<i32>} : memref<1024xf32, #tpu.memory_space<vmem>>, vector<16xf32>,
      %parallel_loop3A_417 = arith.index_cast %parallel_loop3A_242 : i32 to index
      %parallel_loop3A_418 = tpu.vector_load %arg12[%parallel_loop3A_417] {strides = array<i32>} : memref<1024xf32, #tpu.memory_space<vmem>>, vector<16xf32>,
      tpu.vector_store %arg12[%parallel_loop3A_417], %parallel_loop3A_291 {strides = array<i32>} : memref<1024xf32, #tpu.memory_space<vmem>>, vector<16xf32>,
      %parallel_loop3A_419 = arith.index_cast %parallel_loop3A_242 : i32 to index
      %parallel_loop3A_420 = tpu.vector_load %arg13[%parallel_loop3A_419] {strides = array<i32>} : memref<1024xf32, #tpu.memory_space<vmem>>, vector<16xf32>,
      tpu.vector_store %arg13[%parallel_loop3A_419], %parallel_loop3A_408 {strides = array<i32>} : memref<1024xf32, #tpu.memory_space<vmem>>, vector<16xf32>,
      %parallel_loop3A_421 = arith.index_cast %parallel_loop3A_242 : i32 to index
      %parallel_loop3A_422 = tpu.vector_load %arg14[%parallel_loop3A_421] {strides = array<i32>} : memref<1024xf32, #tpu.memory_space<vmem>>, vector<16xf32>,
      tpu.vector_store %arg14[%parallel_loop3A_421], %parallel_loop3A_349 {strides = array<i32>} : memref<1024xf32, #tpu.memory_space<vmem>>, vector<16xf32>,
    } {sc.loop_unroll_factor = 1 : i64, sc.parallel_access}
    %parallel_loop3A_7 = arith.constant 0 : i32
    %parallel_loop3A_8 = arith.constant 32 : i32
    %parallel_loop3A_9 = arith.constant 1 : i32
    scf.for %parallel_loop3A_36 = %parallel_loop3A_7 to %parallel_loop3A_8 step %parallel_loop3A_9  : i32 {
      %parallel_loop3A_37 = vector.broadcast %parallel_loop3A_36 : i32 to vector<16xi32>
      %parallel_loop3A_38 = tpu.vector_load_idx %arg7[%parallel_loop3A_37] : memref<32xi32, #tpu.memory_space<vmem>>[vector<16xi32>], vector<16xi32>,
      %parallel_loop3A_39 = arith.constant 0 : index
      %parallel_loop3A_40 = tpu.vector_load %arg7[%parallel_loop3A_39] {strides = array<i32>} : memref<32xi32, #tpu.memory_space<vmem>>, vector<16xi32>,
      %parallel_loop3A_41 = arith.minsi %parallel_loop3A_38, %parallel_loop3A_40 : vector<16xi32>
      %parallel_loop3A_42 = arith.maxsi %parallel_loop3A_38, %parallel_loop3A_40 : vector<16xi32>
      %parallel_loop3A_43 = arith.constant 4 : i32
      %parallel_loop3A_44 = vector.broadcast %parallel_loop3A_43 : i32 to vector<16xi32>
      %parallel_loop3A_45 = arith.muli %parallel_loop3A_41, %parallel_loop3A_44 : vector<16xi32>
      %parallel_loop3A_46 = arith.constant 1 : i32
      %parallel_loop3A_47 = vector.broadcast %parallel_loop3A_46 : i32 to vector<16xi32>
      %parallel_loop3A_48 = arith.addi %parallel_loop3A_41, %parallel_loop3A_47 : vector<16xi32>
      %parallel_loop3A_49 = arith.muli %parallel_loop3A_41, %parallel_loop3A_48 : vector<16xi32>
      %parallel_loop3A_50 = arith.constant 1 : i32
      %parallel_loop3A_51 = vector.broadcast %parallel_loop3A_50 : i32 to vector<16xi32>
      %parallel_loop3A_52 = arith.shrui %parallel_loop3A_49, %parallel_loop3A_51 : vector<16xi32>
      %parallel_loop3A_53 = arith.subi %parallel_loop3A_45, %parallel_loop3A_52 : vector<16xi32>
      %parallel_loop3A_54 = arith.addi %parallel_loop3A_53, %parallel_loop3A_42 : vector<16xi32>
      %parallel_loop3A_55 = arith.constant 10 : i32
      %parallel_loop3A_56 = vector.broadcast %parallel_loop3A_55 : i32 to vector<16xi32>
      %parallel_loop3A_57 = arith.shli %parallel_loop3A_54, %parallel_loop3A_56 : vector<16xi32>
      %parallel_loop3A_58 = arith.constant 32 : i32
      %parallel_loop3A_59 = arith.muli %parallel_loop3A_36, %parallel_loop3A_58 : i32
      %parallel_loop3A_60 = arith.constant 0 : i32
      %parallel_loop3A_61 = arith.addi %parallel_loop3A_59, %parallel_loop3A_60 : i32
      %parallel_loop3A_62 = arith.index_cast %parallel_loop3A_61 : i32 to index
      %parallel_loop3A_63 = tpu.vector_load %arg15[%parallel_loop3A_62] {strides = array<i32>} : memref<1024xi32, #tpu.memory_space<vmem>>, vector<16xi32>,
      tpu.vector_store %arg15[%parallel_loop3A_62], %parallel_loop3A_57 {strides = array<i32>} : memref<1024xi32, #tpu.memory_space<vmem>>, vector<16xi32>,
      %parallel_loop3A_64 = arith.constant 16 : index
      %parallel_loop3A_65 = tpu.vector_load %arg7[%parallel_loop3A_64] {strides = array<i32>} : memref<32xi32, #tpu.memory_space<vmem>>, vector<16xi32>,
      %parallel_loop3A_66 = arith.minsi %parallel_loop3A_38, %parallel_loop3A_65 : vector<16xi32>
      %parallel_loop3A_67 = arith.maxsi %parallel_loop3A_38, %parallel_loop3A_65 : vector<16xi32>
      %parallel_loop3A_68 = arith.constant 4 : i32
      %parallel_loop3A_69 = vector.broadcast %parallel_loop3A_68 : i32 to vector<16xi32>
      %parallel_loop3A_70 = arith.muli %parallel_loop3A_66, %parallel_loop3A_69 : vector<16xi32>
      %parallel_loop3A_71 = arith.constant 1 : i32
      %parallel_loop3A_72 = vector.broadcast %parallel_loop3A_71 : i32 to vector<16xi32>
      %parallel_loop3A_73 = arith.addi %parallel_loop3A_66, %parallel_loop3A_72 : vector<16xi32>
      %parallel_loop3A_74 = arith.muli %parallel_loop3A_66, %parallel_loop3A_73 : vector<16xi32>
      %parallel_loop3A_75 = arith.constant 1 : i32
      %parallel_loop3A_76 = vector.broadcast %parallel_loop3A_75 : i32 to vector<16xi32>
      %parallel_loop3A_77 = arith.shrui %parallel_loop3A_74, %parallel_loop3A_76 : vector<16xi32>
      %parallel_loop3A_78 = arith.subi %parallel_loop3A_70, %parallel_loop3A_77 : vector<16xi32>
      %parallel_loop3A_79 = arith.addi %parallel_loop3A_78, %parallel_loop3A_67 : vector<16xi32>
      %parallel_loop3A_80 = arith.constant 10 : i32
      %parallel_loop3A_81 = vector.broadcast %parallel_loop3A_80 : i32 to vector<16xi32>
      %parallel_loop3A_82 = arith.shli %parallel_loop3A_79, %parallel_loop3A_81 : vector<16xi32>
      %parallel_loop3A_83 = arith.constant 32 : i32
      %parallel_loop3A_84 = arith.muli %parallel_loop3A_36, %parallel_loop3A_83 : i32
      %parallel_loop3A_85 = arith.constant 16 : i32
      %parallel_loop3A_86 = arith.addi %parallel_loop3A_84, %parallel_loop3A_85 : i32
      %parallel_loop3A_87 = arith.index_cast %parallel_loop3A_86 : i32 to index
      %parallel_loop3A_88 = tpu.vector_load %arg15[%parallel_loop3A_87] {strides = array<i32>} : memref<1024xi32, #tpu.memory_space<vmem>>, vector<16xi32>,
      tpu.vector_store %arg15[%parallel_loop3A_87], %parallel_loop3A_82 {strides = array<i32>} : memref<1024xi32, #tpu.memory_space<vmem>>, vector<16xi32>,
    } {sc.loop_unroll_factor = 1 : i64, sc.parallel_access}
    %iota3A = tpu.iota {dimensions = array<i32: 0>} : vector<16xi32>
    %add3A_10 = arith.constant 0 : i32
    %add3A_11 = vector.broadcast %add3A_10 : i32 to vector<16xi32>
    %add3A_12 = arith.addi %add3A_11, %iota3A : vector<16xi32>
    %iota3A_13 = tpu.iota {dimensions = array<i32: 0>} : vector<16xi32>
    %add3A_14 = arith.constant 16 : i32
    %add3A_15 = vector.broadcast %add3A_14 : i32 to vector<16xi32>
    %add3A_16 = arith.addi %add3A_15, %iota3A_13 : vector<16xi32>
    %shift_left3A = arith.constant 5 : i32
    %shift_left3A_17 = vector.broadcast %shift_left3A : i32 to vector<16xi32>
    %shift_left3A_18 = arith.shli %add3A_12, %shift_left3A_17 : vector<16xi32>
    %shift_left3A_19 = arith.constant 5 : i32
    %shift_left3A_20 = vector.broadcast %shift_left3A_19 : i32 to vector<16xi32>
    %shift_left3A_21 = arith.shli %add3A_16, %shift_left3A_20 : vector<16xi32>
    %parallel_loop3A_22 = arith.constant 0 : i32
    %parallel_loop3A_23 = arith.constant 32 : i32
    %parallel_loop3A_24 = arith.constant 1 : i32
    scf.for %parallel_loop3A_36 = %parallel_loop3A_22 to %parallel_loop3A_23 step %parallel_loop3A_24  : i32 {
      %parallel_loop3A_37 = vector.broadcast %parallel_loop3A_36 : i32 to vector<16xi32>
      %parallel_loop3A_38 = tpu.vector_load_idx %arg7[%parallel_loop3A_37] : memref<32xi32, #tpu.memory_space<vmem>>[vector<16xi32>], vector<16xi32>,
      %parallel_loop3A_39 = vector.extract_strided_slice %parallel_loop3A_38 {offsets = [0], sizes = [1], strides = [1]} : vector<16xi32> to vector<1xi32>
      %parallel_loop3A_40 = vector.extract %parallel_loop3A_39[0] : i32 from vector<1xi32>
      %parallel_loop3A_41 = arith.constant 9 : i32
      %parallel_loop3A_42 = arith.shli %parallel_loop3A_40, %parallel_loop3A_41 : i32
      %parallel_loop3A_43 = vector.broadcast %parallel_loop3A_36 : i32 to vector<16xi32>
      %parallel_loop3A_44 = arith.addi %shift_left3A_18, %parallel_loop3A_43 : vector<16xi32>
      %parallel_loop3A_45 = tpu.vector_load_idx %arg11[%parallel_loop3A_44] : memref<1024xf32, #tpu.memory_space<vmem>>[vector<16xi32>], vector<16xf32>,
      %parallel_loop3A_46 = tpu.vector_load_idx %arg14[%parallel_loop3A_44] : memref<1024xf32, #tpu.memory_space<vmem>>[vector<16xi32>], vector<16xf32>,
      %parallel_loop3A_47 = arith.constant 0.899999976 : f32
      %parallel_loop3A_48 = vector.broadcast %parallel_loop3A_47 : f32 to vector<16xf32>
      %parallel_loop3A_49 = arith.subf %parallel_loop3A_45, %parallel_loop3A_48 : vector<16xf32>
      %parallel_loop3A_50 = arith.mulf %parallel_loop3A_49, %parallel_loop3A_49 : vector<16xf32>
      %parallel_loop3A_51 = arith.constant -1.600000e+01 : f32
      %parallel_loop3A_52 = vector.broadcast %parallel_loop3A_51 : f32 to vector<16xf32>
      %parallel_loop3A_53 = arith.mulf %parallel_loop3A_50, %parallel_loop3A_52 : vector<16xf32>
      %parallel_loop3A_54 = math.exp %parallel_loop3A_53 : vector<16xf32>
      %parallel_loop3A_55 = arith.mulf %parallel_loop3A_54, %parallel_loop3A_46 : vector<16xf32>
      %parallel_loop3A_56 = arith.constant 0 : i32
      %parallel_loop3A_57 = arith.addi %parallel_loop3A_42, %parallel_loop3A_56 : i32
      %parallel_loop3A_58 = arith.constant 0 : i32
      %parallel_loop3A_59 = arith.addi %parallel_loop3A_57, %parallel_loop3A_58 : i32
      %parallel_loop3A_60 = arith.index_cast %parallel_loop3A_59 : i32 to index
      %parallel_loop3A_61 = tpu.vector_load %arg17[%parallel_loop3A_60] {strides = array<i32>} : memref<2048xf32, #tpu.memory_space<vmem>>, vector<16xf32>,
      tpu.vector_store %arg17[%parallel_loop3A_60], %parallel_loop3A_55 {add = true, strides = array<i32>} : memref<2048xf32, #tpu.memory_space<vmem>>, vector<16xf32>,
      %parallel_loop3A_62 = arith.constant 1.168750e+00 : f32
      %parallel_loop3A_63 = vector.broadcast %parallel_loop3A_62 : f32 to vector<16xf32>
      %parallel_loop3A_64 = arith.subf %parallel_loop3A_45, %parallel_loop3A_63 : vector<16xf32>
      %parallel_loop3A_65 = arith.mulf %parallel_loop3A_64, %parallel_loop3A_64 : vector<16xf32>
      %parallel_loop3A_66 = arith.constant -1.600000e+01 : f32
      %parallel_loop3A_67 = vector.broadcast %parallel_loop3A_66 : f32 to vector<16xf32>
      %parallel_loop3A_68 = arith.mulf %parallel_loop3A_65, %parallel_loop3A_67 : vector<16xf32>
      %parallel_loop3A_69 = math.exp %parallel_loop3A_68 : vector<16xf32>
      %parallel_loop3A_70 = arith.mulf %parallel_loop3A_69, %parallel_loop3A_46 : vector<16xf32>
      %parallel_loop3A_71 = arith.constant 32 : i32
      %parallel_loop3A_72 = arith.addi %parallel_loop3A_42, %parallel_loop3A_71 : i32
      %parallel_loop3A_73 = arith.constant 0 : i32
      %parallel_loop3A_74 = arith.addi %parallel_loop3A_72, %parallel_loop3A_73 : i32
      %parallel_loop3A_75 = arith.index_cast %parallel_loop3A_74 : i32 to index
      %parallel_loop3A_76 = tpu.vector_load %arg17[%parallel_loop3A_75] {strides = array<i32>} : memref<2048xf32, #tpu.memory_space<vmem>>, vector<16xf32>,
      tpu.vector_store %arg17[%parallel_loop3A_75], %parallel_loop3A_70 {add = true, strides = array<i32>} : memref<2048xf32, #tpu.memory_space<vmem>>, vector<16xf32>,
      %parallel_loop3A_77 = arith.constant 1.437500e+00 : f32
      %parallel_loop3A_78 = vector.broadcast %parallel_loop3A_77 : f32 to vector<16xf32>
      %parallel_loop3A_79 = arith.subf %parallel_loop3A_45, %parallel_loop3A_78 : vector<16xf32>
      %parallel_loop3A_80 = arith.mulf %parallel_loop3A_79, %parallel_loop3A_79 : vector<16xf32>
      %parallel_loop3A_81 = arith.constant -1.600000e+01 : f32
      %parallel_loop3A_82 = vector.broadcast %parallel_loop3A_81 : f32 to vector<16xf32>
      %parallel_loop3A_83 = arith.mulf %parallel_loop3A_80, %parallel_loop3A_82 : vector<16xf32>
      %parallel_loop3A_84 = math.exp %parallel_loop3A_83 : vector<16xf32>
      %parallel_loop3A_85 = arith.mulf %parallel_loop3A_84, %parallel_loop3A_46 : vector<16xf32>
      %parallel_loop3A_86 = arith.constant 64 : i32
      %parallel_loop3A_87 = arith.addi %parallel_loop3A_42, %parallel_loop3A_86 : i32
      %parallel_loop3A_88 = arith.constant 0 : i32
      %parallel_loop3A_89 = arith.addi %parallel_loop3A_87, %parallel_loop3A_88 : i32
      %parallel_loop3A_90 = arith.index_cast %parallel_loop3A_89 : i32 to index
      %parallel_loop3A_91 = tpu.vector_load %arg17[%parallel_loop3A_90] {strides = array<i32>} : memref<2048xf32, #tpu.memory_space<vmem>>, vector<16xf32>,
      tpu.vector_store %arg17[%parallel_loop3A_90], %parallel_loop3A_85 {add = true, strides = array<i32>} : memref<2048xf32, #tpu.memory_space<vmem>>, vector<16xf32>,
      %parallel_loop3A_92 = arith.constant 1.706250e+00 : f32
      %parallel_loop3A_93 = vector.broadcast %parallel_loop3A_92 : f32 to vector<16xf32>
      %parallel_loop3A_94 = arith.subf %parallel_loop3A_45, %parallel_loop3A_93 : vector<16xf32>
      %parallel_loop3A_95 = arith.mulf %parallel_loop3A_94, %parallel_loop3A_94 : vector<16xf32>
      %parallel_loop3A_96 = arith.constant -1.600000e+01 : f32
      %parallel_loop3A_97 = vector.broadcast %parallel_loop3A_96 : f32 to vector<16xf32>
      %parallel_loop3A_98 = arith.mulf %parallel_loop3A_95, %parallel_loop3A_97 : vector<16xf32>
      %parallel_loop3A_99 = math.exp %parallel_loop3A_98 : vector<16xf32>
      %parallel_loop3A_100 = arith.mulf %parallel_loop3A_99, %parallel_loop3A_46 : vector<16xf32>
      %parallel_loop3A_101 = arith.constant 96 : i32
      %parallel_loop3A_102 = arith.addi %parallel_loop3A_42, %parallel_loop3A_101 : i32
      %parallel_loop3A_103 = arith.constant 0 : i32
      %parallel_loop3A_104 = arith.addi %parallel_loop3A_102, %parallel_loop3A_103 : i32
      %parallel_loop3A_105 = arith.index_cast %parallel_loop3A_104 : i32 to index
      %parallel_loop3A_106 = tpu.vector_load %arg17[%parallel_loop3A_105] {strides = array<i32>} : memref<2048xf32, #tpu.memory_space<vmem>>, vector<16xf32>,
      tpu.vector_store %arg17[%parallel_loop3A_105], %parallel_loop3A_100 {add = true, strides = array<i32>} : memref<2048xf32, #tpu.memory_space<vmem>>, vector<16xf32>,
      %parallel_loop3A_107 = arith.constant 1.975000e+00 : f32
      %parallel_loop3A_108 = vector.broadcast %parallel_loop3A_107 : f32 to vector<16xf32>
      %parallel_loop3A_109 = arith.subf %parallel_loop3A_45, %parallel_loop3A_108 : vector<16xf32>
      %parallel_loop3A_110 = arith.mulf %parallel_loop3A_109, %parallel_loop3A_109 : vector<16xf32>
      %parallel_loop3A_111 = arith.constant -1.600000e+01 : f32
      %parallel_loop3A_112 = vector.broadcast %parallel_loop3A_111 : f32 to vector<16xf32>
      %parallel_loop3A_113 = arith.mulf %parallel_loop3A_110, %parallel_loop3A_112 : vector<16xf32>
      %parallel_loop3A_114 = math.exp %parallel_loop3A_113 : vector<16xf32>
      %parallel_loop3A_115 = arith.mulf %parallel_loop3A_114, %parallel_loop3A_46 : vector<16xf32>
      %parallel_loop3A_116 = arith.constant 128 : i32
      %parallel_loop3A_117 = arith.addi %parallel_loop3A_42, %parallel_loop3A_116 : i32
      %parallel_loop3A_118 = arith.constant 0 : i32
      %parallel_loop3A_119 = arith.addi %parallel_loop3A_117, %parallel_loop3A_118 : i32
      %parallel_loop3A_120 = arith.index_cast %parallel_loop3A_119 : i32 to index
      %parallel_loop3A_121 = tpu.vector_load %arg17[%parallel_loop3A_120] {strides = array<i32>} : memref<2048xf32, #tpu.memory_space<vmem>>, vector<16xf32>,
      tpu.vector_store %arg17[%parallel_loop3A_120], %parallel_loop3A_115 {add = true, strides = array<i32>} : memref<2048xf32, #tpu.memory_space<vmem>>, vector<16xf32>,
      %parallel_loop3A_122 = arith.constant 2.243750e+00 : f32
      %parallel_loop3A_123 = vector.broadcast %parallel_loop3A_122 : f32 to vector<16xf32>
      %parallel_loop3A_124 = arith.subf %parallel_loop3A_45, %parallel_loop3A_123 : vector<16xf32>
      %parallel_loop3A_125 = arith.mulf %parallel_loop3A_124, %parallel_loop3A_124 : vector<16xf32>
      %parallel_loop3A_126 = arith.constant -1.600000e+01 : f32
      %parallel_loop3A_127 = vector.broadcast %parallel_loop3A_126 : f32 to vector<16xf32>
      %parallel_loop3A_128 = arith.mulf %parallel_loop3A_125, %parallel_loop3A_127 : vector<16xf32>
      %parallel_loop3A_129 = math.exp %parallel_loop3A_128 : vector<16xf32>
      %parallel_loop3A_130 = arith.mulf %parallel_loop3A_129, %parallel_loop3A_46 : vector<16xf32>
      %parallel_loop3A_131 = arith.constant 160 : i32
      %parallel_loop3A_132 = arith.addi %parallel_loop3A_42, %parallel_loop3A_131 : i32
      %parallel_loop3A_133 = arith.constant 0 : i32
      %parallel_loop3A_134 = arith.addi %parallel_loop3A_132, %parallel_loop3A_133 : i32
      %parallel_loop3A_135 = arith.index_cast %parallel_loop3A_134 : i32 to index
      %parallel_loop3A_136 = tpu.vector_load %arg17[%parallel_loop3A_135] {strides = array<i32>} : memref<2048xf32, #tpu.memory_space<vmem>>, vector<16xf32>,
      tpu.vector_store %arg17[%parallel_loop3A_135], %parallel_loop3A_130 {add = true, strides = array<i32>} : memref<2048xf32, #tpu.memory_space<vmem>>, vector<16xf32>,
      %parallel_loop3A_137 = arith.constant 2.512500e+00 : f32
      %parallel_loop3A_138 = vector.broadcast %parallel_loop3A_137 : f32 to vector<16xf32>
      %parallel_loop3A_139 = arith.subf %parallel_loop3A_45, %parallel_loop3A_138 : vector<16xf32>
      %parallel_loop3A_140 = arith.mulf %parallel_loop3A_139, %parallel_loop3A_139 : vector<16xf32>
      %parallel_loop3A_141 = arith.constant -1.600000e+01 : f32
      %parallel_loop3A_142 = vector.broadcast %parallel_loop3A_141 : f32 to vector<16xf32>
      %parallel_loop3A_143 = arith.mulf %parallel_loop3A_140, %parallel_loop3A_142 : vector<16xf32>
      %parallel_loop3A_144 = math.exp %parallel_loop3A_143 : vector<16xf32>
      %parallel_loop3A_145 = arith.mulf %parallel_loop3A_144, %parallel_loop3A_46 : vector<16xf32>
      %parallel_loop3A_146 = arith.constant 192 : i32
      %parallel_loop3A_147 = arith.addi %parallel_loop3A_42, %parallel_loop3A_146 : i32
      %parallel_loop3A_148 = arith.constant 0 : i32
      %parallel_loop3A_149 = arith.addi %parallel_loop3A_147, %parallel_loop3A_148 : i32
      %parallel_loop3A_150 = arith.index_cast %parallel_loop3A_149 : i32 to index
      %parallel_loop3A_151 = tpu.vector_load %arg17[%parallel_loop3A_150] {strides = array<i32>} : memref<2048xf32, #tpu.memory_space<vmem>>, vector<16xf32>,
      tpu.vector_store %arg17[%parallel_loop3A_150], %parallel_loop3A_145 {add = true, strides = array<i32>} : memref<2048xf32, #tpu.memory_space<vmem>>, vector<16xf32>,
      %parallel_loop3A_152 = arith.constant 2.781250e+00 : f32
      %parallel_loop3A_153 = vector.broadcast %parallel_loop3A_152 : f32 to vector<16xf32>
      %parallel_loop3A_154 = arith.subf %parallel_loop3A_45, %parallel_loop3A_153 : vector<16xf32>
      %parallel_loop3A_155 = arith.mulf %parallel_loop3A_154, %parallel_loop3A_154 : vector<16xf32>
      %parallel_loop3A_156 = arith.constant -1.600000e+01 : f32
      %parallel_loop3A_157 = vector.broadcast %parallel_loop3A_156 : f32 to vector<16xf32>
      %parallel_loop3A_158 = arith.mulf %parallel_loop3A_155, %parallel_loop3A_157 : vector<16xf32>
      %parallel_loop3A_159 = math.exp %parallel_loop3A_158 : vector<16xf32>
      %parallel_loop3A_160 = arith.mulf %parallel_loop3A_159, %parallel_loop3A_46 : vector<16xf32>
      %parallel_loop3A_161 = arith.constant 224 : i32
      %parallel_loop3A_162 = arith.addi %parallel_loop3A_42, %parallel_loop3A_161 : i32
      %parallel_loop3A_163 = arith.constant 0 : i32
      %parallel_loop3A_164 = arith.addi %parallel_loop3A_162, %parallel_loop3A_163 : i32
      %parallel_loop3A_165 = arith.index_cast %parallel_loop3A_164 : i32 to index
      %parallel_loop3A_166 = tpu.vector_load %arg17[%parallel_loop3A_165] {strides = array<i32>} : memref<2048xf32, #tpu.memory_space<vmem>>, vector<16xf32>,
      tpu.vector_store %arg17[%parallel_loop3A_165], %parallel_loop3A_160 {add = true, strides = array<i32>} : memref<2048xf32, #tpu.memory_space<vmem>>, vector<16xf32>,
      %parallel_loop3A_167 = arith.constant 3.050000e+00 : f32
      %parallel_loop3A_168 = vector.broadcast %parallel_loop3A_167 : f32 to vector<16xf32>
      %parallel_loop3A_169 = arith.subf %parallel_loop3A_45, %parallel_loop3A_168 : vector<16xf32>
      %parallel_loop3A_170 = arith.mulf %parallel_loop3A_169, %parallel_loop3A_169 : vector<16xf32>
      %parallel_loop3A_171 = arith.constant -1.600000e+01 : f32
      %parallel_loop3A_172 = vector.broadcast %parallel_loop3A_171 : f32 to vector<16xf32>
      %parallel_loop3A_173 = arith.mulf %parallel_loop3A_170, %parallel_loop3A_172 : vector<16xf32>
      %parallel_loop3A_174 = math.exp %parallel_loop3A_173 : vector<16xf32>
      %parallel_loop3A_175 = arith.mulf %parallel_loop3A_174, %parallel_loop3A_46 : vector<16xf32>
      %parallel_loop3A_176 = arith.constant 256 : i32
      %parallel_loop3A_177 = arith.addi %parallel_loop3A_42, %parallel_loop3A_176 : i32
      %parallel_loop3A_178 = arith.constant 0 : i32
      %parallel_loop3A_179 = arith.addi %parallel_loop3A_177, %parallel_loop3A_178 : i32
      %parallel_loop3A_180 = arith.index_cast %parallel_loop3A_179 : i32 to index
      %parallel_loop3A_181 = tpu.vector_load %arg17[%parallel_loop3A_180] {strides = array<i32>} : memref<2048xf32, #tpu.memory_space<vmem>>, vector<16xf32>,
      tpu.vector_store %arg17[%parallel_loop3A_180], %parallel_loop3A_175 {add = true, strides = array<i32>} : memref<2048xf32, #tpu.memory_space<vmem>>, vector<16xf32>,
      %parallel_loop3A_182 = arith.constant 3.318750e+00 : f32
      %parallel_loop3A_183 = vector.broadcast %parallel_loop3A_182 : f32 to vector<16xf32>
      %parallel_loop3A_184 = arith.subf %parallel_loop3A_45, %parallel_loop3A_183 : vector<16xf32>
      %parallel_loop3A_185 = arith.mulf %parallel_loop3A_184, %parallel_loop3A_184 : vector<16xf32>
      %parallel_loop3A_186 = arith.constant -1.600000e+01 : f32
      %parallel_loop3A_187 = vector.broadcast %parallel_loop3A_186 : f32 to vector<16xf32>
      %parallel_loop3A_188 = arith.mulf %parallel_loop3A_185, %parallel_loop3A_187 : vector<16xf32>
      %parallel_loop3A_189 = math.exp %parallel_loop3A_188 : vector<16xf32>
      %parallel_loop3A_190 = arith.mulf %parallel_loop3A_189, %parallel_loop3A_46 : vector<16xf32>
      %parallel_loop3A_191 = arith.constant 288 : i32
      %parallel_loop3A_192 = arith.addi %parallel_loop3A_42, %parallel_loop3A_191 : i32
      %parallel_loop3A_193 = arith.constant 0 : i32
      %parallel_loop3A_194 = arith.addi %parallel_loop3A_192, %parallel_loop3A_193 : i32
      %parallel_loop3A_195 = arith.index_cast %parallel_loop3A_194 : i32 to index
      %parallel_loop3A_196 = tpu.vector_load %arg17[%parallel_loop3A_195] {strides = array<i32>} : memref<2048xf32, #tpu.memory_space<vmem>>, vector<16xf32>,
      tpu.vector_store %arg17[%parallel_loop3A_195], %parallel_loop3A_190 {add = true, strides = array<i32>} : memref<2048xf32, #tpu.memory_space<vmem>>, vector<16xf32>,
      %parallel_loop3A_197 = arith.constant 3.587500e+00 : f32
      %parallel_loop3A_198 = vector.broadcast %parallel_loop3A_197 : f32 to vector<16xf32>
      %parallel_loop3A_199 = arith.subf %parallel_loop3A_45, %parallel_loop3A_198 : vector<16xf32>
      %parallel_loop3A_200 = arith.mulf %parallel_loop3A_199, %parallel_loop3A_199 : vector<16xf32>
      %parallel_loop3A_201 = arith.constant -1.600000e+01 : f32
      %parallel_loop3A_202 = vector.broadcast %parallel_loop3A_201 : f32 to vector<16xf32>
      %parallel_loop3A_203 = arith.mulf %parallel_loop3A_200, %parallel_loop3A_202 : vector<16xf32>
      %parallel_loop3A_204 = math.exp %parallel_loop3A_203 : vector<16xf32>
      %parallel_loop3A_205 = arith.mulf %parallel_loop3A_204, %parallel_loop3A_46 : vector<16xf32>
      %parallel_loop3A_206 = arith.constant 320 : i32
      %parallel_loop3A_207 = arith.addi %parallel_loop3A_42, %parallel_loop3A_206 : i32
      %parallel_loop3A_208 = arith.constant 0 : i32
      %parallel_loop3A_209 = arith.addi %parallel_loop3A_207, %parallel_loop3A_208 : i32
      %parallel_loop3A_210 = arith.index_cast %parallel_loop3A_209 : i32 to index
      %parallel_loop3A_211 = tpu.vector_load %arg17[%parallel_loop3A_210] {strides = array<i32>} : memref<2048xf32, #tpu.memory_space<vmem>>, vector<16xf32>,
      tpu.vector_store %arg17[%parallel_loop3A_210], %parallel_loop3A_205 {add = true, strides = array<i32>} : memref<2048xf32, #tpu.memory_space<vmem>>, vector<16xf32>,
      %parallel_loop3A_212 = arith.constant 3.856250e+00 : f32
      %parallel_loop3A_213 = vector.broadcast %parallel_loop3A_212 : f32 to vector<16xf32>
      %parallel_loop3A_214 = arith.subf %parallel_loop3A_45, %parallel_loop3A_213 : vector<16xf32>
      %parallel_loop3A_215 = arith.mulf %parallel_loop3A_214, %parallel_loop3A_214 : vector<16xf32>
      %parallel_loop3A_216 = arith.constant -1.600000e+01 : f32
      %parallel_loop3A_217 = vector.broadcast %parallel_loop3A_216 : f32 to vector<16xf32>
      %parallel_loop3A_218 = arith.mulf %parallel_loop3A_215, %parallel_loop3A_217 : vector<16xf32>
      %parallel_loop3A_219 = math.exp %parallel_loop3A_218 : vector<16xf32>
      %parallel_loop3A_220 = arith.mulf %parallel_loop3A_219, %parallel_loop3A_46 : vector<16xf32>
      %parallel_loop3A_221 = arith.constant 352 : i32
      %parallel_loop3A_222 = arith.addi %parallel_loop3A_42, %parallel_loop3A_221 : i32
      %parallel_loop3A_223 = arith.constant 0 : i32
      %parallel_loop3A_224 = arith.addi %parallel_loop3A_222, %parallel_loop3A_223 : i32
      %parallel_loop3A_225 = arith.index_cast %parallel_loop3A_224 : i32 to index
      %parallel_loop3A_226 = tpu.vector_load %arg17[%parallel_loop3A_225] {strides = array<i32>} : memref<2048xf32, #tpu.memory_space<vmem>>, vector<16xf32>,
      tpu.vector_store %arg17[%parallel_loop3A_225], %parallel_loop3A_220 {add = true, strides = array<i32>} : memref<2048xf32, #tpu.memory_space<vmem>>, vector<16xf32>,
      %parallel_loop3A_227 = arith.constant 4.125000e+00 : f32
      %parallel_loop3A_228 = vector.broadcast %parallel_loop3A_227 : f32 to vector<16xf32>
      %parallel_loop3A_229 = arith.subf %parallel_loop3A_45, %parallel_loop3A_228 : vector<16xf32>
      %parallel_loop3A_230 = arith.mulf %parallel_loop3A_229, %parallel_loop3A_229 : vector<16xf32>
      %parallel_loop3A_231 = arith.constant -1.600000e+01 : f32
      %parallel_loop3A_232 = vector.broadcast %parallel_loop3A_231 : f32 to vector<16xf32>
      %parallel_loop3A_233 = arith.mulf %parallel_loop3A_230, %parallel_loop3A_232 : vector<16xf32>
      %parallel_loop3A_234 = math.exp %parallel_loop3A_233 : vector<16xf32>
      %parallel_loop3A_235 = arith.mulf %parallel_loop3A_234, %parallel_loop3A_46 : vector<16xf32>
      %parallel_loop3A_236 = arith.constant 384 : i32
      %parallel_loop3A_237 = arith.addi %parallel_loop3A_42, %parallel_loop3A_236 : i32
      %parallel_loop3A_238 = arith.constant 0 : i32
      %parallel_loop3A_239 = arith.addi %parallel_loop3A_237, %parallel_loop3A_238 : i32
      %parallel_loop3A_240 = arith.index_cast %parallel_loop3A_239 : i32 to index
      %parallel_loop3A_241 = tpu.vector_load %arg17[%parallel_loop3A_240] {strides = array<i32>} : memref<2048xf32, #tpu.memory_space<vmem>>, vector<16xf32>,
      tpu.vector_store %arg17[%parallel_loop3A_240], %parallel_loop3A_235 {add = true, strides = array<i32>} : memref<2048xf32, #tpu.memory_space<vmem>>, vector<16xf32>,
      %parallel_loop3A_242 = arith.constant 4.393750e+00 : f32
      %parallel_loop3A_243 = vector.broadcast %parallel_loop3A_242 : f32 to vector<16xf32>
      %parallel_loop3A_244 = arith.subf %parallel_loop3A_45, %parallel_loop3A_243 : vector<16xf32>
      %parallel_loop3A_245 = arith.mulf %parallel_loop3A_244, %parallel_loop3A_244 : vector<16xf32>
      %parallel_loop3A_246 = arith.constant -1.600000e+01 : f32
      %parallel_loop3A_247 = vector.broadcast %parallel_loop3A_246 : f32 to vector<16xf32>
      %parallel_loop3A_248 = arith.mulf %parallel_loop3A_245, %parallel_loop3A_247 : vector<16xf32>
      %parallel_loop3A_249 = math.exp %parallel_loop3A_248 : vector<16xf32>
      %parallel_loop3A_250 = arith.mulf %parallel_loop3A_249, %parallel_loop3A_46 : vector<16xf32>
      %parallel_loop3A_251 = arith.constant 416 : i32
      %parallel_loop3A_252 = arith.addi %parallel_loop3A_42, %parallel_loop3A_251 : i32
      %parallel_loop3A_253 = arith.constant 0 : i32
      %parallel_loop3A_254 = arith.addi %parallel_loop3A_252, %parallel_loop3A_253 : i32
      %parallel_loop3A_255 = arith.index_cast %parallel_loop3A_254 : i32 to index
      %parallel_loop3A_256 = tpu.vector_load %arg17[%parallel_loop3A_255] {strides = array<i32>} : memref<2048xf32, #tpu.memory_space<vmem>>, vector<16xf32>,
      tpu.vector_store %arg17[%parallel_loop3A_255], %parallel_loop3A_250 {add = true, strides = array<i32>} : memref<2048xf32, #tpu.memory_space<vmem>>, vector<16xf32>,
      %parallel_loop3A_257 = arith.constant 4.662500e+00 : f32
      %parallel_loop3A_258 = vector.broadcast %parallel_loop3A_257 : f32 to vector<16xf32>
      %parallel_loop3A_259 = arith.subf %parallel_loop3A_45, %parallel_loop3A_258 : vector<16xf32>
      %parallel_loop3A_260 = arith.mulf %parallel_loop3A_259, %parallel_loop3A_259 : vector<16xf32>
      %parallel_loop3A_261 = arith.constant -1.600000e+01 : f32
      %parallel_loop3A_262 = vector.broadcast %parallel_loop3A_261 : f32 to vector<16xf32>
      %parallel_loop3A_263 = arith.mulf %parallel_loop3A_260, %parallel_loop3A_262 : vector<16xf32>
      %parallel_loop3A_264 = math.exp %parallel_loop3A_263 : vector<16xf32>
      %parallel_loop3A_265 = arith.mulf %parallel_loop3A_264, %parallel_loop3A_46 : vector<16xf32>
      %parallel_loop3A_266 = arith.constant 448 : i32
      %parallel_loop3A_267 = arith.addi %parallel_loop3A_42, %parallel_loop3A_266 : i32
      %parallel_loop3A_268 = arith.constant 0 : i32
      %parallel_loop3A_269 = arith.addi %parallel_loop3A_267, %parallel_loop3A_268 : i32
      %parallel_loop3A_270 = arith.index_cast %parallel_loop3A_269 : i32 to index
      %parallel_loop3A_271 = tpu.vector_load %arg17[%parallel_loop3A_270] {strides = array<i32>} : memref<2048xf32, #tpu.memory_space<vmem>>, vector<16xf32>,
      tpu.vector_store %arg17[%parallel_loop3A_270], %parallel_loop3A_265 {add = true, strides = array<i32>} : memref<2048xf32, #tpu.memory_space<vmem>>, vector<16xf32>,
      %parallel_loop3A_272 = arith.constant 4.931250e+00 : f32
      %parallel_loop3A_273 = vector.broadcast %parallel_loop3A_272 : f32 to vector<16xf32>
      %parallel_loop3A_274 = arith.subf %parallel_loop3A_45, %parallel_loop3A_273 : vector<16xf32>
      %parallel_loop3A_275 = arith.mulf %parallel_loop3A_274, %parallel_loop3A_274 : vector<16xf32>
      %parallel_loop3A_276 = arith.constant -1.600000e+01 : f32
      %parallel_loop3A_277 = vector.broadcast %parallel_loop3A_276 : f32 to vector<16xf32>
      %parallel_loop3A_278 = arith.mulf %parallel_loop3A_275, %parallel_loop3A_277 : vector<16xf32>
      %parallel_loop3A_279 = math.exp %parallel_loop3A_278 : vector<16xf32>
      %parallel_loop3A_280 = arith.mulf %parallel_loop3A_279, %parallel_loop3A_46 : vector<16xf32>
      %parallel_loop3A_281 = arith.constant 480 : i32
      %parallel_loop3A_282 = arith.addi %parallel_loop3A_42, %parallel_loop3A_281 : i32
      %parallel_loop3A_283 = arith.constant 0 : i32
      %parallel_loop3A_284 = arith.addi %parallel_loop3A_282, %parallel_loop3A_283 : i32
      %parallel_loop3A_285 = arith.index_cast %parallel_loop3A_284 : i32 to index
      %parallel_loop3A_286 = tpu.vector_load %arg17[%parallel_loop3A_285] {strides = array<i32>} : memref<2048xf32, #tpu.memory_space<vmem>>, vector<16xf32>,
      tpu.vector_store %arg17[%parallel_loop3A_285], %parallel_loop3A_280 {add = true, strides = array<i32>} : memref<2048xf32, #tpu.memory_space<vmem>>, vector<16xf32>,
      %parallel_loop3A_287 = vector.broadcast %parallel_loop3A_36 : i32 to vector<16xi32>
      %parallel_loop3A_288 = arith.addi %shift_left3A_21, %parallel_loop3A_287 : vector<16xi32>
      %parallel_loop3A_289 = tpu.vector_load_idx %arg11[%parallel_loop3A_288] : memref<1024xf32, #tpu.memory_space<vmem>>[vector<16xi32>], vector<16xf32>,
      %parallel_loop3A_290 = tpu.vector_load_idx %arg14[%parallel_loop3A_288] : memref<1024xf32, #tpu.memory_space<vmem>>[vector<16xi32>], vector<16xf32>,
      %parallel_loop3A_291 = arith.constant 0.899999976 : f32
      %parallel_loop3A_292 = vector.broadcast %parallel_loop3A_291 : f32 to vector<16xf32>
      %parallel_loop3A_293 = arith.subf %parallel_loop3A_289, %parallel_loop3A_292 : vector<16xf32>
      %parallel_loop3A_294 = arith.mulf %parallel_loop3A_293, %parallel_loop3A_293 : vector<16xf32>
      %parallel_loop3A_295 = arith.constant -1.600000e+01 : f32
      %parallel_loop3A_296 = vector.broadcast %parallel_loop3A_295 : f32 to vector<16xf32>
      %parallel_loop3A_297 = arith.mulf %parallel_loop3A_294, %parallel_loop3A_296 : vector<16xf32>
      %parallel_loop3A_298 = math.exp %parallel_loop3A_297 : vector<16xf32>
      %parallel_loop3A_299 = arith.mulf %parallel_loop3A_298, %parallel_loop3A_290 : vector<16xf32>
      %parallel_loop3A_300 = arith.constant 0 : i32
      %parallel_loop3A_301 = arith.addi %parallel_loop3A_42, %parallel_loop3A_300 : i32
      %parallel_loop3A_302 = arith.constant 16 : i32
      %parallel_loop3A_303 = arith.addi %parallel_loop3A_301, %parallel_loop3A_302 : i32
      %parallel_loop3A_304 = arith.index_cast %parallel_loop3A_303 : i32 to index
      %parallel_loop3A_305 = tpu.vector_load %arg17[%parallel_loop3A_304] {strides = array<i32>} : memref<2048xf32, #tpu.memory_space<vmem>>, vector<16xf32>,
      tpu.vector_store %arg17[%parallel_loop3A_304], %parallel_loop3A_299 {add = true, strides = array<i32>} : memref<2048xf32, #tpu.memory_space<vmem>>, vector<16xf32>,
      %parallel_loop3A_306 = arith.constant 1.168750e+00 : f32
      %parallel_loop3A_307 = vector.broadcast %parallel_loop3A_306 : f32 to vector<16xf32>
      %parallel_loop3A_308 = arith.subf %parallel_loop3A_289, %parallel_loop3A_307 : vector<16xf32>
      %parallel_loop3A_309 = arith.mulf %parallel_loop3A_308, %parallel_loop3A_308 : vector<16xf32>
      %parallel_loop3A_310 = arith.constant -1.600000e+01 : f32
      %parallel_loop3A_311 = vector.broadcast %parallel_loop3A_310 : f32 to vector<16xf32>
      %parallel_loop3A_312 = arith.mulf %parallel_loop3A_309, %parallel_loop3A_311 : vector<16xf32>
      %parallel_loop3A_313 = math.exp %parallel_loop3A_312 : vector<16xf32>
      %parallel_loop3A_314 = arith.mulf %parallel_loop3A_313, %parallel_loop3A_290 : vector<16xf32>
      %parallel_loop3A_315 = arith.constant 32 : i32
      %parallel_loop3A_316 = arith.addi %parallel_loop3A_42, %parallel_loop3A_315 : i32
      %parallel_loop3A_317 = arith.constant 16 : i32
      %parallel_loop3A_318 = arith.addi %parallel_loop3A_316, %parallel_loop3A_317 : i32
      %parallel_loop3A_319 = arith.index_cast %parallel_loop3A_318 : i32 to index
      %parallel_loop3A_320 = tpu.vector_load %arg17[%parallel_loop3A_319] {strides = array<i32>} : memref<2048xf32, #tpu.memory_space<vmem>>, vector<16xf32>,
      tpu.vector_store %arg17[%parallel_loop3A_319], %parallel_loop3A_314 {add = true, strides = array<i32>} : memref<2048xf32, #tpu.memory_space<vmem>>, vector<16xf32>,
      %parallel_loop3A_321 = arith.constant 1.437500e+00 : f32
      %parallel_loop3A_322 = vector.broadcast %parallel_loop3A_321 : f32 to vector<16xf32>
      %parallel_loop3A_323 = arith.subf %parallel_loop3A_289, %parallel_loop3A_322 : vector<16xf32>
      %parallel_loop3A_324 = arith.mulf %parallel_loop3A_323, %parallel_loop3A_323 : vector<16xf32>
      %parallel_loop3A_325 = arith.constant -1.600000e+01 : f32
      %parallel_loop3A_326 = vector.broadcast %parallel_loop3A_325 : f32 to vector<16xf32>
      %parallel_loop3A_327 = arith.mulf %parallel_loop3A_324, %parallel_loop3A_326 : vector<16xf32>
      %parallel_loop3A_328 = math.exp %parallel_loop3A_327 : vector<16xf32>
      %parallel_loop3A_329 = arith.mulf %parallel_loop3A_328, %parallel_loop3A_290 : vector<16xf32>
      %parallel_loop3A_330 = arith.constant 64 : i32
      %parallel_loop3A_331 = arith.addi %parallel_loop3A_42, %parallel_loop3A_330 : i32
      %parallel_loop3A_332 = arith.constant 16 : i32
      %parallel_loop3A_333 = arith.addi %parallel_loop3A_331, %parallel_loop3A_332 : i32
      %parallel_loop3A_334 = arith.index_cast %parallel_loop3A_333 : i32 to index
      %parallel_loop3A_335 = tpu.vector_load %arg17[%parallel_loop3A_334] {strides = array<i32>} : memref<2048xf32, #tpu.memory_space<vmem>>, vector<16xf32>,
      tpu.vector_store %arg17[%parallel_loop3A_334], %parallel_loop3A_329 {add = true, strides = array<i32>} : memref<2048xf32, #tpu.memory_space<vmem>>, vector<16xf32>,
      %parallel_loop3A_336 = arith.constant 1.706250e+00 : f32
      %parallel_loop3A_337 = vector.broadcast %parallel_loop3A_336 : f32 to vector<16xf32>
      %parallel_loop3A_338 = arith.subf %parallel_loop3A_289, %parallel_loop3A_337 : vector<16xf32>
      %parallel_loop3A_339 = arith.mulf %parallel_loop3A_338, %parallel_loop3A_338 : vector<16xf32>
      %parallel_loop3A_340 = arith.constant -1.600000e+01 : f32
      %parallel_loop3A_341 = vector.broadcast %parallel_loop3A_340 : f32 to vector<16xf32>
      %parallel_loop3A_342 = arith.mulf %parallel_loop3A_339, %parallel_loop3A_341 : vector<16xf32>
      %parallel_loop3A_343 = math.exp %parallel_loop3A_342 : vector<16xf32>
      %parallel_loop3A_344 = arith.mulf %parallel_loop3A_343, %parallel_loop3A_290 : vector<16xf32>
      %parallel_loop3A_345 = arith.constant 96 : i32
      %parallel_loop3A_346 = arith.addi %parallel_loop3A_42, %parallel_loop3A_345 : i32
      %parallel_loop3A_347 = arith.constant 16 : i32
      %parallel_loop3A_348 = arith.addi %parallel_loop3A_346, %parallel_loop3A_347 : i32
      %parallel_loop3A_349 = arith.index_cast %parallel_loop3A_348 : i32 to index
      %parallel_loop3A_350 = tpu.vector_load %arg17[%parallel_loop3A_349] {strides = array<i32>} : memref<2048xf32, #tpu.memory_space<vmem>>, vector<16xf32>,
      tpu.vector_store %arg17[%parallel_loop3A_349], %parallel_loop3A_344 {add = true, strides = array<i32>} : memref<2048xf32, #tpu.memory_space<vmem>>, vector<16xf32>,
      %parallel_loop3A_351 = arith.constant 1.975000e+00 : f32
      %parallel_loop3A_352 = vector.broadcast %parallel_loop3A_351 : f32 to vector<16xf32>
      %parallel_loop3A_353 = arith.subf %parallel_loop3A_289, %parallel_loop3A_352 : vector<16xf32>
      %parallel_loop3A_354 = arith.mulf %parallel_loop3A_353, %parallel_loop3A_353 : vector<16xf32>
      %parallel_loop3A_355 = arith.constant -1.600000e+01 : f32
      %parallel_loop3A_356 = vector.broadcast %parallel_loop3A_355 : f32 to vector<16xf32>
      %parallel_loop3A_357 = arith.mulf %parallel_loop3A_354, %parallel_loop3A_356 : vector<16xf32>
      %parallel_loop3A_358 = math.exp %parallel_loop3A_357 : vector<16xf32>
      %parallel_loop3A_359 = arith.mulf %parallel_loop3A_358, %parallel_loop3A_290 : vector<16xf32>
      %parallel_loop3A_360 = arith.constant 128 : i32
      %parallel_loop3A_361 = arith.addi %parallel_loop3A_42, %parallel_loop3A_360 : i32
      %parallel_loop3A_362 = arith.constant 16 : i32
      %parallel_loop3A_363 = arith.addi %parallel_loop3A_361, %parallel_loop3A_362 : i32
      %parallel_loop3A_364 = arith.index_cast %parallel_loop3A_363 : i32 to index
      %parallel_loop3A_365 = tpu.vector_load %arg17[%parallel_loop3A_364] {strides = array<i32>} : memref<2048xf32, #tpu.memory_space<vmem>>, vector<16xf32>,
      tpu.vector_store %arg17[%parallel_loop3A_364], %parallel_loop3A_359 {add = true, strides = array<i32>} : memref<2048xf32, #tpu.memory_space<vmem>>, vector<16xf32>,
      %parallel_loop3A_366 = arith.constant 2.243750e+00 : f32
      %parallel_loop3A_367 = vector.broadcast %parallel_loop3A_366 : f32 to vector<16xf32>
      %parallel_loop3A_368 = arith.subf %parallel_loop3A_289, %parallel_loop3A_367 : vector<16xf32>
      %parallel_loop3A_369 = arith.mulf %parallel_loop3A_368, %parallel_loop3A_368 : vector<16xf32>
      %parallel_loop3A_370 = arith.constant -1.600000e+01 : f32
      %parallel_loop3A_371 = vector.broadcast %parallel_loop3A_370 : f32 to vector<16xf32>
      %parallel_loop3A_372 = arith.mulf %parallel_loop3A_369, %parallel_loop3A_371 : vector<16xf32>
      %parallel_loop3A_373 = math.exp %parallel_loop3A_372 : vector<16xf32>
      %parallel_loop3A_374 = arith.mulf %parallel_loop3A_373, %parallel_loop3A_290 : vector<16xf32>
      %parallel_loop3A_375 = arith.constant 160 : i32
      %parallel_loop3A_376 = arith.addi %parallel_loop3A_42, %parallel_loop3A_375 : i32
      %parallel_loop3A_377 = arith.constant 16 : i32
      %parallel_loop3A_378 = arith.addi %parallel_loop3A_376, %parallel_loop3A_377 : i32
      %parallel_loop3A_379 = arith.index_cast %parallel_loop3A_378 : i32 to index
      %parallel_loop3A_380 = tpu.vector_load %arg17[%parallel_loop3A_379] {strides = array<i32>} : memref<2048xf32, #tpu.memory_space<vmem>>, vector<16xf32>,
      tpu.vector_store %arg17[%parallel_loop3A_379], %parallel_loop3A_374 {add = true, strides = array<i32>} : memref<2048xf32, #tpu.memory_space<vmem>>, vector<16xf32>,
      %parallel_loop3A_381 = arith.constant 2.512500e+00 : f32
      %parallel_loop3A_382 = vector.broadcast %parallel_loop3A_381 : f32 to vector<16xf32>
      %parallel_loop3A_383 = arith.subf %parallel_loop3A_289, %parallel_loop3A_382 : vector<16xf32>
      %parallel_loop3A_384 = arith.mulf %parallel_loop3A_383, %parallel_loop3A_383 : vector<16xf32>
      %parallel_loop3A_385 = arith.constant -1.600000e+01 : f32
      %parallel_loop3A_386 = vector.broadcast %parallel_loop3A_385 : f32 to vector<16xf32>
      %parallel_loop3A_387 = arith.mulf %parallel_loop3A_384, %parallel_loop3A_386 : vector<16xf32>
      %parallel_loop3A_388 = math.exp %parallel_loop3A_387 : vector<16xf32>
      %parallel_loop3A_389 = arith.mulf %parallel_loop3A_388, %parallel_loop3A_290 : vector<16xf32>
      %parallel_loop3A_390 = arith.constant 192 : i32
      %parallel_loop3A_391 = arith.addi %parallel_loop3A_42, %parallel_loop3A_390 : i32
      %parallel_loop3A_392 = arith.constant 16 : i32
      %parallel_loop3A_393 = arith.addi %parallel_loop3A_391, %parallel_loop3A_392 : i32
      %parallel_loop3A_394 = arith.index_cast %parallel_loop3A_393 : i32 to index
      %parallel_loop3A_395 = tpu.vector_load %arg17[%parallel_loop3A_394] {strides = array<i32>} : memref<2048xf32, #tpu.memory_space<vmem>>, vector<16xf32>,
      tpu.vector_store %arg17[%parallel_loop3A_394], %parallel_loop3A_389 {add = true, strides = array<i32>} : memref<2048xf32, #tpu.memory_space<vmem>>, vector<16xf32>,
      %parallel_loop3A_396 = arith.constant 2.781250e+00 : f32
      %parallel_loop3A_397 = vector.broadcast %parallel_loop3A_396 : f32 to vector<16xf32>
      %parallel_loop3A_398 = arith.subf %parallel_loop3A_289, %parallel_loop3A_397 : vector<16xf32>
      %parallel_loop3A_399 = arith.mulf %parallel_loop3A_398, %parallel_loop3A_398 : vector<16xf32>
      %parallel_loop3A_400 = arith.constant -1.600000e+01 : f32
      %parallel_loop3A_401 = vector.broadcast %parallel_loop3A_400 : f32 to vector<16xf32>
      %parallel_loop3A_402 = arith.mulf %parallel_loop3A_399, %parallel_loop3A_401 : vector<16xf32>
      %parallel_loop3A_403 = math.exp %parallel_loop3A_402 : vector<16xf32>
      %parallel_loop3A_404 = arith.mulf %parallel_loop3A_403, %parallel_loop3A_290 : vector<16xf32>
      %parallel_loop3A_405 = arith.constant 224 : i32
      %parallel_loop3A_406 = arith.addi %parallel_loop3A_42, %parallel_loop3A_405 : i32
      %parallel_loop3A_407 = arith.constant 16 : i32
      %parallel_loop3A_408 = arith.addi %parallel_loop3A_406, %parallel_loop3A_407 : i32
      %parallel_loop3A_409 = arith.index_cast %parallel_loop3A_408 : i32 to index
      %parallel_loop3A_410 = tpu.vector_load %arg17[%parallel_loop3A_409] {strides = array<i32>} : memref<2048xf32, #tpu.memory_space<vmem>>, vector<16xf32>,
      tpu.vector_store %arg17[%parallel_loop3A_409], %parallel_loop3A_404 {add = true, strides = array<i32>} : memref<2048xf32, #tpu.memory_space<vmem>>, vector<16xf32>,
      %parallel_loop3A_411 = arith.constant 3.050000e+00 : f32
      %parallel_loop3A_412 = vector.broadcast %parallel_loop3A_411 : f32 to vector<16xf32>
      %parallel_loop3A_413 = arith.subf %parallel_loop3A_289, %parallel_loop3A_412 : vector<16xf32>
      %parallel_loop3A_414 = arith.mulf %parallel_loop3A_413, %parallel_loop3A_413 : vector<16xf32>
      %parallel_loop3A_415 = arith.constant -1.600000e+01 : f32
      %parallel_loop3A_416 = vector.broadcast %parallel_loop3A_415 : f32 to vector<16xf32>
      %parallel_loop3A_417 = arith.mulf %parallel_loop3A_414, %parallel_loop3A_416 : vector<16xf32>
      %parallel_loop3A_418 = math.exp %parallel_loop3A_417 : vector<16xf32>
      %parallel_loop3A_419 = arith.mulf %parallel_loop3A_418, %parallel_loop3A_290 : vector<16xf32>
      %parallel_loop3A_420 = arith.constant 256 : i32
      %parallel_loop3A_421 = arith.addi %parallel_loop3A_42, %parallel_loop3A_420 : i32
      %parallel_loop3A_422 = arith.constant 16 : i32
      %parallel_loop3A_423 = arith.addi %parallel_loop3A_421, %parallel_loop3A_422 : i32
      %parallel_loop3A_424 = arith.index_cast %parallel_loop3A_423 : i32 to index
      %parallel_loop3A_425 = tpu.vector_load %arg17[%parallel_loop3A_424] {strides = array<i32>} : memref<2048xf32, #tpu.memory_space<vmem>>, vector<16xf32>,
      tpu.vector_store %arg17[%parallel_loop3A_424], %parallel_loop3A_419 {add = true, strides = array<i32>} : memref<2048xf32, #tpu.memory_space<vmem>>, vector<16xf32>,
      %parallel_loop3A_426 = arith.constant 3.318750e+00 : f32
      %parallel_loop3A_427 = vector.broadcast %parallel_loop3A_426 : f32 to vector<16xf32>
      %parallel_loop3A_428 = arith.subf %parallel_loop3A_289, %parallel_loop3A_427 : vector<16xf32>
      %parallel_loop3A_429 = arith.mulf %parallel_loop3A_428, %parallel_loop3A_428 : vector<16xf32>
      %parallel_loop3A_430 = arith.constant -1.600000e+01 : f32
      %parallel_loop3A_431 = vector.broadcast %parallel_loop3A_430 : f32 to vector<16xf32>
      %parallel_loop3A_432 = arith.mulf %parallel_loop3A_429, %parallel_loop3A_431 : vector<16xf32>
      %parallel_loop3A_433 = math.exp %parallel_loop3A_432 : vector<16xf32>
      %parallel_loop3A_434 = arith.mulf %parallel_loop3A_433, %parallel_loop3A_290 : vector<16xf32>
      %parallel_loop3A_435 = arith.constant 288 : i32
      %parallel_loop3A_436 = arith.addi %parallel_loop3A_42, %parallel_loop3A_435 : i32
      %parallel_loop3A_437 = arith.constant 16 : i32
      %parallel_loop3A_438 = arith.addi %parallel_loop3A_436, %parallel_loop3A_437 : i32
      %parallel_loop3A_439 = arith.index_cast %parallel_loop3A_438 : i32 to index
      %parallel_loop3A_440 = tpu.vector_load %arg17[%parallel_loop3A_439] {strides = array<i32>} : memref<2048xf32, #tpu.memory_space<vmem>>, vector<16xf32>,
      tpu.vector_store %arg17[%parallel_loop3A_439], %parallel_loop3A_434 {add = true, strides = array<i32>} : memref<2048xf32, #tpu.memory_space<vmem>>, vector<16xf32>,
      %parallel_loop3A_441 = arith.constant 3.587500e+00 : f32
      %parallel_loop3A_442 = vector.broadcast %parallel_loop3A_441 : f32 to vector<16xf32>
      %parallel_loop3A_443 = arith.subf %parallel_loop3A_289, %parallel_loop3A_442 : vector<16xf32>
      %parallel_loop3A_444 = arith.mulf %parallel_loop3A_443, %parallel_loop3A_443 : vector<16xf32>
      %parallel_loop3A_445 = arith.constant -1.600000e+01 : f32
      %parallel_loop3A_446 = vector.broadcast %parallel_loop3A_445 : f32 to vector<16xf32>
      %parallel_loop3A_447 = arith.mulf %parallel_loop3A_444, %parallel_loop3A_446 : vector<16xf32>
      %parallel_loop3A_448 = math.exp %parallel_loop3A_447 : vector<16xf32>
      %parallel_loop3A_449 = arith.mulf %parallel_loop3A_448, %parallel_loop3A_290 : vector<16xf32>
      %parallel_loop3A_450 = arith.constant 320 : i32
      %parallel_loop3A_451 = arith.addi %parallel_loop3A_42, %parallel_loop3A_450 : i32
      %parallel_loop3A_452 = arith.constant 16 : i32
      %parallel_loop3A_453 = arith.addi %parallel_loop3A_451, %parallel_loop3A_452 : i32
      %parallel_loop3A_454 = arith.index_cast %parallel_loop3A_453 : i32 to index
      %parallel_loop3A_455 = tpu.vector_load %arg17[%parallel_loop3A_454] {strides = array<i32>} : memref<2048xf32, #tpu.memory_space<vmem>>, vector<16xf32>,
      tpu.vector_store %arg17[%parallel_loop3A_454], %parallel_loop3A_449 {add = true, strides = array<i32>} : memref<2048xf32, #tpu.memory_space<vmem>>, vector<16xf32>,
      %parallel_loop3A_456 = arith.constant 3.856250e+00 : f32
      %parallel_loop3A_457 = vector.broadcast %parallel_loop3A_456 : f32 to vector<16xf32>
      %parallel_loop3A_458 = arith.subf %parallel_loop3A_289, %parallel_loop3A_457 : vector<16xf32>
      %parallel_loop3A_459 = arith.mulf %parallel_loop3A_458, %parallel_loop3A_458 : vector<16xf32>
      %parallel_loop3A_460 = arith.constant -1.600000e+01 : f32
      %parallel_loop3A_461 = vector.broadcast %parallel_loop3A_460 : f32 to vector<16xf32>
      %parallel_loop3A_462 = arith.mulf %parallel_loop3A_459, %parallel_loop3A_461 : vector<16xf32>
      %parallel_loop3A_463 = math.exp %parallel_loop3A_462 : vector<16xf32>
      %parallel_loop3A_464 = arith.mulf %parallel_loop3A_463, %parallel_loop3A_290 : vector<16xf32>
      %parallel_loop3A_465 = arith.constant 352 : i32
      %parallel_loop3A_466 = arith.addi %parallel_loop3A_42, %parallel_loop3A_465 : i32
      %parallel_loop3A_467 = arith.constant 16 : i32
      %parallel_loop3A_468 = arith.addi %parallel_loop3A_466, %parallel_loop3A_467 : i32
      %parallel_loop3A_469 = arith.index_cast %parallel_loop3A_468 : i32 to index
      %parallel_loop3A_470 = tpu.vector_load %arg17[%parallel_loop3A_469] {strides = array<i32>} : memref<2048xf32, #tpu.memory_space<vmem>>, vector<16xf32>,
      tpu.vector_store %arg17[%parallel_loop3A_469], %parallel_loop3A_464 {add = true, strides = array<i32>} : memref<2048xf32, #tpu.memory_space<vmem>>, vector<16xf32>,
      %parallel_loop3A_471 = arith.constant 4.125000e+00 : f32
      %parallel_loop3A_472 = vector.broadcast %parallel_loop3A_471 : f32 to vector<16xf32>
      %parallel_loop3A_473 = arith.subf %parallel_loop3A_289, %parallel_loop3A_472 : vector<16xf32>
      %parallel_loop3A_474 = arith.mulf %parallel_loop3A_473, %parallel_loop3A_473 : vector<16xf32>
      %parallel_loop3A_475 = arith.constant -1.600000e+01 : f32
      %parallel_loop3A_476 = vector.broadcast %parallel_loop3A_475 : f32 to vector<16xf32>
      %parallel_loop3A_477 = arith.mulf %parallel_loop3A_474, %parallel_loop3A_476 : vector<16xf32>
      %parallel_loop3A_478 = math.exp %parallel_loop3A_477 : vector<16xf32>
      %parallel_loop3A_479 = arith.mulf %parallel_loop3A_478, %parallel_loop3A_290 : vector<16xf32>
      %parallel_loop3A_480 = arith.constant 384 : i32
      %parallel_loop3A_481 = arith.addi %parallel_loop3A_42, %parallel_loop3A_480 : i32
      %parallel_loop3A_482 = arith.constant 16 : i32
      %parallel_loop3A_483 = arith.addi %parallel_loop3A_481, %parallel_loop3A_482 : i32
      %parallel_loop3A_484 = arith.index_cast %parallel_loop3A_483 : i32 to index
      %parallel_loop3A_485 = tpu.vector_load %arg17[%parallel_loop3A_484] {strides = array<i32>} : memref<2048xf32, #tpu.memory_space<vmem>>, vector<16xf32>,
      tpu.vector_store %arg17[%parallel_loop3A_484], %parallel_loop3A_479 {add = true, strides = array<i32>} : memref<2048xf32, #tpu.memory_space<vmem>>, vector<16xf32>,
      %parallel_loop3A_486 = arith.constant 4.393750e+00 : f32
      %parallel_loop3A_487 = vector.broadcast %parallel_loop3A_486 : f32 to vector<16xf32>
      %parallel_loop3A_488 = arith.subf %parallel_loop3A_289, %parallel_loop3A_487 : vector<16xf32>
      %parallel_loop3A_489 = arith.mulf %parallel_loop3A_488, %parallel_loop3A_488 : vector<16xf32>
      %parallel_loop3A_490 = arith.constant -1.600000e+01 : f32
      %parallel_loop3A_491 = vector.broadcast %parallel_loop3A_490 : f32 to vector<16xf32>
      %parallel_loop3A_492 = arith.mulf %parallel_loop3A_489, %parallel_loop3A_491 : vector<16xf32>
      %parallel_loop3A_493 = math.exp %parallel_loop3A_492 : vector<16xf32>
      %parallel_loop3A_494 = arith.mulf %parallel_loop3A_493, %parallel_loop3A_290 : vector<16xf32>
      %parallel_loop3A_495 = arith.constant 416 : i32
      %parallel_loop3A_496 = arith.addi %parallel_loop3A_42, %parallel_loop3A_495 : i32
      %parallel_loop3A_497 = arith.constant 16 : i32
      %parallel_loop3A_498 = arith.addi %parallel_loop3A_496, %parallel_loop3A_497 : i32
      %parallel_loop3A_499 = arith.index_cast %parallel_loop3A_498 : i32 to index
      %parallel_loop3A_500 = tpu.vector_load %arg17[%parallel_loop3A_499] {strides = array<i32>} : memref<2048xf32, #tpu.memory_space<vmem>>, vector<16xf32>,
      tpu.vector_store %arg17[%parallel_loop3A_499], %parallel_loop3A_494 {add = true, strides = array<i32>} : memref<2048xf32, #tpu.memory_space<vmem>>, vector<16xf32>,
      %parallel_loop3A_501 = arith.constant 4.662500e+00 : f32
      %parallel_loop3A_502 = vector.broadcast %parallel_loop3A_501 : f32 to vector<16xf32>
      %parallel_loop3A_503 = arith.subf %parallel_loop3A_289, %parallel_loop3A_502 : vector<16xf32>
      %parallel_loop3A_504 = arith.mulf %parallel_loop3A_503, %parallel_loop3A_503 : vector<16xf32>
      %parallel_loop3A_505 = arith.constant -1.600000e+01 : f32
      %parallel_loop3A_506 = vector.broadcast %parallel_loop3A_505 : f32 to vector<16xf32>
      %parallel_loop3A_507 = arith.mulf %parallel_loop3A_504, %parallel_loop3A_506 : vector<16xf32>
      %parallel_loop3A_508 = math.exp %parallel_loop3A_507 : vector<16xf32>
      %parallel_loop3A_509 = arith.mulf %parallel_loop3A_508, %parallel_loop3A_290 : vector<16xf32>
      %parallel_loop3A_510 = arith.constant 448 : i32
      %parallel_loop3A_511 = arith.addi %parallel_loop3A_42, %parallel_loop3A_510 : i32
      %parallel_loop3A_512 = arith.constant 16 : i32
      %parallel_loop3A_513 = arith.addi %parallel_loop3A_511, %parallel_loop3A_512 : i32
      %parallel_loop3A_514 = arith.index_cast %parallel_loop3A_513 : i32 to index
      %parallel_loop3A_515 = tpu.vector_load %arg17[%parallel_loop3A_514] {strides = array<i32>} : memref<2048xf32, #tpu.memory_space<vmem>>, vector<16xf32>,
      tpu.vector_store %arg17[%parallel_loop3A_514], %parallel_loop3A_509 {add = true, strides = array<i32>} : memref<2048xf32, #tpu.memory_space<vmem>>, vector<16xf32>,
      %parallel_loop3A_516 = arith.constant 4.931250e+00 : f32
      %parallel_loop3A_517 = vector.broadcast %parallel_loop3A_516 : f32 to vector<16xf32>
      %parallel_loop3A_518 = arith.subf %parallel_loop3A_289, %parallel_loop3A_517 : vector<16xf32>
      %parallel_loop3A_519 = arith.mulf %parallel_loop3A_518, %parallel_loop3A_518 : vector<16xf32>
      %parallel_loop3A_520 = arith.constant -1.600000e+01 : f32
      %parallel_loop3A_521 = vector.broadcast %parallel_loop3A_520 : f32 to vector<16xf32>
      %parallel_loop3A_522 = arith.mulf %parallel_loop3A_519, %parallel_loop3A_521 : vector<16xf32>
      %parallel_loop3A_523 = math.exp %parallel_loop3A_522 : vector<16xf32>
      %parallel_loop3A_524 = arith.mulf %parallel_loop3A_523, %parallel_loop3A_290 : vector<16xf32>
      %parallel_loop3A_525 = arith.constant 480 : i32
      %parallel_loop3A_526 = arith.addi %parallel_loop3A_42, %parallel_loop3A_525 : i32
      %parallel_loop3A_527 = arith.constant 16 : i32
      %parallel_loop3A_528 = arith.addi %parallel_loop3A_526, %parallel_loop3A_527 : i32
      %parallel_loop3A_529 = arith.index_cast %parallel_loop3A_528 : i32 to index
      %parallel_loop3A_530 = tpu.vector_load %arg17[%parallel_loop3A_529] {strides = array<i32>} : memref<2048xf32, #tpu.memory_space<vmem>>, vector<16xf32>,
      tpu.vector_store %arg17[%parallel_loop3A_529], %parallel_loop3A_524 {add = true, strides = array<i32>} : memref<2048xf32, #tpu.memory_space<vmem>>, vector<16xf32>,
    } {sc.loop_unroll_factor = 1 : i64, sc.parallel_access}
    %scan3A = arith.constant 1 : i32
    %scan3A_25 = arith.constant 31 : i32
    %scan3A_26 = arith.addi %scan3A, %scan3A_25 : i32
    %scan3A_27 = arith.constant 1 : i32
    scf.for %scan3A_36 = %scan3A to %scan3A_26 step %scan3A_27  : i32 {
      %add3A_37 = vector.broadcast %scan3A_36 : i32 to vector<16xi32>
      %add3A_38 = arith.addi %shift_left3A_18, %add3A_37 : vector<16xi32>
      %gather3A = tpu.vector_load_idx %arg11[%add3A_38] : memref<1024xf32, #tpu.memory_space<vmem>>[vector<16xi32>], vector<16xf32>,
      %gather3A_39 = tpu.vector_load_idx %arg12[%add3A_38] : memref<1024xf32, #tpu.memory_space<vmem>>[vector<16xi32>], vector<16xf32>,
      %gather3A_40 = tpu.vector_load_idx %arg13[%add3A_38] : memref<1024xf32, #tpu.memory_space<vmem>>[vector<16xi32>], vector<16xf32>,
      %gather3A_41 = tpu.vector_load_idx %arg8[%add3A_38] : memref<1024xf32, #tpu.memory_space<vmem>>[vector<16xi32>], vector<16xf32>,
      %gather3A_42 = tpu.vector_load_idx %arg9[%add3A_38] : memref<1024xf32, #tpu.memory_space<vmem>>[vector<16xi32>], vector<16xf32>,
      %gather3A_43 = tpu.vector_load_idx %arg10[%add3A_38] : memref<1024xf32, #tpu.memory_space<vmem>>[vector<16xi32>], vector<16xf32>,
      %add3A_44 = vector.broadcast %scan3A_36 : i32 to vector<16xi32>
      %add3A_45 = arith.addi %shift_left3A_21, %add3A_44 : vector<16xi32>
      %gather3A_46 = tpu.vector_load_idx %arg11[%add3A_45] : memref<1024xf32, #tpu.memory_space<vmem>>[vector<16xi32>], vector<16xf32>,
      %gather3A_47 = tpu.vector_load_idx %arg12[%add3A_45] : memref<1024xf32, #tpu.memory_space<vmem>>[vector<16xi32>], vector<16xf32>,
      %gather3A_48 = tpu.vector_load_idx %arg13[%add3A_45] : memref<1024xf32, #tpu.memory_space<vmem>>[vector<16xi32>], vector<16xf32>,
      %gather3A_49 = tpu.vector_load_idx %arg8[%add3A_45] : memref<1024xf32, #tpu.memory_space<vmem>>[vector<16xi32>], vector<16xf32>,
      %gather3A_50 = tpu.vector_load_idx %arg9[%add3A_45] : memref<1024xf32, #tpu.memory_space<vmem>>[vector<16xi32>], vector<16xf32>,
      %gather3A_51 = tpu.vector_load_idx %arg10[%add3A_45] : memref<1024xf32, #tpu.memory_space<vmem>>[vector<16xi32>], vector<16xf32>,
      %parallel_loop3A_52 = arith.constant 0 : i32
      %parallel_loop3A_53 = arith.constant 1 : i32
      scf.for %parallel_loop3A_54 = %parallel_loop3A_52 to %scan3A_36 step %parallel_loop3A_53  : i32 {
        %parallel_loop3A_55 = arith.constant 32 : i32
        %parallel_loop3A_56 = arith.muli %scan3A_36, %parallel_loop3A_55 : i32
        %parallel_loop3A_57 = arith.addi %parallel_loop3A_56, %parallel_loop3A_54 : i32
        %parallel_loop3A_58 = vector.broadcast %parallel_loop3A_57 : i32 to vector<16xi32>
        %parallel_loop3A_59 = tpu.vector_load_idx %arg15[%parallel_loop3A_58] : memref<1024xi32, #tpu.memory_space<vmem>>[vector<16xi32>], vector<16xi32>,
        %parallel_loop3A_60 = vector.extract_strided_slice %parallel_loop3A_59 {offsets = [0], sizes = [1], strides = [1]} : vector<16xi32> to vector<1xi32>
        %parallel_loop3A_61 = vector.extract %parallel_loop3A_60[0] : i32 from vector<1xi32>
        %parallel_loop3A_62 = vector.broadcast %parallel_loop3A_54 : i32 to vector<16xi32>
        %parallel_loop3A_63 = arith.addi %shift_left3A_18, %parallel_loop3A_62 : vector<16xi32>
        %parallel_loop3A_64 = tpu.vector_load_idx %arg11[%parallel_loop3A_63] : memref<1024xf32, #tpu.memory_space<vmem>>[vector<16xi32>], vector<16xf32>,
        %parallel_loop3A_65 = tpu.vector_load_idx %arg12[%parallel_loop3A_63] : memref<1024xf32, #tpu.memory_space<vmem>>[vector<16xi32>], vector<16xf32>,
        %parallel_loop3A_66 = tpu.vector_load_idx %arg13[%parallel_loop3A_63] : memref<1024xf32, #tpu.memory_space<vmem>>[vector<16xi32>], vector<16xf32>,
        %parallel_loop3A_67 = tpu.vector_load_idx %arg8[%parallel_loop3A_63] : memref<1024xf32, #tpu.memory_space<vmem>>[vector<16xi32>], vector<16xf32>,
        %parallel_loop3A_68 = tpu.vector_load_idx %arg9[%parallel_loop3A_63] : memref<1024xf32, #tpu.memory_space<vmem>>[vector<16xi32>], vector<16xf32>,
        %parallel_loop3A_69 = tpu.vector_load_idx %arg10[%parallel_loop3A_63] : memref<1024xf32, #tpu.memory_space<vmem>>[vector<16xi32>], vector<16xf32>,
        %parallel_loop3A_70 = arith.mulf %gather3A_40, %parallel_loop3A_66 : vector<16xf32>
        %parallel_loop3A_71 = arith.mulf %gather3A_41, %parallel_loop3A_67 : vector<16xf32>
        %parallel_loop3A_72 = arith.mulf %gather3A_42, %parallel_loop3A_68 : vector<16xf32>
        %parallel_loop3A_73 = arith.addf %parallel_loop3A_71, %parallel_loop3A_72 : vector<16xf32>
        %parallel_loop3A_74 = arith.mulf %gather3A_43, %parallel_loop3A_69 : vector<16xf32>
        %parallel_loop3A_75 = arith.addf %parallel_loop3A_73, %parallel_loop3A_74 : vector<16xf32>
        %parallel_loop3A_76 = arith.constant 0.949999988 : f32
        %parallel_loop3A_77 = vector.broadcast %parallel_loop3A_76 : f32 to vector<16xf32>
        %parallel_loop3A_78 = arith.mulf %parallel_loop3A_77, %parallel_loop3A_75 : vector<16xf32>
        %parallel_loop3A_79 = arith.mulf %gather3A_39, %parallel_loop3A_65 : vector<16xf32>
        %parallel_loop3A_80 = arith.mulf %parallel_loop3A_78, %parallel_loop3A_79 : vector<16xf32>
        %parallel_loop3A_81 = arith.mulf %parallel_loop3A_80, %parallel_loop3A_80 : vector<16xf32>
        %parallel_loop3A_82 = arith.constant 1.000000e+00 : f32
        %parallel_loop3A_83 = vector.broadcast %parallel_loop3A_82 : f32 to vector<16xf32>
        %parallel_loop3A_84 = arith.subf %parallel_loop3A_83, %parallel_loop3A_81 : vector<16xf32>
        %parallel_loop3A_85 = vector.bitcast %parallel_loop3A_84 : vector<16xf32> to vector<16xi32>
        %parallel_loop3A_86 = arith.constant 1 : i32
        %parallel_loop3A_87 = vector.broadcast %parallel_loop3A_86 : i32 to vector<16xi32>
        %parallel_loop3A_88 = arith.shrui %parallel_loop3A_85, %parallel_loop3A_87 : vector<16xi32>
        %parallel_loop3A_89 = arith.constant 1597463007 : i32
        %parallel_loop3A_90 = vector.broadcast %parallel_loop3A_89 : i32 to vector<16xi32>
        %parallel_loop3A_91 = arith.subi %parallel_loop3A_90, %parallel_loop3A_88 : vector<16xi32>
        %parallel_loop3A_92 = vector.bitcast %parallel_loop3A_91 : vector<16xi32> to vector<16xf32>
        %parallel_loop3A_93 = arith.constant 5.000000e-01 : f32
        %parallel_loop3A_94 = vector.broadcast %parallel_loop3A_93 : f32 to vector<16xf32>
        %parallel_loop3A_95 = arith.mulf %parallel_loop3A_94, %parallel_loop3A_84 : vector<16xf32>
        %parallel_loop3A_96 = arith.mulf %parallel_loop3A_95, %parallel_loop3A_92 : vector<16xf32>
        %parallel_loop3A_97 = arith.mulf %parallel_loop3A_96, %parallel_loop3A_92 : vector<16xf32>
        %parallel_loop3A_98 = arith.constant 1.500000e+00 : f32
        %parallel_loop3A_99 = vector.broadcast %parallel_loop3A_98 : f32 to vector<16xf32>
        %parallel_loop3A_100 = arith.subf %parallel_loop3A_99, %parallel_loop3A_97 : vector<16xf32>
        %parallel_loop3A_101 = arith.mulf %parallel_loop3A_92, %parallel_loop3A_100 : vector<16xf32>
        %parallel_loop3A_102 = arith.constant 5.000000e-01 : f32
        %parallel_loop3A_103 = vector.broadcast %parallel_loop3A_102 : f32 to vector<16xf32>
        %parallel_loop3A_104 = arith.mulf %parallel_loop3A_103, %parallel_loop3A_84 : vector<16xf32>
        %parallel_loop3A_105 = arith.mulf %parallel_loop3A_104, %parallel_loop3A_101 : vector<16xf32>
        %parallel_loop3A_106 = arith.mulf %parallel_loop3A_105, %parallel_loop3A_101 : vector<16xf32>
        %parallel_loop3A_107 = arith.constant 1.500000e+00 : f32
        %parallel_loop3A_108 = vector.broadcast %parallel_loop3A_107 : f32 to vector<16xf32>
        %parallel_loop3A_109 = arith.subf %parallel_loop3A_108, %parallel_loop3A_106 : vector<16xf32>
        %parallel_loop3A_110 = arith.mulf %parallel_loop3A_101, %parallel_loop3A_109 : vector<16xf32>
        %parallel_loop3A_111 = arith.constant 5.000000e-01 : f32
        %parallel_loop3A_112 = vector.broadcast %parallel_loop3A_111 : f32 to vector<16xf32>
        %parallel_loop3A_113 = arith.mulf %parallel_loop3A_112, %parallel_loop3A_84 : vector<16xf32>
        %parallel_loop3A_114 = arith.mulf %parallel_loop3A_113, %parallel_loop3A_110 : vector<16xf32>
        %parallel_loop3A_115 = arith.mulf %parallel_loop3A_114, %parallel_loop3A_110 : vector<16xf32>
        %parallel_loop3A_116 = arith.constant 1.500000e+00 : f32
        %parallel_loop3A_117 = vector.broadcast %parallel_loop3A_116 : f32 to vector<16xf32>
        %parallel_loop3A_118 = arith.subf %parallel_loop3A_117, %parallel_loop3A_115 : vector<16xf32>
        %parallel_loop3A_119 = arith.mulf %parallel_loop3A_110, %parallel_loop3A_118 : vector<16xf32>
        %parallel_loop3A_120 = arith.mulf %parallel_loop3A_84, %parallel_loop3A_119 : vector<16xf32>
        %parallel_loop3A_121 = arith.constant 5.000000e-01 : f32
        %parallel_loop3A_122 = vector.broadcast %parallel_loop3A_121 : f32 to vector<16xf32>
        %parallel_loop3A_123 = arith.mulf %parallel_loop3A_122, %parallel_loop3A_80 : vector<16xf32>
        %parallel_loop3A_124 = arith.constant 5.000000e-01 : f32
        %parallel_loop3A_125 = vector.broadcast %parallel_loop3A_124 : f32 to vector<16xf32>
        %parallel_loop3A_126 = arith.mulf %parallel_loop3A_125, %parallel_loop3A_120 : vector<16xf32>
        %parallel_loop3A_127 = arith.addf %gather3A, %parallel_loop3A_64 : vector<16xf32>
        %parallel_loop3A_128 = arith.constant 5.000000e-01 : f32
        %parallel_loop3A_129 = vector.broadcast %parallel_loop3A_128 : f32 to vector<16xf32>
        %parallel_loop3A_130 = arith.mulf %parallel_loop3A_129, %parallel_loop3A_127 : vector<16xf32>
        %parallel_loop3A_131 = arith.constant 0.899999976 : f32
        %parallel_loop3A_132 = vector.broadcast %parallel_loop3A_131 : f32 to vector<16xf32>
        %parallel_loop3A_133 = arith.subf %parallel_loop3A_130, %parallel_loop3A_132 : vector<16xf32>
        %parallel_loop3A_134 = arith.mulf %parallel_loop3A_133, %parallel_loop3A_133 : vector<16xf32>
        %parallel_loop3A_135 = arith.constant -8.000000e+00 : f32
        %parallel_loop3A_136 = vector.broadcast %parallel_loop3A_135 : f32 to vector<16xf32>
        %parallel_loop3A_137 = arith.mulf %parallel_loop3A_134, %parallel_loop3A_136 : vector<16xf32>
        %parallel_loop3A_138 = math.exp %parallel_loop3A_137 : vector<16xf32>
        %parallel_loop3A_139 = arith.mulf %parallel_loop3A_138, %parallel_loop3A_70 : vector<16xf32>
        %parallel_loop3A_140 = arith.constant 1.550000e+00 : f32
        %parallel_loop3A_141 = vector.broadcast %parallel_loop3A_140 : f32 to vector<16xf32>
        %parallel_loop3A_142 = arith.subf %parallel_loop3A_130, %parallel_loop3A_141 : vector<16xf32>
        %parallel_loop3A_143 = arith.mulf %parallel_loop3A_142, %parallel_loop3A_142 : vector<16xf32>
        %parallel_loop3A_144 = arith.constant -8.000000e+00 : f32
        %parallel_loop3A_145 = vector.broadcast %parallel_loop3A_144 : f32 to vector<16xf32>
        %parallel_loop3A_146 = arith.mulf %parallel_loop3A_143, %parallel_loop3A_145 : vector<16xf32>
        %parallel_loop3A_147 = math.exp %parallel_loop3A_146 : vector<16xf32>
        %parallel_loop3A_148 = arith.mulf %parallel_loop3A_147, %parallel_loop3A_70 : vector<16xf32>
        %parallel_loop3A_149 = arith.constant 2.200000e+00 : f32
        %parallel_loop3A_150 = vector.broadcast %parallel_loop3A_149 : f32 to vector<16xf32>
        %parallel_loop3A_151 = arith.subf %parallel_loop3A_130, %parallel_loop3A_150 : vector<16xf32>
        %parallel_loop3A_152 = arith.mulf %parallel_loop3A_151, %parallel_loop3A_151 : vector<16xf32>
        %parallel_loop3A_153 = arith.constant -8.000000e+00 : f32
        %parallel_loop3A_154 = vector.broadcast %parallel_loop3A_153 : f32 to vector<16xf32>
        %parallel_loop3A_155 = arith.mulf %parallel_loop3A_152, %parallel_loop3A_154 : vector<16xf32>
        %parallel_loop3A_156 = math.exp %parallel_loop3A_155 : vector<16xf32>
        %parallel_loop3A_157 = arith.mulf %parallel_loop3A_156, %parallel_loop3A_70 : vector<16xf32>
        %parallel_loop3A_158 = arith.constant 2.850000e+00 : f32
        %parallel_loop3A_159 = vector.broadcast %parallel_loop3A_158 : f32 to vector<16xf32>
        %parallel_loop3A_160 = arith.subf %parallel_loop3A_130, %parallel_loop3A_159 : vector<16xf32>
        %parallel_loop3A_161 = arith.mulf %parallel_loop3A_160, %parallel_loop3A_160 : vector<16xf32>
        %parallel_loop3A_162 = arith.constant -8.000000e+00 : f32
        %parallel_loop3A_163 = vector.broadcast %parallel_loop3A_162 : f32 to vector<16xf32>
        %parallel_loop3A_164 = arith.mulf %parallel_loop3A_161, %parallel_loop3A_163 : vector<16xf32>
        %parallel_loop3A_165 = math.exp %parallel_loop3A_164 : vector<16xf32>
        %parallel_loop3A_166 = arith.mulf %parallel_loop3A_165, %parallel_loop3A_70 : vector<16xf32>
        %parallel_loop3A_167 = arith.constant 0.98078531 : f32
        %parallel_loop3A_168 = vector.broadcast %parallel_loop3A_167 : f32 to vector<16xf32>
        %parallel_loop3A_169 = arith.mulf %parallel_loop3A_168, %parallel_loop3A_123 : vector<16xf32>
        %parallel_loop3A_170 = arith.constant 5.000000e-01 : f32
        %parallel_loop3A_171 = vector.broadcast %parallel_loop3A_170 : f32 to vector<16xf32>
        %parallel_loop3A_172 = arith.addf %parallel_loop3A_171, %parallel_loop3A_169 : vector<16xf32>
        %parallel_loop3A_173 = arith.constant 0.195090324 : f32
        %parallel_loop3A_174 = vector.broadcast %parallel_loop3A_173 : f32 to vector<16xf32>
        %parallel_loop3A_175 = arith.mulf %parallel_loop3A_174, %parallel_loop3A_126 : vector<16xf32>
        %parallel_loop3A_176 = arith.addf %parallel_loop3A_172, %parallel_loop3A_175 : vector<16xf32>
        %parallel_loop3A_177 = arith.mulf %parallel_loop3A_176, %parallel_loop3A_176 : vector<16xf32>
        %parallel_loop3A_178 = arith.mulf %parallel_loop3A_177, %parallel_loop3A_177 : vector<16xf32>
        %parallel_loop3A_179 = arith.mulf %parallel_loop3A_178, %parallel_loop3A_178 : vector<16xf32>
        %parallel_loop3A_180 = arith.mulf %parallel_loop3A_179, %parallel_loop3A_179 : vector<16xf32>
        %parallel_loop3A_181 = arith.mulf %parallel_loop3A_180, %parallel_loop3A_180 : vector<16xf32>
        %parallel_loop3A_182 = arith.constant 0.831469595 : f32
        %parallel_loop3A_183 = vector.broadcast %parallel_loop3A_182 : f32 to vector<16xf32>
        %parallel_loop3A_184 = arith.mulf %parallel_loop3A_183, %parallel_loop3A_123 : vector<16xf32>
        %parallel_loop3A_185 = arith.constant 5.000000e-01 : f32
        %parallel_loop3A_186 = vector.broadcast %parallel_loop3A_185 : f32 to vector<16xf32>
        %parallel_loop3A_187 = arith.addf %parallel_loop3A_186, %parallel_loop3A_184 : vector<16xf32>
        %parallel_loop3A_188 = arith.constant 0.555570245 : f32
        %parallel_loop3A_189 = vector.broadcast %parallel_loop3A_188 : f32 to vector<16xf32>
        %parallel_loop3A_190 = arith.mulf %parallel_loop3A_189, %parallel_loop3A_126 : vector<16xf32>
        %parallel_loop3A_191 = arith.addf %parallel_loop3A_187, %parallel_loop3A_190 : vector<16xf32>
        %parallel_loop3A_192 = arith.mulf %parallel_loop3A_191, %parallel_loop3A_191 : vector<16xf32>
        %parallel_loop3A_193 = arith.mulf %parallel_loop3A_192, %parallel_loop3A_192 : vector<16xf32>
        %parallel_loop3A_194 = arith.mulf %parallel_loop3A_193, %parallel_loop3A_193 : vector<16xf32>
        %parallel_loop3A_195 = arith.mulf %parallel_loop3A_194, %parallel_loop3A_194 : vector<16xf32>
        %parallel_loop3A_196 = arith.mulf %parallel_loop3A_195, %parallel_loop3A_195 : vector<16xf32>
        %parallel_loop3A_197 = arith.constant 0.555570245 : f32
        %parallel_loop3A_198 = vector.broadcast %parallel_loop3A_197 : f32 to vector<16xf32>
        %parallel_loop3A_199 = arith.mulf %parallel_loop3A_198, %parallel_loop3A_123 : vector<16xf32>
        %parallel_loop3A_200 = arith.constant 5.000000e-01 : f32
        %parallel_loop3A_201 = vector.broadcast %parallel_loop3A_200 : f32 to vector<16xf32>
        %parallel_loop3A_202 = arith.addf %parallel_loop3A_201, %parallel_loop3A_199 : vector<16xf32>
        %parallel_loop3A_203 = arith.constant 0.831469595 : f32
        %parallel_loop3A_204 = vector.broadcast %parallel_loop3A_203 : f32 to vector<16xf32>
        %parallel_loop3A_205 = arith.mulf %parallel_loop3A_204, %parallel_loop3A_126 : vector<16xf32>
        %parallel_loop3A_206 = arith.addf %parallel_loop3A_202, %parallel_loop3A_205 : vector<16xf32>
        %parallel_loop3A_207 = arith.mulf %parallel_loop3A_206, %parallel_loop3A_206 : vector<16xf32>
        %parallel_loop3A_208 = arith.mulf %parallel_loop3A_207, %parallel_loop3A_207 : vector<16xf32>
        %parallel_loop3A_209 = arith.mulf %parallel_loop3A_208, %parallel_loop3A_208 : vector<16xf32>
        %parallel_loop3A_210 = arith.mulf %parallel_loop3A_209, %parallel_loop3A_209 : vector<16xf32>
        %parallel_loop3A_211 = arith.mulf %parallel_loop3A_210, %parallel_loop3A_210 : vector<16xf32>
        %parallel_loop3A_212 = arith.constant 0.195090309 : f32
        %parallel_loop3A_213 = vector.broadcast %parallel_loop3A_212 : f32 to vector<16xf32>
        %parallel_loop3A_214 = arith.mulf %parallel_loop3A_213, %parallel_loop3A_123 : vector<16xf32>
        %parallel_loop3A_215 = arith.constant 5.000000e-01 : f32
        %parallel_loop3A_216 = vector.broadcast %parallel_loop3A_215 : f32 to vector<16xf32>
        %parallel_loop3A_217 = arith.addf %parallel_loop3A_216, %parallel_loop3A_214 : vector<16xf32>
        %parallel_loop3A_218 = arith.constant 0.98078531 : f32
        %parallel_loop3A_219 = vector.broadcast %parallel_loop3A_218 : f32 to vector<16xf32>
        %parallel_loop3A_220 = arith.mulf %parallel_loop3A_219, %parallel_loop3A_126 : vector<16xf32>
        %parallel_loop3A_221 = arith.addf %parallel_loop3A_217, %parallel_loop3A_220 : vector<16xf32>
        %parallel_loop3A_222 = arith.mulf %parallel_loop3A_221, %parallel_loop3A_221 : vector<16xf32>
        %parallel_loop3A_223 = arith.mulf %parallel_loop3A_222, %parallel_loop3A_222 : vector<16xf32>
        %parallel_loop3A_224 = arith.mulf %parallel_loop3A_223, %parallel_loop3A_223 : vector<16xf32>
        %parallel_loop3A_225 = arith.mulf %parallel_loop3A_224, %parallel_loop3A_224 : vector<16xf32>
        %parallel_loop3A_226 = arith.mulf %parallel_loop3A_225, %parallel_loop3A_225 : vector<16xf32>
        %parallel_loop3A_227 = arith.constant -0.195090353 : f32
        %parallel_loop3A_228 = vector.broadcast %parallel_loop3A_227 : f32 to vector<16xf32>
        %parallel_loop3A_229 = arith.mulf %parallel_loop3A_228, %parallel_loop3A_123 : vector<16xf32>
        %parallel_loop3A_230 = arith.constant 5.000000e-01 : f32
        %parallel_loop3A_231 = vector.broadcast %parallel_loop3A_230 : f32 to vector<16xf32>
        %parallel_loop3A_232 = arith.addf %parallel_loop3A_231, %parallel_loop3A_229 : vector<16xf32>
        %parallel_loop3A_233 = arith.constant 0.98078525 : f32
        %parallel_loop3A_234 = vector.broadcast %parallel_loop3A_233 : f32 to vector<16xf32>
        %parallel_loop3A_235 = arith.mulf %parallel_loop3A_234, %parallel_loop3A_126 : vector<16xf32>
        %parallel_loop3A_236 = arith.addf %parallel_loop3A_232, %parallel_loop3A_235 : vector<16xf32>
        %parallel_loop3A_237 = arith.mulf %parallel_loop3A_236, %parallel_loop3A_236 : vector<16xf32>
        %parallel_loop3A_238 = arith.mulf %parallel_loop3A_237, %parallel_loop3A_237 : vector<16xf32>
        %parallel_loop3A_239 = arith.mulf %parallel_loop3A_238, %parallel_loop3A_238 : vector<16xf32>
        %parallel_loop3A_240 = arith.mulf %parallel_loop3A_239, %parallel_loop3A_239 : vector<16xf32>
        %parallel_loop3A_241 = arith.mulf %parallel_loop3A_240, %parallel_loop3A_240 : vector<16xf32>
        %parallel_loop3A_242 = arith.constant -0.555570185 : f32
        %parallel_loop3A_243 = vector.broadcast %parallel_loop3A_242 : f32 to vector<16xf32>
        %parallel_loop3A_244 = arith.mulf %parallel_loop3A_243, %parallel_loop3A_123 : vector<16xf32>
        %parallel_loop3A_245 = arith.constant 5.000000e-01 : f32
        %parallel_loop3A_246 = vector.broadcast %parallel_loop3A_245 : f32 to vector<16xf32>
        %parallel_loop3A_247 = arith.addf %parallel_loop3A_246, %parallel_loop3A_244 : vector<16xf32>
        %parallel_loop3A_248 = arith.constant 0.831469655 : f32
        %parallel_loop3A_249 = vector.broadcast %parallel_loop3A_248 : f32 to vector<16xf32>
        %parallel_loop3A_250 = arith.mulf %parallel_loop3A_249, %parallel_loop3A_126 : vector<16xf32>
        %parallel_loop3A_251 = arith.addf %parallel_loop3A_247, %parallel_loop3A_250 : vector<16xf32>
        %parallel_loop3A_252 = arith.mulf %parallel_loop3A_251, %parallel_loop3A_251 : vector<16xf32>
        %parallel_loop3A_253 = arith.mulf %parallel_loop3A_252, %parallel_loop3A_252 : vector<16xf32>
        %parallel_loop3A_254 = arith.mulf %parallel_loop3A_253, %parallel_loop3A_253 : vector<16xf32>
        %parallel_loop3A_255 = arith.mulf %parallel_loop3A_254, %parallel_loop3A_254 : vector<16xf32>
        %parallel_loop3A_256 = arith.mulf %parallel_loop3A_255, %parallel_loop3A_255 : vector<16xf32>
        %parallel_loop3A_257 = arith.constant -0.831469595 : f32
        %parallel_loop3A_258 = vector.broadcast %parallel_loop3A_257 : f32 to vector<16xf32>
        %parallel_loop3A_259 = arith.mulf %parallel_loop3A_258, %parallel_loop3A_123 : vector<16xf32>
        %parallel_loop3A_260 = arith.constant 5.000000e-01 : f32
        %parallel_loop3A_261 = vector.broadcast %parallel_loop3A_260 : f32 to vector<16xf32>
        %parallel_loop3A_262 = arith.addf %parallel_loop3A_261, %parallel_loop3A_259 : vector<16xf32>
        %parallel_loop3A_263 = arith.constant 0.555570245 : f32
        %parallel_loop3A_264 = vector.broadcast %parallel_loop3A_263 : f32 to vector<16xf32>
        %parallel_loop3A_265 = arith.mulf %parallel_loop3A_264, %parallel_loop3A_126 : vector<16xf32>
        %parallel_loop3A_266 = arith.addf %parallel_loop3A_262, %parallel_loop3A_265 : vector<16xf32>
        %parallel_loop3A_267 = arith.mulf %parallel_loop3A_266, %parallel_loop3A_266 : vector<16xf32>
        %parallel_loop3A_268 = arith.mulf %parallel_loop3A_267, %parallel_loop3A_267 : vector<16xf32>
        %parallel_loop3A_269 = arith.mulf %parallel_loop3A_268, %parallel_loop3A_268 : vector<16xf32>
        %parallel_loop3A_270 = arith.mulf %parallel_loop3A_269, %parallel_loop3A_269 : vector<16xf32>
        %parallel_loop3A_271 = arith.mulf %parallel_loop3A_270, %parallel_loop3A_270 : vector<16xf32>
        %parallel_loop3A_272 = arith.constant -0.98078525 : f32
        %parallel_loop3A_273 = vector.broadcast %parallel_loop3A_272 : f32 to vector<16xf32>
        %parallel_loop3A_274 = arith.mulf %parallel_loop3A_273, %parallel_loop3A_123 : vector<16xf32>
        %parallel_loop3A_275 = arith.constant 5.000000e-01 : f32
        %parallel_loop3A_276 = vector.broadcast %parallel_loop3A_275 : f32 to vector<16xf32>
        %parallel_loop3A_277 = arith.addf %parallel_loop3A_276, %parallel_loop3A_274 : vector<16xf32>
        %parallel_loop3A_278 = arith.constant 0.195090339 : f32
        %parallel_loop3A_279 = vector.broadcast %parallel_loop3A_278 : f32 to vector<16xf32>
        %parallel_loop3A_280 = arith.mulf %parallel_loop3A_279, %parallel_loop3A_126 : vector<16xf32>
        %parallel_loop3A_281 = arith.addf %parallel_loop3A_277, %parallel_loop3A_280 : vector<16xf32>
        %parallel_loop3A_282 = arith.mulf %parallel_loop3A_281, %parallel_loop3A_281 : vector<16xf32>
        %parallel_loop3A_283 = arith.mulf %parallel_loop3A_282, %parallel_loop3A_282 : vector<16xf32>
        %parallel_loop3A_284 = arith.mulf %parallel_loop3A_283, %parallel_loop3A_283 : vector<16xf32>
        %parallel_loop3A_285 = arith.mulf %parallel_loop3A_284, %parallel_loop3A_284 : vector<16xf32>
        %parallel_loop3A_286 = arith.mulf %parallel_loop3A_285, %parallel_loop3A_285 : vector<16xf32>
        %parallel_loop3A_287 = arith.constant 0 : i32
        %parallel_loop3A_288 = arith.addi %parallel_loop3A_61, %parallel_loop3A_287 : i32
        %parallel_loop3A_289 = arith.constant 0 : i32
        %parallel_loop3A_290 = arith.addi %parallel_loop3A_288, %parallel_loop3A_289 : i32
        %parallel_loop3A_291 = arith.mulf %parallel_loop3A_139, %parallel_loop3A_181 : vector<16xf32>
        %parallel_loop3A_292 = arith.index_cast %parallel_loop3A_290 : i32 to index
        %parallel_loop3A_293 = tpu.vector_load %arg16[%parallel_loop3A_292] {strides = array<i32>} : memref<10240xf32, #tpu.memory_space<vmem>>, vector<16xf32>,
        tpu.vector_store %arg16[%parallel_loop3A_292], %parallel_loop3A_291 {add = true, strides = array<i32>} : memref<10240xf32, #tpu.memory_space<vmem>>, vector<16xf32>,
        %parallel_loop3A_294 = arith.constant 32 : i32
        %parallel_loop3A_295 = arith.addi %parallel_loop3A_61, %parallel_loop3A_294 : i32
        %parallel_loop3A_296 = arith.constant 0 : i32
        %parallel_loop3A_297 = arith.addi %parallel_loop3A_295, %parallel_loop3A_296 : i32
        %parallel_loop3A_298 = arith.mulf %parallel_loop3A_139, %parallel_loop3A_196 : vector<16xf32>
        %parallel_loop3A_299 = arith.index_cast %parallel_loop3A_297 : i32 to index
        %parallel_loop3A_300 = tpu.vector_load %arg16[%parallel_loop3A_299] {strides = array<i32>} : memref<10240xf32, #tpu.memory_space<vmem>>, vector<16xf32>,
        tpu.vector_store %arg16[%parallel_loop3A_299], %parallel_loop3A_298 {add = true, strides = array<i32>} : memref<10240xf32, #tpu.memory_space<vmem>>, vector<16xf32>,
        %parallel_loop3A_301 = arith.constant 64 : i32
        %parallel_loop3A_302 = arith.addi %parallel_loop3A_61, %parallel_loop3A_301 : i32
        %parallel_loop3A_303 = arith.constant 0 : i32
        %parallel_loop3A_304 = arith.addi %parallel_loop3A_302, %parallel_loop3A_303 : i32
        %parallel_loop3A_305 = arith.mulf %parallel_loop3A_139, %parallel_loop3A_211 : vector<16xf32>
        %parallel_loop3A_306 = arith.index_cast %parallel_loop3A_304 : i32 to index
        %parallel_loop3A_307 = tpu.vector_load %arg16[%parallel_loop3A_306] {strides = array<i32>} : memref<10240xf32, #tpu.memory_space<vmem>>, vector<16xf32>,
        tpu.vector_store %arg16[%parallel_loop3A_306], %parallel_loop3A_305 {add = true, strides = array<i32>} : memref<10240xf32, #tpu.memory_space<vmem>>, vector<16xf32>,
        %parallel_loop3A_308 = arith.constant 96 : i32
        %parallel_loop3A_309 = arith.addi %parallel_loop3A_61, %parallel_loop3A_308 : i32
        %parallel_loop3A_310 = arith.constant 0 : i32
        %parallel_loop3A_311 = arith.addi %parallel_loop3A_309, %parallel_loop3A_310 : i32
        %parallel_loop3A_312 = arith.mulf %parallel_loop3A_139, %parallel_loop3A_226 : vector<16xf32>
        %parallel_loop3A_313 = arith.index_cast %parallel_loop3A_311 : i32 to index
        %parallel_loop3A_314 = tpu.vector_load %arg16[%parallel_loop3A_313] {strides = array<i32>} : memref<10240xf32, #tpu.memory_space<vmem>>, vector<16xf32>,
        tpu.vector_store %arg16[%parallel_loop3A_313], %parallel_loop3A_312 {add = true, strides = array<i32>} : memref<10240xf32, #tpu.memory_space<vmem>>, vector<16xf32>,
        %parallel_loop3A_315 = arith.constant 128 : i32
        %parallel_loop3A_316 = arith.addi %parallel_loop3A_61, %parallel_loop3A_315 : i32
        %parallel_loop3A_317 = arith.constant 0 : i32
        %parallel_loop3A_318 = arith.addi %parallel_loop3A_316, %parallel_loop3A_317 : i32
        %parallel_loop3A_319 = arith.mulf %parallel_loop3A_139, %parallel_loop3A_241 : vector<16xf32>
        %parallel_loop3A_320 = arith.index_cast %parallel_loop3A_318 : i32 to index
        %parallel_loop3A_321 = tpu.vector_load %arg16[%parallel_loop3A_320] {strides = array<i32>} : memref<10240xf32, #tpu.memory_space<vmem>>, vector<16xf32>,
        tpu.vector_store %arg16[%parallel_loop3A_320], %parallel_loop3A_319 {add = true, strides = array<i32>} : memref<10240xf32, #tpu.memory_space<vmem>>, vector<16xf32>,
        %parallel_loop3A_322 = arith.constant 160 : i32
        %parallel_loop3A_323 = arith.addi %parallel_loop3A_61, %parallel_loop3A_322 : i32
        %parallel_loop3A_324 = arith.constant 0 : i32
        %parallel_loop3A_325 = arith.addi %parallel_loop3A_323, %parallel_loop3A_324 : i32
        %parallel_loop3A_326 = arith.mulf %parallel_loop3A_139, %parallel_loop3A_256 : vector<16xf32>
        %parallel_loop3A_327 = arith.index_cast %parallel_loop3A_325 : i32 to index
        %parallel_loop3A_328 = tpu.vector_load %arg16[%parallel_loop3A_327] {strides = array<i32>} : memref<10240xf32, #tpu.memory_space<vmem>>, vector<16xf32>,
        tpu.vector_store %arg16[%parallel_loop3A_327], %parallel_loop3A_326 {add = true, strides = array<i32>} : memref<10240xf32, #tpu.memory_space<vmem>>, vector<16xf32>,
        %parallel_loop3A_329 = arith.constant 192 : i32
        %parallel_loop3A_330 = arith.addi %parallel_loop3A_61, %parallel_loop3A_329 : i32
        %parallel_loop3A_331 = arith.constant 0 : i32
        %parallel_loop3A_332 = arith.addi %parallel_loop3A_330, %parallel_loop3A_331 : i32
        %parallel_loop3A_333 = arith.mulf %parallel_loop3A_139, %parallel_loop3A_271 : vector<16xf32>
        %parallel_loop3A_334 = arith.index_cast %parallel_loop3A_332 : i32 to index
        %parallel_loop3A_335 = tpu.vector_load %arg16[%parallel_loop3A_334] {strides = array<i32>} : memref<10240xf32, #tpu.memory_space<vmem>>, vector<16xf32>,
        tpu.vector_store %arg16[%parallel_loop3A_334], %parallel_loop3A_333 {add = true, strides = array<i32>} : memref<10240xf32, #tpu.memory_space<vmem>>, vector<16xf32>,
        %parallel_loop3A_336 = arith.constant 224 : i32
        %parallel_loop3A_337 = arith.addi %parallel_loop3A_61, %parallel_loop3A_336 : i32
        %parallel_loop3A_338 = arith.constant 0 : i32
        %parallel_loop3A_339 = arith.addi %parallel_loop3A_337, %parallel_loop3A_338 : i32
        %parallel_loop3A_340 = arith.mulf %parallel_loop3A_139, %parallel_loop3A_286 : vector<16xf32>
        %parallel_loop3A_341 = arith.index_cast %parallel_loop3A_339 : i32 to index
        %parallel_loop3A_342 = tpu.vector_load %arg16[%parallel_loop3A_341] {strides = array<i32>} : memref<10240xf32, #tpu.memory_space<vmem>>, vector<16xf32>,
        tpu.vector_store %arg16[%parallel_loop3A_341], %parallel_loop3A_340 {add = true, strides = array<i32>} : memref<10240xf32, #tpu.memory_space<vmem>>, vector<16xf32>,
        %parallel_loop3A_343 = arith.constant 256 : i32
        %parallel_loop3A_344 = arith.addi %parallel_loop3A_61, %parallel_loop3A_343 : i32
        %parallel_loop3A_345 = arith.constant 0 : i32
        %parallel_loop3A_346 = arith.addi %parallel_loop3A_344, %parallel_loop3A_345 : i32
        %parallel_loop3A_347 = arith.mulf %parallel_loop3A_148, %parallel_loop3A_181 : vector<16xf32>
        %parallel_loop3A_348 = arith.index_cast %parallel_loop3A_346 : i32 to index
        %parallel_loop3A_349 = tpu.vector_load %arg16[%parallel_loop3A_348] {strides = array<i32>} : memref<10240xf32, #tpu.memory_space<vmem>>, vector<16xf32>,
        tpu.vector_store %arg16[%parallel_loop3A_348], %parallel_loop3A_347 {add = true, strides = array<i32>} : memref<10240xf32, #tpu.memory_space<vmem>>, vector<16xf32>,
        %parallel_loop3A_350 = arith.constant 288 : i32
        %parallel_loop3A_351 = arith.addi %parallel_loop3A_61, %parallel_loop3A_350 : i32
        %parallel_loop3A_352 = arith.constant 0 : i32
        %parallel_loop3A_353 = arith.addi %parallel_loop3A_351, %parallel_loop3A_352 : i32
        %parallel_loop3A_354 = arith.mulf %parallel_loop3A_148, %parallel_loop3A_196 : vector<16xf32>
        %parallel_loop3A_355 = arith.index_cast %parallel_loop3A_353 : i32 to index
        %parallel_loop3A_356 = tpu.vector_load %arg16[%parallel_loop3A_355] {strides = array<i32>} : memref<10240xf32, #tpu.memory_space<vmem>>, vector<16xf32>,
        tpu.vector_store %arg16[%parallel_loop3A_355], %parallel_loop3A_354 {add = true, strides = array<i32>} : memref<10240xf32, #tpu.memory_space<vmem>>, vector<16xf32>,
        %parallel_loop3A_357 = arith.constant 320 : i32
        %parallel_loop3A_358 = arith.addi %parallel_loop3A_61, %parallel_loop3A_357 : i32
        %parallel_loop3A_359 = arith.constant 0 : i32
        %parallel_loop3A_360 = arith.addi %parallel_loop3A_358, %parallel_loop3A_359 : i32
        %parallel_loop3A_361 = arith.mulf %parallel_loop3A_148, %parallel_loop3A_211 : vector<16xf32>
        %parallel_loop3A_362 = arith.index_cast %parallel_loop3A_360 : i32 to index
        %parallel_loop3A_363 = tpu.vector_load %arg16[%parallel_loop3A_362] {strides = array<i32>} : memref<10240xf32, #tpu.memory_space<vmem>>, vector<16xf32>,
        tpu.vector_store %arg16[%parallel_loop3A_362], %parallel_loop3A_361 {add = true, strides = array<i32>} : memref<10240xf32, #tpu.memory_space<vmem>>, vector<16xf32>,
        %parallel_loop3A_364 = arith.constant 352 : i32
        %parallel_loop3A_365 = arith.addi %parallel_loop3A_61, %parallel_loop3A_364 : i32
        %parallel_loop3A_366 = arith.constant 0 : i32
        %parallel_loop3A_367 = arith.addi %parallel_loop3A_365, %parallel_loop3A_366 : i32
        %parallel_loop3A_368 = arith.mulf %parallel_loop3A_148, %parallel_loop3A_226 : vector<16xf32>
        %parallel_loop3A_369 = arith.index_cast %parallel_loop3A_367 : i32 to index
        %parallel_loop3A_370 = tpu.vector_load %arg16[%parallel_loop3A_369] {strides = array<i32>} : memref<10240xf32, #tpu.memory_space<vmem>>, vector<16xf32>,
        tpu.vector_store %arg16[%parallel_loop3A_369], %parallel_loop3A_368 {add = true, strides = array<i32>} : memref<10240xf32, #tpu.memory_space<vmem>>, vector<16xf32>,
        %parallel_loop3A_371 = arith.constant 384 : i32
        %parallel_loop3A_372 = arith.addi %parallel_loop3A_61, %parallel_loop3A_371 : i32
        %parallel_loop3A_373 = arith.constant 0 : i32
        %parallel_loop3A_374 = arith.addi %parallel_loop3A_372, %parallel_loop3A_373 : i32
        %parallel_loop3A_375 = arith.mulf %parallel_loop3A_148, %parallel_loop3A_241 : vector<16xf32>
        %parallel_loop3A_376 = arith.index_cast %parallel_loop3A_374 : i32 to index
        %parallel_loop3A_377 = tpu.vector_load %arg16[%parallel_loop3A_376] {strides = array<i32>} : memref<10240xf32, #tpu.memory_space<vmem>>, vector<16xf32>,
        tpu.vector_store %arg16[%parallel_loop3A_376], %parallel_loop3A_375 {add = true, strides = array<i32>} : memref<10240xf32, #tpu.memory_space<vmem>>, vector<16xf32>,
        %parallel_loop3A_378 = arith.constant 416 : i32
        %parallel_loop3A_379 = arith.addi %parallel_loop3A_61, %parallel_loop3A_378 : i32
        %parallel_loop3A_380 = arith.constant 0 : i32
        %parallel_loop3A_381 = arith.addi %parallel_loop3A_379, %parallel_loop3A_380 : i32
        %parallel_loop3A_382 = arith.mulf %parallel_loop3A_148, %parallel_loop3A_256 : vector<16xf32>
        %parallel_loop3A_383 = arith.index_cast %parallel_loop3A_381 : i32 to index
        %parallel_loop3A_384 = tpu.vector_load %arg16[%parallel_loop3A_383] {strides = array<i32>} : memref<10240xf32, #tpu.memory_space<vmem>>, vector<16xf32>,
        tpu.vector_store %arg16[%parallel_loop3A_383], %parallel_loop3A_382 {add = true, strides = array<i32>} : memref<10240xf32, #tpu.memory_space<vmem>>, vector<16xf32>,
        %parallel_loop3A_385 = arith.constant 448 : i32
        %parallel_loop3A_386 = arith.addi %parallel_loop3A_61, %parallel_loop3A_385 : i32
        %parallel_loop3A_387 = arith.constant 0 : i32
        %parallel_loop3A_388 = arith.addi %parallel_loop3A_386, %parallel_loop3A_387 : i32
        %parallel_loop3A_389 = arith.mulf %parallel_loop3A_148, %parallel_loop3A_271 : vector<16xf32>
        %parallel_loop3A_390 = arith.index_cast %parallel_loop3A_388 : i32 to index
        %parallel_loop3A_391 = tpu.vector_load %arg16[%parallel_loop3A_390] {strides = array<i32>} : memref<10240xf32, #tpu.memory_space<vmem>>, vector<16xf32>,
        tpu.vector_store %arg16[%parallel_loop3A_390], %parallel_loop3A_389 {add = true, strides = array<i32>} : memref<10240xf32, #tpu.memory_space<vmem>>, vector<16xf32>,
        %parallel_loop3A_392 = arith.constant 480 : i32
        %parallel_loop3A_393 = arith.addi %parallel_loop3A_61, %parallel_loop3A_392 : i32
        %parallel_loop3A_394 = arith.constant 0 : i32
        %parallel_loop3A_395 = arith.addi %parallel_loop3A_393, %parallel_loop3A_394 : i32
        %parallel_loop3A_396 = arith.mulf %parallel_loop3A_148, %parallel_loop3A_286 : vector<16xf32>
        %parallel_loop3A_397 = arith.index_cast %parallel_loop3A_395 : i32 to index
        %parallel_loop3A_398 = tpu.vector_load %arg16[%parallel_loop3A_397] {strides = array<i32>} : memref<10240xf32, #tpu.memory_space<vmem>>, vector<16xf32>,
        tpu.vector_store %arg16[%parallel_loop3A_397], %parallel_loop3A_396 {add = true, strides = array<i32>} : memref<10240xf32, #tpu.memory_space<vmem>>, vector<16xf32>,
        %parallel_loop3A_399 = arith.constant 512 : i32
        %parallel_loop3A_400 = arith.addi %parallel_loop3A_61, %parallel_loop3A_399 : i32
        %parallel_loop3A_401 = arith.constant 0 : i32
        %parallel_loop3A_402 = arith.addi %parallel_loop3A_400, %parallel_loop3A_401 : i32
        %parallel_loop3A_403 = arith.mulf %parallel_loop3A_157, %parallel_loop3A_181 : vector<16xf32>
        %parallel_loop3A_404 = arith.index_cast %parallel_loop3A_402 : i32 to index
        %parallel_loop3A_405 = tpu.vector_load %arg16[%parallel_loop3A_404] {strides = array<i32>} : memref<10240xf32, #tpu.memory_space<vmem>>, vector<16xf32>,
        tpu.vector_store %arg16[%parallel_loop3A_404], %parallel_loop3A_403 {add = true, strides = array<i32>} : memref<10240xf32, #tpu.memory_space<vmem>>, vector<16xf32>,
        %parallel_loop3A_406 = arith.constant 544 : i32
        %parallel_loop3A_407 = arith.addi %parallel_loop3A_61, %parallel_loop3A_406 : i32
        %parallel_loop3A_408 = arith.constant 0 : i32
        %parallel_loop3A_409 = arith.addi %parallel_loop3A_407, %parallel_loop3A_408 : i32
        %parallel_loop3A_410 = arith.mulf %parallel_loop3A_157, %parallel_loop3A_196 : vector<16xf32>
        %parallel_loop3A_411 = arith.index_cast %parallel_loop3A_409 : i32 to index
        %parallel_loop3A_412 = tpu.vector_load %arg16[%parallel_loop3A_411] {strides = array<i32>} : memref<10240xf32, #tpu.memory_space<vmem>>, vector<16xf32>,
        tpu.vector_store %arg16[%parallel_loop3A_411], %parallel_loop3A_410 {add = true, strides = array<i32>} : memref<10240xf32, #tpu.memory_space<vmem>>, vector<16xf32>,
        %parallel_loop3A_413 = arith.constant 576 : i32
        %parallel_loop3A_414 = arith.addi %parallel_loop3A_61, %parallel_loop3A_413 : i32
        %parallel_loop3A_415 = arith.constant 0 : i32
        %parallel_loop3A_416 = arith.addi %parallel_loop3A_414, %parallel_loop3A_415 : i32
        %parallel_loop3A_417 = arith.mulf %parallel_loop3A_157, %parallel_loop3A_211 : vector<16xf32>
        %parallel_loop3A_418 = arith.index_cast %parallel_loop3A_416 : i32 to index
        %parallel_loop3A_419 = tpu.vector_load %arg16[%parallel_loop3A_418] {strides = array<i32>} : memref<10240xf32, #tpu.memory_space<vmem>>, vector<16xf32>,
        tpu.vector_store %arg16[%parallel_loop3A_418], %parallel_loop3A_417 {add = true, strides = array<i32>} : memref<10240xf32, #tpu.memory_space<vmem>>, vector<16xf32>,
        %parallel_loop3A_420 = arith.constant 608 : i32
        %parallel_loop3A_421 = arith.addi %parallel_loop3A_61, %parallel_loop3A_420 : i32
        %parallel_loop3A_422 = arith.constant 0 : i32
        %parallel_loop3A_423 = arith.addi %parallel_loop3A_421, %parallel_loop3A_422 : i32
        %parallel_loop3A_424 = arith.mulf %parallel_loop3A_157, %parallel_loop3A_226 : vector<16xf32>
        %parallel_loop3A_425 = arith.index_cast %parallel_loop3A_423 : i32 to index
        %parallel_loop3A_426 = tpu.vector_load %arg16[%parallel_loop3A_425] {strides = array<i32>} : memref<10240xf32, #tpu.memory_space<vmem>>, vector<16xf32>,
        tpu.vector_store %arg16[%parallel_loop3A_425], %parallel_loop3A_424 {add = true, strides = array<i32>} : memref<10240xf32, #tpu.memory_space<vmem>>, vector<16xf32>,
        %parallel_loop3A_427 = arith.constant 640 : i32
        %parallel_loop3A_428 = arith.addi %parallel_loop3A_61, %parallel_loop3A_427 : i32
        %parallel_loop3A_429 = arith.constant 0 : i32
        %parallel_loop3A_430 = arith.addi %parallel_loop3A_428, %parallel_loop3A_429 : i32
        %parallel_loop3A_431 = arith.mulf %parallel_loop3A_157, %parallel_loop3A_241 : vector<16xf32>
        %parallel_loop3A_432 = arith.index_cast %parallel_loop3A_430 : i32 to index
        %parallel_loop3A_433 = tpu.vector_load %arg16[%parallel_loop3A_432] {strides = array<i32>} : memref<10240xf32, #tpu.memory_space<vmem>>, vector<16xf32>,
        tpu.vector_store %arg16[%parallel_loop3A_432], %parallel_loop3A_431 {add = true, strides = array<i32>} : memref<10240xf32, #tpu.memory_space<vmem>>, vector<16xf32>,
        %parallel_loop3A_434 = arith.constant 672 : i32
        %parallel_loop3A_435 = arith.addi %parallel_loop3A_61, %parallel_loop3A_434 : i32
        %parallel_loop3A_436 = arith.constant 0 : i32
        %parallel_loop3A_437 = arith.addi %parallel_loop3A_435, %parallel_loop3A_436 : i32
        %parallel_loop3A_438 = arith.mulf %parallel_loop3A_157, %parallel_loop3A_256 : vector<16xf32>
        %parallel_loop3A_439 = arith.index_cast %parallel_loop3A_437 : i32 to index
        %parallel_loop3A_440 = tpu.vector_load %arg16[%parallel_loop3A_439] {strides = array<i32>} : memref<10240xf32, #tpu.memory_space<vmem>>, vector<16xf32>,
        tpu.vector_store %arg16[%parallel_loop3A_439], %parallel_loop3A_438 {add = true, strides = array<i32>} : memref<10240xf32, #tpu.memory_space<vmem>>, vector<16xf32>,
        %parallel_loop3A_441 = arith.constant 704 : i32
        %parallel_loop3A_442 = arith.addi %parallel_loop3A_61, %parallel_loop3A_441 : i32
        %parallel_loop3A_443 = arith.constant 0 : i32
        %parallel_loop3A_444 = arith.addi %parallel_loop3A_442, %parallel_loop3A_443 : i32
        %parallel_loop3A_445 = arith.mulf %parallel_loop3A_157, %parallel_loop3A_271 : vector<16xf32>
        %parallel_loop3A_446 = arith.index_cast %parallel_loop3A_444 : i32 to index
        %parallel_loop3A_447 = tpu.vector_load %arg16[%parallel_loop3A_446] {strides = array<i32>} : memref<10240xf32, #tpu.memory_space<vmem>>, vector<16xf32>,
        tpu.vector_store %arg16[%parallel_loop3A_446], %parallel_loop3A_445 {add = true, strides = array<i32>} : memref<10240xf32, #tpu.memory_space<vmem>>, vector<16xf32>,
        %parallel_loop3A_448 = arith.constant 736 : i32
        %parallel_loop3A_449 = arith.addi %parallel_loop3A_61, %parallel_loop3A_448 : i32
        %parallel_loop3A_450 = arith.constant 0 : i32
        %parallel_loop3A_451 = arith.addi %parallel_loop3A_449, %parallel_loop3A_450 : i32
        %parallel_loop3A_452 = arith.mulf %parallel_loop3A_157, %parallel_loop3A_286 : vector<16xf32>
        %parallel_loop3A_453 = arith.index_cast %parallel_loop3A_451 : i32 to index
        %parallel_loop3A_454 = tpu.vector_load %arg16[%parallel_loop3A_453] {strides = array<i32>} : memref<10240xf32, #tpu.memory_space<vmem>>, vector<16xf32>,
        tpu.vector_store %arg16[%parallel_loop3A_453], %parallel_loop3A_452 {add = true, strides = array<i32>} : memref<10240xf32, #tpu.memory_space<vmem>>, vector<16xf32>,
        %parallel_loop3A_455 = arith.constant 768 : i32
        %parallel_loop3A_456 = arith.addi %parallel_loop3A_61, %parallel_loop3A_455 : i32
        %parallel_loop3A_457 = arith.constant 0 : i32
        %parallel_loop3A_458 = arith.addi %parallel_loop3A_456, %parallel_loop3A_457 : i32
        %parallel_loop3A_459 = arith.mulf %parallel_loop3A_166, %parallel_loop3A_181 : vector<16xf32>
        %parallel_loop3A_460 = arith.index_cast %parallel_loop3A_458 : i32 to index
        %parallel_loop3A_461 = tpu.vector_load %arg16[%parallel_loop3A_460] {strides = array<i32>} : memref<10240xf32, #tpu.memory_space<vmem>>, vector<16xf32>,
        tpu.vector_store %arg16[%parallel_loop3A_460], %parallel_loop3A_459 {add = true, strides = array<i32>} : memref<10240xf32, #tpu.memory_space<vmem>>, vector<16xf32>,
        %parallel_loop3A_462 = arith.constant 800 : i32
        %parallel_loop3A_463 = arith.addi %parallel_loop3A_61, %parallel_loop3A_462 : i32
        %parallel_loop3A_464 = arith.constant 0 : i32
        %parallel_loop3A_465 = arith.addi %parallel_loop3A_463, %parallel_loop3A_464 : i32
        %parallel_loop3A_466 = arith.mulf %parallel_loop3A_166, %parallel_loop3A_196 : vector<16xf32>
        %parallel_loop3A_467 = arith.index_cast %parallel_loop3A_465 : i32 to index
        %parallel_loop3A_468 = tpu.vector_load %arg16[%parallel_loop3A_467] {strides = array<i32>} : memref<10240xf32, #tpu.memory_space<vmem>>, vector<16xf32>,
        tpu.vector_store %arg16[%parallel_loop3A_467], %parallel_loop3A_466 {add = true, strides = array<i32>} : memref<10240xf32, #tpu.memory_space<vmem>>, vector<16xf32>,
        %parallel_loop3A_469 = arith.constant 832 : i32
        %parallel_loop3A_470 = arith.addi %parallel_loop3A_61, %parallel_loop3A_469 : i32
        %parallel_loop3A_471 = arith.constant 0 : i32
        %parallel_loop3A_472 = arith.addi %parallel_loop3A_470, %parallel_loop3A_471 : i32
        %parallel_loop3A_473 = arith.mulf %parallel_loop3A_166, %parallel_loop3A_211 : vector<16xf32>
        %parallel_loop3A_474 = arith.index_cast %parallel_loop3A_472 : i32 to index
        %parallel_loop3A_475 = tpu.vector_load %arg16[%parallel_loop3A_474] {strides = array<i32>} : memref<10240xf32, #tpu.memory_space<vmem>>, vector<16xf32>,
        tpu.vector_store %arg16[%parallel_loop3A_474], %parallel_loop3A_473 {add = true, strides = array<i32>} : memref<10240xf32, #tpu.memory_space<vmem>>, vector<16xf32>,
        %parallel_loop3A_476 = arith.constant 864 : i32
        %parallel_loop3A_477 = arith.addi %parallel_loop3A_61, %parallel_loop3A_476 : i32
        %parallel_loop3A_478 = arith.constant 0 : i32
        %parallel_loop3A_479 = arith.addi %parallel_loop3A_477, %parallel_loop3A_478 : i32
        %parallel_loop3A_480 = arith.mulf %parallel_loop3A_166, %parallel_loop3A_226 : vector<16xf32>
        %parallel_loop3A_481 = arith.index_cast %parallel_loop3A_479 : i32 to index
        %parallel_loop3A_482 = tpu.vector_load %arg16[%parallel_loop3A_481] {strides = array<i32>} : memref<10240xf32, #tpu.memory_space<vmem>>, vector<16xf32>,
        tpu.vector_store %arg16[%parallel_loop3A_481], %parallel_loop3A_480 {add = true, strides = array<i32>} : memref<10240xf32, #tpu.memory_space<vmem>>, vector<16xf32>,
        %parallel_loop3A_483 = arith.constant 896 : i32
        %parallel_loop3A_484 = arith.addi %parallel_loop3A_61, %parallel_loop3A_483 : i32
        %parallel_loop3A_485 = arith.constant 0 : i32
        %parallel_loop3A_486 = arith.addi %parallel_loop3A_484, %parallel_loop3A_485 : i32
        %parallel_loop3A_487 = arith.mulf %parallel_loop3A_166, %parallel_loop3A_241 : vector<16xf32>
        %parallel_loop3A_488 = arith.index_cast %parallel_loop3A_486 : i32 to index
        %parallel_loop3A_489 = tpu.vector_load %arg16[%parallel_loop3A_488] {strides = array<i32>} : memref<10240xf32, #tpu.memory_space<vmem>>, vector<16xf32>,
        tpu.vector_store %arg16[%parallel_loop3A_488], %parallel_loop3A_487 {add = true, strides = array<i32>} : memref<10240xf32, #tpu.memory_space<vmem>>, vector<16xf32>,
        %parallel_loop3A_490 = arith.constant 928 : i32
        %parallel_loop3A_491 = arith.addi %parallel_loop3A_61, %parallel_loop3A_490 : i32
        %parallel_loop3A_492 = arith.constant 0 : i32
        %parallel_loop3A_493 = arith.addi %parallel_loop3A_491, %parallel_loop3A_492 : i32
        %parallel_loop3A_494 = arith.mulf %parallel_loop3A_166, %parallel_loop3A_256 : vector<16xf32>
        %parallel_loop3A_495 = arith.index_cast %parallel_loop3A_493 : i32 to index
        %parallel_loop3A_496 = tpu.vector_load %arg16[%parallel_loop3A_495] {strides = array<i32>} : memref<10240xf32, #tpu.memory_space<vmem>>, vector<16xf32>,
        tpu.vector_store %arg16[%parallel_loop3A_495], %parallel_loop3A_494 {add = true, strides = array<i32>} : memref<10240xf32, #tpu.memory_space<vmem>>, vector<16xf32>,
        %parallel_loop3A_497 = arith.constant 960 : i32
        %parallel_loop3A_498 = arith.addi %parallel_loop3A_61, %parallel_loop3A_497 : i32
        %parallel_loop3A_499 = arith.constant 0 : i32
        %parallel_loop3A_500 = arith.addi %parallel_loop3A_498, %parallel_loop3A_499 : i32
        %parallel_loop3A_501 = arith.mulf %parallel_loop3A_166, %parallel_loop3A_271 : vector<16xf32>
        %parallel_loop3A_502 = arith.index_cast %parallel_loop3A_500 : i32 to index
        %parallel_loop3A_503 = tpu.vector_load %arg16[%parallel_loop3A_502] {strides = array<i32>} : memref<10240xf32, #tpu.memory_space<vmem>>, vector<16xf32>,
        tpu.vector_store %arg16[%parallel_loop3A_502], %parallel_loop3A_501 {add = true, strides = array<i32>} : memref<10240xf32, #tpu.memory_space<vmem>>, vector<16xf32>,
        %parallel_loop3A_504 = arith.constant 992 : i32
        %parallel_loop3A_505 = arith.addi %parallel_loop3A_61, %parallel_loop3A_504 : i32
        %parallel_loop3A_506 = arith.constant 0 : i32
        %parallel_loop3A_507 = arith.addi %parallel_loop3A_505, %parallel_loop3A_506 : i32
        %parallel_loop3A_508 = arith.mulf %parallel_loop3A_166, %parallel_loop3A_286 : vector<16xf32>
        %parallel_loop3A_509 = arith.index_cast %parallel_loop3A_507 : i32 to index
        %parallel_loop3A_510 = tpu.vector_load %arg16[%parallel_loop3A_509] {strides = array<i32>} : memref<10240xf32, #tpu.memory_space<vmem>>, vector<16xf32>,
        tpu.vector_store %arg16[%parallel_loop3A_509], %parallel_loop3A_508 {add = true, strides = array<i32>} : memref<10240xf32, #tpu.memory_space<vmem>>, vector<16xf32>,
        %parallel_loop3A_511 = vector.broadcast %parallel_loop3A_54 : i32 to vector<16xi32>
        %parallel_loop3A_512 = arith.addi %shift_left3A_21, %parallel_loop3A_511 : vector<16xi32>
        %parallel_loop3A_513 = tpu.vector_load_idx %arg11[%parallel_loop3A_512] : memref<1024xf32, #tpu.memory_space<vmem>>[vector<16xi32>], vector<16xf32>,
        %parallel_loop3A_514 = tpu.vector_load_idx %arg12[%parallel_loop3A_512] : memref<1024xf32, #tpu.memory_space<vmem>>[vector<16xi32>], vector<16xf32>,
        %parallel_loop3A_515 = tpu.vector_load_idx %arg13[%parallel_loop3A_512] : memref<1024xf32, #tpu.memory_space<vmem>>[vector<16xi32>], vector<16xf32>,
        %parallel_loop3A_516 = tpu.vector_load_idx %arg8[%parallel_loop3A_512] : memref<1024xf32, #tpu.memory_space<vmem>>[vector<16xi32>], vector<16xf32>,
        %parallel_loop3A_517 = tpu.vector_load_idx %arg9[%parallel_loop3A_512] : memref<1024xf32, #tpu.memory_space<vmem>>[vector<16xi32>], vector<16xf32>,
        %parallel_loop3A_518 = tpu.vector_load_idx %arg10[%parallel_loop3A_512] : memref<1024xf32, #tpu.memory_space<vmem>>[vector<16xi32>], vector<16xf32>,
        %parallel_loop3A_519 = arith.mulf %gather3A_48, %parallel_loop3A_515 : vector<16xf32>
        %parallel_loop3A_520 = arith.mulf %gather3A_49, %parallel_loop3A_516 : vector<16xf32>
        %parallel_loop3A_521 = arith.mulf %gather3A_50, %parallel_loop3A_517 : vector<16xf32>
        %parallel_loop3A_522 = arith.addf %parallel_loop3A_520, %parallel_loop3A_521 : vector<16xf32>
        %parallel_loop3A_523 = arith.mulf %gather3A_51, %parallel_loop3A_518 : vector<16xf32>
        %parallel_loop3A_524 = arith.addf %parallel_loop3A_522, %parallel_loop3A_523 : vector<16xf32>
        %parallel_loop3A_525 = arith.constant 0.949999988 : f32
        %parallel_loop3A_526 = vector.broadcast %parallel_loop3A_525 : f32 to vector<16xf32>
        %parallel_loop3A_527 = arith.mulf %parallel_loop3A_526, %parallel_loop3A_524 : vector<16xf32>
        %parallel_loop3A_528 = arith.mulf %gather3A_47, %parallel_loop3A_514 : vector<16xf32>
        %parallel_loop3A_529 = arith.mulf %parallel_loop3A_527, %parallel_loop3A_528 : vector<16xf32>
        %parallel_loop3A_530 = arith.mulf %parallel_loop3A_529, %parallel_loop3A_529 : vector<16xf32>
        %parallel_loop3A_531 = arith.constant 1.000000e+00 : f32
        %parallel_loop3A_532 = vector.broadcast %parallel_loop3A_531 : f32 to vector<16xf32>
        %parallel_loop3A_533 = arith.subf %parallel_loop3A_532, %parallel_loop3A_530 : vector<16xf32>
        %parallel_loop3A_534 = vector.bitcast %parallel_loop3A_533 : vector<16xf32> to vector<16xi32>
        %parallel_loop3A_535 = arith.constant 1 : i32
        %parallel_loop3A_536 = vector.broadcast %parallel_loop3A_535 : i32 to vector<16xi32>
        %parallel_loop3A_537 = arith.shrui %parallel_loop3A_534, %parallel_loop3A_536 : vector<16xi32>
        %parallel_loop3A_538 = arith.constant 1597463007 : i32
        %parallel_loop3A_539 = vector.broadcast %parallel_loop3A_538 : i32 to vector<16xi32>
        %parallel_loop3A_540 = arith.subi %parallel_loop3A_539, %parallel_loop3A_537 : vector<16xi32>
        %parallel_loop3A_541 = vector.bitcast %parallel_loop3A_540 : vector<16xi32> to vector<16xf32>
        %parallel_loop3A_542 = arith.constant 5.000000e-01 : f32
        %parallel_loop3A_543 = vector.broadcast %parallel_loop3A_542 : f32 to vector<16xf32>
        %parallel_loop3A_544 = arith.mulf %parallel_loop3A_543, %parallel_loop3A_533 : vector<16xf32>
        %parallel_loop3A_545 = arith.mulf %parallel_loop3A_544, %parallel_loop3A_541 : vector<16xf32>
        %parallel_loop3A_546 = arith.mulf %parallel_loop3A_545, %parallel_loop3A_541 : vector<16xf32>
        %parallel_loop3A_547 = arith.constant 1.500000e+00 : f32
        %parallel_loop3A_548 = vector.broadcast %parallel_loop3A_547 : f32 to vector<16xf32>
        %parallel_loop3A_549 = arith.subf %parallel_loop3A_548, %parallel_loop3A_546 : vector<16xf32>
        %parallel_loop3A_550 = arith.mulf %parallel_loop3A_541, %parallel_loop3A_549 : vector<16xf32>
        %parallel_loop3A_551 = arith.constant 5.000000e-01 : f32
        %parallel_loop3A_552 = vector.broadcast %parallel_loop3A_551 : f32 to vector<16xf32>
        %parallel_loop3A_553 = arith.mulf %parallel_loop3A_552, %parallel_loop3A_533 : vector<16xf32>
        %parallel_loop3A_554 = arith.mulf %parallel_loop3A_553, %parallel_loop3A_550 : vector<16xf32>
        %parallel_loop3A_555 = arith.mulf %parallel_loop3A_554, %parallel_loop3A_550 : vector<16xf32>
        %parallel_loop3A_556 = arith.constant 1.500000e+00 : f32
        %parallel_loop3A_557 = vector.broadcast %parallel_loop3A_556 : f32 to vector<16xf32>
        %parallel_loop3A_558 = arith.subf %parallel_loop3A_557, %parallel_loop3A_555 : vector<16xf32>
        %parallel_loop3A_559 = arith.mulf %parallel_loop3A_550, %parallel_loop3A_558 : vector<16xf32>
        %parallel_loop3A_560 = arith.constant 5.000000e-01 : f32
        %parallel_loop3A_561 = vector.broadcast %parallel_loop3A_560 : f32 to vector<16xf32>
        %parallel_loop3A_562 = arith.mulf %parallel_loop3A_561, %parallel_loop3A_533 : vector<16xf32>
        %parallel_loop3A_563 = arith.mulf %parallel_loop3A_562, %parallel_loop3A_559 : vector<16xf32>
        %parallel_loop3A_564 = arith.mulf %parallel_loop3A_563, %parallel_loop3A_559 : vector<16xf32>
        %parallel_loop3A_565 = arith.constant 1.500000e+00 : f32
        %parallel_loop3A_566 = vector.broadcast %parallel_loop3A_565 : f32 to vector<16xf32>
        %parallel_loop3A_567 = arith.subf %parallel_loop3A_566, %parallel_loop3A_564 : vector<16xf32>
        %parallel_loop3A_568 = arith.mulf %parallel_loop3A_559, %parallel_loop3A_567 : vector<16xf32>
        %parallel_loop3A_569 = arith.mulf %parallel_loop3A_533, %parallel_loop3A_568 : vector<16xf32>
        %parallel_loop3A_570 = arith.constant 5.000000e-01 : f32
        %parallel_loop3A_571 = vector.broadcast %parallel_loop3A_570 : f32 to vector<16xf32>
        %parallel_loop3A_572 = arith.mulf %parallel_loop3A_571, %parallel_loop3A_529 : vector<16xf32>
        %parallel_loop3A_573 = arith.constant 5.000000e-01 : f32
        %parallel_loop3A_574 = vector.broadcast %parallel_loop3A_573 : f32 to vector<16xf32>
        %parallel_loop3A_575 = arith.mulf %parallel_loop3A_574, %parallel_loop3A_569 : vector<16xf32>
        %parallel_loop3A_576 = arith.addf %gather3A_46, %parallel_loop3A_513 : vector<16xf32>
        %parallel_loop3A_577 = arith.constant 5.000000e-01 : f32
        %parallel_loop3A_578 = vector.broadcast %parallel_loop3A_577 : f32 to vector<16xf32>
        %parallel_loop3A_579 = arith.mulf %parallel_loop3A_578, %parallel_loop3A_576 : vector<16xf32>
        %parallel_loop3A_580 = arith.constant 0.899999976 : f32
        %parallel_loop3A_581 = vector.broadcast %parallel_loop3A_580 : f32 to vector<16xf32>
        %parallel_loop3A_582 = arith.subf %parallel_loop3A_579, %parallel_loop3A_581 : vector<16xf32>
        %parallel_loop3A_583 = arith.mulf %parallel_loop3A_582, %parallel_loop3A_582 : vector<16xf32>
        %parallel_loop3A_584 = arith.constant -8.000000e+00 : f32
        %parallel_loop3A_585 = vector.broadcast %parallel_loop3A_584 : f32 to vector<16xf32>
        %parallel_loop3A_586 = arith.mulf %parallel_loop3A_583, %parallel_loop3A_585 : vector<16xf32>
        %parallel_loop3A_587 = math.exp %parallel_loop3A_586 : vector<16xf32>
        %parallel_loop3A_588 = arith.mulf %parallel_loop3A_587, %parallel_loop3A_519 : vector<16xf32>
        %parallel_loop3A_589 = arith.constant 1.550000e+00 : f32
        %parallel_loop3A_590 = vector.broadcast %parallel_loop3A_589 : f32 to vector<16xf32>
        %parallel_loop3A_591 = arith.subf %parallel_loop3A_579, %parallel_loop3A_590 : vector<16xf32>
        %parallel_loop3A_592 = arith.mulf %parallel_loop3A_591, %parallel_loop3A_591 : vector<16xf32>
        %parallel_loop3A_593 = arith.constant -8.000000e+00 : f32
        %parallel_loop3A_594 = vector.broadcast %parallel_loop3A_593 : f32 to vector<16xf32>
        %parallel_loop3A_595 = arith.mulf %parallel_loop3A_592, %parallel_loop3A_594 : vector<16xf32>
        %parallel_loop3A_596 = math.exp %parallel_loop3A_595 : vector<16xf32>
        %parallel_loop3A_597 = arith.mulf %parallel_loop3A_596, %parallel_loop3A_519 : vector<16xf32>
        %parallel_loop3A_598 = arith.constant 2.200000e+00 : f32
        %parallel_loop3A_599 = vector.broadcast %parallel_loop3A_598 : f32 to vector<16xf32>
        %parallel_loop3A_600 = arith.subf %parallel_loop3A_579, %parallel_loop3A_599 : vector<16xf32>
        %parallel_loop3A_601 = arith.mulf %parallel_loop3A_600, %parallel_loop3A_600 : vector<16xf32>
        %parallel_loop3A_602 = arith.constant -8.000000e+00 : f32
        %parallel_loop3A_603 = vector.broadcast %parallel_loop3A_602 : f32 to vector<16xf32>
        %parallel_loop3A_604 = arith.mulf %parallel_loop3A_601, %parallel_loop3A_603 : vector<16xf32>
        %parallel_loop3A_605 = math.exp %parallel_loop3A_604 : vector<16xf32>
        %parallel_loop3A_606 = arith.mulf %parallel_loop3A_605, %parallel_loop3A_519 : vector<16xf32>
        %parallel_loop3A_607 = arith.constant 2.850000e+00 : f32
        %parallel_loop3A_608 = vector.broadcast %parallel_loop3A_607 : f32 to vector<16xf32>
        %parallel_loop3A_609 = arith.subf %parallel_loop3A_579, %parallel_loop3A_608 : vector<16xf32>
        %parallel_loop3A_610 = arith.mulf %parallel_loop3A_609, %parallel_loop3A_609 : vector<16xf32>
        %parallel_loop3A_611 = arith.constant -8.000000e+00 : f32
        %parallel_loop3A_612 = vector.broadcast %parallel_loop3A_611 : f32 to vector<16xf32>
        %parallel_loop3A_613 = arith.mulf %parallel_loop3A_610, %parallel_loop3A_612 : vector<16xf32>
        %parallel_loop3A_614 = math.exp %parallel_loop3A_613 : vector<16xf32>
        %parallel_loop3A_615 = arith.mulf %parallel_loop3A_614, %parallel_loop3A_519 : vector<16xf32>
        %parallel_loop3A_616 = arith.constant 0.98078531 : f32
        %parallel_loop3A_617 = vector.broadcast %parallel_loop3A_616 : f32 to vector<16xf32>
        %parallel_loop3A_618 = arith.mulf %parallel_loop3A_617, %parallel_loop3A_572 : vector<16xf32>
        %parallel_loop3A_619 = arith.constant 5.000000e-01 : f32
        %parallel_loop3A_620 = vector.broadcast %parallel_loop3A_619 : f32 to vector<16xf32>
        %parallel_loop3A_621 = arith.addf %parallel_loop3A_620, %parallel_loop3A_618 : vector<16xf32>
        %parallel_loop3A_622 = arith.constant 0.195090324 : f32
        %parallel_loop3A_623 = vector.broadcast %parallel_loop3A_622 : f32 to vector<16xf32>
        %parallel_loop3A_624 = arith.mulf %parallel_loop3A_623, %parallel_loop3A_575 : vector<16xf32>
        %parallel_loop3A_625 = arith.addf %parallel_loop3A_621, %parallel_loop3A_624 : vector<16xf32>
        %parallel_loop3A_626 = arith.mulf %parallel_loop3A_625, %parallel_loop3A_625 : vector<16xf32>
        %parallel_loop3A_627 = arith.mulf %parallel_loop3A_626, %parallel_loop3A_626 : vector<16xf32>
        %parallel_loop3A_628 = arith.mulf %parallel_loop3A_627, %parallel_loop3A_627 : vector<16xf32>
        %parallel_loop3A_629 = arith.mulf %parallel_loop3A_628, %parallel_loop3A_628 : vector<16xf32>
        %parallel_loop3A_630 = arith.mulf %parallel_loop3A_629, %parallel_loop3A_629 : vector<16xf32>
        %parallel_loop3A_631 = arith.constant 0.831469595 : f32
        %parallel_loop3A_632 = vector.broadcast %parallel_loop3A_631 : f32 to vector<16xf32>
        %parallel_loop3A_633 = arith.mulf %parallel_loop3A_632, %parallel_loop3A_572 : vector<16xf32>
        %parallel_loop3A_634 = arith.constant 5.000000e-01 : f32
        %parallel_loop3A_635 = vector.broadcast %parallel_loop3A_634 : f32 to vector<16xf32>
        %parallel_loop3A_636 = arith.addf %parallel_loop3A_635, %parallel_loop3A_633 : vector<16xf32>
        %parallel_loop3A_637 = arith.constant 0.555570245 : f32
        %parallel_loop3A_638 = vector.broadcast %parallel_loop3A_637 : f32 to vector<16xf32>
        %parallel_loop3A_639 = arith.mulf %parallel_loop3A_638, %parallel_loop3A_575 : vector<16xf32>
        %parallel_loop3A_640 = arith.addf %parallel_loop3A_636, %parallel_loop3A_639 : vector<16xf32>
        %parallel_loop3A_641 = arith.mulf %parallel_loop3A_640, %parallel_loop3A_640 : vector<16xf32>
        %parallel_loop3A_642 = arith.mulf %parallel_loop3A_641, %parallel_loop3A_641 : vector<16xf32>
        %parallel_loop3A_643 = arith.mulf %parallel_loop3A_642, %parallel_loop3A_642 : vector<16xf32>
        %parallel_loop3A_644 = arith.mulf %parallel_loop3A_643, %parallel_loop3A_643 : vector<16xf32>
        %parallel_loop3A_645 = arith.mulf %parallel_loop3A_644, %parallel_loop3A_644 : vector<16xf32>
        %parallel_loop3A_646 = arith.constant 0.555570245 : f32
        %parallel_loop3A_647 = vector.broadcast %parallel_loop3A_646 : f32 to vector<16xf32>
        %parallel_loop3A_648 = arith.mulf %parallel_loop3A_647, %parallel_loop3A_572 : vector<16xf32>
        %parallel_loop3A_649 = arith.constant 5.000000e-01 : f32
        %parallel_loop3A_650 = vector.broadcast %parallel_loop3A_649 : f32 to vector<16xf32>
        %parallel_loop3A_651 = arith.addf %parallel_loop3A_650, %parallel_loop3A_648 : vector<16xf32>
        %parallel_loop3A_652 = arith.constant 0.831469595 : f32
        %parallel_loop3A_653 = vector.broadcast %parallel_loop3A_652 : f32 to vector<16xf32>
        %parallel_loop3A_654 = arith.mulf %parallel_loop3A_653, %parallel_loop3A_575 : vector<16xf32>
        %parallel_loop3A_655 = arith.addf %parallel_loop3A_651, %parallel_loop3A_654 : vector<16xf32>
        %parallel_loop3A_656 = arith.mulf %parallel_loop3A_655, %parallel_loop3A_655 : vector<16xf32>
        %parallel_loop3A_657 = arith.mulf %parallel_loop3A_656, %parallel_loop3A_656 : vector<16xf32>
        %parallel_loop3A_658 = arith.mulf %parallel_loop3A_657, %parallel_loop3A_657 : vector<16xf32>
        %parallel_loop3A_659 = arith.mulf %parallel_loop3A_658, %parallel_loop3A_658 : vector<16xf32>
        %parallel_loop3A_660 = arith.mulf %parallel_loop3A_659, %parallel_loop3A_659 : vector<16xf32>
        %parallel_loop3A_661 = arith.constant 0.195090309 : f32
        %parallel_loop3A_662 = vector.broadcast %parallel_loop3A_661 : f32 to vector<16xf32>
        %parallel_loop3A_663 = arith.mulf %parallel_loop3A_662, %parallel_loop3A_572 : vector<16xf32>
        %parallel_loop3A_664 = arith.constant 5.000000e-01 : f32
        %parallel_loop3A_665 = vector.broadcast %parallel_loop3A_664 : f32 to vector<16xf32>
        %parallel_loop3A_666 = arith.addf %parallel_loop3A_665, %parallel_loop3A_663 : vector<16xf32>
        %parallel_loop3A_667 = arith.constant 0.98078531 : f32
        %parallel_loop3A_668 = vector.broadcast %parallel_loop3A_667 : f32 to vector<16xf32>
        %parallel_loop3A_669 = arith.mulf %parallel_loop3A_668, %parallel_loop3A_575 : vector<16xf32>
        %parallel_loop3A_670 = arith.addf %parallel_loop3A_666, %parallel_loop3A_669 : vector<16xf32>
        %parallel_loop3A_671 = arith.mulf %parallel_loop3A_670, %parallel_loop3A_670 : vector<16xf32>
        %parallel_loop3A_672 = arith.mulf %parallel_loop3A_671, %parallel_loop3A_671 : vector<16xf32>
        %parallel_loop3A_673 = arith.mulf %parallel_loop3A_672, %parallel_loop3A_672 : vector<16xf32>
        %parallel_loop3A_674 = arith.mulf %parallel_loop3A_673, %parallel_loop3A_673 : vector<16xf32>
        %parallel_loop3A_675 = arith.mulf %parallel_loop3A_674, %parallel_loop3A_674 : vector<16xf32>
        %parallel_loop3A_676 = arith.constant -0.195090353 : f32
        %parallel_loop3A_677 = vector.broadcast %parallel_loop3A_676 : f32 to vector<16xf32>
        %parallel_loop3A_678 = arith.mulf %parallel_loop3A_677, %parallel_loop3A_572 : vector<16xf32>
        %parallel_loop3A_679 = arith.constant 5.000000e-01 : f32
        %parallel_loop3A_680 = vector.broadcast %parallel_loop3A_679 : f32 to vector<16xf32>
        %parallel_loop3A_681 = arith.addf %parallel_loop3A_680, %parallel_loop3A_678 : vector<16xf32>
        %parallel_loop3A_682 = arith.constant 0.98078525 : f32
        %parallel_loop3A_683 = vector.broadcast %parallel_loop3A_682 : f32 to vector<16xf32>
        %parallel_loop3A_684 = arith.mulf %parallel_loop3A_683, %parallel_loop3A_575 : vector<16xf32>
        %parallel_loop3A_685 = arith.addf %parallel_loop3A_681, %parallel_loop3A_684 : vector<16xf32>
        %parallel_loop3A_686 = arith.mulf %parallel_loop3A_685, %parallel_loop3A_685 : vector<16xf32>
        %parallel_loop3A_687 = arith.mulf %parallel_loop3A_686, %parallel_loop3A_686 : vector<16xf32>
        %parallel_loop3A_688 = arith.mulf %parallel_loop3A_687, %parallel_loop3A_687 : vector<16xf32>
        %parallel_loop3A_689 = arith.mulf %parallel_loop3A_688, %parallel_loop3A_688 : vector<16xf32>
        %parallel_loop3A_690 = arith.mulf %parallel_loop3A_689, %parallel_loop3A_689 : vector<16xf32>
        %parallel_loop3A_691 = arith.constant -0.555570185 : f32
        %parallel_loop3A_692 = vector.broadcast %parallel_loop3A_691 : f32 to vector<16xf32>
        %parallel_loop3A_693 = arith.mulf %parallel_loop3A_692, %parallel_loop3A_572 : vector<16xf32>
        %parallel_loop3A_694 = arith.constant 5.000000e-01 : f32
        %parallel_loop3A_695 = vector.broadcast %parallel_loop3A_694 : f32 to vector<16xf32>
        %parallel_loop3A_696 = arith.addf %parallel_loop3A_695, %parallel_loop3A_693 : vector<16xf32>
        %parallel_loop3A_697 = arith.constant 0.831469655 : f32
        %parallel_loop3A_698 = vector.broadcast %parallel_loop3A_697 : f32 to vector<16xf32>
        %parallel_loop3A_699 = arith.mulf %parallel_loop3A_698, %parallel_loop3A_575 : vector<16xf32>
        %parallel_loop3A_700 = arith.addf %parallel_loop3A_696, %parallel_loop3A_699 : vector<16xf32>
        %parallel_loop3A_701 = arith.mulf %parallel_loop3A_700, %parallel_loop3A_700 : vector<16xf32>
        %parallel_loop3A_702 = arith.mulf %parallel_loop3A_701, %parallel_loop3A_701 : vector<16xf32>
        %parallel_loop3A_703 = arith.mulf %parallel_loop3A_702, %parallel_loop3A_702 : vector<16xf32>
        %parallel_loop3A_704 = arith.mulf %parallel_loop3A_703, %parallel_loop3A_703 : vector<16xf32>
        %parallel_loop3A_705 = arith.mulf %parallel_loop3A_704, %parallel_loop3A_704 : vector<16xf32>
        %parallel_loop3A_706 = arith.constant -0.831469595 : f32
        %parallel_loop3A_707 = vector.broadcast %parallel_loop3A_706 : f32 to vector<16xf32>
        %parallel_loop3A_708 = arith.mulf %parallel_loop3A_707, %parallel_loop3A_572 : vector<16xf32>
        %parallel_loop3A_709 = arith.constant 5.000000e-01 : f32
        %parallel_loop3A_710 = vector.broadcast %parallel_loop3A_709 : f32 to vector<16xf32>
        %parallel_loop3A_711 = arith.addf %parallel_loop3A_710, %parallel_loop3A_708 : vector<16xf32>
        %parallel_loop3A_712 = arith.constant 0.555570245 : f32
        %parallel_loop3A_713 = vector.broadcast %parallel_loop3A_712 : f32 to vector<16xf32>
        %parallel_loop3A_714 = arith.mulf %parallel_loop3A_713, %parallel_loop3A_575 : vector<16xf32>
        %parallel_loop3A_715 = arith.addf %parallel_loop3A_711, %parallel_loop3A_714 : vector<16xf32>
        %parallel_loop3A_716 = arith.mulf %parallel_loop3A_715, %parallel_loop3A_715 : vector<16xf32>
        %parallel_loop3A_717 = arith.mulf %parallel_loop3A_716, %parallel_loop3A_716 : vector<16xf32>
        %parallel_loop3A_718 = arith.mulf %parallel_loop3A_717, %parallel_loop3A_717 : vector<16xf32>
        %parallel_loop3A_719 = arith.mulf %parallel_loop3A_718, %parallel_loop3A_718 : vector<16xf32>
        %parallel_loop3A_720 = arith.mulf %parallel_loop3A_719, %parallel_loop3A_719 : vector<16xf32>
        %parallel_loop3A_721 = arith.constant -0.98078525 : f32
        %parallel_loop3A_722 = vector.broadcast %parallel_loop3A_721 : f32 to vector<16xf32>
        %parallel_loop3A_723 = arith.mulf %parallel_loop3A_722, %parallel_loop3A_572 : vector<16xf32>
        %parallel_loop3A_724 = arith.constant 5.000000e-01 : f32
        %parallel_loop3A_725 = vector.broadcast %parallel_loop3A_724 : f32 to vector<16xf32>
        %parallel_loop3A_726 = arith.addf %parallel_loop3A_725, %parallel_loop3A_723 : vector<16xf32>
        %parallel_loop3A_727 = arith.constant 0.195090339 : f32
        %parallel_loop3A_728 = vector.broadcast %parallel_loop3A_727 : f32 to vector<16xf32>
        %parallel_loop3A_729 = arith.mulf %parallel_loop3A_728, %parallel_loop3A_575 : vector<16xf32>
        %parallel_loop3A_730 = arith.addf %parallel_loop3A_726, %parallel_loop3A_729 : vector<16xf32>
        %parallel_loop3A_731 = arith.mulf %parallel_loop3A_730, %parallel_loop3A_730 : vector<16xf32>
        %parallel_loop3A_732 = arith.mulf %parallel_loop3A_731, %parallel_loop3A_731 : vector<16xf32>
        %parallel_loop3A_733 = arith.mulf %parallel_loop3A_732, %parallel_loop3A_732 : vector<16xf32>
        %parallel_loop3A_734 = arith.mulf %parallel_loop3A_733, %parallel_loop3A_733 : vector<16xf32>
        %parallel_loop3A_735 = arith.mulf %parallel_loop3A_734, %parallel_loop3A_734 : vector<16xf32>
        %parallel_loop3A_736 = arith.constant 0 : i32
        %parallel_loop3A_737 = arith.addi %parallel_loop3A_61, %parallel_loop3A_736 : i32
        %parallel_loop3A_738 = arith.constant 16 : i32
        %parallel_loop3A_739 = arith.addi %parallel_loop3A_737, %parallel_loop3A_738 : i32
        %parallel_loop3A_740 = arith.mulf %parallel_loop3A_588, %parallel_loop3A_630 : vector<16xf32>
        %parallel_loop3A_741 = arith.index_cast %parallel_loop3A_739 : i32 to index
        %parallel_loop3A_742 = tpu.vector_load %arg16[%parallel_loop3A_741] {strides = array<i32>} : memref<10240xf32, #tpu.memory_space<vmem>>, vector<16xf32>,
        tpu.vector_store %arg16[%parallel_loop3A_741], %parallel_loop3A_740 {add = true, strides = array<i32>} : memref<10240xf32, #tpu.memory_space<vmem>>, vector<16xf32>,
        %parallel_loop3A_743 = arith.constant 32 : i32
        %parallel_loop3A_744 = arith.addi %parallel_loop3A_61, %parallel_loop3A_743 : i32
        %parallel_loop3A_745 = arith.constant 16 : i32
        %parallel_loop3A_746 = arith.addi %parallel_loop3A_744, %parallel_loop3A_745 : i32
        %parallel_loop3A_747 = arith.mulf %parallel_loop3A_588, %parallel_loop3A_645 : vector<16xf32>
        %parallel_loop3A_748 = arith.index_cast %parallel_loop3A_746 : i32 to index
        %parallel_loop3A_749 = tpu.vector_load %arg16[%parallel_loop3A_748] {strides = array<i32>} : memref<10240xf32, #tpu.memory_space<vmem>>, vector<16xf32>,
        tpu.vector_store %arg16[%parallel_loop3A_748], %parallel_loop3A_747 {add = true, strides = array<i32>} : memref<10240xf32, #tpu.memory_space<vmem>>, vector<16xf32>,
        %parallel_loop3A_750 = arith.constant 64 : i32
        %parallel_loop3A_751 = arith.addi %parallel_loop3A_61, %parallel_loop3A_750 : i32
        %parallel_loop3A_752 = arith.constant 16 : i32
        %parallel_loop3A_753 = arith.addi %parallel_loop3A_751, %parallel_loop3A_752 : i32
        %parallel_loop3A_754 = arith.mulf %parallel_loop3A_588, %parallel_loop3A_660 : vector<16xf32>
        %parallel_loop3A_755 = arith.index_cast %parallel_loop3A_753 : i32 to index
        %parallel_loop3A_756 = tpu.vector_load %arg16[%parallel_loop3A_755] {strides = array<i32>} : memref<10240xf32, #tpu.memory_space<vmem>>, vector<16xf32>,
        tpu.vector_store %arg16[%parallel_loop3A_755], %parallel_loop3A_754 {add = true, strides = array<i32>} : memref<10240xf32, #tpu.memory_space<vmem>>, vector<16xf32>,
        %parallel_loop3A_757 = arith.constant 96 : i32
        %parallel_loop3A_758 = arith.addi %parallel_loop3A_61, %parallel_loop3A_757 : i32
        %parallel_loop3A_759 = arith.constant 16 : i32
        %parallel_loop3A_760 = arith.addi %parallel_loop3A_758, %parallel_loop3A_759 : i32
        %parallel_loop3A_761 = arith.mulf %parallel_loop3A_588, %parallel_loop3A_675 : vector<16xf32>
        %parallel_loop3A_762 = arith.index_cast %parallel_loop3A_760 : i32 to index
        %parallel_loop3A_763 = tpu.vector_load %arg16[%parallel_loop3A_762] {strides = array<i32>} : memref<10240xf32, #tpu.memory_space<vmem>>, vector<16xf32>,
        tpu.vector_store %arg16[%parallel_loop3A_762], %parallel_loop3A_761 {add = true, strides = array<i32>} : memref<10240xf32, #tpu.memory_space<vmem>>, vector<16xf32>,
        %parallel_loop3A_764 = arith.constant 128 : i32
        %parallel_loop3A_765 = arith.addi %parallel_loop3A_61, %parallel_loop3A_764 : i32
        %parallel_loop3A_766 = arith.constant 16 : i32
        %parallel_loop3A_767 = arith.addi %parallel_loop3A_765, %parallel_loop3A_766 : i32
        %parallel_loop3A_768 = arith.mulf %parallel_loop3A_588, %parallel_loop3A_690 : vector<16xf32>
        %parallel_loop3A_769 = arith.index_cast %parallel_loop3A_767 : i32 to index
        %parallel_loop3A_770 = tpu.vector_load %arg16[%parallel_loop3A_769] {strides = array<i32>} : memref<10240xf32, #tpu.memory_space<vmem>>, vector<16xf32>,
        tpu.vector_store %arg16[%parallel_loop3A_769], %parallel_loop3A_768 {add = true, strides = array<i32>} : memref<10240xf32, #tpu.memory_space<vmem>>, vector<16xf32>,
        %parallel_loop3A_771 = arith.constant 160 : i32
        %parallel_loop3A_772 = arith.addi %parallel_loop3A_61, %parallel_loop3A_771 : i32
        %parallel_loop3A_773 = arith.constant 16 : i32
        %parallel_loop3A_774 = arith.addi %parallel_loop3A_772, %parallel_loop3A_773 : i32
        %parallel_loop3A_775 = arith.mulf %parallel_loop3A_588, %parallel_loop3A_705 : vector<16xf32>
        %parallel_loop3A_776 = arith.index_cast %parallel_loop3A_774 : i32 to index
        %parallel_loop3A_777 = tpu.vector_load %arg16[%parallel_loop3A_776] {strides = array<i32>} : memref<10240xf32, #tpu.memory_space<vmem>>, vector<16xf32>,
        tpu.vector_store %arg16[%parallel_loop3A_776], %parallel_loop3A_775 {add = true, strides = array<i32>} : memref<10240xf32, #tpu.memory_space<vmem>>, vector<16xf32>,
        %parallel_loop3A_778 = arith.constant 192 : i32
        %parallel_loop3A_779 = arith.addi %parallel_loop3A_61, %parallel_loop3A_778 : i32
        %parallel_loop3A_780 = arith.constant 16 : i32
        %parallel_loop3A_781 = arith.addi %parallel_loop3A_779, %parallel_loop3A_780 : i32
        %parallel_loop3A_782 = arith.mulf %parallel_loop3A_588, %parallel_loop3A_720 : vector<16xf32>
        %parallel_loop3A_783 = arith.index_cast %parallel_loop3A_781 : i32 to index
        %parallel_loop3A_784 = tpu.vector_load %arg16[%parallel_loop3A_783] {strides = array<i32>} : memref<10240xf32, #tpu.memory_space<vmem>>, vector<16xf32>,
        tpu.vector_store %arg16[%parallel_loop3A_783], %parallel_loop3A_782 {add = true, strides = array<i32>} : memref<10240xf32, #tpu.memory_space<vmem>>, vector<16xf32>,
        %parallel_loop3A_785 = arith.constant 224 : i32
        %parallel_loop3A_786 = arith.addi %parallel_loop3A_61, %parallel_loop3A_785 : i32
        %parallel_loop3A_787 = arith.constant 16 : i32
        %parallel_loop3A_788 = arith.addi %parallel_loop3A_786, %parallel_loop3A_787 : i32
        %parallel_loop3A_789 = arith.mulf %parallel_loop3A_588, %parallel_loop3A_735 : vector<16xf32>
        %parallel_loop3A_790 = arith.index_cast %parallel_loop3A_788 : i32 to index
        %parallel_loop3A_791 = tpu.vector_load %arg16[%parallel_loop3A_790] {strides = array<i32>} : memref<10240xf32, #tpu.memory_space<vmem>>, vector<16xf32>,
        tpu.vector_store %arg16[%parallel_loop3A_790], %parallel_loop3A_789 {add = true, strides = array<i32>} : memref<10240xf32, #tpu.memory_space<vmem>>, vector<16xf32>,
        %parallel_loop3A_792 = arith.constant 256 : i32
        %parallel_loop3A_793 = arith.addi %parallel_loop3A_61, %parallel_loop3A_792 : i32
        %parallel_loop3A_794 = arith.constant 16 : i32
        %parallel_loop3A_795 = arith.addi %parallel_loop3A_793, %parallel_loop3A_794 : i32
        %parallel_loop3A_796 = arith.mulf %parallel_loop3A_597, %parallel_loop3A_630 : vector<16xf32>
        %parallel_loop3A_797 = arith.index_cast %parallel_loop3A_795 : i32 to index
        %parallel_loop3A_798 = tpu.vector_load %arg16[%parallel_loop3A_797] {strides = array<i32>} : memref<10240xf32, #tpu.memory_space<vmem>>, vector<16xf32>,
        tpu.vector_store %arg16[%parallel_loop3A_797], %parallel_loop3A_796 {add = true, strides = array<i32>} : memref<10240xf32, #tpu.memory_space<vmem>>, vector<16xf32>,
        %parallel_loop3A_799 = arith.constant 288 : i32
        %parallel_loop3A_800 = arith.addi %parallel_loop3A_61, %parallel_loop3A_799 : i32
        %parallel_loop3A_801 = arith.constant 16 : i32
        %parallel_loop3A_802 = arith.addi %parallel_loop3A_800, %parallel_loop3A_801 : i32
        %parallel_loop3A_803 = arith.mulf %parallel_loop3A_597, %parallel_loop3A_645 : vector<16xf32>
        %parallel_loop3A_804 = arith.index_cast %parallel_loop3A_802 : i32 to index
        %parallel_loop3A_805 = tpu.vector_load %arg16[%parallel_loop3A_804] {strides = array<i32>} : memref<10240xf32, #tpu.memory_space<vmem>>, vector<16xf32>,
        tpu.vector_store %arg16[%parallel_loop3A_804], %parallel_loop3A_803 {add = true, strides = array<i32>} : memref<10240xf32, #tpu.memory_space<vmem>>, vector<16xf32>,
        %parallel_loop3A_806 = arith.constant 320 : i32
        %parallel_loop3A_807 = arith.addi %parallel_loop3A_61, %parallel_loop3A_806 : i32
        %parallel_loop3A_808 = arith.constant 16 : i32
        %parallel_loop3A_809 = arith.addi %parallel_loop3A_807, %parallel_loop3A_808 : i32
        %parallel_loop3A_810 = arith.mulf %parallel_loop3A_597, %parallel_loop3A_660 : vector<16xf32>
        %parallel_loop3A_811 = arith.index_cast %parallel_loop3A_809 : i32 to index
        %parallel_loop3A_812 = tpu.vector_load %arg16[%parallel_loop3A_811] {strides = array<i32>} : memref<10240xf32, #tpu.memory_space<vmem>>, vector<16xf32>,
        tpu.vector_store %arg16[%parallel_loop3A_811], %parallel_loop3A_810 {add = true, strides = array<i32>} : memref<10240xf32, #tpu.memory_space<vmem>>, vector<16xf32>,
        %parallel_loop3A_813 = arith.constant 352 : i32
        %parallel_loop3A_814 = arith.addi %parallel_loop3A_61, %parallel_loop3A_813 : i32
        %parallel_loop3A_815 = arith.constant 16 : i32
        %parallel_loop3A_816 = arith.addi %parallel_loop3A_814, %parallel_loop3A_815 : i32
        %parallel_loop3A_817 = arith.mulf %parallel_loop3A_597, %parallel_loop3A_675 : vector<16xf32>
        %parallel_loop3A_818 = arith.index_cast %parallel_loop3A_816 : i32 to index
        %parallel_loop3A_819 = tpu.vector_load %arg16[%parallel_loop3A_818] {strides = array<i32>} : memref<10240xf32, #tpu.memory_space<vmem>>, vector<16xf32>,
        tpu.vector_store %arg16[%parallel_loop3A_818], %parallel_loop3A_817 {add = true, strides = array<i32>} : memref<10240xf32, #tpu.memory_space<vmem>>, vector<16xf32>,
        %parallel_loop3A_820 = arith.constant 384 : i32
        %parallel_loop3A_821 = arith.addi %parallel_loop3A_61, %parallel_loop3A_820 : i32
        %parallel_loop3A_822 = arith.constant 16 : i32
        %parallel_loop3A_823 = arith.addi %parallel_loop3A_821, %parallel_loop3A_822 : i32
        %parallel_loop3A_824 = arith.mulf %parallel_loop3A_597, %parallel_loop3A_690 : vector<16xf32>
        %parallel_loop3A_825 = arith.index_cast %parallel_loop3A_823 : i32 to index
        %parallel_loop3A_826 = tpu.vector_load %arg16[%parallel_loop3A_825] {strides = array<i32>} : memref<10240xf32, #tpu.memory_space<vmem>>, vector<16xf32>,
        tpu.vector_store %arg16[%parallel_loop3A_825], %parallel_loop3A_824 {add = true, strides = array<i32>} : memref<10240xf32, #tpu.memory_space<vmem>>, vector<16xf32>,
        %parallel_loop3A_827 = arith.constant 416 : i32
        %parallel_loop3A_828 = arith.addi %parallel_loop3A_61, %parallel_loop3A_827 : i32
        %parallel_loop3A_829 = arith.constant 16 : i32
        %parallel_loop3A_830 = arith.addi %parallel_loop3A_828, %parallel_loop3A_829 : i32
        %parallel_loop3A_831 = arith.mulf %parallel_loop3A_597, %parallel_loop3A_705 : vector<16xf32>
        %parallel_loop3A_832 = arith.index_cast %parallel_loop3A_830 : i32 to index
        %parallel_loop3A_833 = tpu.vector_load %arg16[%parallel_loop3A_832] {strides = array<i32>} : memref<10240xf32, #tpu.memory_space<vmem>>, vector<16xf32>,
        tpu.vector_store %arg16[%parallel_loop3A_832], %parallel_loop3A_831 {add = true, strides = array<i32>} : memref<10240xf32, #tpu.memory_space<vmem>>, vector<16xf32>,
        %parallel_loop3A_834 = arith.constant 448 : i32
        %parallel_loop3A_835 = arith.addi %parallel_loop3A_61, %parallel_loop3A_834 : i32
        %parallel_loop3A_836 = arith.constant 16 : i32
        %parallel_loop3A_837 = arith.addi %parallel_loop3A_835, %parallel_loop3A_836 : i32
        %parallel_loop3A_838 = arith.mulf %parallel_loop3A_597, %parallel_loop3A_720 : vector<16xf32>
        %parallel_loop3A_839 = arith.index_cast %parallel_loop3A_837 : i32 to index
        %parallel_loop3A_840 = tpu.vector_load %arg16[%parallel_loop3A_839] {strides = array<i32>} : memref<10240xf32, #tpu.memory_space<vmem>>, vector<16xf32>,
        tpu.vector_store %arg16[%parallel_loop3A_839], %parallel_loop3A_838 {add = true, strides = array<i32>} : memref<10240xf32, #tpu.memory_space<vmem>>, vector<16xf32>,
        %parallel_loop3A_841 = arith.constant 480 : i32
        %parallel_loop3A_842 = arith.addi %parallel_loop3A_61, %parallel_loop3A_841 : i32
        %parallel_loop3A_843 = arith.constant 16 : i32
        %parallel_loop3A_844 = arith.addi %parallel_loop3A_842, %parallel_loop3A_843 : i32
        %parallel_loop3A_845 = arith.mulf %parallel_loop3A_597, %parallel_loop3A_735 : vector<16xf32>
        %parallel_loop3A_846 = arith.index_cast %parallel_loop3A_844 : i32 to index
        %parallel_loop3A_847 = tpu.vector_load %arg16[%parallel_loop3A_846] {strides = array<i32>} : memref<10240xf32, #tpu.memory_space<vmem>>, vector<16xf32>,
        tpu.vector_store %arg16[%parallel_loop3A_846], %parallel_loop3A_845 {add = true, strides = array<i32>} : memref<10240xf32, #tpu.memory_space<vmem>>, vector<16xf32>,
        %parallel_loop3A_848 = arith.constant 512 : i32
        %parallel_loop3A_849 = arith.addi %parallel_loop3A_61, %parallel_loop3A_848 : i32
        %parallel_loop3A_850 = arith.constant 16 : i32
        %parallel_loop3A_851 = arith.addi %parallel_loop3A_849, %parallel_loop3A_850 : i32
        %parallel_loop3A_852 = arith.mulf %parallel_loop3A_606, %parallel_loop3A_630 : vector<16xf32>
        %parallel_loop3A_853 = arith.index_cast %parallel_loop3A_851 : i32 to index
        %parallel_loop3A_854 = tpu.vector_load %arg16[%parallel_loop3A_853] {strides = array<i32>} : memref<10240xf32, #tpu.memory_space<vmem>>, vector<16xf32>,
        tpu.vector_store %arg16[%parallel_loop3A_853], %parallel_loop3A_852 {add = true, strides = array<i32>} : memref<10240xf32, #tpu.memory_space<vmem>>, vector<16xf32>,
        %parallel_loop3A_855 = arith.constant 544 : i32
        %parallel_loop3A_856 = arith.addi %parallel_loop3A_61, %parallel_loop3A_855 : i32
        %parallel_loop3A_857 = arith.constant 16 : i32
        %parallel_loop3A_858 = arith.addi %parallel_loop3A_856, %parallel_loop3A_857 : i32
        %parallel_loop3A_859 = arith.mulf %parallel_loop3A_606, %parallel_loop3A_645 : vector<16xf32>
        %parallel_loop3A_860 = arith.index_cast %parallel_loop3A_858 : i32 to index
        %parallel_loop3A_861 = tpu.vector_load %arg16[%parallel_loop3A_860] {strides = array<i32>} : memref<10240xf32, #tpu.memory_space<vmem>>, vector<16xf32>,
        tpu.vector_store %arg16[%parallel_loop3A_860], %parallel_loop3A_859 {add = true, strides = array<i32>} : memref<10240xf32, #tpu.memory_space<vmem>>, vector<16xf32>,
        %parallel_loop3A_862 = arith.constant 576 : i32
        %parallel_loop3A_863 = arith.addi %parallel_loop3A_61, %parallel_loop3A_862 : i32
        %parallel_loop3A_864 = arith.constant 16 : i32
        %parallel_loop3A_865 = arith.addi %parallel_loop3A_863, %parallel_loop3A_864 : i32
        %parallel_loop3A_866 = arith.mulf %parallel_loop3A_606, %parallel_loop3A_660 : vector<16xf32>
        %parallel_loop3A_867 = arith.index_cast %parallel_loop3A_865 : i32 to index
        %parallel_loop3A_868 = tpu.vector_load %arg16[%parallel_loop3A_867] {strides = array<i32>} : memref<10240xf32, #tpu.memory_space<vmem>>, vector<16xf32>,
        tpu.vector_store %arg16[%parallel_loop3A_867], %parallel_loop3A_866 {add = true, strides = array<i32>} : memref<10240xf32, #tpu.memory_space<vmem>>, vector<16xf32>,
        %parallel_loop3A_869 = arith.constant 608 : i32
        %parallel_loop3A_870 = arith.addi %parallel_loop3A_61, %parallel_loop3A_869 : i32
        %parallel_loop3A_871 = arith.constant 16 : i32
        %parallel_loop3A_872 = arith.addi %parallel_loop3A_870, %parallel_loop3A_871 : i32
        %parallel_loop3A_873 = arith.mulf %parallel_loop3A_606, %parallel_loop3A_675 : vector<16xf32>
        %parallel_loop3A_874 = arith.index_cast %parallel_loop3A_872 : i32 to index
        %parallel_loop3A_875 = tpu.vector_load %arg16[%parallel_loop3A_874] {strides = array<i32>} : memref<10240xf32, #tpu.memory_space<vmem>>, vector<16xf32>,
        tpu.vector_store %arg16[%parallel_loop3A_874], %parallel_loop3A_873 {add = true, strides = array<i32>} : memref<10240xf32, #tpu.memory_space<vmem>>, vector<16xf32>,
        %parallel_loop3A_876 = arith.constant 640 : i32
        %parallel_loop3A_877 = arith.addi %parallel_loop3A_61, %parallel_loop3A_876 : i32
        %parallel_loop3A_878 = arith.constant 16 : i32
        %parallel_loop3A_879 = arith.addi %parallel_loop3A_877, %parallel_loop3A_878 : i32
        %parallel_loop3A_880 = arith.mulf %parallel_loop3A_606, %parallel_loop3A_690 : vector<16xf32>
        %parallel_loop3A_881 = arith.index_cast %parallel_loop3A_879 : i32 to index
        %parallel_loop3A_882 = tpu.vector_load %arg16[%parallel_loop3A_881] {strides = array<i32>} : memref<10240xf32, #tpu.memory_space<vmem>>, vector<16xf32>,
        tpu.vector_store %arg16[%parallel_loop3A_881], %parallel_loop3A_880 {add = true, strides = array<i32>} : memref<10240xf32, #tpu.memory_space<vmem>>, vector<16xf32>,
        %parallel_loop3A_883 = arith.constant 672 : i32
        %parallel_loop3A_884 = arith.addi %parallel_loop3A_61, %parallel_loop3A_883 : i32
        %parallel_loop3A_885 = arith.constant 16 : i32
        %parallel_loop3A_886 = arith.addi %parallel_loop3A_884, %parallel_loop3A_885 : i32
        %parallel_loop3A_887 = arith.mulf %parallel_loop3A_606, %parallel_loop3A_705 : vector<16xf32>
        %parallel_loop3A_888 = arith.index_cast %parallel_loop3A_886 : i32 to index
        %parallel_loop3A_889 = tpu.vector_load %arg16[%parallel_loop3A_888] {strides = array<i32>} : memref<10240xf32, #tpu.memory_space<vmem>>, vector<16xf32>,
        tpu.vector_store %arg16[%parallel_loop3A_888], %parallel_loop3A_887 {add = true, strides = array<i32>} : memref<10240xf32, #tpu.memory_space<vmem>>, vector<16xf32>,
        %parallel_loop3A_890 = arith.constant 704 : i32
        %parallel_loop3A_891 = arith.addi %parallel_loop3A_61, %parallel_loop3A_890 : i32
        %parallel_loop3A_892 = arith.constant 16 : i32
        %parallel_loop3A_893 = arith.addi %parallel_loop3A_891, %parallel_loop3A_892 : i32
        %parallel_loop3A_894 = arith.mulf %parallel_loop3A_606, %parallel_loop3A_720 : vector<16xf32>
        %parallel_loop3A_895 = arith.index_cast %parallel_loop3A_893 : i32 to index
        %parallel_loop3A_896 = tpu.vector_load %arg16[%parallel_loop3A_895] {strides = array<i32>} : memref<10240xf32, #tpu.memory_space<vmem>>, vector<16xf32>,
        tpu.vector_store %arg16[%parallel_loop3A_895], %parallel_loop3A_894 {add = true, strides = array<i32>} : memref<10240xf32, #tpu.memory_space<vmem>>, vector<16xf32>,
        %parallel_loop3A_897 = arith.constant 736 : i32
        %parallel_loop3A_898 = arith.addi %parallel_loop3A_61, %parallel_loop3A_897 : i32
        %parallel_loop3A_899 = arith.constant 16 : i32
        %parallel_loop3A_900 = arith.addi %parallel_loop3A_898, %parallel_loop3A_899 : i32
        %parallel_loop3A_901 = arith.mulf %parallel_loop3A_606, %parallel_loop3A_735 : vector<16xf32>
        %parallel_loop3A_902 = arith.index_cast %parallel_loop3A_900 : i32 to index
        %parallel_loop3A_903 = tpu.vector_load %arg16[%parallel_loop3A_902] {strides = array<i32>} : memref<10240xf32, #tpu.memory_space<vmem>>, vector<16xf32>,
        tpu.vector_store %arg16[%parallel_loop3A_902], %parallel_loop3A_901 {add = true, strides = array<i32>} : memref<10240xf32, #tpu.memory_space<vmem>>, vector<16xf32>,
        %parallel_loop3A_904 = arith.constant 768 : i32
        %parallel_loop3A_905 = arith.addi %parallel_loop3A_61, %parallel_loop3A_904 : i32
        %parallel_loop3A_906 = arith.constant 16 : i32
        %parallel_loop3A_907 = arith.addi %parallel_loop3A_905, %parallel_loop3A_906 : i32
        %parallel_loop3A_908 = arith.mulf %parallel_loop3A_615, %parallel_loop3A_630 : vector<16xf32>
        %parallel_loop3A_909 = arith.index_cast %parallel_loop3A_907 : i32 to index
        %parallel_loop3A_910 = tpu.vector_load %arg16[%parallel_loop3A_909] {strides = array<i32>} : memref<10240xf32, #tpu.memory_space<vmem>>, vector<16xf32>,
        tpu.vector_store %arg16[%parallel_loop3A_909], %parallel_loop3A_908 {add = true, strides = array<i32>} : memref<10240xf32, #tpu.memory_space<vmem>>, vector<16xf32>,
        %parallel_loop3A_911 = arith.constant 800 : i32
        %parallel_loop3A_912 = arith.addi %parallel_loop3A_61, %parallel_loop3A_911 : i32
        %parallel_loop3A_913 = arith.constant 16 : i32
        %parallel_loop3A_914 = arith.addi %parallel_loop3A_912, %parallel_loop3A_913 : i32
        %parallel_loop3A_915 = arith.mulf %parallel_loop3A_615, %parallel_loop3A_645 : vector<16xf32>
        %parallel_loop3A_916 = arith.index_cast %parallel_loop3A_914 : i32 to index
        %parallel_loop3A_917 = tpu.vector_load %arg16[%parallel_loop3A_916] {strides = array<i32>} : memref<10240xf32, #tpu.memory_space<vmem>>, vector<16xf32>,
        tpu.vector_store %arg16[%parallel_loop3A_916], %parallel_loop3A_915 {add = true, strides = array<i32>} : memref<10240xf32, #tpu.memory_space<vmem>>, vector<16xf32>,
        %parallel_loop3A_918 = arith.constant 832 : i32
        %parallel_loop3A_919 = arith.addi %parallel_loop3A_61, %parallel_loop3A_918 : i32
        %parallel_loop3A_920 = arith.constant 16 : i32
        %parallel_loop3A_921 = arith.addi %parallel_loop3A_919, %parallel_loop3A_920 : i32
        %parallel_loop3A_922 = arith.mulf %parallel_loop3A_615, %parallel_loop3A_660 : vector<16xf32>
        %parallel_loop3A_923 = arith.index_cast %parallel_loop3A_921 : i32 to index
        %parallel_loop3A_924 = tpu.vector_load %arg16[%parallel_loop3A_923] {strides = array<i32>} : memref<10240xf32, #tpu.memory_space<vmem>>, vector<16xf32>,
        tpu.vector_store %arg16[%parallel_loop3A_923], %parallel_loop3A_922 {add = true, strides = array<i32>} : memref<10240xf32, #tpu.memory_space<vmem>>, vector<16xf32>,
        %parallel_loop3A_925 = arith.constant 864 : i32
        %parallel_loop3A_926 = arith.addi %parallel_loop3A_61, %parallel_loop3A_925 : i32
        %parallel_loop3A_927 = arith.constant 16 : i32
        %parallel_loop3A_928 = arith.addi %parallel_loop3A_926, %parallel_loop3A_927 : i32
        %parallel_loop3A_929 = arith.mulf %parallel_loop3A_615, %parallel_loop3A_675 : vector<16xf32>
        %parallel_loop3A_930 = arith.index_cast %parallel_loop3A_928 : i32 to index
        %parallel_loop3A_931 = tpu.vector_load %arg16[%parallel_loop3A_930] {strides = array<i32>} : memref<10240xf32, #tpu.memory_space<vmem>>, vector<16xf32>,
        tpu.vector_store %arg16[%parallel_loop3A_930], %parallel_loop3A_929 {add = true, strides = array<i32>} : memref<10240xf32, #tpu.memory_space<vmem>>, vector<16xf32>,
        %parallel_loop3A_932 = arith.constant 896 : i32
        %parallel_loop3A_933 = arith.addi %parallel_loop3A_61, %parallel_loop3A_932 : i32
        %parallel_loop3A_934 = arith.constant 16 : i32
        %parallel_loop3A_935 = arith.addi %parallel_loop3A_933, %parallel_loop3A_934 : i32
        %parallel_loop3A_936 = arith.mulf %parallel_loop3A_615, %parallel_loop3A_690 : vector<16xf32>
        %parallel_loop3A_937 = arith.index_cast %parallel_loop3A_935 : i32 to index
        %parallel_loop3A_938 = tpu.vector_load %arg16[%parallel_loop3A_937] {strides = array<i32>} : memref<10240xf32, #tpu.memory_space<vmem>>, vector<16xf32>,
        tpu.vector_store %arg16[%parallel_loop3A_937], %parallel_loop3A_936 {add = true, strides = array<i32>} : memref<10240xf32, #tpu.memory_space<vmem>>, vector<16xf32>,
        %parallel_loop3A_939 = arith.constant 928 : i32
        %parallel_loop3A_940 = arith.addi %parallel_loop3A_61, %parallel_loop3A_939 : i32
        %parallel_loop3A_941 = arith.constant 16 : i32
        %parallel_loop3A_942 = arith.addi %parallel_loop3A_940, %parallel_loop3A_941 : i32
        %parallel_loop3A_943 = arith.mulf %parallel_loop3A_615, %parallel_loop3A_705 : vector<16xf32>
        %parallel_loop3A_944 = arith.index_cast %parallel_loop3A_942 : i32 to index
        %parallel_loop3A_945 = tpu.vector_load %arg16[%parallel_loop3A_944] {strides = array<i32>} : memref<10240xf32, #tpu.memory_space<vmem>>, vector<16xf32>,
        tpu.vector_store %arg16[%parallel_loop3A_944], %parallel_loop3A_943 {add = true, strides = array<i32>} : memref<10240xf32, #tpu.memory_space<vmem>>, vector<16xf32>,
        %parallel_loop3A_946 = arith.constant 960 : i32
        %parallel_loop3A_947 = arith.addi %parallel_loop3A_61, %parallel_loop3A_946 : i32
        %parallel_loop3A_948 = arith.constant 16 : i32
        %parallel_loop3A_949 = arith.addi %parallel_loop3A_947, %parallel_loop3A_948 : i32
        %parallel_loop3A_950 = arith.mulf %parallel_loop3A_615, %parallel_loop3A_720 : vector<16xf32>
        %parallel_loop3A_951 = arith.index_cast %parallel_loop3A_949 : i32 to index
        %parallel_loop3A_952 = tpu.vector_load %arg16[%parallel_loop3A_951] {strides = array<i32>} : memref<10240xf32, #tpu.memory_space<vmem>>, vector<16xf32>,
        tpu.vector_store %arg16[%parallel_loop3A_951], %parallel_loop3A_950 {add = true, strides = array<i32>} : memref<10240xf32, #tpu.memory_space<vmem>>, vector<16xf32>,
        %parallel_loop3A_953 = arith.constant 992 : i32
        %parallel_loop3A_954 = arith.addi %parallel_loop3A_61, %parallel_loop3A_953 : i32
        %parallel_loop3A_955 = arith.constant 16 : i32
        %parallel_loop3A_956 = arith.addi %parallel_loop3A_954, %parallel_loop3A_955 : i32
        %parallel_loop3A_957 = arith.mulf %parallel_loop3A_615, %parallel_loop3A_735 : vector<16xf32>
        %parallel_loop3A_958 = arith.index_cast %parallel_loop3A_956 : i32 to index
        %parallel_loop3A_959 = tpu.vector_load %arg16[%parallel_loop3A_958] {strides = array<i32>} : memref<10240xf32, #tpu.memory_space<vmem>>, vector<16xf32>,
        tpu.vector_store %arg16[%parallel_loop3A_958], %parallel_loop3A_957 {add = true, strides = array<i32>} : memref<10240xf32, #tpu.memory_space<vmem>>, vector<16xf32>,
      } {sc.loop_unroll_factor = 1 : i64, sc.parallel_access}
    }
    %scan3A_28 = arith.constant 31 : i32
    %iota3A_29 = tpu.iota {dimensions = array<i32: 0>} : vector<16xi32>
    %mul3A_30 = arith.constant 32 : i32
    %mul3A_31 = vector.broadcast %mul3A_30 : i32 to vector<16xi32>
    %mul3A_32 = arith.muli %iota3A_29, %mul3A_31 : vector<16xi32>
    %parallel_loop3A_33 = arith.constant 0 : i32
    %parallel_loop3A_34 = arith.constant 32 : i32
    %parallel_loop3A_35 = arith.constant 1 : i32
    scf.for %parallel_loop3A_36 = %parallel_loop3A_33 to %parallel_loop3A_34 step %parallel_loop3A_35  : i32 {
      %parallel_loop3A_37 = arith.constant 0 : i32
      %parallel_loop3A_38 = vector.broadcast %parallel_loop3A_37 : i32 to vector<16xi32>
      %parallel_loop3A_39 = arith.addi %parallel_loop3A_38, %mul3A_32 : vector<16xi32>
      %parallel_loop3A_40 = vector.broadcast %parallel_loop3A_36 : i32 to vector<16xi32>
      %parallel_loop3A_41 = arith.addi %parallel_loop3A_39, %parallel_loop3A_40 : vector<16xi32>
      %parallel_loop3A_42 = tpu.vector_load_idx %arg16[%parallel_loop3A_41] : memref<10240xf32, #tpu.memory_space<vmem>>[vector<16xi32>], vector<16xf32>,
      %parallel_loop3A_43 = arith.constant 320 : i32
      %parallel_loop3A_44 = arith.muli %parallel_loop3A_36, %parallel_loop3A_43 : i32
      %parallel_loop3A_45 = arith.constant 0 : i32
      %parallel_loop3A_46 = arith.addi %parallel_loop3A_44, %parallel_loop3A_45 : i32
      %parallel_loop3A_47 = arith.constant 0 : i32
      %parallel_loop3A_48 = arith.addi %parallel_loop3A_46, %parallel_loop3A_47 : i32
      %parallel_loop3A_49 = arith.index_cast %parallel_loop3A_48 : i32 to index
      %parallel_loop3A_50 = tpu.vector_load %arg19[%parallel_loop3A_49] {strides = array<i32>} : memref<10240xf32, #tpu.memory_space<vmem>>, vector<16xf32>,
      tpu.vector_store %arg19[%parallel_loop3A_49], %parallel_loop3A_42 {strides = array<i32>} : memref<10240xf32, #tpu.memory_space<vmem>>, vector<16xf32>,
      %parallel_loop3A_51 = arith.constant 512 : i32
      %parallel_loop3A_52 = vector.broadcast %parallel_loop3A_51 : i32 to vector<16xi32>
      %parallel_loop3A_53 = arith.addi %parallel_loop3A_52, %mul3A_32 : vector<16xi32>
      %parallel_loop3A_54 = vector.broadcast %parallel_loop3A_36 : i32 to vector<16xi32>
      %parallel_loop3A_55 = arith.addi %parallel_loop3A_53, %parallel_loop3A_54 : vector<16xi32>
      %parallel_loop3A_56 = tpu.vector_load_idx %arg16[%parallel_loop3A_55] : memref<10240xf32, #tpu.memory_space<vmem>>[vector<16xi32>], vector<16xf32>,
      %parallel_loop3A_57 = arith.constant 320 : i32
      %parallel_loop3A_58 = arith.muli %parallel_loop3A_36, %parallel_loop3A_57 : i32
      %parallel_loop3A_59 = arith.constant 0 : i32
      %parallel_loop3A_60 = arith.addi %parallel_loop3A_58, %parallel_loop3A_59 : i32
      %parallel_loop3A_61 = arith.constant 16 : i32
      %parallel_loop3A_62 = arith.addi %parallel_loop3A_60, %parallel_loop3A_61 : i32
      %parallel_loop3A_63 = arith.index_cast %parallel_loop3A_62 : i32 to index
      %parallel_loop3A_64 = tpu.vector_load %arg19[%parallel_loop3A_63] {strides = array<i32>} : memref<10240xf32, #tpu.memory_space<vmem>>, vector<16xf32>,
      tpu.vector_store %arg19[%parallel_loop3A_63], %parallel_loop3A_56 {strides = array<i32>} : memref<10240xf32, #tpu.memory_space<vmem>>, vector<16xf32>,
      %parallel_loop3A_65 = arith.constant 1024 : i32
      %parallel_loop3A_66 = vector.broadcast %parallel_loop3A_65 : i32 to vector<16xi32>
      %parallel_loop3A_67 = arith.addi %parallel_loop3A_66, %mul3A_32 : vector<16xi32>
      %parallel_loop3A_68 = vector.broadcast %parallel_loop3A_36 : i32 to vector<16xi32>
      %parallel_loop3A_69 = arith.addi %parallel_loop3A_67, %parallel_loop3A_68 : vector<16xi32>
      %parallel_loop3A_70 = tpu.vector_load_idx %arg16[%parallel_loop3A_69] : memref<10240xf32, #tpu.memory_space<vmem>>[vector<16xi32>], vector<16xf32>,
      %parallel_loop3A_71 = arith.constant 320 : i32
      %parallel_loop3A_72 = arith.muli %parallel_loop3A_36, %parallel_loop3A_71 : i32
      %parallel_loop3A_73 = arith.constant 32 : i32
      %parallel_loop3A_74 = arith.addi %parallel_loop3A_72, %parallel_loop3A_73 : i32
      %parallel_loop3A_75 = arith.constant 0 : i32
      %parallel_loop3A_76 = arith.addi %parallel_loop3A_74, %parallel_loop3A_75 : i32
      %parallel_loop3A_77 = arith.index_cast %parallel_loop3A_76 : i32 to index
      %parallel_loop3A_78 = tpu.vector_load %arg19[%parallel_loop3A_77] {strides = array<i32>} : memref<10240xf32, #tpu.memory_space<vmem>>, vector<16xf32>,
      tpu.vector_store %arg19[%parallel_loop3A_77], %parallel_loop3A_70 {strides = array<i32>} : memref<10240xf32, #tpu.memory_space<vmem>>, vector<16xf32>,
      %parallel_loop3A_79 = arith.constant 1536 : i32
      %parallel_loop3A_80 = vector.broadcast %parallel_loop3A_79 : i32 to vector<16xi32>
      %parallel_loop3A_81 = arith.addi %parallel_loop3A_80, %mul3A_32 : vector<16xi32>
      %parallel_loop3A_82 = vector.broadcast %parallel_loop3A_36 : i32 to vector<16xi32>
      %parallel_loop3A_83 = arith.addi %parallel_loop3A_81, %parallel_loop3A_82 : vector<16xi32>
      %parallel_loop3A_84 = tpu.vector_load_idx %arg16[%parallel_loop3A_83] : memref<10240xf32, #tpu.memory_space<vmem>>[vector<16xi32>], vector<16xf32>,
      %parallel_loop3A_85 = arith.constant 320 : i32
      %parallel_loop3A_86 = arith.muli %parallel_loop3A_36, %parallel_loop3A_85 : i32
      %parallel_loop3A_87 = arith.constant 32 : i32
      %parallel_loop3A_88 = arith.addi %parallel_loop3A_86, %parallel_loop3A_87 : i32
      %parallel_loop3A_89 = arith.constant 16 : i32
      %parallel_loop3A_90 = arith.addi %parallel_loop3A_88, %parallel_loop3A_89 : i32
      %parallel_loop3A_91 = arith.index_cast %parallel_loop3A_90 : i32 to index
      %parallel_loop3A_92 = tpu.vector_load %arg19[%parallel_loop3A_91] {strides = array<i32>} : memref<10240xf32, #tpu.memory_space<vmem>>, vector<16xf32>,
      tpu.vector_store %arg19[%parallel_loop3A_91], %parallel_loop3A_84 {strides = array<i32>} : memref<10240xf32, #tpu.memory_space<vmem>>, vector<16xf32>,
      %parallel_loop3A_93 = arith.constant 2048 : i32
      %parallel_loop3A_94 = vector.broadcast %parallel_loop3A_93 : i32 to vector<16xi32>
      %parallel_loop3A_95 = arith.addi %parallel_loop3A_94, %mul3A_32 : vector<16xi32>
      %parallel_loop3A_96 = vector.broadcast %parallel_loop3A_36 : i32 to vector<16xi32>
      %parallel_loop3A_97 = arith.addi %parallel_loop3A_95, %parallel_loop3A_96 : vector<16xi32>
      %parallel_loop3A_98 = tpu.vector_load_idx %arg16[%parallel_loop3A_97] : memref<10240xf32, #tpu.memory_space<vmem>>[vector<16xi32>], vector<16xf32>,
      %parallel_loop3A_99 = arith.constant 320 : i32
      %parallel_loop3A_100 = arith.muli %parallel_loop3A_36, %parallel_loop3A_99 : i32
      %parallel_loop3A_101 = arith.constant 64 : i32
      %parallel_loop3A_102 = arith.addi %parallel_loop3A_100, %parallel_loop3A_101 : i32
      %parallel_loop3A_103 = arith.constant 0 : i32
      %parallel_loop3A_104 = arith.addi %parallel_loop3A_102, %parallel_loop3A_103 : i32
      %parallel_loop3A_105 = arith.index_cast %parallel_loop3A_104 : i32 to index
      %parallel_loop3A_106 = tpu.vector_load %arg19[%parallel_loop3A_105] {strides = array<i32>} : memref<10240xf32, #tpu.memory_space<vmem>>, vector<16xf32>,
      tpu.vector_store %arg19[%parallel_loop3A_105], %parallel_loop3A_98 {strides = array<i32>} : memref<10240xf32, #tpu.memory_space<vmem>>, vector<16xf32>,
      %parallel_loop3A_107 = arith.constant 2560 : i32
      %parallel_loop3A_108 = vector.broadcast %parallel_loop3A_107 : i32 to vector<16xi32>
      %parallel_loop3A_109 = arith.addi %parallel_loop3A_108, %mul3A_32 : vector<16xi32>
      %parallel_loop3A_110 = vector.broadcast %parallel_loop3A_36 : i32 to vector<16xi32>
      %parallel_loop3A_111 = arith.addi %parallel_loop3A_109, %parallel_loop3A_110 : vector<16xi32>
      %parallel_loop3A_112 = tpu.vector_load_idx %arg16[%parallel_loop3A_111] : memref<10240xf32, #tpu.memory_space<vmem>>[vector<16xi32>], vector<16xf32>,
      %parallel_loop3A_113 = arith.constant 320 : i32
      %parallel_loop3A_114 = arith.muli %parallel_loop3A_36, %parallel_loop3A_113 : i32
      %parallel_loop3A_115 = arith.constant 64 : i32
      %parallel_loop3A_116 = arith.addi %parallel_loop3A_114, %parallel_loop3A_115 : i32
      %parallel_loop3A_117 = arith.constant 16 : i32
      %parallel_loop3A_118 = arith.addi %parallel_loop3A_116, %parallel_loop3A_117 : i32
      %parallel_loop3A_119 = arith.index_cast %parallel_loop3A_118 : i32 to index
      %parallel_loop3A_120 = tpu.vector_load %arg19[%parallel_loop3A_119] {strides = array<i32>} : memref<10240xf32, #tpu.memory_space<vmem>>, vector<16xf32>,
      tpu.vector_store %arg19[%parallel_loop3A_119], %parallel_loop3A_112 {strides = array<i32>} : memref<10240xf32, #tpu.memory_space<vmem>>, vector<16xf32>,
      %parallel_loop3A_121 = arith.constant 3072 : i32
      %parallel_loop3A_122 = vector.broadcast %parallel_loop3A_121 : i32 to vector<16xi32>
      %parallel_loop3A_123 = arith.addi %parallel_loop3A_122, %mul3A_32 : vector<16xi32>
      %parallel_loop3A_124 = vector.broadcast %parallel_loop3A_36 : i32 to vector<16xi32>
      %parallel_loop3A_125 = arith.addi %parallel_loop3A_123, %parallel_loop3A_124 : vector<16xi32>
      %parallel_loop3A_126 = tpu.vector_load_idx %arg16[%parallel_loop3A_125] : memref<10240xf32, #tpu.memory_space<vmem>>[vector<16xi32>], vector<16xf32>,
      %parallel_loop3A_127 = arith.constant 320 : i32
      %parallel_loop3A_128 = arith.muli %parallel_loop3A_36, %parallel_loop3A_127 : i32
      %parallel_loop3A_129 = arith.constant 96 : i32
      %parallel_loop3A_130 = arith.addi %parallel_loop3A_128, %parallel_loop3A_129 : i32
      %parallel_loop3A_131 = arith.constant 0 : i32
      %parallel_loop3A_132 = arith.addi %parallel_loop3A_130, %parallel_loop3A_131 : i32
      %parallel_loop3A_133 = arith.index_cast %parallel_loop3A_132 : i32 to index
      %parallel_loop3A_134 = tpu.vector_load %arg19[%parallel_loop3A_133] {strides = array<i32>} : memref<10240xf32, #tpu.memory_space<vmem>>, vector<16xf32>,
      tpu.vector_store %arg19[%parallel_loop3A_133], %parallel_loop3A_126 {strides = array<i32>} : memref<10240xf32, #tpu.memory_space<vmem>>, vector<16xf32>,
      %parallel_loop3A_135 = arith.constant 3584 : i32
      %parallel_loop3A_136 = vector.broadcast %parallel_loop3A_135 : i32 to vector<16xi32>
      %parallel_loop3A_137 = arith.addi %parallel_loop3A_136, %mul3A_32 : vector<16xi32>
      %parallel_loop3A_138 = vector.broadcast %parallel_loop3A_36 : i32 to vector<16xi32>
      %parallel_loop3A_139 = arith.addi %parallel_loop3A_137, %parallel_loop3A_138 : vector<16xi32>
      %parallel_loop3A_140 = tpu.vector_load_idx %arg16[%parallel_loop3A_139] : memref<10240xf32, #tpu.memory_space<vmem>>[vector<16xi32>], vector<16xf32>,
      %parallel_loop3A_141 = arith.constant 320 : i32
      %parallel_loop3A_142 = arith.muli %parallel_loop3A_36, %parallel_loop3A_141 : i32
      %parallel_loop3A_143 = arith.constant 96 : i32
      %parallel_loop3A_144 = arith.addi %parallel_loop3A_142, %parallel_loop3A_143 : i32
      %parallel_loop3A_145 = arith.constant 16 : i32
      %parallel_loop3A_146 = arith.addi %parallel_loop3A_144, %parallel_loop3A_145 : i32
      %parallel_loop3A_147 = arith.index_cast %parallel_loop3A_146 : i32 to index
      %parallel_loop3A_148 = tpu.vector_load %arg19[%parallel_loop3A_147] {strides = array<i32>} : memref<10240xf32, #tpu.memory_space<vmem>>, vector<16xf32>,
      tpu.vector_store %arg19[%parallel_loop3A_147], %parallel_loop3A_140 {strides = array<i32>} : memref<10240xf32, #tpu.memory_space<vmem>>, vector<16xf32>,
      %parallel_loop3A_149 = arith.constant 4096 : i32
      %parallel_loop3A_150 = vector.broadcast %parallel_loop3A_149 : i32 to vector<16xi32>
      %parallel_loop3A_151 = arith.addi %parallel_loop3A_150, %mul3A_32 : vector<16xi32>
      %parallel_loop3A_152 = vector.broadcast %parallel_loop3A_36 : i32 to vector<16xi32>
      %parallel_loop3A_153 = arith.addi %parallel_loop3A_151, %parallel_loop3A_152 : vector<16xi32>
      %parallel_loop3A_154 = tpu.vector_load_idx %arg16[%parallel_loop3A_153] : memref<10240xf32, #tpu.memory_space<vmem>>[vector<16xi32>], vector<16xf32>,
      %parallel_loop3A_155 = arith.constant 320 : i32
      %parallel_loop3A_156 = arith.muli %parallel_loop3A_36, %parallel_loop3A_155 : i32
      %parallel_loop3A_157 = arith.constant 128 : i32
      %parallel_loop3A_158 = arith.addi %parallel_loop3A_156, %parallel_loop3A_157 : i32
      %parallel_loop3A_159 = arith.constant 0 : i32
      %parallel_loop3A_160 = arith.addi %parallel_loop3A_158, %parallel_loop3A_159 : i32
      %parallel_loop3A_161 = arith.index_cast %parallel_loop3A_160 : i32 to index
      %parallel_loop3A_162 = tpu.vector_load %arg19[%parallel_loop3A_161] {strides = array<i32>} : memref<10240xf32, #tpu.memory_space<vmem>>, vector<16xf32>,
      tpu.vector_store %arg19[%parallel_loop3A_161], %parallel_loop3A_154 {strides = array<i32>} : memref<10240xf32, #tpu.memory_space<vmem>>, vector<16xf32>,
      %parallel_loop3A_163 = arith.constant 4608 : i32
      %parallel_loop3A_164 = vector.broadcast %parallel_loop3A_163 : i32 to vector<16xi32>
      %parallel_loop3A_165 = arith.addi %parallel_loop3A_164, %mul3A_32 : vector<16xi32>
      %parallel_loop3A_166 = vector.broadcast %parallel_loop3A_36 : i32 to vector<16xi32>
      %parallel_loop3A_167 = arith.addi %parallel_loop3A_165, %parallel_loop3A_166 : vector<16xi32>
      %parallel_loop3A_168 = tpu.vector_load_idx %arg16[%parallel_loop3A_167] : memref<10240xf32, #tpu.memory_space<vmem>>[vector<16xi32>], vector<16xf32>,
      %parallel_loop3A_169 = arith.constant 320 : i32
      %parallel_loop3A_170 = arith.muli %parallel_loop3A_36, %parallel_loop3A_169 : i32
      %parallel_loop3A_171 = arith.constant 128 : i32
      %parallel_loop3A_172 = arith.addi %parallel_loop3A_170, %parallel_loop3A_171 : i32
      %parallel_loop3A_173 = arith.constant 16 : i32
      %parallel_loop3A_174 = arith.addi %parallel_loop3A_172, %parallel_loop3A_173 : i32
      %parallel_loop3A_175 = arith.index_cast %parallel_loop3A_174 : i32 to index
      %parallel_loop3A_176 = tpu.vector_load %arg19[%parallel_loop3A_175] {strides = array<i32>} : memref<10240xf32, #tpu.memory_space<vmem>>, vector<16xf32>,
      tpu.vector_store %arg19[%parallel_loop3A_175], %parallel_loop3A_168 {strides = array<i32>} : memref<10240xf32, #tpu.memory_space<vmem>>, vector<16xf32>,
      %parallel_loop3A_177 = arith.constant 5120 : i32
      %parallel_loop3A_178 = vector.broadcast %parallel_loop3A_177 : i32 to vector<16xi32>
      %parallel_loop3A_179 = arith.addi %parallel_loop3A_178, %mul3A_32 : vector<16xi32>
      %parallel_loop3A_180 = vector.broadcast %parallel_loop3A_36 : i32 to vector<16xi32>
      %parallel_loop3A_181 = arith.addi %parallel_loop3A_179, %parallel_loop3A_180 : vector<16xi32>
      %parallel_loop3A_182 = tpu.vector_load_idx %arg16[%parallel_loop3A_181] : memref<10240xf32, #tpu.memory_space<vmem>>[vector<16xi32>], vector<16xf32>,
      %parallel_loop3A_183 = arith.constant 320 : i32
      %parallel_loop3A_184 = arith.muli %parallel_loop3A_36, %parallel_loop3A_183 : i32
      %parallel_loop3A_185 = arith.constant 160 : i32
      %parallel_loop3A_186 = arith.addi %parallel_loop3A_184, %parallel_loop3A_185 : i32
      %parallel_loop3A_187 = arith.constant 0 : i32
      %parallel_loop3A_188 = arith.addi %parallel_loop3A_186, %parallel_loop3A_187 : i32
      %parallel_loop3A_189 = arith.index_cast %parallel_loop3A_188 : i32 to index
      %parallel_loop3A_190 = tpu.vector_load %arg19[%parallel_loop3A_189] {strides = array<i32>} : memref<10240xf32, #tpu.memory_space<vmem>>, vector<16xf32>,
      tpu.vector_store %arg19[%parallel_loop3A_189], %parallel_loop3A_182 {strides = array<i32>} : memref<10240xf32, #tpu.memory_space<vmem>>, vector<16xf32>,
      %parallel_loop3A_191 = arith.constant 5632 : i32
      %parallel_loop3A_192 = vector.broadcast %parallel_loop3A_191 : i32 to vector<16xi32>
      %parallel_loop3A_193 = arith.addi %parallel_loop3A_192, %mul3A_32 : vector<16xi32>
      %parallel_loop3A_194 = vector.broadcast %parallel_loop3A_36 : i32 to vector<16xi32>
      %parallel_loop3A_195 = arith.addi %parallel_loop3A_193, %parallel_loop3A_194 : vector<16xi32>
      %parallel_loop3A_196 = tpu.vector_load_idx %arg16[%parallel_loop3A_195] : memref<10240xf32, #tpu.memory_space<vmem>>[vector<16xi32>], vector<16xf32>,
      %parallel_loop3A_197 = arith.constant 320 : i32
      %parallel_loop3A_198 = arith.muli %parallel_loop3A_36, %parallel_loop3A_197 : i32
      %parallel_loop3A_199 = arith.constant 160 : i32
      %parallel_loop3A_200 = arith.addi %parallel_loop3A_198, %parallel_loop3A_199 : i32
      %parallel_loop3A_201 = arith.constant 16 : i32
      %parallel_loop3A_202 = arith.addi %parallel_loop3A_200, %parallel_loop3A_201 : i32
      %parallel_loop3A_203 = arith.index_cast %parallel_loop3A_202 : i32 to index
      %parallel_loop3A_204 = tpu.vector_load %arg19[%parallel_loop3A_203] {strides = array<i32>} : memref<10240xf32, #tpu.memory_space<vmem>>, vector<16xf32>,
      tpu.vector_store %arg19[%parallel_loop3A_203], %parallel_loop3A_196 {strides = array<i32>} : memref<10240xf32, #tpu.memory_space<vmem>>, vector<16xf32>,
      %parallel_loop3A_205 = arith.constant 6144 : i32
      %parallel_loop3A_206 = vector.broadcast %parallel_loop3A_205 : i32 to vector<16xi32>
      %parallel_loop3A_207 = arith.addi %parallel_loop3A_206, %mul3A_32 : vector<16xi32>
      %parallel_loop3A_208 = vector.broadcast %parallel_loop3A_36 : i32 to vector<16xi32>
      %parallel_loop3A_209 = arith.addi %parallel_loop3A_207, %parallel_loop3A_208 : vector<16xi32>
      %parallel_loop3A_210 = tpu.vector_load_idx %arg16[%parallel_loop3A_209] : memref<10240xf32, #tpu.memory_space<vmem>>[vector<16xi32>], vector<16xf32>,
      %parallel_loop3A_211 = arith.constant 320 : i32
      %parallel_loop3A_212 = arith.muli %parallel_loop3A_36, %parallel_loop3A_211 : i32
      %parallel_loop3A_213 = arith.constant 192 : i32
      %parallel_loop3A_214 = arith.addi %parallel_loop3A_212, %parallel_loop3A_213 : i32
      %parallel_loop3A_215 = arith.constant 0 : i32
      %parallel_loop3A_216 = arith.addi %parallel_loop3A_214, %parallel_loop3A_215 : i32
      %parallel_loop3A_217 = arith.index_cast %parallel_loop3A_216 : i32 to index
      %parallel_loop3A_218 = tpu.vector_load %arg19[%parallel_loop3A_217] {strides = array<i32>} : memref<10240xf32, #tpu.memory_space<vmem>>, vector<16xf32>,
      tpu.vector_store %arg19[%parallel_loop3A_217], %parallel_loop3A_210 {strides = array<i32>} : memref<10240xf32, #tpu.memory_space<vmem>>, vector<16xf32>,
      %parallel_loop3A_219 = arith.constant 6656 : i32
      %parallel_loop3A_220 = vector.broadcast %parallel_loop3A_219 : i32 to vector<16xi32>
      %parallel_loop3A_221 = arith.addi %parallel_loop3A_220, %mul3A_32 : vector<16xi32>
      %parallel_loop3A_222 = vector.broadcast %parallel_loop3A_36 : i32 to vector<16xi32>
      %parallel_loop3A_223 = arith.addi %parallel_loop3A_221, %parallel_loop3A_222 : vector<16xi32>
      %parallel_loop3A_224 = tpu.vector_load_idx %arg16[%parallel_loop3A_223] : memref<10240xf32, #tpu.memory_space<vmem>>[vector<16xi32>], vector<16xf32>,
      %parallel_loop3A_225 = arith.constant 320 : i32
      %parallel_loop3A_226 = arith.muli %parallel_loop3A_36, %parallel_loop3A_225 : i32
      %parallel_loop3A_227 = arith.constant 192 : i32
      %parallel_loop3A_228 = arith.addi %parallel_loop3A_226, %parallel_loop3A_227 : i32
      %parallel_loop3A_229 = arith.constant 16 : i32
      %parallel_loop3A_230 = arith.addi %parallel_loop3A_228, %parallel_loop3A_229 : i32
      %parallel_loop3A_231 = arith.index_cast %parallel_loop3A_230 : i32 to index
      %parallel_loop3A_232 = tpu.vector_load %arg19[%parallel_loop3A_231] {strides = array<i32>} : memref<10240xf32, #tpu.memory_space<vmem>>, vector<16xf32>,
      tpu.vector_store %arg19[%parallel_loop3A_231], %parallel_loop3A_224 {strides = array<i32>} : memref<10240xf32, #tpu.memory_space<vmem>>, vector<16xf32>,
      %parallel_loop3A_233 = arith.constant 7168 : i32
      %parallel_loop3A_234 = vector.broadcast %parallel_loop3A_233 : i32 to vector<16xi32>
      %parallel_loop3A_235 = arith.addi %parallel_loop3A_234, %mul3A_32 : vector<16xi32>
      %parallel_loop3A_236 = vector.broadcast %parallel_loop3A_36 : i32 to vector<16xi32>
      %parallel_loop3A_237 = arith.addi %parallel_loop3A_235, %parallel_loop3A_236 : vector<16xi32>
      %parallel_loop3A_238 = tpu.vector_load_idx %arg16[%parallel_loop3A_237] : memref<10240xf32, #tpu.memory_space<vmem>>[vector<16xi32>], vector<16xf32>,
      %parallel_loop3A_239 = arith.constant 320 : i32
      %parallel_loop3A_240 = arith.muli %parallel_loop3A_36, %parallel_loop3A_239 : i32
      %parallel_loop3A_241 = arith.constant 224 : i32
      %parallel_loop3A_242 = arith.addi %parallel_loop3A_240, %parallel_loop3A_241 : i32
      %parallel_loop3A_243 = arith.constant 0 : i32
      %parallel_loop3A_244 = arith.addi %parallel_loop3A_242, %parallel_loop3A_243 : i32
      %parallel_loop3A_245 = arith.index_cast %parallel_loop3A_244 : i32 to index
      %parallel_loop3A_246 = tpu.vector_load %arg19[%parallel_loop3A_245] {strides = array<i32>} : memref<10240xf32, #tpu.memory_space<vmem>>, vector<16xf32>,
      tpu.vector_store %arg19[%parallel_loop3A_245], %parallel_loop3A_238 {strides = array<i32>} : memref<10240xf32, #tpu.memory_space<vmem>>, vector<16xf32>,
      %parallel_loop3A_247 = arith.constant 7680 : i32
      %parallel_loop3A_248 = vector.broadcast %parallel_loop3A_247 : i32 to vector<16xi32>
      %parallel_loop3A_249 = arith.addi %parallel_loop3A_248, %mul3A_32 : vector<16xi32>
      %parallel_loop3A_250 = vector.broadcast %parallel_loop3A_36 : i32 to vector<16xi32>
      %parallel_loop3A_251 = arith.addi %parallel_loop3A_249, %parallel_loop3A_250 : vector<16xi32>
      %parallel_loop3A_252 = tpu.vector_load_idx %arg16[%parallel_loop3A_251] : memref<10240xf32, #tpu.memory_space<vmem>>[vector<16xi32>], vector<16xf32>,
      %parallel_loop3A_253 = arith.constant 320 : i32
      %parallel_loop3A_254 = arith.muli %parallel_loop3A_36, %parallel_loop3A_253 : i32
      %parallel_loop3A_255 = arith.constant 224 : i32
      %parallel_loop3A_256 = arith.addi %parallel_loop3A_254, %parallel_loop3A_255 : i32
      %parallel_loop3A_257 = arith.constant 16 : i32
      %parallel_loop3A_258 = arith.addi %parallel_loop3A_256, %parallel_loop3A_257 : i32
      %parallel_loop3A_259 = arith.index_cast %parallel_loop3A_258 : i32 to index
      %parallel_loop3A_260 = tpu.vector_load %arg19[%parallel_loop3A_259] {strides = array<i32>} : memref<10240xf32, #tpu.memory_space<vmem>>, vector<16xf32>,
      tpu.vector_store %arg19[%parallel_loop3A_259], %parallel_loop3A_252 {strides = array<i32>} : memref<10240xf32, #tpu.memory_space<vmem>>, vector<16xf32>,
      %parallel_loop3A_261 = arith.constant 8192 : i32
      %parallel_loop3A_262 = vector.broadcast %parallel_loop3A_261 : i32 to vector<16xi32>
      %parallel_loop3A_263 = arith.addi %parallel_loop3A_262, %mul3A_32 : vector<16xi32>
      %parallel_loop3A_264 = vector.broadcast %parallel_loop3A_36 : i32 to vector<16xi32>
      %parallel_loop3A_265 = arith.addi %parallel_loop3A_263, %parallel_loop3A_264 : vector<16xi32>
      %parallel_loop3A_266 = tpu.vector_load_idx %arg16[%parallel_loop3A_265] : memref<10240xf32, #tpu.memory_space<vmem>>[vector<16xi32>], vector<16xf32>,
      %parallel_loop3A_267 = arith.constant 320 : i32
      %parallel_loop3A_268 = arith.muli %parallel_loop3A_36, %parallel_loop3A_267 : i32
      %parallel_loop3A_269 = arith.constant 256 : i32
      %parallel_loop3A_270 = arith.addi %parallel_loop3A_268, %parallel_loop3A_269 : i32
      %parallel_loop3A_271 = arith.constant 0 : i32
      %parallel_loop3A_272 = arith.addi %parallel_loop3A_270, %parallel_loop3A_271 : i32
      %parallel_loop3A_273 = arith.index_cast %parallel_loop3A_272 : i32 to index
      %parallel_loop3A_274 = tpu.vector_load %arg19[%parallel_loop3A_273] {strides = array<i32>} : memref<10240xf32, #tpu.memory_space<vmem>>, vector<16xf32>,
      tpu.vector_store %arg19[%parallel_loop3A_273], %parallel_loop3A_266 {strides = array<i32>} : memref<10240xf32, #tpu.memory_space<vmem>>, vector<16xf32>,
      %parallel_loop3A_275 = arith.constant 8704 : i32
      %parallel_loop3A_276 = vector.broadcast %parallel_loop3A_275 : i32 to vector<16xi32>
      %parallel_loop3A_277 = arith.addi %parallel_loop3A_276, %mul3A_32 : vector<16xi32>
      %parallel_loop3A_278 = vector.broadcast %parallel_loop3A_36 : i32 to vector<16xi32>
      %parallel_loop3A_279 = arith.addi %parallel_loop3A_277, %parallel_loop3A_278 : vector<16xi32>
      %parallel_loop3A_280 = tpu.vector_load_idx %arg16[%parallel_loop3A_279] : memref<10240xf32, #tpu.memory_space<vmem>>[vector<16xi32>], vector<16xf32>,
      %parallel_loop3A_281 = arith.constant 320 : i32
      %parallel_loop3A_282 = arith.muli %parallel_loop3A_36, %parallel_loop3A_281 : i32
      %parallel_loop3A_283 = arith.constant 256 : i32
      %parallel_loop3A_284 = arith.addi %parallel_loop3A_282, %parallel_loop3A_283 : i32
      %parallel_loop3A_285 = arith.constant 16 : i32
      %parallel_loop3A_286 = arith.addi %parallel_loop3A_284, %parallel_loop3A_285 : i32
      %parallel_loop3A_287 = arith.index_cast %parallel_loop3A_286 : i32 to index
      %parallel_loop3A_288 = tpu.vector_load %arg19[%parallel_loop3A_287] {strides = array<i32>} : memref<10240xf32, #tpu.memory_space<vmem>>, vector<16xf32>,
      tpu.vector_store %arg19[%parallel_loop3A_287], %parallel_loop3A_280 {strides = array<i32>} : memref<10240xf32, #tpu.memory_space<vmem>>, vector<16xf32>,
      %parallel_loop3A_289 = arith.constant 9216 : i32
      %parallel_loop3A_290 = vector.broadcast %parallel_loop3A_289 : i32 to vector<16xi32>
      %parallel_loop3A_291 = arith.addi %parallel_loop3A_290, %mul3A_32 : vector<16xi32>
      %parallel_loop3A_292 = vector.broadcast %parallel_loop3A_36 : i32 to vector<16xi32>
      %parallel_loop3A_293 = arith.addi %parallel_loop3A_291, %parallel_loop3A_292 : vector<16xi32>
      %parallel_loop3A_294 = tpu.vector_load_idx %arg16[%parallel_loop3A_293] : memref<10240xf32, #tpu.memory_space<vmem>>[vector<16xi32>], vector<16xf32>,
      %parallel_loop3A_295 = arith.constant 320 : i32
      %parallel_loop3A_296 = arith.muli %parallel_loop3A_36, %parallel_loop3A_295 : i32
      %parallel_loop3A_297 = arith.constant 288 : i32
      %parallel_loop3A_298 = arith.addi %parallel_loop3A_296, %parallel_loop3A_297 : i32
      %parallel_loop3A_299 = arith.constant 0 : i32
      %parallel_loop3A_300 = arith.addi %parallel_loop3A_298, %parallel_loop3A_299 : i32
      %parallel_loop3A_301 = arith.index_cast %parallel_loop3A_300 : i32 to index
      %parallel_loop3A_302 = tpu.vector_load %arg19[%parallel_loop3A_301] {strides = array<i32>} : memref<10240xf32, #tpu.memory_space<vmem>>, vector<16xf32>,
      tpu.vector_store %arg19[%parallel_loop3A_301], %parallel_loop3A_294 {strides = array<i32>} : memref<10240xf32, #tpu.memory_space<vmem>>, vector<16xf32>,
      %parallel_loop3A_303 = arith.constant 9728 : i32
      %parallel_loop3A_304 = vector.broadcast %parallel_loop3A_303 : i32 to vector<16xi32>
      %parallel_loop3A_305 = arith.addi %parallel_loop3A_304, %mul3A_32 : vector<16xi32>
      %parallel_loop3A_306 = vector.broadcast %parallel_loop3A_36 : i32 to vector<16xi32>
      %parallel_loop3A_307 = arith.addi %parallel_loop3A_305, %parallel_loop3A_306 : vector<16xi32>
      %parallel_loop3A_308 = tpu.vector_load_idx %arg16[%parallel_loop3A_307] : memref<10240xf32, #tpu.memory_space<vmem>>[vector<16xi32>], vector<16xf32>,
      %parallel_loop3A_309 = arith.constant 320 : i32
      %parallel_loop3A_310 = arith.muli %parallel_loop3A_36, %parallel_loop3A_309 : i32
      %parallel_loop3A_311 = arith.constant 288 : i32
      %parallel_loop3A_312 = arith.addi %parallel_loop3A_310, %parallel_loop3A_311 : i32
      %parallel_loop3A_313 = arith.constant 16 : i32
      %parallel_loop3A_314 = arith.addi %parallel_loop3A_312, %parallel_loop3A_313 : i32
      %parallel_loop3A_315 = arith.index_cast %parallel_loop3A_314 : i32 to index
      %parallel_loop3A_316 = tpu.vector_load %arg19[%parallel_loop3A_315] {strides = array<i32>} : memref<10240xf32, #tpu.memory_space<vmem>>, vector<16xf32>,
      tpu.vector_store %arg19[%parallel_loop3A_315], %parallel_loop3A_308 {strides = array<i32>} : memref<10240xf32, #tpu.memory_space<vmem>>, vector<16xf32>,
      %parallel_loop3A_317 = arith.constant 0 : i32
      %parallel_loop3A_318 = vector.broadcast %parallel_loop3A_317 : i32 to vector<16xi32>
      %parallel_loop3A_319 = arith.addi %parallel_loop3A_318, %mul3A_32 : vector<16xi32>
      %parallel_loop3A_320 = vector.broadcast %parallel_loop3A_36 : i32 to vector<16xi32>
      %parallel_loop3A_321 = arith.addi %parallel_loop3A_319, %parallel_loop3A_320 : vector<16xi32>
      %parallel_loop3A_322 = tpu.vector_load_idx %arg17[%parallel_loop3A_321] : memref<2048xf32, #tpu.memory_space<vmem>>[vector<16xi32>], vector<16xf32>,
      %parallel_loop3A_323 = arith.constant 64 : i32
      %parallel_loop3A_324 = arith.muli %parallel_loop3A_36, %parallel_loop3A_323 : i32
      %parallel_loop3A_325 = arith.constant 0 : i32
      %parallel_loop3A_326 = arith.addi %parallel_loop3A_324, %parallel_loop3A_325 : i32
      %parallel_loop3A_327 = arith.index_cast %parallel_loop3A_326 : i32 to index
      %parallel_loop3A_328 = tpu.vector_load %arg18[%parallel_loop3A_327] {strides = array<i32>} : memref<2048xf32, #tpu.memory_space<vmem>>, vector<16xf32>,
      tpu.vector_store %arg18[%parallel_loop3A_327], %parallel_loop3A_322 {strides = array<i32>} : memref<2048xf32, #tpu.memory_space<vmem>>, vector<16xf32>,
      %parallel_loop3A_329 = arith.constant 512 : i32
      %parallel_loop3A_330 = vector.broadcast %parallel_loop3A_329 : i32 to vector<16xi32>
      %parallel_loop3A_331 = arith.addi %parallel_loop3A_330, %mul3A_32 : vector<16xi32>
      %parallel_loop3A_332 = vector.broadcast %parallel_loop3A_36 : i32 to vector<16xi32>
      %parallel_loop3A_333 = arith.addi %parallel_loop3A_331, %parallel_loop3A_332 : vector<16xi32>
      %parallel_loop3A_334 = tpu.vector_load_idx %arg17[%parallel_loop3A_333] : memref<2048xf32, #tpu.memory_space<vmem>>[vector<16xi32>], vector<16xf32>,
      %parallel_loop3A_335 = arith.constant 64 : i32
      %parallel_loop3A_336 = arith.muli %parallel_loop3A_36, %parallel_loop3A_335 : i32
      %parallel_loop3A_337 = arith.constant 16 : i32
      %parallel_loop3A_338 = arith.addi %parallel_loop3A_336, %parallel_loop3A_337 : i32
      %parallel_loop3A_339 = arith.index_cast %parallel_loop3A_338 : i32 to index
      %parallel_loop3A_340 = tpu.vector_load %arg18[%parallel_loop3A_339] {strides = array<i32>} : memref<2048xf32, #tpu.memory_space<vmem>>, vector<16xf32>,
      tpu.vector_store %arg18[%parallel_loop3A_339], %parallel_loop3A_334 {strides = array<i32>} : memref<2048xf32, #tpu.memory_space<vmem>>, vector<16xf32>,
      %parallel_loop3A_341 = arith.constant 1024 : i32
      %parallel_loop3A_342 = vector.broadcast %parallel_loop3A_341 : i32 to vector<16xi32>
      %parallel_loop3A_343 = arith.addi %parallel_loop3A_342, %mul3A_32 : vector<16xi32>
      %parallel_loop3A_344 = vector.broadcast %parallel_loop3A_36 : i32 to vector<16xi32>
      %parallel_loop3A_345 = arith.addi %parallel_loop3A_343, %parallel_loop3A_344 : vector<16xi32>
      %parallel_loop3A_346 = tpu.vector_load_idx %arg17[%parallel_loop3A_345] : memref<2048xf32, #tpu.memory_space<vmem>>[vector<16xi32>], vector<16xf32>,
      %parallel_loop3A_347 = arith.constant 64 : i32
      %parallel_loop3A_348 = arith.muli %parallel_loop3A_36, %parallel_loop3A_347 : i32
      %parallel_loop3A_349 = arith.constant 32 : i32
      %parallel_loop3A_350 = arith.addi %parallel_loop3A_348, %parallel_loop3A_349 : i32
      %parallel_loop3A_351 = arith.index_cast %parallel_loop3A_350 : i32 to index
      %parallel_loop3A_352 = tpu.vector_load %arg18[%parallel_loop3A_351] {strides = array<i32>} : memref<2048xf32, #tpu.memory_space<vmem>>, vector<16xf32>,
      tpu.vector_store %arg18[%parallel_loop3A_351], %parallel_loop3A_346 {strides = array<i32>} : memref<2048xf32, #tpu.memory_space<vmem>>, vector<16xf32>,
      %parallel_loop3A_353 = arith.constant 1536 : i32
      %parallel_loop3A_354 = vector.broadcast %parallel_loop3A_353 : i32 to vector<16xi32>
      %parallel_loop3A_355 = arith.addi %parallel_loop3A_354, %mul3A_32 : vector<16xi32>
      %parallel_loop3A_356 = vector.broadcast %parallel_loop3A_36 : i32 to vector<16xi32>
      %parallel_loop3A_357 = arith.addi %parallel_loop3A_355, %parallel_loop3A_356 : vector<16xi32>
      %parallel_loop3A_358 = tpu.vector_load_idx %arg17[%parallel_loop3A_357] : memref<2048xf32, #tpu.memory_space<vmem>>[vector<16xi32>], vector<16xf32>,
      %parallel_loop3A_359 = arith.constant 64 : i32
      %parallel_loop3A_360 = arith.muli %parallel_loop3A_36, %parallel_loop3A_359 : i32
      %parallel_loop3A_361 = arith.constant 48 : i32
      %parallel_loop3A_362 = arith.addi %parallel_loop3A_360, %parallel_loop3A_361 : i32
      %parallel_loop3A_363 = arith.index_cast %parallel_loop3A_362 : i32 to index
      %parallel_loop3A_364 = tpu.vector_load %arg18[%parallel_loop3A_363] {strides = array<i32>} : memref<2048xf32, #tpu.memory_space<vmem>>, vector<16xf32>,
      tpu.vector_store %arg18[%parallel_loop3A_363], %parallel_loop3A_358 {strides = array<i32>} : memref<2048xf32, #tpu.memory_space<vmem>>, vector<16xf32>,
    } {sc.loop_unroll_factor = 1 : i64, sc.parallel_access}
    "tpu.region"() ({
      %run_scoped3A = tpu.sem_alloc : memref<!tpu.dma_semaphore, #tpu.memory_space<semaphore_mem>>
      %dma_start3A = arith.constant 0 : i32
      %dma_start3A_36 = tpu.memref_slice %arg4[%add3A, %dma_start3A] : memref<32x2048xf32, #tpu.memory_space<hbm>> -> memref<1x2048xf32, #tpu.memory_space<hbm>>
      %dma_start3A_37 = tpu.memref_squeeze %dma_start3A_36 : memref<1x2048xf32, #tpu.memory_space<hbm>> -> memref<2048xf32, #tpu.memory_space<hbm>>
      %dma_start3A_38 = arith.constant 0 : i32
      %dma_start3A_39 = tpu.memref_slice %arg4[%add3A, %dma_start3A_38] : memref<32x2048xf32, #tpu.memory_space<hbm>> -> memref<1x2048xf32, #tpu.memory_space<hbm>>
      %dma_start3A_40 = tpu.memref_squeeze %dma_start3A_39 : memref<1x2048xf32, #tpu.memory_space<hbm>> -> memref<2048xf32, #tpu.memory_space<hbm>>
      tpu.enqueue_dma source(%arg18 : memref<2048xf32, #tpu.memory_space<vmem>>) target(%dma_start3A_40 : memref<2048xf32, #tpu.memory_space<hbm>>) target_semaphore(%run_scoped3A : memref<!tpu.dma_semaphore, #tpu.memory_space<semaphore_mem>>)
      %dma_wait3A = arith.constant 0 : i32
      %dma_wait3A_41 = tpu.memref_slice %arg4[%add3A, %dma_wait3A] : memref<32x2048xf32, #tpu.memory_space<hbm>> -> memref<1x2048xf32, #tpu.memory_space<hbm>>
      %dma_wait3A_42 = tpu.memref_squeeze %dma_wait3A_41 : memref<1x2048xf32, #tpu.memory_space<hbm>> -> memref<2048xf32, #tpu.memory_space<hbm>>
      %dma_wait3A_43 = arith.constant 0 : i32
      %dma_wait3A_44 = tpu.memref_slice %arg4[%add3A, %dma_wait3A_43] : memref<32x2048xf32, #tpu.memory_space<hbm>> -> memref<1x2048xf32, #tpu.memory_space<hbm>>
      %dma_wait3A_45 = tpu.memref_squeeze %dma_wait3A_44 : memref<1x2048xf32, #tpu.memory_space<hbm>> -> memref<2048xf32, #tpu.memory_space<hbm>>
      tpu.wait_dma2 semaphore(%run_scoped3A : memref<!tpu.dma_semaphore, #tpu.memory_space<semaphore_mem>>) src(%arg18 : memref<2048xf32, #tpu.memory_space<vmem>>) dst(%dma_wait3A_45 : memref<2048xf32, #tpu.memory_space<hbm>>)
      tpu.yield
    }) : () -> ()
    "tpu.region"() ({
      %run_scoped3A = tpu.sem_alloc : memref<!tpu.dma_semaphore, #tpu.memory_space<semaphore_mem>>
      %dma_start3A = arith.constant 0 : i32
      %dma_start3A_36 = tpu.memref_slice %arg5[%add3A, %dma_start3A] : memref<32x10240xf32, #tpu.memory_space<hbm>> -> memref<1x10240xf32, #tpu.memory_space<hbm>>
      %dma_start3A_37 = tpu.memref_squeeze %dma_start3A_36 : memref<1x10240xf32, #tpu.memory_space<hbm>> -> memref<10240xf32, #tpu.memory_space<hbm>>
      %dma_start3A_38 = arith.constant 0 : i32
      %dma_start3A_39 = tpu.memref_slice %arg5[%add3A, %dma_start3A_38] : memref<32x10240xf32, #tpu.memory_space<hbm>> -> memref<1x10240xf32, #tpu.memory_space<hbm>>
      %dma_start3A_40 = tpu.memref_squeeze %dma_start3A_39 : memref<1x10240xf32, #tpu.memory_space<hbm>> -> memref<10240xf32, #tpu.memory_space<hbm>>
      tpu.enqueue_dma source(%arg19 : memref<10240xf32, #tpu.memory_space<vmem>>) target(%dma_start3A_40 : memref<10240xf32, #tpu.memory_space<hbm>>) target_semaphore(%run_scoped3A : memref<!tpu.dma_semaphore, #tpu.memory_space<semaphore_mem>>)
      %dma_wait3A = arith.constant 0 : i32
      %dma_wait3A_41 = tpu.memref_slice %arg5[%add3A, %dma_wait3A] : memref<32x10240xf32, #tpu.memory_space<hbm>> -> memref<1x10240xf32, #tpu.memory_space<hbm>>
      %dma_wait3A_42 = tpu.memref_squeeze %dma_wait3A_41 : memref<1x10240xf32, #tpu.memory_space<hbm>> -> memref<10240xf32, #tpu.memory_space<hbm>>
      %dma_wait3A_43 = arith.constant 0 : i32
      %dma_wait3A_44 = tpu.memref_slice %arg5[%add3A, %dma_wait3A_43] : memref<32x10240xf32, #tpu.memory_space<hbm>> -> memref<1x10240xf32, #tpu.memory_space<hbm>>
      %dma_wait3A_45 = tpu.memref_squeeze %dma_wait3A_44 : memref<1x10240xf32, #tpu.memory_space<hbm>> -> memref<10240xf32, #tpu.memory_space<hbm>>
      tpu.wait_dma2 semaphore(%run_scoped3A : memref<!tpu.dma_semaphore, #tpu.memory_space<semaphore_mem>>) src(%arg19 : memref<10240xf32, #tpu.memory_space<vmem>>) dst(%dma_wait3A_45 : memref<10240xf32, #tpu.memory_space<hbm>>)
      tpu.yield
    }) : () -> ()
    return
  }
}

</mosaic_0001>

<sc_bundles>
// kernel: _sc_call.3.cloned.1.call-start
scs
__scs_entry_jumppad:
0x0: {  	(pc) =	sbr.rel $0x88, $3  }
0x1: {  	(tag) =	ssettag $0x0;
	lr =	simm.s32 $0x1  }
0x2: {  	[smem:$0x3F9F] =	sst lr;
	_ =	strace $0xD0000000  }
0x3: {  	_ = 	snop  }
0x4: {  	_ = 	snop  }
0x5: {  	_ = 	snop  }
0x6: {  	_ = 	snop  }
0x7: {  	_ = 	snop  }
__scs_overlays_trampoline_lowered:
0x8: {  	[smem:$0x3FAE] =	sst s0  }
0x9: {  	[smem:$0x3FAF] =	sst s1  }
0xa: {  	[smem:$0x3FB0] =	sst s2  }
0xb: {  	[smem:$0x3FB1] =	sst s3  }
0xc: {  	[smem:$0x3FB2] =	sst s4  }
0xd: {  	[smem:$0x3FB3] =	sst s5  }
0xe: {  	[smem:$0x3FB4] =	sst s6  }
0xf: {  	[smem:$0x3FB5] =	sst s7  }
0x10: {  	[smem:$0x3FB6] =	sst s8  }
0x11: {  	[smem:$0x3FB7] =	sst s9;
	s0 =	simm.s32 @!p0 $0x0  }
0x12: {  	s1 =	sld [smem:$0x3F9D];
	s0 =	simm.s32 @p0 $0x1  }
0x13: {  	[smem:$0x3FB8] =	sst s0;
	s0 =	simm.s32 @!p1 $0x0  }
0x14: {  	s2 =	sld [smem:$0x3F9C];
	s0 =	simm.s32 @p1 $0x1  }
0x15: {  	[smem:$0x3FB9] =	sst s0;
	s0 =	simm.s32 @!p2 $0x0  }
0x16: {  	s3 =	sld [smem:$0x3FDB];
	s0 =	simm.s32 @p2 $0x1  }
0x17: {  	s4 =	simm.s32 $0x1BF5;
	[smem:$0x3FBB] =	sst s0  }
0x18: {  	s0 =	sld [smem:$0x3F9E];
	_ =	swait.ge [sflag:s4], $0x0  }
0x19: {  	s7 =	sld [smem:$0x3F9F]  }
0x1a: {  	s8 =	sadd.s32 $0xFFFFE003, lr  }
0x1b: {  	s9 =	sadd.s32 $0xFFFFFEF7, lr;
	s5 =	simm.s32 $0xFFFFFFFF;
	p2 =	slt.u32 s8, $0xFFFFF086  }
0x1c: {  	p1 =	slt.u32 s9, $0xF7A;
	s5 =	simm.s32 @!p2 $0x0  }
0x1d: {  	s5 =	simm.s32 @p1 $0x1;
	p0 =	seq.s32 s7, s2  }
0x1e: {  	s7 =	smul.u32 @!p0 $0xF7A, s2;
	p2 =	seq.s32 @!p0 s5, $0x0  }
0x1f: {  	s9 =	smul.u32 $0xF7A, s1;
	s8 =	simm.s32 @!p0 $0x1BF5;
	p2 =	por !p2, p0  }
0x20: {  	[sflag:s8] =	ssyncset.s32 @!p0 $0xFFFFF086;
	s6 =	sadd.s32 @!p0 s3, s7;
	s7 =	simm.s32 @!p0 $0x108  }
0x21: {  	s3 =	sadd.s32 s3, s9;
	s6 =	sadd.s32 @!p0 $0x88, s6;
	s7 =	simm.s32 @p2 $0x1082  }
0x22: {  	[simem:s7], [sflag:s8] =	dma.local @!p0 [hbm:s6], $0xF7A  }
0x23: {  	s9 =	sor.u32 $0xD0000000, s2;
	s6 =	simm.s32 $0x108;
	_ =	swait.ge @!p0 [sflag:s8], $0x0  }
0x24: {  	s3 =	sadd.s32 $0x88, s3;
	s6 =	simm.s32 @!p1 $0x1082;
	[sflag:s4] =	ssyncset.s32 $0xFFFFF086  }
0x25: {  	[simem:s6], [sflag:s4] =	dma.local [hbm:s3], $0xF7A  }
0x26: {  	[smem:$0x3F9F] =	sst s1;
	(tag) =	ssettag s2;
	_ =	strace s9  }
0x27: {  	s1 =	sld [smem:$0x3FAF]  }
0x28: {  	s2 =	sld [smem:$0x3FB0]  }
0x29: {  	s4 =	sld [smem:$0x3FB2]  }
0x2a: {  	p0 =	seq.s32 s5, $0x0;
	s5 =	sld [smem:$0x3FB3]  }
0x2b: {  	s6 =	sld [smem:$0x3FB4]  }
0x2c: {  	s7 =	sld [smem:$0x3FB5]  }
0x2d: {  	s3 =	simm.s32 $0x108;
	s8 =	sld [smem:$0x3FB6]  }
0x2e: {  	s3 =	simm.s32 @!p0 $0x1082;
	s9 =	sld [smem:$0x3FB7]  }
0x2f: {  	lr =	sadd.s32 s0, s3;
	s0 =	sld [smem:$0x3FAE]  }
0x30: {  	s3 =	sld [smem:$0x3FB1]  }
0x31: {  	[smem:$0x3FBA] =	sst s10  }
0x32: {  	s10 =	sld [smem:$0x3FB8];
	_ =	sdelay $0x3  }
0x33: {  	p0 =	seq.s32 s10, $0x1;
	s10 =	sld [smem:$0x3FBA];
	_ =	sdelay $0x3  }
0x34: {  	[smem:$0x3FBA] =	sst s10  }
0x35: {  	s10 =	sld [smem:$0x3FB9];
	_ =	sdelay $0x3  }
0x36: {  	p1 =	seq.s32 s10, $0x1;
	s10 =	sld [smem:$0x3FBA];
	_ =	sdelay $0x3  }
0x37: {  	[smem:$0x3FBA] =	sst s10  }
0x38: {  	s10 =	sld [smem:$0x3FBB]  }
0x39: {  	_ = 	snop;
	(pc) =	sbr.ind lr, $3  }
0x3a: {  	_ = 	snop  }
0x3b: {  	_ = 	snop  }
0x3c: {  	p2 =	seq.s32 s10, $0x1;
	s10 =	sld [smem:$0x3FBA]  }
0x3d: {  	_ =	shalt  }
0x3e: {  	_ =	shalt  }
0x3f: {  	_ =	shalt  }
0x40: {  	_ =	shalt  }
0x41: {  	_ =	shalt  }
0x42: {  	_ =	shalt  }
0x43: {  	_ =	shalt  }
0x44: {  	_ =	shalt  }
0x45: {  	_ =	shalt  }
0x46: {  	_ =	shalt  }
0x47: {  	_ =	shalt  }
0x48: {  	_ =	shalt  }
0x49: {  	_ =	shalt  }
0x4a: {  	_ =	shalt  }
0x4b: {  	_ =	shalt  }
0x4c: {  	_ =	shalt  }
0x4d: {  	_ =	shalt  }
0x4e: {  	_ =	shalt  }
0x4f: {  	_ =	shalt  }
0x50: {  	_ =	shalt  }
0x51: {  	_ =	shalt  }
0x52: {  	_ =	shalt  }
0x53: {  	_ =	shalt  }
0x54: {  	_ =	shalt  }
0x55: {  	_ =	shalt  }
0x56: {  	_ =	shalt  }
0x57: {  	_ =	shalt  }
0x58: {  	_ =	shalt  }
0x59: {  	_ =	shalt  }
0x5a: {  	_ =	shalt  }
0x5b: {  	_ =	shalt  }
0x5c: {  	_ =	shalt  }
0x5d: {  	_ =	shalt  }
0x5e: {  	_ =	shalt  }
0x5f: {  	_ =	shalt  }
0x60: {  	_ =	shalt  }
0x61: {  	_ =	shalt  }
0x62: {  	_ =	shalt  }
0x63: {  	_ =	shalt  }
0x64: {  	_ =	shalt  }
0x65: {  	_ =	shalt  }
0x66: {  	_ =	shalt  }
0x67: {  	_ =	shalt  }
0x68: {  	_ =	shalt  }
0x69: {  	_ =	shalt  }
0x6a: {  	_ =	shalt  }
0x6b: {  	_ =	shalt  }
0x6c: {  	_ =	shalt  }
0x6d: {  	_ =	shalt  }
0x6e: {  	_ =	shalt  }
0x6f: {  	_ =	shalt  }
0x70: {  	_ =	shalt  }
0x71: {  	_ =	shalt  }
0x72: {  	_ =	shalt  }
0x73: {  	_ =	shalt  }
0x74: {  	_ =	shalt  }
0x75: {  	_ =	shalt  }
0x76: {  	_ =	shalt  }
0x77: {  	_ =	shalt  }
0x78: {  	_ =	shalt  }
0x79: {  	_ =	shalt  }
0x7a: {  	_ =	shalt  }
0x7b: {  	_ =	shalt  }
0x7c: {  	_ =	shalt  }
0x7d: {  	_ =	shalt  }
0x7e: {  	_ =	shalt  }
0x7f: {  	_ =	shalt  }
0x80: {  	_ =	shalt  }
0x81: {  	_ =	shalt  }
0x82: {  	_ =	shalt  }
0x83: {  	_ =	shalt  }
0x84: {  	_ =	shalt  }
0x85: {  	_ =	shalt  }
0x86: {  	_ =	shalt  }
0x87: {  	_ =	shalt  }
.Lfunc_end0:
.L_simem_size_0:
called_computation_lowered:
.L_overlay_start_0:
0x88: {  	s2 =	sld [smem:$0x3FD9]  }
0x89: {  	s3 =	sld [smem:$0x3FFE];
	_ =	sdelay $0x1  }
0x8a: {  	s1 =	srdreg.scid  }
0x8b: {  	s0 =	sand.u32 $0x1, s1  }
0x8c: {  	s15 =	sshll.u32 s0, $0xA;
	s2 =	sadd.s32 s3, s2  }
0x8d: {  	s2 =	sadd.s32 s2, s15  }
0x8e: {  	[smem:$0x3FC6] =	sst s2  }
0x8f: {  	_ = 	snop  }
0x90: {  	s2 =	sld [smem:$0x3FD0];
	_ =	sdelay $0x1  }
0x91: {  	s16 =	sld [smem:$0x3FC9]  }
0x92: {  	s5 =	simm.s32 $0xA;
	s6 =	simm.s32 $0x10;
	s4 =	sld [smem:$0x3FC8]  }
0x93: {  	[smem:s6], [sflag:s5] =	dma.local [hbm:s2], $0x1  }
0x94: {  	_ =	swait.eq [sflag:s5], $0x1  }
0x95: {  	[sflag:s5] =	ssyncset.done $0x0  }
0x96: {  	s17 =	sld [smem:$0x10];
	[sflag:s5] =	ssyncadd.s32 $0xFFFFFFFF  }
0x97: {  	s18 =	sld [smem:$0x11];
	(tm) =	ssettm $0x1  }
0x98: {  	s19 =	sld [smem:$0x3FFB];
	_ =	sdelay $0x3  }
0x99: {  	_ =	strace s19  }
0x9a: {  	s6 =	sld [smem:$0x3FFC];
	_ =	sdelay $0x3  }
0x9b: {  	_ =	strace s6  }
0x9c: {  	s6 =	sld [smem:$0x3FFD];
	_ =	sdelay $0x3  }
0x9d: {  	_ =	strace s6  }
0x9e: {  	_ =	strace $0x8FFFFFFF  }
0x9f: {  	s20 =	sld [smem:$0x3FDB];
	_ =	sdelay $0x1  }
0xa0: {  	s7 =	simm.s32 $_scs_section_size  }
0xa1: {  	s8 =	simm.s32 $_size__tile_overlayer_lowered;
	s9 =	simm.s32 $_tile_overlayer_lowered  }
0xa2: {  	s23 =	simm.s32 $0x1BFF;
	s22 =	sshll.u32 s9, $0x1;
	s6 =	sadd.s32 s7, s20  }
0xa3: {  	s10 =	simm.s32 $0x0;
	s21 =	sshll.u32 s8, $0x1;
	s8 =	sadd.s32 s22, s6  }
0xa4: {  	[timem:s10], [sflag:s23] =	dma.local [hbm:s8], s21  }
0xa5: {  	_ =	swait.ge [sflag:s23], s21  }
0xa6: {  	s7 =	ssub.s32 $0x0, s21;
	[sflag:s23] =	ssyncset.done $0x0  }
0xa7: {  	[sflag:s23] =	ssyncadd.s32 s7;
	_ =	sdelay $0x1  }
0xa8: {  	s24 =	simm.s32 $0x1B8B  }
0xa9: {  	_ =	swait.ge [sflag:s24], $0x1  }
0xaa: {  	[sflag:s24] =	ssyncset.done $0x0  }
0xab: {  	s25 =	simm.s32 $0x1B8E;
	[sflag:s24] =	ssyncadd.s32 $0xFFFFFFFF  }
0xac: {  	s26 =	simm.s32 $execute0_lowered;
	[smem:$0x3FD2] =	sst s25  }
0xad: {  	s7 =	sshll.u32 s26, $0x1;
	_ =	strace $0x80000046;
	[dreg:$0x1] =	wrdreg $0xFFFFFFFF  }
0xae: {  	s28 =	simm.s32 $_size_execute0_lowered;
	s6 =	sadd.s32 s6, s7;
	[dreg:$0x0] =	wrdreg $0x0  }
0xaf: {  	s7 =	sshll.u32 s28, $0x1;
	[dreg:$0x2] =	wrdreg s6  }
0xb0: {  	[dreg:$0x3] =	wrdreg s7  }
0xb1: {  	[dreg:$0x4] =	wrdreg $0xC0  }
0xb2: {  	_ =	task [dreg:s10], $0x5FFFF  }
0xb3: {  	[dreg:$0x1] =	wrdreg $0xFFFFFFFF  }
0xb4: {  	[dreg:$0x0] =	wrdreg $0x60  }
0xb5: {  	[dreg:$0x2] =	wrdreg s16  }
0xb6: {  	[dreg:$0x3] =	wrdreg s4  }
0xb7: {  	[dreg:$0x4] =	wrdreg s17  }
0xb8: {  	[dreg:$0x5] =	wrdreg s18  }
0xb9: {  	[dreg:$0x6] =	wrdreg $0x9  }
0xba: {  	_ =	task.clear_ibuf [dreg:s10], $0x7FFFF;
	_ =	strace $0x90000046  }
0xbb: {  	s29 =	simm.s32 $0x9;
	_ =	strace $0x80000048  }
0xbc: {  	_ =	swait.ge [sflag:s29], $0x1  }
0xbd: {  	[sflag:s29] =	ssyncadd.s32 $0xFFFFFFFF  }
0xbe: {  	_ =	strace $0x90000048  }
0xbf: {  	_ =	sfence  }
0xc0: {  	s30 =	sld [smem:$0x0];
	_ =	sdelay $0x2  }
0xc1: {  	s31 =	sshll.u32 s1, $0xD;
	s1 =	sshrl.u32 s1, $0x2  }
0xc2: {  	s3 =	sand.u32 $0x4000, s31;
	s1 =	sadd.s32 s1, s30  }
0xc3: {  	s0 =	sor.u32 s3, s0;
	s1 =	sshll.u32 s1, $0x11  }
0xc4: {  	s0 =	sor.u32 s1, s0  }
0xc5: {  	s0 =	sadd.s32 $0x8F2B, s0  }
0xc6: {  	[sflag:s0] =	ssyncadd.remote.s32 $0x1  }
0xc7: {  	_ =	sfence.sel $0xFFFF  }
0xc8: {  	[dreg:$0x0] =	wrdreg $0xFFFFFFFF;
	(pc) =	sbr.abs _section_cstart, $3  }
0xc9: {  	[dreg:$0x1] =	wrdreg $0xFFFFFFFF  }
0xca: {  	_ =	task.clear_ibuf [dreg:s10], $0x2FFFF;
	_ =	strace $0x9FFFFFFF  }
0xcb: {  	(tm) =	ssettm $0x7FFFFFFF  }
tec
execute0_lowered:
.L_overlay_start_1:
0x0: {  	(tag) =	ssettag $0x1  }
0x1: {  	s0 =	rddreg [dreg:$0x0]  }
0x2: {  	s1 =	rddreg [dreg:$0x1]  }
0x3: {  	s2 =	rddreg [dreg:$0x2]  }
0x4: {  	s3 =	rddreg [dreg:$0x3];
	s4 =	srdreg.scid  }
0x5: {  	s5 =	simm.s32 $0x0;
	s6 =	stileid.u32;
	s10 =	simm.s32 $0xD00  }
0x6: {  	s11 =	simm.s32 $0x1900;
	s12 =	simm.s32 $0x1100;
	s13 =	simm.s32 $0x1500  }
0x7: {  	s14 =	simm.s32 $0x100;
	s15 =	simm.s32 $0x500;
	s16 =	simm.s32 $0x900  }
0x8: {  	s17 =	simm.s32 $0x1D00;
	s18 =	simm.s32 $0x2100;
	s4 =	sand.u32 $0x1, s4  }
0x9: {  	s19 =	simm.s32 $0x4900;
	[smem:$0x7FF] =	sst s5;
	s25 =	sshll.u32 s4, $0x4  }
0xa: {  	_ =	strace $0x80000047;
	s4 =	ssub.s32 $0x2, s4;
	s5 =	sor.u32 s6, s25  }
0xb: {  	s6 =	sshll.u32 s6, $0x7;
	s7 =	sshrl.u32 s4, $0x1;
	s5 =	sshrl.u32 s5, $0x3  }
0xc: {  	s6 =	sand.u32 $0x380, s6;
	s4 =	ssub.s32 s4, s7;
	s8 =	sshll.u32 s5, $0xA  }
0xd: {  	s9 =	sshll.u32 s5, $0xE;
	s5 =	smul.u32 $0x14000, s5;
	s8 =	sor.u32 s6, s8  }
0xe: {  	s31 =	smax.u32 s4, $0x1;
	s28 =	sor.u32 s6, s9;
	s26 =	sshrl.u32 s8, $0x3  }
0xf: {  	[dreg:$0x9] =	wrdreg s31;
	s29 =	sshrl.u32 s28, $0x3;
	s0 =	sadd.s32 s0, s26  }
0x10: {  	v0 =	vlaneseq.u32;
	s5 =	sor.u32 s6, s5;
	s1 =	sadd.s32 s1, s26;
	[dreg:$0x5] =	wrdreg s0  }
0x11: {  	v1 =	vmul.u32 $0x20, v0;
	s30 =	sshrl.u32 s5, $0x3;
	[dreg:$0x6] =	wrdreg s1;
	s0 =	sadd.s32 s2, s29  }
0x12: {  	s23 =	simm.s32 $0x0;
	[dreg:$0x7] =	wrdreg s0;
	s0 =	sadd.s32 s3, s30  }
0x13: {  	v2 =	vimm.f32 $0.0e+00;
	v3 =	vor.u32 $0x10, v0;
	v4 =	vor.u32 $0x200, v1;
	s9 =	simm.s32 $0x80;
	s2 =	simm.s32 $0x1;
	[dreg:$0x8] =	wrdreg s0  }
.LBB2_1:
0x14: {  	s0 =	simm.s32 $0x0;
	s1 =	rddreg [dreg:$0x5]  }
0x15: {  	[tilespmem:s0], [sflag:$0x1] =	stream.linear.gather [hbm4b:s1+s0], $0x80, $0x38;
	[tilespmem:$0x8100] =	vst v63  }
0x16: {  	_ =	swait.ge [sflag:s2], $0x80  }
0x17: {  	[sflag:s2] =	ssyncset.done $0x0  }
0x18: {  	s31 =	rddreg [dreg:$0x6];
	[sflag:s2] =	ssyncadd.s32 $0xFFFFFF80  }
0x19: {  	[tilespmem:s9], [sflag:$0x1] =	stream.linear.gather [hbm4b:s31+s0], $0x80, $0x38;
	[tilespmem:$0x8100] =	vst v63  }
0x1a: {  	_ =	swait.ge [sflag:s2], $0x80  }
0x1b: {  	s1 =	simm.s32 $0x2100;
	[sflag:s2] =	ssyncset.done $0x0  }
0x1c: {  	s0 =	simm.s32 $0x4900;
	[sflag:s2] =	ssyncadd.s32 $0xFFFFFF80;
	s2 =	simm.s32 $0x0  }
.LBB2_2:
0x1d: {  	p0 =	sgt.u32 s2, $0x7F  }
0x1e: {  	[tilespmem:s1+$0x0] =	vst v2;
	s2 =	sadd.s32 $0x1, s2;
	v5 =	vimm.f32 @!p0 $0.0e+00  }
0x1f: {  	[tilespmem:s0+$0x0] =	vst @!p0 v5;
	p0 =	sne.s32 s2, $0x280  }
.Ltmp0:
0x20: {  	_ = 	snop;
	(pc) =	sbr.rel @p0 .LBB2_2-.Ltmp0, $2  }
0x21: {  	_ =	sdelay $0x2  }
0x22: {  	s1 =	sadd.s32 $0x10, s1;
	s0 =	sadd.s32 $0x10, s0  }
0x23: {  	s22 =	simm.s32 $0x0  }
0x24: {  	v5 =	vmov s22  }
0x25: {  	v6 =	vor.u32 $0x20, v5  }
0x26: {  	v7 =	vor.u32 $0x40, v5  }
0x27: {  	v8 =	vld [tilespmem:$0x20]  }
0x28: {  	v9 =	vld [tilespmem:$0x0]  }
0x29: {  	v13 =	vld.idx.msk [tilespmem:v5+s22+$0x0], $0xffff  }
0x2a: {  	v11 =	vld.idx.msk [tilespmem:v6+s22+$0x0], $0xffff  }
0x2b: {  	v10 =	vld.idx.msk [tilespmem:v7+s22+$0x0], $0xffff  }
0x2c: {  	v6 =	vld [tilespmem:$0x40];
	_ =	sdelay $0x2  }
0x2d: {  	v14 =	vsub.f32 v13, v9;
	v15 =	vsub.f32 v11, v8;
	_ =	sdelay $0x1  }
0x2e: {  	v16 =	vsub.f32 v10, v6;
	v6 =	vmul.f32 v14, v14;
	v7 =	vmul.f32 v15, v15;
	_ =	sdelay $0x1  }
0x2f: {  	v6 =	vadd.f32 v7, v6;
	v7 =	vmul.f32 v16, v16;
	_ =	sdelay $0x1  }
0x30: {  	v17 =	vadd.f32 v7, v6;
	_ =	sdelay $0x1  }
0x31: {  	v19 =	vmul.f32 $8.056820030e-01, v17;
	_ =	sdelay $0x1  }
0x32: {  	v6 =	vmul.f32 $3.793018350e-19, v19;
	_ =	sdelay $0x1  }
0x33: {  	v20 =	vmul.f32 $3.650001590e-01, v17;
	v6 =	vadd.f32 $-1.559185160e-16, v6;
	_ =	sdelay $0x1  }
0x34: {  	v7 =	vmul.f32 $3.793018350e-19, v20;
	v6 =	vmul.f32 v6, v19;
	_ =	sdelay $0x1  }
0x35: {  	v7 =	vadd.f32 $-1.559185160e-16, v7;
	v6 =	vadd.f32 $4.779948210e-14, v6;
	_ =	sdelay $0x1  }
0x36: {  	v7 =	vmul.f32 v7, v20;
	v6 =	vmul.f32 v6, v19;
	_ =	sdelay $0x1  }
0x37: {  	v7 =	vadd.f32 $4.779948210e-14, v7;
	v6 =	vadd.f32 $-1.147087810e-11, v6;
	_ =	sdelay $0x1  }
0x38: {  	v7 =	vmul.f32 v7, v20;
	v6 =	vmul.f32 v6, v19  }
0x39: {  	v8 =	vshrl.u32 v17, $0x1;
	v12 =	vmul.f32 $5.000000000e-01, v17  }
0x3a: {  	v8 =	vsub.s32 $0x5F3759DF, v8;
	v7 =	vadd.f32 $-1.147087810e-11, v7;
	v6 =	vadd.f32 $2.087677140e-09, v6  }
0x3b: {  	v9 =	vmul.f32 v8, v12  }
0x3c: {  	v7 =	vmul.f32 v7, v20;
	v6 =	vmul.f32 v6, v19  }
0x3d: {  	v9 =	vmul.f32 v8, v9  }
0x3e: {  	v7 =	vadd.f32 $2.087677140e-09, v7;
	v6 =	vadd.f32 $-2.755732000e-07, v6  }
0x3f: {  	s0 =	simm.s32 $0x1;
	v9 =	vsub.f32 $1.500000000e+00, v9  }
0x40: {  	v7 =	vmul.f32 v7, v20;
	v18 =	vmul.f32 v6, v19;
	v6 =	vmov s0  }
0x41: {  	v21 =	vmul.f32 v8, v9;
	v9 =	vor.u32 $0x20, v6  }
0x42: {  	v7 =	vadd.f32 $-2.755732000e-07, v7;
	v8 =	vadd.f32 $2.480158760e-05, v18;
	v18 =	vor.u32 $0x40, v6  }
0x43: {  	v24 =	vld [tilespmem:$0x20];
	v22 =	vmul.f32 v21, v12  }
0x44: {  	v25 =	vld [tilespmem:$0x0];
	v7 =	vmul.f32 v7, v20;
	v23 =	vmul.f32 v8, v19  }
0x45: {  	v22 =	vmul.f32 v22, v21;
	v8 =	vld.idx.msk [tilespmem:v6+s22+$0x0], $0xffff  }
0x46: {  	v26 =	vadd.f32 $2.480158760e-05, v7;
	v23 =	vadd.f32 $-1.388888920e-03, v23;
	v7 =	vld.idx.msk [tilespmem:v9+s22+$0x0], $0xffff  }
0x47: {  	v22 =	vsub.f32 $1.500000000e+00, v22;
	v9 =	vld.idx.msk [tilespmem:v18+s22+$0x0], $0xffff  }
0x48: {  	v18 =	vmul.f32 v26, v20;
	v26 =	vld [tilespmem:$0x40];
	v23 =	vmul.f32 v23, v19  }
0x49: {  	v21 =	vmul.f32 v22, v21  }
0x4a: {  	v22 =	vadd.f32 $-1.388888920e-03, v18;
	v27 =	vadd.f32 $4.166666790e-02, v23  }
0x4b: {  	v28 =	vmul.f32 v21, v12;
	v23 =	vsub.f32 v8, v25;
	v18 =	vsub.f32 v7, v24  }
0x4c: {  	v22 =	vmul.f32 v22, v20;
	v24 =	vmul.f32 v27, v19  }
0x4d: {  	v12 =	vsub.f32 v9, v26;
	v25 =	vmul.f32 v23, v23;
	v26 =	vmul.f32 v18, v18  }
0x4e: {  	v27 =	vmul.f32 v28, v21;
	v22 =	vadd.f32 $4.166666790e-02, v22  }
0x4f: {  	v24 =	vadd.f32 $-5.000000000e-01, v24;
	v25 =	vadd.f32 v26, v25;
	v26 =	vmul.f32 v12, v12  }
0x50: {  	v22 =	vmul.f32 v22, v20  }
0x51: {  	v19 =	vmul.f32 v24, v19;
	v24 =	vsub.f32 $1.500000000e+00, v27;
	v25 =	vadd.f32 v26, v25  }
0x52: {  	v22 =	vadd.f32 $-5.000000000e-01, v22  }
0x53: {  	v19 =	vadd.f32 $1.000000000e+00, v19;
	v21 =	vmul.f32 v24, v21;
	v24 =	vmul.f32 $8.056820030e-01, v25  }
0x54: {  	v20 =	vmul.f32 v22, v20;
	v26 =	vmul.f32 $3.650001590e-01, v25  }
0x55: {  	v19 =	vmul.f32 $5.000000000e-01, v19;
	v17 =	vmul.f32 v21, v17  }
0x56: {  	s5 =	simm.s32 $0x110;
	vm0 =	vne.s32 v5, v0;
	v22 =	vmul.f32 $3.793018350e-19, v24;
	v20 =	vadd.f32 $1.000000000e+00, v20  }
0x57: {  	s2 =	simm.s32 $0x510;
	[tilespmem:s5+$0xFFFFFFF0] =	vst v14;
	v14 =	vadd.f32 $5.000000000e-01, v19;
	v19 =	vmul.f32 $3.793018350e-19, v26;
	vm1 =	vle.f32 v17, $5.199999810e+00  }
0x58: {  	s6 =	simm.s32 $0x910;
	[tilespmem:s2+$0xFFFFFFF0] =	vst v15;
	vm2 =	vle.f32 v17, $3.500000000e+00;
	v22 =	vadd.f32 $-1.559185160e-16, v22;
	v20 =	vmul.f32 $1.250000000e-01, v20  }
0x59: {  	s24 =	simm.s32 $0xD10;
	[tilespmem:s6+$0xFFFFFFF0] =	vst v16;
	vm1 =	vmand vm0, vm1;
	v14 =	vmul.f32 $1.414213540e+00, v14;
	v15 =	vadd.f32 $-1.559185160e-16, v19  }
0x5a: {  	s25 =	simm.s32 $0x1110;
	[tilespmem:s24+$0xFFFFFFF0] =	vst v17;
	vm0 =	vmand vm0, vm2;
	v16 =	vmul.f32 v22, v24;
	v19 =	vadd.f32 $1.250000000e-01, v20  }
0x5b: {  	s26 =	simm.s32 $0x1510;
	[tilespmem:s25+$0xFFFFFFF0] =	vst v21;
	v14 =	vnsel vm0, $0x0, v14;
	v15 =	vmul.f32 v15, v26  }
0x5c: {  	s28 =	simm.s32 $0x1910;
	v16 =	vadd.f32 $4.779948210e-14, v16;
	v17 =	vnsel vm1, $0x0, v19;
	[tilespmem:s26+$0xFFFFFFF0] =	vst v14  }
0x5d: {  	[tilespmem:s28+$0xFFFFFFF0] =	vst v17;
	v14 =	vadd.f32 $4.779948210e-14, v15  }
0x5e: {  	v15 =	vmul.f32 v16, v24;
	v17 =	vld [tilespmem:$0x10]  }
0x5f: {  	v19 =	vmul.f32 $5.000000000e-01, v25;
	v16 =	vshrl.u32 v25, $0x1;
	v20 =	vld [tilespmem:$0x30];
	v14 =	vmul.f32 v14, v26  }
0x60: {  	v16 =	vsub.s32 $0x5F3759DF, v16;
	v15 =	vadd.f32 $-1.147087810e-11, v15  }
0x61: {  	v22 =	vld [tilespmem:$0x50];
	v21 =	vmul.f32 v16, v19;
	v14 =	vadd.f32 $-1.147087810e-11, v14  }
0x62: {  	v15 =	vmul.f32 v15, v24  }
0x63: {  	v21 =	vmul.f32 v16, v21;
	v27 =	vsub.f32 v13, v17;
	v13 =	vmul.f32 v14, v26  }
0x64: {  	v29 =	vsub.f32 v11, v20;
	v14 =	vadd.f32 $2.087677140e-09, v15  }
0x65: {  	v11 =	vsub.f32 $1.500000000e+00, v21;
	v15 =	vmul.f32 v27, v27;
	v13 =	vadd.f32 $2.087677140e-09, v13  }
0x66: {  	v32 =	vsub.f32 v10, v22;
	v10 =	vmul.f32 v29, v29;
	v14 =	vmul.f32 v14, v24  }
0x67: {  	v11 =	vmul.f32 v16, v11;
	v13 =	vmul.f32 v13, v26  }
0x68: {  	v16 =	vmul.f32 v32, v32;
	v10 =	vadd.f32 v10, v15;
	v14 =	vadd.f32 $-2.755732000e-07, v14  }
0x69: {  	v15 =	vmul.f32 v11, v19;
	v17 =	vadd.f32 $-2.755732000e-07, v13  }
0x6a: {  	v13 =	vadd.f32 v16, v10;
	v14 =	vmul.f32 v14, v24  }
0x6b: {  	v10 =	vmul.f32 v15, v11;
	v15 =	vmul.f32 v17, v26  }
0x6c: {  	v16 =	vadd.f32 $2.480158760e-05, v14;
	v14 =	vmul.f32 $8.056820030e-01, v13  }
0x6d: {  	v10 =	vsub.f32 $1.500000000e+00, v10;
	v15 =	vadd.f32 $2.480158760e-05, v15  }
0x6e: {  	v16 =	vmul.f32 v16, v24;
	v17 =	vmul.f32 $3.793018350e-19, v14  }
0x6f: {  	v20 =	vmul.f32 v10, v11;
	v11 =	vmul.f32 v15, v26  }
0x70: {  	v10 =	vmul.f32 $3.650001590e-01, v13;
	v15 =	vadd.f32 $-1.388888920e-03, v16;
	v16 =	vadd.f32 $-1.559185160e-16, v17  }
0x71: {  	s29 =	simm.s32 $0x2;
	v17 =	vshrl.u32 v13, $0x1;
	v19 =	vmul.f32 v20, v19;
	v21 =	vadd.f32 $-1.388888920e-03, v11  }
0x72: {  	v11 =	vmov s29;
	v31 =	vsub.s32 $0x5F3759DF, v17;
	v22 =	vmul.f32 v15, v24  }
0x73: {  	v19 =	vmul.f32 v19, v20;
	v28 =	vor.u32 $0x20, v11;
	v30 =	vor.u32 $0x40, v11  }
0x74: {  	v16 =	vmul.f32 v16, v14;
	v21 =	vmul.f32 v21, v26;
	v22 =	vadd.f32 $4.166666790e-02, v22  }
0x75: {  	v33 =	vld [tilespmem:$0x20];
	v17 =	vmul.f32 $3.793018350e-19, v10;
	v15 =	vmul.f32 $5.000000000e-01, v13;
	v19 =	vsub.f32 $1.500000000e+00, v19  }
0x76: {  	v35 =	vld [tilespmem:$0x0];
	v16 =	vadd.f32 $4.779948210e-14, v16;
	v34 =	vadd.f32 $4.166666790e-02, v21;
	v22 =	vmul.f32 v22, v24  }
0x77: {  	v17 =	vadd.f32 $-1.559185160e-16, v17;
	v36 =	vmul.f32 v31, v15;
	v37 =	vmul.f32 v19, v20;
	v21 =	vld.idx.msk [tilespmem:v11+s22+$0x0], $0xffff  }
0x78: {  	v16 =	vmul.f32 v16, v14;
	v19 =	vmul.f32 v34, v26;
	v20 =	vld.idx.msk [tilespmem:v28+s22+$0x0], $0xffff;
	v58 =	vadd.f32 $-5.000000000e-01, v22  }
0x79: {  	vm13 =	vne.s32 v6, v0;
	v28 =	vmul.f32 v31, v36;
	v22 =	vld.idx.msk [tilespmem:v30+s22+$0x0], $0xffff;
	v25 =	vmul.f32 v37, v25  }
0x7a: {  	v59 =	vmul.f32 v17, v10;
	v30 =	vld [tilespmem:$0x40];
	v19 =	vadd.f32 $-5.000000000e-01, v19;
	v24 =	vmul.f32 v58, v24  }
0x7b: {  	s0 =	simm.s32 $0x130;
	v60 =	vadd.f32 $-1.147087810e-11, v16;
	v28 =	vsub.f32 $1.500000000e+00, v28;
	vm14 =	vle.f32 v25, $5.199999810e+00  }
0x7c: {  	s1 =	simm.s32 $0x530;
	[tilespmem:s0+$0xFFFFFFF0] =	vst v23;
	vm15 =	vle.f32 v25, $3.500000000e+00;
	v17 =	vmul.f32 v19, v26;
	v24 =	vadd.f32 $1.000000000e+00, v24  }
0x7d: {  	[tilespmem:s1+$0xFFFFFFF0] =	vst v18;
	v18 =	vmul.f32 v60, v14;
	v19 =	vsub.f32 v21, v35;
	v16 =	vsub.f32 v20, v33  }
0x7e: {  	v26 =	vmul.f32 v31, v28;
	v61 =	vadd.f32 $1.000000000e+00, v17;
	v24 =	vmul.f32 $5.000000000e-01, v24  }
0x7f: {  	v62 =	vmul.f32 v19, v19;
	v17 =	vsub.f32 v22, v30;
	v28 =	vmul.f32 v16, v16  }
0x80: {  	vm1 =	vmand vm13, vm14;
	v18 =	vadd.f32 $2.087677140e-09, v18;
	v23 =	vadd.f32 $5.000000000e-01, v24  }
0x81: {  	s21 =	simm.s32 $0x930;
	v30 =	vmul.f32 $1.250000000e-01, v61;
	v24 =	vadd.f32 v28, v62;
	v28 =	vmul.f32 v17, v17  }
0x82: {  	s30 =	simm.s32 $0xD30;
	[tilespmem:s21+$0xFFFFFFF0] =	vst v12;
	v31 =	vadd.f32 $4.779948210e-14, v59;
	vm0 =	vmand vm13, vm15;
	v12 =	vmul.f32 $1.414213540e+00, v23  }
0x83: {  	s31 =	simm.s32 $0x1130;
	[tilespmem:s30+$0xFFFFFFF0] =	vst v25;
	v18 =	vmul.f32 v18, v14;
	v30 =	vadd.f32 $1.250000000e-01, v30;
	v23 =	vadd.f32 v28, v24  }
0x84: {  	s3 =	simm.s32 $0x1530;
	[tilespmem:s31+$0xFFFFFFF0] =	vst v37;
	v24 =	vmul.f32 v31, v10;
	v28 =	vmul.f32 v26, v15;
	v12 =	vnsel vm0, $0x0, v12  }
0x85: {  	s4 =	simm.s32 $0x1930;
	v18 =	vadd.f32 $-2.755732000e-07, v18;
	v30 =	vnsel vm1, $0x0, v30;
	[tilespmem:s3+$0xFFFFFFF0] =	vst v12  }
0x86: {  	v25 =	vmul.f32 $8.056820030e-01, v23;
	v31 =	vadd.f32 $-1.147087810e-11, v24;
	v12 =	vmul.f32 v28, v26;
	[tilespmem:s4+$0xFFFFFFF0] =	vst v30  }
0x87: {  	[tilespmem:s5+$0x0] =	vst v27;
	v33 =	vmul.f32 v18, v14;
	v24 =	vmul.f32 $3.650001590e-01, v23;
	v30 =	vld [tilespmem:$0x10]  }
0x88: {  	[tilespmem:s2+$0x0] =	vst v29;
	v63 =	vmul.f32 $3.793018350e-19, v25;
	v27 =	vmul.f32 v31, v10;
	v31 =	vld [tilespmem:$0x50]  }
0x89: {  	s20 =	simm.s32 $0x1930;
	s2 =	simm.s32 $0x1530;
	[tilespmem:s6+$0x0] =	vst v32;
	v28 =	vshrl.u32 v23, $0x1;
	v34 =	vmul.f32 $3.793018350e-19, v24;
	v32 =	vld [tilespmem:$0x30];
	v29 =	vsub.f32 $1.500000000e+00, v12  }
0x8a: {  	s5 =	simm.s32 $0x3;
	v18 =	vmovc v5;
	v28 =	vsub.s32 $0x5F3759DF, v28;
	v35 =	vadd.f32 $-1.559185160e-16, v63;
	v27 =	vadd.f32 $2.087677140e-09, v27;
	v12 =	vmovc v6  }
.LBB2_4:
0x8b: {  	p0 =	sne.s32 s5, $0x1F;
	v34 =	vadd.f32 $-1.559185160e-16, v34;
	vm1 =	vne.s32 v18, v3;
	v18 =	vmovc v12;
	v12 =	vmov v11;
	s6 =	smov.u32 s5;
	s5 =	sadd.s32 $0x1, s5  }
0x8c: {  	v11 =	vmul.f32 v35, v25;
	v30 =	vsub.f32 v8, v30;
	v33 =	vadd.f32 $2.480158760e-05, v33;
	v8 =	vmovc v21  }
0x8d: {  	v26 =	vmul.f32 v29, v26;
	v21 =	vmul.f32 v34, v24;
	v31 =	vsub.f32 v9, v31;
	v9 =	vmovc v22  }
0x8e: {  	v22 =	vmul.f32 $5.000000000e-01, v23;
	v11 =	vadd.f32 $4.779948210e-14, v11;
	v29 =	vsub.f32 v7, v32;
	[tilespmem:s0+$0x0] =	vst v30;
	v7 =	vmovc v20  }
0x8f: {  	v20 =	vadd.f32 $4.779948210e-14, v21;
	v21 =	vmul.f32 v30, v30;
	v30 =	vmul.f32 v33, v14  }
0x90: {  	vm0 =	vne.s32 v12, v0;
	v11 =	vmul.f32 v11, v25;
	v32 =	vmul.f32 v29, v29;
	[tilespmem:s1+$0x0] =	vst v29  }
0x91: {  	v15 =	vmul.f32 v26, v15;
	v29 =	vmul.f32 v31, v31;
	[tilespmem:s21+$0x0] =	vst v31;
	v30 =	vadd.f32 $-1.388888920e-03, v30  }
0x92: {  	v27 =	vmul.f32 v27, v10;
	v20 =	vmul.f32 v20, v24;
	v11 =	vadd.f32 $-1.147087810e-11, v11  }
0x93: {  	v31 =	vmul.f32 v28, v22;
	v21 =	vadd.f32 v32, v21;
	v30 =	vmul.f32 v30, v14  }
0x94: {  	v15 =	vmul.f32 v15, v26;
	v20 =	vadd.f32 $-1.147087810e-11, v20;
	v11 =	vmul.f32 v11, v25  }
0x95: {  	v31 =	vmul.f32 v28, v31;
	v21 =	vadd.f32 v29, v21;
	v29 =	vadd.f32 $4.166666790e-02, v30  }
0x96: {  	v20 =	vmul.f32 v20, v24;
	v11 =	vadd.f32 $2.087677140e-09, v11;
	v30 =	vsub.f32 $1.500000000e+00, v15  }
0x97: {  	v27 =	vadd.f32 $-2.755732000e-07, v27;
	v15 =	vmul.f32 $8.056820030e-01, v21;
	v29 =	vmul.f32 v29, v14  }
0x98: {  	v32 =	vmul.f32 $3.650001590e-01, v21;
	v20 =	vadd.f32 $2.087677140e-09, v20;
	v11 =	vmul.f32 v11, v25  }
0x99: {  	v31 =	vsub.f32 $1.500000000e+00, v31;
	v33 =	vmul.f32 $3.793018350e-19, v15;
	v29 =	vadd.f32 $-5.000000000e-01, v29  }
0x9a: {  	v27 =	vmul.f32 v27, v10;
	v20 =	vmul.f32 v20, v24;
	v11 =	vadd.f32 $-2.755732000e-07, v11  }
0x9b: {  	v28 =	vmul.f32 v28, v31;
	v31 =	vadd.f32 $-1.559185160e-16, v33;
	v29 =	vmul.f32 v29, v14;
	v14 =	vmovc v15  }
0x9c: {  	v27 =	vadd.f32 $2.480158760e-05, v27;
	v20 =	vadd.f32 $-2.755732000e-07, v20;
	v11 =	vmul.f32 v11, v25  }
0x9d: {  	v34 =	vshrl.u32 v21, $0x1;
	v33 =	vmul.f32 v28, v22;
	v15 =	vmul.f32 $5.000000000e-01, v21  }
0x9e: {  	v27 =	vmul.f32 v27, v10;
	v20 =	vmul.f32 v20, v24;
	v11 =	vadd.f32 $2.480158760e-05, v11  }
0x9f: {  	v34 =	vsub.s32 $0x5F3759DF, v34;
	v26 =	vmul.f32 v30, v26;
	v33 =	vmul.f32 v33, v28  }
0xa0: {  	v27 =	vadd.f32 $-1.388888920e-03, v27;
	v20 =	vadd.f32 $2.480158760e-05, v20;
	v11 =	vmul.f32 v11, v25  }
0xa1: {  	v35 =	vmul.f32 v26, v13;
	v13 =	vmovc v21;
	v30 =	vsub.f32 $1.500000000e+00, v33;
	v33 =	vmul.f32 $3.793018350e-19, v32  }
0xa2: {  	v21 =	vmul.f32 v27, v10;
	v20 =	vmul.f32 v20, v24;
	v11 =	vadd.f32 $-1.388888920e-03, v11  }
0xa3: {  	v27 =	vmul.f32 v30, v28;
	v28 =	vadd.f32 $-1.559185160e-16, v33;
	v30 =	vmul.f32 v31, v14;
	[tilespmem:s24+$0x0] =	vst v35;
	s24 =	smov.u32 s30  }
0xa4: {  	vm2 =	vle.f32 v35, $5.199999810e+00;
	v20 =	vadd.f32 $-1.388888920e-03, v20;
	v11 =	vmul.f32 v11, v25;
	[tilespmem:s25+$0x0] =	vst v26;
	s25 =	smov.u32 s31  }
0xa5: {  	v22 =	vmul.f32 v27, v22;
	v30 =	vadd.f32 $4.779948210e-14, v30;
	v26 =	vmul.f32 v34, v15  }
0xa6: {  	vm2 =	vmand vm1, vm2;
	v20 =	vmul.f32 v20, v24;
	v31 =	vadd.f32 $4.166666790e-02, v11  }
0xa7: {  	v22 =	vmul.f32 v22, v27;
	v30 =	vmul.f32 v30, v14;
	v11 =	vmov s6  }
0xa8: {  	v29 =	vadd.f32 $1.000000000e+00, v29;
	v33 =	vor.u32 $0x20, v11;
	v36 =	vor.u32 $0x40, v11  }
0xa9: {  	v37 =	vadd.f32 $4.166666790e-02, v21;
	v20 =	vadd.f32 $4.166666790e-02, v20;
	v31 =	vmul.f32 v31, v25  }
0xaa: {  	v29 =	vmul.f32 $5.000000000e-01, v29;
	v22 =	vsub.f32 $1.500000000e+00, v22;
	v26 =	vmul.f32 v34, v26;
	v38 =	vld [tilespmem:$0x20]  }
0xab: {  	vm4 =	vle.f32 v35, $3.500000000e+00;
	v40 =	vmul.f32 v20, v24;
	v31 =	vadd.f32 $-5.000000000e-01, v31;
	v39 =	vld [tilespmem:$0x0]  }
0xac: {  	v35 =	vmul.f32 v37, v10;
	v27 =	vmul.f32 v22, v27;
	v26 =	vsub.f32 $1.500000000e+00, v26;
	v21 =	vld.idx.msk [tilespmem:v11+s22+$0x0], $0xffff  }
0xad: {  	v29 =	vadd.f32 $5.000000000e-01, v29;
	v25 =	vmul.f32 v31, v25;
	v20 =	vld.idx.msk [tilespmem:v33+s22+$0x0], $0xffff;
	v33 =	vadd.f32 $-5.000000000e-01, v40  }
0xae: {  	v28 =	vmul.f32 v28, v32;
	v30 =	vadd.f32 $-1.147087810e-11, v30;
	v23 =	vmul.f32 v27, v23;
	v22 =	vld.idx.msk [tilespmem:v36+s22+$0x0], $0xffff  }
0xaf: {  	v25 =	vadd.f32 $1.000000000e+00, v25;
	v31 =	vld [tilespmem:$0x40];
	v24 =	vmul.f32 v33, v24;
	v33 =	vadd.f32 $-5.000000000e-01, v35  }
0xb0: {  	s0 =	sadd.s32 $0x20, s0;
	vm1 =	vmand vm1, vm4;
	vm5 =	vle.f32 v23, $5.199999810e+00;
	vm3 =	vle.f32 v23, $3.500000000e+00  }
0xb1: {  	s1 =	sadd.s32 $0x20, s1;
	v25 =	vmul.f32 $5.000000000e-01, v25;
	v24 =	vadd.f32 $1.000000000e+00, v24;
	v33 =	vmul.f32 v33, v10;
	v10 =	vmovc v32  }
0xb2: {  	s21 =	sadd.s32 $0x20, s21;
	v29 =	vmul.f32 $1.414213540e+00, v29;
	vm4 =	vmand vm0, vm5;
	[tilespmem:s0+$0xFFFFFFF0] =	vst v19;
	v19 =	vsub.f32 v21, v39  }
0xb3: {  	s30 =	sadd.s32 $0x20, s30;
	v30 =	vmul.f32 v30, v14;
	v24 =	vmul.f32 $1.250000000e-01, v24;
	[tilespmem:s1+$0xFFFFFFF0] =	vst v16;
	v16 =	vsub.f32 v20, v38  }
0xb4: {  	s31 =	sadd.s32 $0x20, s31;
	v32 =	vmul.f32 v19, v19;
	[tilespmem:s21+$0xFFFFFFF0] =	vst v17;
	v17 =	vsub.f32 v22, v31;
	v31 =	vadd.f32 $1.000000000e+00, v33  }
0xb5: {  	s3 =	sadd.s32 $0x20, s3;
	v26 =	vmul.f32 v34, v26;
	v33 =	vmul.f32 v16, v16;
	v24 =	vadd.f32 $1.250000000e-01, v24;
	[tilespmem:s30+$0xFFFFFFF0] =	vst v23  }
0xb6: {  	s4 =	sadd.s32 $0x20, s4;
	vm0 =	vmand vm0, vm3;
	v23 =	vadd.f32 $5.000000000e-01, v25;
	v25 =	vadd.f32 $4.779948210e-14, v28  }
0xb7: {  	v31 =	vmul.f32 $1.250000000e-01, v31;
	v28 =	vadd.f32 v33, v32;
	v32 =	vmul.f32 v17, v17  }
0xb8: {  	v33 =	vnsel vm4, $0x0, v24;
	v24 =	vmul.f32 $1.414213540e+00, v23;
	v25 =	vmul.f32 v25, v10  }
0xb9: {  	v31 =	vadd.f32 $1.250000000e-01, v31;
	v23 =	vadd.f32 v32, v28;
	[tilespmem:s31+$0xFFFFFFF0] =	vst v27;
	v27 =	vmul.f32 v26, v15  }
0xba: {  	v24 =	vnsel vm0, $0x0, v24;
	v32 =	vadd.f32 $-1.147087810e-11, v25;
	v28 =	vadd.f32 $2.087677140e-09, v30  }
0xbb: {  	v30 =	vshrl.u32 v23, $0x1;
	v25 =	vmul.f32 $8.056820030e-01, v23;
	[tilespmem:s3+$0xFFFFFFF0] =	vst v24;
	v27 =	vmul.f32 v27, v26  }
.Ltmp1:
0xbc: {  	v29 =	vnsel vm1, $0x0, v29;
	v24 =	vmul.f32 $3.650001590e-01, v23;
	[tilespmem:s4+$0xFFFFFFF0] =	vst v33;
	v33 =	vmul.f32 v28, v14;
	(pc) =	sbr.rel @p0 .LBB2_4-.Ltmp1, $4  }
0xbd: {  	v36 =	vnsel vm2, $0x0, v31;
	v28 =	vsub.s32 $0x5F3759DF, v30;
	v35 =	vmul.f32 $3.793018350e-19, v25;
	v30 =	vld [tilespmem:$0x10];
	[tilespmem:s26+$0x0] =	vst v29;
	s26 =	smov.u32 s2;
	s2 =	smov.u32 s3  }
0xbe: {  	v37 =	vmul.f32 v32, v10;
	v34 =	vmul.f32 $3.793018350e-19, v24;
	v31 =	vld [tilespmem:$0x50];
	v33 =	vadd.f32 $-2.755732000e-07, v33;
	[tilespmem:s28+$0x0] =	vst v36;
	s28 =	smov.u32 s20;
	s20 =	smov.u32 s4  }
0xbf: {  	v35 =	vadd.f32 $-1.559185160e-16, v35;
	v32 =	vld [tilespmem:$0x30]  }
0xc0: {  	v29 =	vsub.f32 $1.500000000e+00, v27;
	v27 =	vadd.f32 $2.087677140e-09, v37;
	v33 =	vmul.f32 v33, v14  }
0xc1: {  	v35 =	vmul.f32 v35, v25  }
0xc2: {  	v34 =	vadd.f32 $-1.559185160e-16, v34  }
0xc3: {  	v35 =	vadd.f32 $4.779948210e-14, v35  }
0xc4: {  	v34 =	vmul.f32 v34, v24  }
0xc5: {  	v35 =	vmul.f32 v35, v25  }
0xc6: {  	v34 =	vadd.f32 $4.779948210e-14, v34  }
0xc7: {  	v35 =	vadd.f32 $-1.147087810e-11, v35  }
0xc8: {  	v34 =	vmul.f32 v34, v24  }
0xc9: {  	v35 =	vmul.f32 v35, v25  }
0xca: {  	v34 =	vadd.f32 $-1.147087810e-11, v34  }
0xcb: {  	v35 =	vadd.f32 $2.087677140e-09, v35  }
0xcc: {  	v34 =	vmul.f32 v34, v24  }
0xcd: {  	v36 =	vmul.f32 $5.000000000e-01, v23;
	v35 =	vmul.f32 v35, v25  }
0xce: {  	v34 =	vadd.f32 $2.087677140e-09, v34  }
0xcf: {  	v37 =	vmul.f32 v28, v36;
	v35 =	vadd.f32 $-2.755732000e-07, v35  }
0xd0: {  	v34 =	vmul.f32 v34, v24  }
0xd1: {  	v37 =	vmul.f32 v28, v37;
	v35 =	vmul.f32 v35, v25  }
0xd2: {  	v34 =	vadd.f32 $-2.755732000e-07, v34  }
0xd3: {  	v37 =	vsub.f32 $1.500000000e+00, v37;
	v35 =	vadd.f32 $2.480158760e-05, v35  }
0xd4: {  	v34 =	vmul.f32 v34, v24  }
0xd5: {  	v63 =	vmul.f32 v28, v37;
	v35 =	vmul.f32 v35, v25  }
0xd6: {  	v34 =	vadd.f32 $2.480158760e-05, v34  }
0xd7: {  	v37 =	vmul.f32 v63, v36;
	v35 =	vadd.f32 $-1.388888920e-03, v35  }
0xd8: {  	v34 =	vmul.f32 v34, v24  }
0xd9: {  	v37 =	vmul.f32 v37, v63;
	v35 =	vmul.f32 v35, v25  }
0xda: {  	v34 =	vadd.f32 $-1.388888920e-03, v34  }
0xdb: {  	v37 =	vsub.f32 $1.500000000e+00, v37;
	v35 =	vadd.f32 $4.166666790e-02, v35  }
0xdc: {  	v34 =	vmul.f32 v34, v24  }
0xdd: {  	v28 =	vmul.f32 v37, v63;
	v35 =	vmul.f32 v35, v25  }
0xde: {  	v34 =	vadd.f32 $4.166666790e-02, v34  }
0xdf: {  	v36 =	vmul.f32 v28, v36;
	v35 =	vadd.f32 $-5.000000000e-01, v35  }
0xe0: {  	v34 =	vmul.f32 v34, v24  }
0xe1: {  	v36 =	vmul.f32 v36, v28;
	v35 =	vmul.f32 v35, v25  }
0xe2: {  	v39 =	vadd.f32 $-5.000000000e-01, v34  }
0xe3: {  	v40 =	vsub.f32 $1.500000000e+00, v36;
	v35 =	vadd.f32 $1.000000000e+00, v35  }
0xe4: {  	v25 =	vsub.f32 v8, v30;
	v8 =	vsub.f32 v9, v31;
	v9 =	vmul.f32 v39, v24  }
0xe5: {  	v41 =	vmul.f32 v40, v28;
	v42 =	vmul.f32 $5.000000000e-01, v35  }
0xe6: {  	s22 =	sadd.s32 $0x20, s0;
	vm0 =	vne.s32 v11, v0;
	v33 =	vadd.f32 $2.480158760e-05, v33;
	v9 =	vadd.f32 $1.000000000e+00, v9  }
0xe7: {  	s7 =	sadd.s32 $0x20, s1;
	[tilespmem:s22+$0xFFFFFFF0] =	vst v19;
	v51 =	vmul.f32 v29, v26;
	v45 =	vmul.f32 v41, v23;
	v46 =	vadd.f32 $5.000000000e-01, v42  }
0xe8: {  	s8 =	sadd.s32 $0x20, s21;
	v52 =	vmul.f32 v27, v10;
	[tilespmem:s7+$0xFFFFFFF0] =	vst v16;
	v7 =	vsub.f32 v7, v32;
	v9 =	vmul.f32 $1.250000000e-01, v9  }
0xe9: {  	s5 =	sadd.s32 $0x20, s30;
	v44 =	vmul.f32 v33, v14;
	[tilespmem:s8+$0xFFFFFFF0] =	vst v17;
	vm1 =	vle.f32 v45, $3.500000000e+00;
	v49 =	vmul.f32 $1.414213540e+00, v46  }
0xea: {  	s6 =	sadd.s32 $0x20, s31;
	vm2 =	vle.f32 v45, $5.199999810e+00;
	[tilespmem:s5+$0xFFFFFFF0] =	vst v45;
	vm1 =	vmand vm0, vm1;
	v9 =	vadd.f32 $1.250000000e-01, v9  }
0xeb: {  	s3 =	sadd.s32 $0x20, s3;
	v48 =	vadd.f32 $-1.388888920e-03, v44;
	vm0 =	vmand vm0, vm2;
	[tilespmem:s6+$0xFFFFFFF0] =	vst v41;
	v17 =	vnsel vm1, $0x0, v49  }
0xec: {  	s4 =	sadd.s32 $0x20, s4;
	v32 =	vmul.f32 v7, v7;
	v43 =	vmul.f32 v25, v25;
	v9 =	vnsel vm0, $0x0, v9;
	[tilespmem:s3+$0xFFFFFFF0] =	vst v17  }
0xed: {  	v19 =	vadd.f32 $-2.755732000e-07, v52;
	v16 =	vmul.f32 v48, v14;
	[tilespmem:s4+$0xFFFFFFF0] =	vst v9  }
0xee: {  	v47 =	vmul.f32 v8, v8;
	v50 =	vadd.f32 v32, v43;
	v9 =	vmul.f32 v51, v15;
	v15 =	vld [tilespmem:$0x10]  }
0xef: {  	v16 =	vadd.f32 $4.166666790e-02, v16;
	v53 =	vld [tilespmem:$0x30]  }
0xf0: {  	v57 =	vmul.f32 v19, v10;
	v17 =	vadd.f32 v47, v50  }
0xf1: {  	v16 =	vmul.f32 v16, v14;
	v55 =	vld [tilespmem:$0x50];
	v9 =	vmul.f32 v9, v51  }
0xf2: {  	v58 =	vadd.f32 $2.480158760e-05, v57;
	v24 =	vmul.f32 $8.056820030e-01, v17  }
0xf3: {  	v19 =	vmul.f32 $3.650001590e-01, v17;
	v56 =	vsub.f32 $1.500000000e+00, v9;
	v9 =	vadd.f32 $-5.000000000e-01, v16  }
0xf4: {  	v59 =	vmul.f32 $5.000000000e-01, v17;
	v16 =	vsub.f32 v21, v15;
	v15 =	vsub.f32 v20, v53  }
0xf5: {  	vm1 =	vne.s32 v18, v3;
	v54 =	vmul.f32 $3.793018350e-19, v24;
	v14 =	vmul.f32 v9, v14  }
0xf6: {  	v9 =	vsub.f32 v22, v55;
	v60 =	vmul.f32 v16, v16;
	v26 =	vmul.f32 v15, v15  }
0xf7: {  	v61 =	vshrl.u32 v17, $0x1;
	v27 =	vadd.f32 $-1.559185160e-16, v54;
	v20 =	vmul.f32 v58, v10  }
0xf8: {  	v23 =	vmul.f32 v56, v51;
	v62 =	vmul.f32 v9, v9;
	v22 =	vadd.f32 v26, v60  }
0xf9: {  	v63 =	vsub.s32 $0x5F3759DF, v61;
	v35 =	vmul.f32 $3.793018350e-19, v19;
	v27 =	vmul.f32 v27, v24  }
0xfa: {  	v20 =	vadd.f32 $-1.388888920e-03, v20;
	v36 =	vmul.f32 v23, v13;
	v13 =	vadd.f32 v62, v22  }
0xfb: {  	v38 =	vmul.f32 v63, v59;
	v39 =	vadd.f32 $-1.559185160e-16, v35;
	v14 =	vadd.f32 $1.000000000e+00, v14  }
0xfc: {  	v27 =	vadd.f32 $4.779948210e-14, v27;
	v37 =	vmul.f32 v20, v10;
	v40 =	vmul.f32 $8.056820030e-01, v13  }
0xfd: {  	vm0 =	vle.f32 v36, $5.199999810e+00;
	v20 =	vmul.f32 v63, v38;
	v14 =	vmul.f32 $5.000000000e-01, v14  }
0xfe: {  	vm2 =	vle.f32 v36, $3.500000000e+00;
	v27 =	vmul.f32 v27, v24;
	v41 =	vmul.f32 $3.793018350e-19, v40  }
0xff: {  	vm0 =	vmand vm1, vm0;
	v18 =	vadd.f32 $4.166666790e-02, v37;
	v42 =	vmul.f32 $3.650001590e-01, v13  }
0x100: {  	v20 =	vsub.f32 $1.500000000e+00, v20;
	v22 =	vmul.f32 v39, v19;
	v29 =	vadd.f32 $-1.559185160e-16, v41  }
0x101: {  	v14 =	vadd.f32 $5.000000000e-01, v14;
	v27 =	vadd.f32 $-1.147087810e-11, v27;
	v43 =	vmul.f32 $3.793018350e-19, v42  }
0x102: {  	v18 =	vmul.f32 v18, v10;
	v22 =	vadd.f32 $4.779948210e-14, v22;
	v29 =	vmul.f32 v29, v40  }
0x103: {  	v20 =	vmul.f32 v63, v20;
	v14 =	vmul.f32 $1.414213540e+00, v14;
	v32 =	vadd.f32 $-1.559185160e-16, v43  }
0x104: {  	v50 =	vshrl.u32 v13, $0x1;
	v27 =	vmul.f32 v27, v24;
	v45 =	vadd.f32 $4.779948210e-14, v29  }
0x105: {  	v18 =	vadd.f32 $-5.000000000e-01, v18;
	v22 =	vmul.f32 v22, v19;
	v46 =	vmul.f32 v32, v42  }
0x106: {  	v51 =	vmul.f32 $5.000000000e-01, v13;
	v27 =	vadd.f32 $2.087677140e-09, v27;
	v47 =	vmul.f32 v45, v40  }
0x107: {  	v10 =	vmul.f32 v18, v10;
	v22 =	vadd.f32 $-1.147087810e-11, v22;
	v48 =	vadd.f32 $4.779948210e-14, v46  }
0x108: {  	v49 =	vmul.f32 v20, v59;
	v44 =	vmul.f32 v27, v24;
	v26 =	vadd.f32 $-1.147087810e-11, v47  }
0x109: {  	v22 =	vmul.f32 v22, v19;
	v10 =	vadd.f32 $1.000000000e+00, v10;
	v27 =	vmul.f32 v48, v42  }
0x10a: {  	v32 =	vsub.s32 $0x5F3759DF, v50;
	v18 =	vadd.f32 $-2.755732000e-07, v44;
	v26 =	vmul.f32 v26, v40  }
0x10b: {  	v29 =	vmul.f32 v49, v20;
	v22 =	vadd.f32 $2.087677140e-09, v22;
	v27 =	vadd.f32 $-1.147087810e-11, v27  }
0x10c: {  	v52 =	vmul.f32 v32, v51;
	v18 =	vmul.f32 v18, v24;
	v26 =	vadd.f32 $2.087677140e-09, v26  }
0x10d: {  	v29 =	vsub.f32 $1.500000000e+00, v29;
	v22 =	vmul.f32 v22, v19;
	v27 =	vmul.f32 v27, v42  }
0x10e: {  	v10 =	vmul.f32 $1.250000000e-01, v10;
	v18 =	vadd.f32 $2.480158760e-05, v18;
	v26 =	vmul.f32 v26, v40  }
0x10f: {  	v22 =	vadd.f32 $-2.755732000e-07, v22;
	v20 =	vmul.f32 v29, v20;
	v27 =	vadd.f32 $2.087677140e-09, v27  }
0x110: {  	v29 =	vmul.f32 v32, v52;
	v18 =	vmul.f32 v18, v24;
	v26 =	vadd.f32 $-2.755732000e-07, v26  }
0x111: {  	vm1 =	vmand vm1, vm2;
	v22 =	vmul.f32 v22, v19;
	v27 =	vmul.f32 v27, v42  }
0x112: {  	v29 =	vsub.f32 $1.500000000e+00, v29;
	v18 =	vadd.f32 $-1.388888920e-03, v18;
	v26 =	vmul.f32 v26, v40  }
0x113: {  	v21 =	vmul.f32 v20, v59;
	v22 =	vadd.f32 $2.480158760e-05, v22;
	v27 =	vadd.f32 $-2.755732000e-07, v27  }
0x114: {  	v29 =	vmul.f32 v32, v29;
	v18 =	vmul.f32 v18, v24;
	v26 =	vadd.f32 $2.480158760e-05, v26  }
0x115: {  	v10 =	vadd.f32 $1.250000000e-01, v10;
	v22 =	vmul.f32 v22, v19;
	v27 =	vmul.f32 v27, v42  }
0x116: {  	v32 =	vmul.f32 v29, v51;
	v18 =	vadd.f32 $4.166666790e-02, v18;
	v26 =	vmul.f32 v26, v40  }
0x117: {  	v21 =	vmul.f32 v21, v20;
	v22 =	vadd.f32 $-1.388888920e-03, v22;
	v27 =	vadd.f32 $2.480158760e-05, v27  }
0x118: {  	v32 =	vmul.f32 v32, v29;
	v18 =	vmul.f32 v18, v24;
	v26 =	vadd.f32 $-1.388888920e-03, v26  }
0x119: {  	v21 =	vsub.f32 $1.500000000e+00, v21;
	v22 =	vmul.f32 v22, v19;
	v27 =	vmul.f32 v27, v42  }
0x11a: {  	v54 =	vsub.f32 $1.500000000e+00, v32;
	v18 =	vadd.f32 $-5.000000000e-01, v18;
	v26 =	vmul.f32 v26, v40  }
0x11b: {  	[tilespmem:s0+$0x0] =	vst v25;
	v20 =	vmul.f32 v21, v20;
	v22 =	vadd.f32 $4.166666790e-02, v22;
	v53 =	vadd.f32 $-1.388888920e-03, v27  }
0x11c: {  	[tilespmem:s1+$0x0] =	vst v7;
	v55 =	vmul.f32 v54, v29;
	v18 =	vmul.f32 v18, v24;
	v26 =	vadd.f32 $4.166666790e-02, v26  }
0x11d: {  	[tilespmem:s21+$0x0] =	vst v8;
	v14 =	vnsel vm1, $0x0, v14;
	v22 =	vmul.f32 v22, v19;
	v24 =	vmul.f32 v53, v42  }
0x11e: {  	[tilespmem:s24+$0x0] =	vst v36;
	v10 =	vnsel vm0, $0x0, v10;
	v59 =	vmul.f32 v55, v51;
	v56 =	vmul.f32 v26, v40  }
0x11f: {  	[tilespmem:s25+$0x0] =	vst v23;
	v8 =	vmul.f32 v20, v17;
	v57 =	vadd.f32 $-5.000000000e-01, v22;
	v58 =	vadd.f32 $4.166666790e-02, v24  }
0x120: {  	[tilespmem:s26+$0x0] =	vst v14;
	v7 =	vadd.f32 $1.000000000e+00, v18;
	v14 =	vmul.f32 v59, v55;
	v21 =	vadd.f32 $-5.000000000e-01, v56  }
0x121: {  	[tilespmem:s22+$0x0] =	vst v16;
	vm0 =	vne.s32 v12, v3;
	v12 =	vmul.f32 v57, v19;
	v60 =	vmul.f32 v58, v42  }
0x122: {  	[tilespmem:s7+$0x0] =	vst v15;
	v7 =	vmul.f32 $5.000000000e-01, v7;
	v14 =	vsub.f32 $1.500000000e+00, v14;
	v61 =	vmul.f32 v21, v40  }
0x123: {  	[tilespmem:s28+$0x0] =	vst v10;
	vm1 =	vle.f32 v8, $5.199999810e+00;
	v10 =	vadd.f32 $1.000000000e+00, v12;
	v12 =	vadd.f32 $-5.000000000e-01, v60  }
0x124: {  	[tilespmem:s8+$0x0] =	vst v9;
	v7 =	vadd.f32 $5.000000000e-01, v7;
	v9 =	vmul.f32 v14, v55;
	v62 =	vadd.f32 $1.000000000e+00, v61  }
0x125: {  	vm2 =	vle.f32 v8, $3.500000000e+00;
	v10 =	vmul.f32 $1.250000000e-01, v10;
	v12 =	vmul.f32 v12, v42  }
0x126: {  	vm1 =	vmand vm0, vm1;
	v7 =	vmul.f32 $1.414213540e+00, v7;
	v14 =	vmul.f32 $5.000000000e-01, v62  }
0x127: {  	[tilespmem:s30+$0x0] =	vst v8;
	vm0 =	vmand vm0, vm2;
	v8 =	vadd.f32 $1.250000000e-01, v10;
	v10 =	vadd.f32 $1.000000000e+00, v12  }
0x128: {  	[tilespmem:s31+$0x0] =	vst v20;
	v7 =	vnsel vm0, $0x0, v7;
	v12 =	vmul.f32 v9, v13;
	v13 =	vadd.f32 $5.000000000e-01, v14  }
0x129: {  	[tilespmem:s2+$0x0] =	vst v7;
	v8 =	vnsel vm1, $0x0, v8;
	v7 =	vmul.f32 $1.250000000e-01, v10  }
0x12a: {  	vm0 =	vne.s32 v11, v3;
	[tilespmem:s20+$0x0] =	vst v8;
	vm1 =	vle.f32 v12, $3.500000000e+00;
	v8 =	vmul.f32 $1.414213540e+00, v13  }
0x12b: {  	[tilespmem:s5+$0x0] =	vst v12;
	vm2 =	vle.f32 v12, $5.199999810e+00;
	vm1 =	vmand vm0, vm1;
	v7 =	vadd.f32 $1.250000000e-01, v7  }
0x12c: {  	[tilespmem:s6+$0x0] =	vst v9;
	vm0 =	vmand vm0, vm2;
	v8 =	vnsel vm1, $0x0, v8  }
0x12d: {  	v7 =	vnsel vm0, $0x0, v7;
	[tilespmem:s3+$0x0] =	vst v8  }
0x12e: {  	[tilespmem:s4+$0x0] =	vst v7  }
0x12f: {  	v7 =	vld [tilespmem:$0x80]  }
0x130: {  	v8 =	vld.idx.msk [tilespmem:v5+s9+$0x0], $0xffff;
	_ =	sdelay $0x4  }
0x131: {  	vm0 =	vgt.s32 v8, v7  }
0x132: {  	v9 =	vld [tilespmem:$0x80];
	v10 =	vsel vm0, v7, v8  }
0x133: {  	v11 =	vmov s29;
	v5 =	vld.idx.msk [tilespmem:v6+s9+$0x0], $0xffff;
	v6 =	vadd.s32 $0x1, v10  }
0x134: {  	v6 =	vmul.u32 v10, v6  }
0x135: {  	v7 =	vsel vm0, v8, v7;
	v10 =	vshll.u32 v10, $0x2  }
0x136: {  	v7 =	vadd.s32 v7, v10;
	v6 =	vshrl.u32 v6, $0x1  }
0x137: {  	v10 =	vld [tilespmem:$0x80];
	v6 =	vsub.s32 v7, v6  }
0x138: {  	s0 =	simm.s32 $0x1D10;
	vm0 =	vgt.s32 v5, v9;
	v7 =	vshll.u32 v6, $0xA;
	v6 =	vld.idx.msk [tilespmem:v11+s9+$0x0], $0xffff  }
0x139: {  	s30 =	simm.s32 $0x3;
	v11 =	vsel vm0, v9, v5;
	[tilespmem:s0+$0xFFFFFFF0] =	vst v7  }
0x13a: {  	v13 =	vmov s30;
	v7 =	vadd.s32 $0x1, v11;
	v12 =	vld [tilespmem:$0x90]  }
0x13b: {  	v7 =	vmul.u32 v11, v7  }
0x13c: {  	v9 =	vsel vm0, v5, v9;
	v11 =	vshll.u32 v11, $0x2  }
0x13d: {  	v9 =	vadd.s32 v9, v11;
	v7 =	vshrl.u32 v7, $0x1;
	vm0 =	vgt.s32 v6, v10  }
0x13e: {  	v7 =	vsub.s32 v9, v7;
	v14 =	vsel vm0, v10, v6  }
0x13f: {  	v11 =	vshll.u32 v7, $0xA;
	v7 =	vld.idx.msk [tilespmem:v13+s9+$0x0], $0xffff;
	vm1 =	vgt.s32 v8, v12;
	v13 =	vadd.s32 $0x1, v14  }
0x140: {  	s2 =	simm.s32 $0x1D30;
	v15 =	vsel vm1, v12, v8;
	v63 =	vsel vm1, v8, v12;
	v8 =	vmul.u32 v14, v13  }
0x141: {  	s31 =	simm.s32 $0x4;
	v9 =	vld [tilespmem:$0x80];
	[tilespmem:s2+$0xFFFFFFF0] =	vst v11  }
0x142: {  	v12 =	vmov s31;
	v13 =	vadd.s32 $0x1, v15;
	v11 =	vshrl.u32 v8, $0x1;
	v8 =	vld [tilespmem:$0x90]  }
0x143: {  	v10 =	vsel vm0, v6, v10;
	v14 =	vshll.u32 v14, $0x2;
	v13 =	vmul.u32 v15, v13  }
0x144: {  	v10 =	vadd.s32 v10, v14;
	v14 =	vshll.u32 v15, $0x2  }
0x145: {  	v14 =	vadd.s32 v63, v14;
	v11 =	vsub.s32 v10, v11;
	v15 =	vshrl.u32 v13, $0x1  }
0x146: {  	s1 =	simm.s32 $0x5;
	s3 =	simm.s32 $0x1D50;
	v10 =	vld [tilespmem:$0x80];
	vm0 =	vgt.s32 v7, v9;
	v13 =	vshll.u32 v11, $0xA;
	v11 =	vsub.s32 v14, v15  }
.LBB2_6:
0x147: {  	p0 =	sne.s32 s1, $0x1F;
	v14 =	vld.idx.msk [tilespmem:v12+s9+$0x0], $0xffff;
	v15 =	vsel vm0, v9, v7;
	[tilespmem:s3+$0xFFFFFFF0] =	vst v13;
	vm1 =	vgt.s32 v5, v8;
	v11 =	vshll.u32 v11, $0xA;
	s4 =	smov.u32 s1;
	s1 =	sadd.s32 $0x1, s1  }
0x148: {  	v13 =	vadd.s32 $0x1, v15;
	v16 =	vsel vm1, v8, v5;
	v17 =	vsel vm1, v5, v8;
	v8 =	vld [tilespmem:$0x90];
	[tilespmem:s0+$0x0] =	vst v11;
	v5 =	vmovc v6;
	s0 =	smov.u32 s2;
	s2 =	smov.u32 s3  }
.Ltmp2:
0x149: {  	v12 =	vmov s4;
	v6 =	vmovc v7;
	v11 =	vmul.u32 v15, v13;
	v13 =	vadd.s32 $0x1, v16;
	(pc) =	sbr.rel @p0 .LBB2_6-.Ltmp2, $4  }
0x14a: {  	v18 =	vshll.u32 v15, $0x2;
	v7 =	vsel vm0, v6, v9;
	v13 =	vmul.u32 v16, v13  }
0x14b: {  	v15 =	vshll.u32 v16, $0x2;
	v18 =	vadd.s32 v7, v18;
	v11 =	vshrl.u32 v11, $0x1;
	v9 =	vmovc v10  }
0x14c: {  	v15 =	vadd.s32 v17, v15;
	v16 =	vsub.s32 v18, v11;
	v11 =	vshrl.u32 v13, $0x1  }
0x14d: {  	s3 =	sadd.s32 $0x20, s3;
	vm0 =	vgt.s32 v14, v9;
	v7 =	vmovc v14;
	v10 =	vld [tilespmem:$0x80];
	v13 =	vshll.u32 v16, $0xA;
	v11 =	vsub.s32 v15, v11  }
0x14e: {  	_ =	sdelay $0x3  }
0x14f: {  	v12 =	vld.idx.msk [tilespmem:v12+s9+$0x0], $0xffff;
	_ =	sdelay $0x3  }
0x150: {  	v14 =	vsel vm0, v9, v7  }
0x151: {  	v9 =	vsel vm0, v7, v9;
	v15 =	vadd.s32 $0x1, v14;
	vm12 =	vgt.s32 v12, v10  }
0x152: {  	vm1 =	vgt.s32 v5, v8;
	v15 =	vmul.u32 v14, v15;
	v16 =	vsel vm12, v10, v12  }
0x153: {  	[tilespmem:s3+$0xFFFFFFF0] =	vst v13;
	v13 =	vsel vm1, v8, v5;
	v14 =	vshll.u32 v14, $0x2;
	v17 =	vadd.s32 $0x1, v16  }
0x154: {  	v18 =	vld [tilespmem:$0x90];
	v9 =	vadd.s32 v9, v14;
	v15 =	vshrl.u32 v15, $0x1;
	v14 =	vmul.u32 v16, v17  }
0x155: {  	v9 =	vsub.s32 v9, v15;
	v10 =	vsel vm12, v12, v10;
	v15 =	vshll.u32 v16, $0x2  }
0x156: {  	s4 =	sadd.s32 $0x20, s3;
	v9 =	vshll.u32 v9, $0xA;
	v10 =	vadd.s32 v10, v15;
	v14 =	vshrl.u32 v14, $0x1  }
0x157: {  	[tilespmem:s4+$0xFFFFFFF0] =	vst v9;
	v15 =	vadd.s32 $0x1, v13;
	v9 =	vsub.s32 v10, v14  }
0x158: {  	s5 =	sadd.s32 $0x20, s4;
	v10 =	vmul.u32 v13, v15;
	v14 =	vld [tilespmem:$0x90];
	v9 =	vshll.u32 v9, $0xA  }
0x159: {  	v5 =	vsel vm1, v5, v8;
	v8 =	vshll.u32 v13, $0x2;
	vm13 =	vgt.s32 v6, v18;
	[tilespmem:s5+$0xFFFFFFF0] =	vst v9  }
0x15a: {  	v5 =	vadd.s32 v5, v8;
	v8 =	vsel vm13, v18, v6;
	v9 =	vshrl.u32 v10, $0x1;
	v10 =	vld [tilespmem:$0x90]  }
0x15b: {  	v5 =	vsub.s32 v5, v9;
	v9 =	vadd.s32 $0x1, v8  }
0x15c: {  	v11 =	vshll.u32 v11, $0xA;
	v6 =	vsel vm13, v6, v18;
	v9 =	vmul.u32 v8, v9  }
0x15d: {  	v5 =	vshll.u32 v5, $0xA;
	v8 =	vshll.u32 v8, $0x2;
	vm14 =	vgt.s32 v7, v14  }
0x15e: {  	v6 =	vadd.s32 v6, v8;
	v9 =	vshrl.u32 v9, $0x1;
	v8 =	vsel vm14, v14, v7  }
0x15f: {  	v7 =	vsel vm14, v7, v14;
	v6 =	vsub.s32 v6, v9;
	vm15 =	vgt.s32 v12, v10  }
0x160: {  	v9 =	vadd.s32 $0x1, v8;
	v6 =	vshll.u32 v6, $0xA;
	v13 =	vsel vm15, v10, v12  }
0x161: {  	v9 =	vmul.u32 v8, v9;
	v8 =	vshll.u32 v8, $0x2;
	v14 =	vadd.s32 $0x1, v13  }
0x162: {  	s1 =	simm.s32 $0x0;
	v7 =	vadd.s32 v7, v8;
	v10 =	vsel vm15, v12, v10;
	v8 =	vmul.u32 v13, v14  }
0x163: {  	[tilespmem:s0+$0x0] =	vst v11;
	v12 =	vor.u32 s1, v1;
	v9 =	vshrl.u32 v9, $0x1;
	v11 =	vshll.u32 v13, $0x2  }
0x164: {  	[tilespmem:s2+$0x0] =	vst v5;
	v5 =	vsub.s32 v7, v9;
	v7 =	vshrl.u32 v8, $0x1;
	v8 =	vadd.s32 v10, v11  }
0x165: {  	[tilespmem:s3+$0x0] =	vst v6;
	v5 =	vshll.u32 v5, $0xA;
	v6 =	vsub.s32 v8, v7  }
0x166: {  	[tilespmem:s4+$0x0] =	vst v5;
	v5 =	vshll.u32 v6, $0xA  }
0x167: {  	[tilespmem:s5+$0x0] =	vst v5  }
0x168: {  	v5 =	vld.idx.msk [tilespmem:v12+s10+$0x0], $0xffff;
	_ =	sdelay $0x4  }
0x169: {  	v6 =	vadd.f32 $-8.999999760e-01, v5;
	v7 =	vadd.f32 $-1.168750050e+00, v5  }
0x16a: {  	v8 =	vadd.f32 $-1.437500000e+00, v5;
	v9 =	vadd.f32 $-1.706249950e+00, v5  }
0x16b: {  	v10 =	vadd.f32 $-1.975000020e+00, v5;
	v11 =	vadd.f32 $-2.243750100e+00, v5  }
0x16c: {  	v15 =	vmov s1;
	v13 =	vadd.f32 $-2.512500050e+00, v5;
	v14 =	vadd.f32 $-2.781250000e+00, v5  }
0x16d: {  	v16 =	vadd.f32 $-3.049999950e+00, v5;
	v17 =	vadd.f32 $-3.318749900e+00, v5;
	v6 =	vmul.f32 v6, v6  }
0x16e: {  	v18 =	vadd.f32 $-3.587500100e+00, v5;
	v7 =	vmul.f32 v7, v7;
	v8 =	vmul.f32 v8, v8  }
0x16f: {  	v19 =	vadd.f32 $-3.856250050e+00, v5;
	v9 =	vmul.f32 v9, v9;
	v10 =	vmul.f32 v10, v10  }
0x170: {  	v20 =	vadd.f32 $-4.125000000e+00, v5;
	v11 =	vmul.f32 v11, v11;
	v13 =	vmul.f32 v13, v13  }
0x171: {  	v21 =	vadd.f32 $-4.393750190e+00, v5;
	v14 =	vmul.f32 v14, v14;
	v16 =	vmul.f32 v16, v16  }
0x172: {  	v22 =	vadd.f32 $-4.662499900e+00, v5;
	v17 =	vmul.f32 v17, v17;
	v18 =	vmul.f32 v18, v18  }
0x173: {  	v5 =	vadd.f32 $-4.931250100e+00, v5;
	v19 =	vmul.f32 v19, v19;
	v20 =	vmul.f32 v20, v20  }
0x174: {  	v15 =	vld.idx.msk [tilespmem:v15+s9+$0x0], $0xffff;
	v21 =	vmul.f32 v21, v21;
	v22 =	vmul.f32 v22, v22  }
0x175: {  	v5 =	vmul.f32 v5, v5;
	v6 =	vmul.f32 $-1.600000000e+01, v6  }
0x176: {  	v7 =	vmul.f32 $-1.600000000e+01, v7;
	v8 =	vmul.f32 $-1.600000000e+01, v8  }
0x177: {  	v9 =	vmul.f32 $-1.600000000e+01, v9;
	v10 =	vmul.f32 $-1.600000000e+01, v10  }
0x178: {  	v11 =	vmul.f32 $-1.600000000e+01, v11;
	v13 =	vmul.f32 $-1.600000000e+01, v13  }
0x179: {  	(v2sf) =	vpush v15, $0x0;
	v14 =	vmul.f32 $-1.600000000e+01, v14;
	v16 =	vmul.f32 $-1.600000000e+01, v16  }
0x17a: {  	v17 =	vmul.f32 $-1.600000000e+01, v17;
	v18 =	vmul.f32 $-1.600000000e+01, v18  }
0x17b: {  	v19 =	vmul.f32 $-1.600000000e+01, v19;
	v15 =	vmul.f32 $-1.600000000e+01, v20  }
0x17c: {  	v20 =	vmul.f32 $-1.600000000e+01, v21;
	v21 =	vmul.f32 $-1.600000000e+01, v22  }
0x17d: {  	v5 =	vmul.f32 $-1.600000000e+01, v5;
	v6 =	vmul.f32 $1.442695020e+00, v6  }
0x17e: {  	v7 =	vmul.f32 $1.442695020e+00, v7;
	v8 =	vmul.f32 $1.442695020e+00, v8  }
0x17f: {  	v9 =	vmul.f32 $1.442695020e+00, v9;
	(erf) = vpow2.f32 v6  }
0x180: {  	v10 =	vmul.f32 $1.442695020e+00, v10;
	(erf) = vpow2.f32 v7  }
0x181: {  	v11 =	vmul.f32 $1.442695020e+00, v11;
	(erf) = vpow2.f32 v8  }
0x182: {  	v13 =	vmul.f32 $1.442695020e+00, v13;
	(erf) = vpow2.f32 v9  }
0x183: {  	v6 =	vmul.f32 $1.442695020e+00, v14;
	(erf) = vpow2.f32 v10  }
0x184: {  	v7 =	vmul.f32 $1.442695020e+00, v16;
	v8 =	vmul.f32 $1.442695020e+00, v17;
	v10 =	vld.idx.msk [tilespmem:v12+s11+$0x0], $0xffff  }
0x185: {  	v9 =	vmul.f32 $1.442695020e+00, v18;
	(erf) = vpow2.f32 v11  }
0x186: {  	v12 =	vmul.f32 $1.442695020e+00, v19;
	(erf) = vpow2.f32 v13  }
0x187: {  	v11 =	vmul.f32 $1.442695020e+00, v15;
	(erf) = vpow2.f32 v6  }
0x188: {  	v13 =	vmul.f32 $1.442695020e+00, v20;
	s29 =	spop (v2sf);
	(erf) = vpow2.f32 v7;
	v7 =	vpop (erf)  }
0x189: {  	s0 =	sshll.u32 s29, $0xB;
	(erf) = vpow2.f32 v8;
	v7 =	vmul.f32 v7, v10;
	v8 =	vpop (erf)  }
0x18a: {  	s24 =	sshra.s32 s0, $0x2;
	(erf) = vpow2.f32 v9;
	v8 =	vmul.f32 v8, v10;
	v9 =	vpop (erf)  }
0x18b: {  	v6 =	vmul.f32 $1.442695020e+00, v21;
	[tilespmem:s24+$0x4900] =	vst.add.f32.msk $0xffff, v7;
	v7 =	vmul.f32 v9, v10;
	v9 =	vpop (erf)  }
0x18c: {  	(erf) = vpow2.f32 v12;
	[tilespmem:s24+$0x4920] =	vst.add.f32.msk $0xffff, v8;
	v8 =	vmul.f32 v9, v10;
	v9 =	vpop (erf)  }
0x18d: {  	(erf) = vpow2.f32 v11;
	[tilespmem:s24+$0x4940] =	vst.add.f32.msk $0xffff, v7;
	v7 =	vmul.f32 v9, v10  }
0x18e: {  	v5 =	vmul.f32 $1.442695020e+00, v5;
	(erf) = vpow2.f32 v13  }
0x18f: {  	v9 =	vpop (erf);
	(erf) = vpow2.f32 v6  }
0x190: {  	[tilespmem:s24+$0x4960] =	vst.add.f32.msk $0xffff, v8;
	v6 =	vmul.f32 v9, v10;
	(erf) = vpow2.f32 v5;
	v8 =	vpop (erf)  }
0x191: {  	[tilespmem:s24+$0x4980] =	vst.add.f32.msk $0xffff, v7;
	v5 =	vmul.f32 v8, v10;
	v7 =	vpop (erf)  }
0x192: {  	[tilespmem:s24+$0x49A0] =	vst.add.f32.msk $0xffff, v6;
	v6 =	vmul.f32 v7, v10;
	v7 =	vpop (erf)  }
0x193: {  	[tilespmem:s24+$0x49C0] =	vst.add.f32.msk $0xffff, v5;
	v5 =	vmul.f32 v7, v10;
	v7 =	vpop (erf)  }
0x194: {  	[tilespmem:s24+$0x49E0] =	vst.add.f32.msk $0xffff, v6;
	v6 =	vmul.f32 v7, v10;
	v7 =	vpop (erf)  }
0x195: {  	[tilespmem:s24+$0x4A00] =	vst.add.f32.msk $0xffff, v5;
	v5 =	vmul.f32 v7, v10;
	v7 =	vpop (erf)  }
0x196: {  	[tilespmem:s24+$0x4A20] =	vst.add.f32.msk $0xffff, v6;
	v6 =	vmul.f32 v7, v10;
	v7 =	vpop (erf)  }
0x197: {  	[tilespmem:s24+$0x4A40] =	vst.add.f32.msk $0xffff, v5;
	v5 =	vmul.f32 v7, v10;
	v7 =	vpop (erf)  }
0x198: {  	[tilespmem:s24+$0x4A60] =	vst.add.f32.msk $0xffff, v6;
	v6 =	vmul.f32 v7, v10;
	v7 =	vor.u32 s1, v4;
	v8 =	vpop (erf)  }
0x199: {  	[tilespmem:s24+$0x4A80] =	vst.add.f32.msk $0xffff, v5;
	v5 =	vmul.f32 v8, v10;
	v8 =	vpop (erf)  }
0x19a: {  	[tilespmem:s24+$0x4AA0] =	vst.add.f32.msk $0xffff, v6;
	v6 =	vmul.f32 v8, v10  }
0x19b: {  	[tilespmem:s24+$0x4AC0] =	vst.add.f32.msk $0xffff, v5  }
0x19c: {  	[tilespmem:s24+$0x4AE0] =	vst.add.f32.msk $0xffff, v6  }
0x19d: {  	v5 =	vld.idx.msk [tilespmem:v7+s10+$0x0], $0xffff;
	_ =	sdelay $0x4  }
0x19e: {  	v6 =	vadd.f32 $-4.931250100e+00, v5  }
0x19f: {  	v8 =	vadd.f32 $-8.999999760e-01, v5;
	v9 =	vadd.f32 $-1.168750050e+00, v5  }
0x1a0: {  	v10 =	vadd.f32 $-1.437500000e+00, v5;
	v11 =	vadd.f32 $-1.706249950e+00, v5  }
0x1a1: {  	v12 =	vadd.f32 $-1.975000020e+00, v5;
	v13 =	vadd.f32 $-2.243750100e+00, v5  }
0x1a2: {  	v14 =	vadd.f32 $-2.512500050e+00, v5;
	v15 =	vadd.f32 $-2.781250000e+00, v5;
	v6 =	vmul.f32 v6, v6  }
0x1a3: {  	v16 =	vadd.f32 $-3.049999950e+00, v5;
	v8 =	vmul.f32 v8, v8;
	v9 =	vmul.f32 v9, v9  }
0x1a4: {  	v17 =	vadd.f32 $-3.318749900e+00, v5;
	v10 =	vmul.f32 v10, v10;
	v11 =	vmul.f32 v11, v11  }
0x1a5: {  	v18 =	vadd.f32 $-3.587500100e+00, v5;
	v12 =	vmul.f32 v12, v12;
	v13 =	vmul.f32 v13, v13  }
0x1a6: {  	v19 =	vadd.f32 $-4.125000000e+00, v5;
	v14 =	vmul.f32 v14, v14;
	v15 =	vmul.f32 v15, v15  }
0x1a7: {  	v20 =	vadd.f32 $-4.393750190e+00, v5;
	v16 =	vmul.f32 v16, v16;
	v17 =	vmul.f32 v17, v17  }
0x1a8: {  	v18 =	vmul.f32 v18, v18;
	v6 =	vmul.f32 $-1.600000000e+01, v6  }
0x1a9: {  	v19 =	vmul.f32 v19, v19;
	v20 =	vmul.f32 v20, v20  }
0x1aa: {  	v24 =	vmul.f32 $-1.600000000e+01, v8;
	v6 =	vmul.f32 $1.442695020e+00, v6  }
0x1ab: {  	v21 =	vadd.f32 $-4.662499900e+00, v5;
	v9 =	vmul.f32 $-1.600000000e+01, v9;
	v10 =	vmul.f32 $-1.600000000e+01, v10  }
0x1ac: {  	v11 =	vmul.f32 $-1.600000000e+01, v11;
	(erf) = vpow2.f32 v6;
	v6 =	vadd.f32 $-3.856250050e+00, v5  }
0x1ad: {  	s30 =	simm.s32 $0x1;
	v12 =	vmul.f32 $-1.600000000e+01, v12;
	v13 =	vmul.f32 $-1.600000000e+01, v13  }
0x1ae: {  	v22 =	vmul.f32 v6, v6;
	v6 =	vmul.f32 v21, v21;
	v21 =	vor.u32 s30, v1  }
0x1af: {  	v25 =	vmul.f32 $-1.600000000e+01, v14;
	v15 =	vmul.f32 $-1.600000000e+01, v15  }
0x1b0: {  	v16 =	vmul.f32 $-1.600000000e+01, v16;
	v17 =	vmul.f32 $-1.600000000e+01, v17  }
0x1b1: {  	v18 =	vmul.f32 $-1.600000000e+01, v18;
	v8 =	vmul.f32 $-1.600000000e+01, v20;
	v5 =	vld.idx.msk [tilespmem:v7+s11+$0x0], $0xffff  }
0x1b2: {  	v26 =	vmul.f32 $1.442695020e+00, v10;
	v27 =	vmul.f32 $1.442695020e+00, v11  }
0x1b3: {  	v28 =	vmul.f32 $1.442695020e+00, v12;
	v14 =	vmul.f32 $1.442695020e+00, v13;
	v20 =	vld.idx.msk [tilespmem:v21+s10+$0x0], $0xffff  }
0x1b4: {  	v13 =	vmul.f32 $1.442695020e+00, v25;
	v12 =	vmul.f32 $1.442695020e+00, v15  }
0x1b5: {  	v11 =	vmul.f32 $1.442695020e+00, v16;
	v10 =	vmul.f32 $1.442695020e+00, v17;
	v7 =	vpop (erf)  }
0x1b6: {  	v8 =	vmul.f32 $1.442695020e+00, v8;
	v23 =	vmul.f32 v7, v5  }
0x1b7: {  	v7 =	vmul.f32 $-1.600000000e+01, v19;
	v19 =	vmul.f32 $1.442695020e+00, v24  }
0x1b8: {  	v24 =	vmul.f32 $1.442695020e+00, v9;
	v15 =	vadd.f32 $-8.999999760e-01, v20;
	v16 =	vadd.f32 $-1.168750050e+00, v20  }
0x1b9: {  	v9 =	vmul.f32 $1.442695020e+00, v18;
	v17 =	vadd.f32 $-1.437500000e+00, v20;
	v18 =	vadd.f32 $-1.706249950e+00, v20  }
0x1ba: {  	v22 =	vmul.f32 $-1.600000000e+01, v22;
	v25 =	vadd.f32 $-1.975000020e+00, v20;
	v29 =	vadd.f32 $-2.243750100e+00, v20  }
0x1bb: {  	(erf) = vpow2.f32 v19;
	v19 =	vadd.f32 $-2.512500050e+00, v20;
	v30 =	vadd.f32 $-2.781250000e+00, v20  }
0x1bc: {  	v6 =	vmul.f32 $-1.600000000e+01, v6;
	v31 =	vadd.f32 $-3.049999950e+00, v20;
	v32 =	vadd.f32 $-3.318749900e+00, v20  }
0x1bd: {  	v33 =	vadd.f32 $-3.587500100e+00, v20;
	v34 =	vadd.f32 $-3.856250050e+00, v20;
	(erf) = vpow2.f32 v24  }
0x1be: {  	v35 =	vadd.f32 $-4.125000000e+00, v20;
	v15 =	vmul.f32 v15, v15;
	v16 =	vmul.f32 v16, v16  }
0x1bf: {  	v36 =	vadd.f32 $-4.393750190e+00, v20;
	v17 =	vmul.f32 v17, v17;
	v18 =	vmul.f32 v18, v18  }
0x1c0: {  	v37 =	vadd.f32 $-4.662499900e+00, v20;
	v25 =	vmul.f32 v25, v25;
	v29 =	vmul.f32 v29, v29  }
0x1c1: {  	v20 =	vadd.f32 $-4.931250100e+00, v20;
	v19 =	vmul.f32 v19, v19;
	v30 =	vmul.f32 v30, v30  }
0x1c2: {  	v24 =	vmov s30;
	v31 =	vmul.f32 v31, v31;
	v32 =	vmul.f32 v32, v32  }
0x1c3: {  	v33 =	vmul.f32 v33, v33;
	v34 =	vmul.f32 v34, v34  }
0x1c4: {  	v35 =	vmul.f32 v35, v35;
	v20 =	vmul.f32 v20, v20  }
0x1c5: {  	v15 =	vmul.f32 $-1.600000000e+01, v15;
	v16 =	vmul.f32 $-1.600000000e+01, v16  }
0x1c6: {  	v17 =	vmul.f32 $-1.600000000e+01, v17;
	v18 =	vmul.f32 $-1.600000000e+01, v18  }
0x1c7: {  	v25 =	vmul.f32 $-1.600000000e+01, v25;
	v29 =	vmul.f32 $-1.600000000e+01, v29;
	v24 =	vld.idx.msk [tilespmem:v24+s9+$0x0], $0xffff  }
0x1c8: {  	v19 =	vmul.f32 $-1.600000000e+01, v19;
	v30 =	vmul.f32 $-1.600000000e+01, v30  }
0x1c9: {  	v31 =	vmul.f32 $-1.600000000e+01, v31;
	v32 =	vmul.f32 $-1.600000000e+01, v32  }
0x1ca: {  	v33 =	vmul.f32 $-1.600000000e+01, v33;
	v34 =	vmul.f32 $-1.600000000e+01, v34  }
0x1cb: {  	v20 =	vmul.f32 $-1.600000000e+01, v20;
	v15 =	vmul.f32 $1.442695020e+00, v15  }
0x1cc: {  	v16 =	vmul.f32 $1.442695020e+00, v16;
	v17 =	vmul.f32 $1.442695020e+00, v17;
	(v2sf) =	vpush v24, $0x0  }
0x1cd: {  	v18 =	vmul.f32 $1.442695020e+00, v18;
	(erf) = vpow2.f32 v15  }
0x1ce: {  	v25 =	vmul.f32 $1.442695020e+00, v25;
	(erf) = vpow2.f32 v16  }
0x1cf: {  	v29 =	vmul.f32 $1.442695020e+00, v29;
	(erf) = vpow2.f32 v17  }
0x1d0: {  	v19 =	vmul.f32 $1.442695020e+00, v19;
	(erf) = vpow2.f32 v18  }
0x1d1: {  	v15 =	vmul.f32 $1.442695020e+00, v30;
	(erf) = vpow2.f32 v25  }
0x1d2: {  	v21 =	vld.idx.msk [tilespmem:v21+s11+$0x0], $0xffff;
	v16 =	vmul.f32 $1.442695020e+00, v31;
	(erf) = vpow2.f32 v29  }
0x1d3: {  	v17 =	vmul.f32 $1.442695020e+00, v32;
	(erf) = vpow2.f32 v19  }
0x1d4: {  	v18 =	vmul.f32 $1.442695020e+00, v33;
	v19 =	vpop (erf);
	(erf) = vpow2.f32 v15  }
0x1d5: {  	v25 =	vmul.f32 $1.442695020e+00, v34;
	v15 =	vpop (erf);
	(erf) = vpow2.f32 v16  }
0x1d6: {  	v16 =	vmul.f32 $1.442695020e+00, v20;
	v20 =	vpop (erf);
	(erf) = vpow2.f32 v17  }
0x1d7: {  	s0 =	simm.s32 $0x2;
	v17 =	vmul.f32 v20, v21;
	v20 =	vpop (erf);
	(erf) = vpow2.f32 v18  }
0x1d8: {  	v18 =	vmul.f32 v20, v21;
	v20 =	vpop (erf);
	(erf) = vpow2.f32 v25;
	v25 =	vor.u32 s0, v1  }
0x1d9: {  	v36 =	vmul.f32 v36, v36;
	v37 =	vmul.f32 v37, v37  }
0x1da: {  	v6 =	vmul.f32 $1.442695020e+00, v6;
	v24 =	vmul.f32 $-1.600000000e+01, v35  }
0x1db: {  	v56 =	vmul.f32 $-1.600000000e+01, v36;
	v57 =	vmul.f32 $-1.600000000e+01, v37;
	s31 =	spop (v2sf)  }
0x1dc: {  	v7 =	vmul.f32 $1.442695020e+00, v7;
	v24 =	vmul.f32 $1.442695020e+00, v24;
	s1 =	sshll.u32 s31, $0xB  }
0x1dd: {  	v30 =	vmul.f32 $1.442695020e+00, v57;
	v29 =	vmul.f32 $1.442695020e+00, v56;
	v48 =	vld.idx.msk [tilespmem:v25+s10+$0x0], $0xffff;
	s25 =	sshra.s32 s1, $0x2  }
0x1de: {  	[tilespmem:s25+$0x4900] =	vst.add.f32.msk $0xffff, v17;
	v17 =	vmul.f32 v20, v21;
	v20 =	vpop (erf);
	(erf) = vpow2.f32 v24  }
0x1df: {  	[tilespmem:s25+$0x4920] =	vst.add.f32.msk $0xffff, v18;
	v18 =	vmul.f32 v20, v21;
	v20 =	vpop (erf);
	(erf) = vpow2.f32 v29  }
0x1e0: {  	v29 =	vmul.f32 v19, v5;
	[tilespmem:s25+$0x4940] =	vst.add.f32.msk $0xffff, v17;
	v17 =	vmul.f32 v20, v21;
	v20 =	vpop (erf)  }
0x1e1: {  	(erf) = vpow2.f32 v30;
	[tilespmem:s25+$0x4960] =	vst.add.f32.msk $0xffff, v18;
	v18 =	vmul.f32 v20, v21;
	v20 =	vpop (erf)  }
0x1e2: {  	v30 =	vmul.f32 v15, v5;
	[tilespmem:s25+$0x4980] =	vst.add.f32.msk $0xffff, v17;
	v17 =	vmul.f32 v20, v21;
	v20 =	vpop (erf)  }
0x1e3: {  	v61 =	vadd.f32 $-1.437500000e+00, v48;
	(erf) = vpow2.f32 v16;
	[tilespmem:s25+$0x49A0] =	vst.add.f32.msk $0xffff, v18;
	v18 =	vmul.f32 v20, v21;
	v20 =	vpop (erf)  }
0x1e4: {  	(erf) = vpow2.f32 v26;
	[tilespmem:s25+$0x49C0] =	vst.add.f32.msk $0xffff, v17;
	v17 =	vmul.f32 v20, v21  }
0x1e5: {  	[tilespmem:s24+$0x4AF0] =	vst.add.f32.msk $0xffff, v23;
	v52 =	vadd.f32 $-2.243750100e+00, v48;
	v23 =	vmul.f32 v61, v61;
	(erf) = vpow2.f32 v27;
	v20 =	vpop (erf)  }
0x1e6: {  	v49 =	vadd.f32 $-3.318749900e+00, v48;
	(erf) = vpow2.f32 v28;
	[tilespmem:s25+$0x49E0] =	vst.add.f32.msk $0xffff, v18;
	v18 =	vmul.f32 v20, v21;
	v20 =	vpop (erf)  }
0x1e7: {  	(erf) = vpow2.f32 v14;
	v14 =	vmul.f32 v20, v21  }
0x1e8: {  	v50 =	vadd.f32 $-3.587500100e+00, v48;
	v57 =	vmul.f32 v52, v52;
	v49 =	vmul.f32 v49, v49;
	[tilespmem:s25+$0x4A00] =	vst.add.f32.msk $0xffff, v17;
	v17 =	vpop (erf)  }
0x1e9: {  	v56 =	vadd.f32 $-3.856250050e+00, v48;
	[tilespmem:s24+$0x4910] =	vst.add.f32.msk $0xffff, v29;
	(erf) = vpow2.f32 v13;
	v13 =	vmul.f32 v17, v21;
	v17 =	vpop (erf)  }
0x1ea: {  	[tilespmem:s24+$0x4930] =	vst.add.f32.msk $0xffff, v30;
	(erf) = vpow2.f32 v12;
	v12 =	vmul.f32 v17, v21  }
0x1eb: {  	v63 =	vadd.f32 $-1.975000020e+00, v48;
	v50 =	vmul.f32 v50, v50;
	v51 =	vmul.f32 v56, v56;
	[tilespmem:s25+$0x4A40] =	vst.add.f32.msk $0xffff, v14;
	v14 =	vpop (erf)  }
0x1ec: {  	[tilespmem:s25+$0x4A20] =	vst.add.f32.msk $0xffff, v18;
	(erf) = vpow2.f32 v11;
	v11 =	vmul.f32 v14, v21  }
0x1ed: {  	v16 =	vmul.f32 $1.442695020e+00, v22;
	v29 =	vmul.f32 v63, v63;
	[tilespmem:s25+$0x4A60] =	vst.add.f32.msk $0xffff, v13;
	v13 =	vor.u32 s30, v4;
	v14 =	vpop (erf)  }
0x1ee: {  	v53 =	vadd.f32 $-2.512500050e+00, v48;
	(erf) = vpow2.f32 v10;
	[tilespmem:s25+$0x4A80] =	vst.add.f32.msk $0xffff, v12;
	v10 =	vmul.f32 v14, v21;
	v12 =	vpop (erf)  }
0x1ef: {  	[tilespmem:s25+$0x4AA0] =	vst.add.f32.msk $0xffff, v11;
	(erf) = vpow2.f32 v9;
	v9 =	vmul.f32 v12, v21  }
0x1f0: {  	v61 =	vadd.f32 $-4.662499900e+00, v48;
	v30 =	vmul.f32 v53, v53;
	[tilespmem:s25+$0x4AC0] =	vst.add.f32.msk $0xffff, v10;
	v11 =	vpop (erf);
	(erf) = vpow2.f32 v16  }
0x1f1: {  	v55 =	vadd.f32 $-3.049999950e+00, v48;
	(erf) = vpow2.f32 v7;
	v31 =	vmul.f32 v11, v5;
	[tilespmem:s25+$0x4AE0] =	vst.add.f32.msk $0xffff, v9  }
0x1f2: {  	v63 =	vmul.f32 v61, v61;
	v10 =	vpop (erf);
	(erf) = vpow2.f32 v8;
	v12 =	vld.idx.msk [tilespmem:v13+s10+$0x0], $0xffff  }
0x1f3: {  	v32 =	vmul.f32 v10, v5;
	[tilespmem:s24+$0x4950] =	vst.add.f32.msk $0xffff, v31;
	v31 =	vmul.f32 v55, v55;
	v9 =	vpop (erf)  }
0x1f4: {  	(erf) = vpow2.f32 v6;
	v7 =	vpop (erf);
	v33 =	vmul.f32 v9, v5  }
0x1f5: {  	[tilespmem:s24+$0x4970] =	vst.add.f32.msk $0xffff, v32;
	v32 =	vmul.f32 $-1.600000000e+01, v49;
	v8 =	vpop (erf);
	v34 =	vmul.f32 v7, v5  }
0x1f6: {  	v35 =	vmul.f32 v8, v5;
	[tilespmem:s24+$0x4990] =	vst.add.f32.msk $0xffff, v33;
	v33 =	vmul.f32 $-1.600000000e+01, v31  }
0x1f7: {  	v6 =	vpop (erf);
	v31 =	vmul.f32 $-1.600000000e+01, v50;
	v8 =	vadd.f32 $-4.931250100e+00, v12;
	v9 =	vadd.f32 $-1.168750050e+00, v12  }
0x1f8: {  	v7 =	vpop (erf);
	v36 =	vmul.f32 v6, v5;
	v10 =	vadd.f32 $-1.437500000e+00, v12;
	v11 =	vadd.f32 $-1.975000020e+00, v12  }
0x1f9: {  	v15 =	vadd.f32 $-2.512500050e+00, v12;
	v16 =	vadd.f32 $-2.781250000e+00, v12;
	v6 =	vpop (erf);
	v27 =	vmul.f32 v7, v5  }
0x1fa: {  	v17 =	vadd.f32 $-3.049999950e+00, v12;
	v24 =	vmul.f32 v6, v5;
	v8 =	vmul.f32 v8, v8  }
0x1fb: {  	v18 =	vadd.f32 $-3.318749900e+00, v12;
	v9 =	vmul.f32 v9, v9;
	v10 =	vmul.f32 v10, v10  }
0x1fc: {  	v19 =	vadd.f32 $-3.587500100e+00, v12;
	v11 =	vmul.f32 v11, v11;
	v15 =	vmul.f32 v15, v15  }
0x1fd: {  	v7 =	vadd.f32 $-8.999999760e-01, v12;
	v16 =	vmul.f32 v16, v16;
	v17 =	vmul.f32 v17, v17  }
0x1fe: {  	v6 =	vpop (erf);
	v18 =	vmul.f32 v18, v18;
	v19 =	vmul.f32 v19, v19  }
0x1ff: {  	v26 =	vmul.f32 v6, v5;
	v6 =	vpop (erf);
	v14 =	vmul.f32 v7, v7  }
0x200: {  	v28 =	vmul.f32 v6, v5;
	v8 =	vmul.f32 $-1.600000000e+01, v8  }
0x201: {  	v38 =	vmul.f32 $-1.600000000e+01, v9;
	v10 =	vmul.f32 $-1.600000000e+01, v10  }
0x202: {  	v11 =	vmul.f32 $-1.600000000e+01, v11;
	v15 =	vmul.f32 $-1.600000000e+01, v15  }
0x203: {  	v7 =	vadd.f32 $-2.243750100e+00, v12;
	v16 =	vmul.f32 $-1.600000000e+01, v16;
	v40 =	vmul.f32 $-1.600000000e+01, v17  }
0x204: {  	v6 =	vadd.f32 $-1.706249950e+00, v12;
	v41 =	vmul.f32 $-1.600000000e+01, v18;
	v43 =	vmul.f32 $-1.600000000e+01, v19  }
0x205: {  	v21 =	vmul.f32 v7, v7;
	v14 =	vmul.f32 $-1.600000000e+01, v14  }
0x206: {  	v8 =	vmul.f32 $1.442695020e+00, v8;
	v20 =	vmul.f32 v6, v6  }
0x207: {  	v60 =	vadd.f32 $-1.168750050e+00, v48;
	v38 =	vmul.f32 $1.442695020e+00, v38;
	v18 =	vmul.f32 $1.442695020e+00, v15  }
0x208: {  	v62 =	vadd.f32 $-1.706249950e+00, v48;
	v17 =	vmul.f32 $1.442695020e+00, v16;
	v16 =	vmul.f32 $1.442695020e+00, v40  }
0x209: {  	v15 =	vmul.f32 $1.442695020e+00, v41;
	v40 =	vmul.f32 v60, v60  }
0x20a: {  	v7 =	vadd.f32 $-4.125000000e+00, v12;
	v41 =	vmul.f32 v62, v62;
	[tilespmem:s24+$0x4A70] =	vst.add.f32.msk $0xffff, v28;
	v28 =	vmul.f32 $-1.600000000e+01, v63  }
0x20b: {  	v6 =	vadd.f32 $-3.856250050e+00, v12;
	v39 =	vmul.f32 $-1.600000000e+01, v21;
	v46 =	vmul.f32 $1.442695020e+00, v14  }
0x20c: {  	v62 =	vadd.f32 $-4.931250100e+00, v48;
	v14 =	vmul.f32 $1.442695020e+00, v43;
	(erf) = vpow2.f32 v8  }
0x20d: {  	v8 =	vadd.f32 $-4.393750190e+00, v12;
	v12 =	vadd.f32 $-4.662499900e+00, v12;
	v22 =	vmul.f32 v6, v6  }
0x20e: {  	v6 =	vld.idx.msk [tilespmem:v13+s11+$0x0], $0xffff;
	v13 =	vmul.f32 v7, v7;
	v20 =	vmul.f32 $-1.600000000e+01, v20  }
0x20f: {  	v52 =	vmul.f32 v62, v62;
	v12 =	vmul.f32 v12, v12  }
0x210: {  	v59 =	vadd.f32 $-8.999999760e-01, v48;
	[tilespmem:s24+$0x49D0] =	vst.add.f32.msk $0xffff, v35;
	v35 =	vmul.f32 $-1.600000000e+01, v40;
	v40 =	vmul.f32 $-1.600000000e+01, v57  }
0x211: {  	v19 =	vmul.f32 $1.442695020e+00, v39;
	v47 =	vmul.f32 $-1.600000000e+01, v12  }
0x212: {  	v54 =	vadd.f32 $-2.781250000e+00, v48;
	v39 =	vmul.f32 v59, v59;
	v44 =	vmul.f32 $-1.600000000e+01, v22  }
0x213: {  	v22 =	vmul.f32 $1.442695020e+00, v10;
	v10 =	vmul.f32 $1.442695020e+00, v47;
	v47 =	vmov s0  }
0x214: {  	v7 =	vpop (erf);
	v59 =	vmul.f32 v54, v54;
	v58 =	vmul.f32 v8, v8  }
0x215: {  	[tilespmem:s24+$0x49B0] =	vst.add.f32.msk $0xffff, v34;
	v45 =	vmul.f32 $-1.600000000e+01, v13;
	v8 =	vpop (erf);
	(erf) = vpow2.f32 v46  }
0x216: {  	[tilespmem:s24+$0x4A50] =	vst.add.f32.msk $0xffff, v26;
	v26 =	vmul.f32 $-1.600000000e+01, v52;
	(erf) = vpow2.f32 v38  }
0x217: {  	[tilespmem:s24+$0x49F0] =	vst.add.f32.msk $0xffff, v36;
	v34 =	vmul.f32 $-1.600000000e+01, v39;
	v39 =	vmul.f32 $-1.600000000e+01, v29  }
0x218: {  	v60 =	vadd.f32 $-4.393750190e+00, v48;
	v36 =	vmul.f32 $-1.600000000e+01, v59;
	v29 =	vmul.f32 $-1.600000000e+01, v51;
	v47 =	vld.idx.msk [tilespmem:v47+s9+$0x0], $0xffff  }
0x219: {  	v37 =	vmul.f32 $-1.600000000e+01, v58;
	v13 =	vmul.f32 $1.442695020e+00, v44  }
0x21a: {  	v12 =	vmul.f32 $1.442695020e+00, v45;
	v58 =	vadd.f32 $-4.125000000e+00, v48;
	v46 =	vmul.f32 v60, v60;
	v9 =	vpop (erf)  }
0x21b: {  	v38 =	vmul.f32 $-1.600000000e+01, v41;
	v41 =	vmul.f32 $-1.600000000e+01, v30;
	v21 =	vpop (erf)  }
0x21c: {  	v44 =	vmul.f32 v58, v58;
	v42 =	vmul.f32 v21, v6  }
0x21d: {  	[tilespmem:s24+$0x4A10] =	vst.add.f32.msk $0xffff, v27;
	v21 =	vmul.f32 $1.442695020e+00, v20;
	v20 =	vmul.f32 $1.442695020e+00, v11;
	(v2sf) =	vpush v47, $0x0  }
0x21e: {  	[tilespmem:s24+$0x4A30] =	vst.add.f32.msk $0xffff, v24;
	v11 =	vmul.f32 $1.442695020e+00, v37;
	v37 =	vmul.f32 $-1.600000000e+01, v23;
	v23 =	vpop (erf)  }
0x21f: {  	s1 =	simm.s32 $0x3;
	v27 =	vmul.f32 $-1.600000000e+01, v46;
	v30 =	vmul.f32 $-1.600000000e+01, v44;
	[tilespmem:s25+$0x4AF0] =	vst.add.f32.msk $0xffff, v42;
	v24 =	vpop (erf)  }
.LBB2_8:
0x220: {  	p0 =	sne.s32 s1, $0x1F;
	v34 =	vmul.f32 $1.442695020e+00, v34;
	v35 =	vmul.f32 $1.442695020e+00, v35  }
0x221: {  	v37 =	vmul.f32 $1.442695020e+00, v37;
	v38 =	vmul.f32 $1.442695020e+00, v38  }
0x222: {  	v39 =	vmul.f32 $1.442695020e+00, v39;
	v40 =	vmul.f32 $1.442695020e+00, v40  }
0x223: {  	v41 =	vmul.f32 $1.442695020e+00, v41;
	(erf) = vpow2.f32 v34  }
0x224: {  	v34 =	vmul.f32 $1.442695020e+00, v36;
	(erf) = vpow2.f32 v35  }
0x225: {  	v33 =	vmul.f32 $1.442695020e+00, v33;
	(erf) = vpow2.f32 v37  }
0x226: {  	v32 =	vmul.f32 $1.442695020e+00, v32;
	(erf) = vpow2.f32 v38  }
0x227: {  	v31 =	vmul.f32 $1.442695020e+00, v31;
	v25 =	vld.idx.msk [tilespmem:v25+s11+$0x0], $0xffff;
	(erf) = vpow2.f32 v39  }
0x228: {  	v29 =	vmul.f32 $1.442695020e+00, v29;
	(erf) = vpow2.f32 v40  }
0x229: {  	v30 =	vmul.f32 $1.442695020e+00, v30;
	(erf) = vpow2.f32 v41  }
0x22a: {  	v27 =	vmul.f32 $1.442695020e+00, v27;
	(erf) = vpow2.f32 v34  }
0x22b: {  	v28 =	vmul.f32 $1.442695020e+00, v28;
	(erf) = vpow2.f32 v33  }
0x22c: {  	v26 =	vmul.f32 $1.442695020e+00, v26;
	s2 =	spop (v2sf);
	v33 =	vpop (erf);
	(erf) = vpow2.f32 v32  }
0x22d: {  	v34 =	vmul.f32 v33, v25;
	s2 =	sshll.u32 s2, $0xB;
	v33 =	vpop (erf);
	(erf) = vpow2.f32 v31  }
0x22e: {  	s2 =	sshra.s32 s2, $0x2;
	v35 =	vmul.f32 v33, v25;
	v33 =	vpop (erf);
	(erf) = vpow2.f32 v29  }
0x22f: {  	[tilespmem:s2+$0x4900] =	vst.add.f32.msk $0xffff, v34;
	v33 =	vmul.f32 v33, v25;
	v32 =	vpop (erf);
	(erf) = vpow2.f32 v30  }
0x230: {  	[tilespmem:s2+$0x4920] =	vst.add.f32.msk $0xffff, v35;
	v30 =	vmul.f32 v32, v25;
	v31 =	vpop (erf);
	(erf) = vpow2.f32 v27  }
0x231: {  	[tilespmem:s2+$0x4940] =	vst.add.f32.msk $0xffff, v33;
	v31 =	vmul.f32 v31, v25;
	v29 =	vpop (erf);
	(erf) = vpow2.f32 v28  }
0x232: {  	[tilespmem:s2+$0x4960] =	vst.add.f32.msk $0xffff, v30;
	v28 =	vmul.f32 v29, v25;
	v29 =	vpop (erf);
	(erf) = vpow2.f32 v26  }
0x233: {  	[tilespmem:s2+$0x4980] =	vst.add.f32.msk $0xffff, v31;
	v29 =	vmul.f32 v29, v25;
	v27 =	vpop (erf);
	(erf) = vpow2.f32 v22  }
0x234: {  	[tilespmem:s2+$0x49A0] =	vst.add.f32.msk $0xffff, v28;
	v28 =	vmul.f32 v27, v25;
	v27 =	vpop (erf);
	(erf) = vpow2.f32 v21  }
0x235: {  	[tilespmem:s2+$0x49C0] =	vst.add.f32.msk $0xffff, v29;
	v27 =	vmul.f32 v27, v25;
	v26 =	vpop (erf);
	(erf) = vpow2.f32 v20  }
0x236: {  	[tilespmem:s2+$0x49E0] =	vst.add.f32.msk $0xffff, v28;
	v26 =	vmul.f32 v26, v25;
	v22 =	vpop (erf);
	(erf) = vpow2.f32 v19  }
0x237: {  	[tilespmem:s2+$0x4A00] =	vst.add.f32.msk $0xffff, v27;
	v22 =	vmul.f32 v22, v25;
	v21 =	vpop (erf);
	(erf) = vpow2.f32 v18  }
0x238: {  	[tilespmem:s2+$0x4A20] =	vst.add.f32.msk $0xffff, v26;
	v18 =	vmul.f32 v21, v25;
	v20 =	vpop (erf);
	(erf) = vpow2.f32 v17  }
0x239: {  	[tilespmem:s2+$0x4A40] =	vst.add.f32.msk $0xffff, v22;
	v20 =	vmul.f32 v20, v25;
	v19 =	vpop (erf);
	(erf) = vpow2.f32 v16  }
0x23a: {  	[tilespmem:s2+$0x4A60] =	vst.add.f32.msk $0xffff, v18;
	v21 =	vmul.f32 v19, v25;
	v18 =	vor.u32 s0, v4;
	v19 =	vpop (erf);
	(erf) = vpow2.f32 v15;
	s0 =	smov.u32 s1  }
0x23b: {  	[tilespmem:s2+$0x4A80] =	vst.add.f32.msk $0xffff, v20;
	v19 =	vmul.f32 v19, v25;
	v17 =	vpop (erf);
	(erf) = vpow2.f32 v14  }
0x23c: {  	[tilespmem:s2+$0x4AA0] =	vst.add.f32.msk $0xffff, v21;
	v20 =	vmul.f32 v17, v25;
	v16 =	vpop (erf);
	(erf) = vpow2.f32 v13  }
0x23d: {  	v13 =	vmul.f32 v23, v6;
	[tilespmem:s2+$0x4AC0] =	vst.add.f32.msk $0xffff, v19;
	v15 =	vpop (erf);
	(erf) = vpow2.f32 v12  }
0x23e: {  	v12 =	vmul.f32 v24, v6;
	[tilespmem:s2+$0x4AE0] =	vst.add.f32.msk $0xffff, v20;
	v14 =	vpop (erf);
	(erf) = vpow2.f32 v11  }
0x23f: {  	v19 =	vmul.f32 v16, v6;
	v11 =	vld.idx.msk [tilespmem:v18+s10+$0x0], $0xffff;
	v17 =	vpop (erf);
	(erf) = vpow2.f32 v10  }
0x240: {  	v10 =	vmul.f32 v15, v6;
	[tilespmem:s25+$0x4910] =	vst.add.f32.msk $0xffff, v13;
	v13 =	vmul.f32 v14, v6;
	v14 =	vpop (erf)  }
0x241: {  	[tilespmem:s25+$0x4930] =	vst.add.f32.msk $0xffff, v12;
	v12 =	vmul.f32 v17, v6;
	v14 =	vmul.f32 v14, v6;
	v15 =	vpop (erf)  }
0x242: {  	v17 =	vmul.f32 v7, v5;
	[tilespmem:s25+$0x4950] =	vst.add.f32.msk $0xffff, v19;
	v15 =	vmul.f32 v15, v6;
	v16 =	vpop (erf)  }
0x243: {  	[tilespmem:s25+$0x4970] =	vst.add.f32.msk $0xffff, v10;
	v10 =	vmul.f32 v16, v6;
	v7 =	vpop (erf);
	v16 =	vmul.f32 v8, v5  }
0x244: {  	v19 =	vmul.f32 v9, v5;
	v5 =	vmov v6;
	[tilespmem:s25+$0x4990] =	vst.add.f32.msk $0xffff, v13;
	v13 =	vmul.f32 v7, v6;
	v7 =	vpop (erf)  }
0x245: {  	v6 =	vadd.f32 $-8.999999760e-01, v11;
	v26 =	vadd.f32 $-4.931250100e+00, v11;
	[tilespmem:s25+$0x49B0] =	vst.add.f32.msk $0xffff, v12;
	v12 =	vmul.f32 v7, v5;
	v7 =	vpop (erf)  }
0x246: {  	v20 =	vadd.f32 $-1.168750050e+00, v11;
	v21 =	vadd.f32 $-1.437500000e+00, v11;
	[tilespmem:s25+$0x49D0] =	vst.add.f32.msk $0xffff, v14;
	v14 =	vmul.f32 v7, v5;
	v7 =	vpop (erf)  }
0x247: {  	v22 =	vadd.f32 $-1.706249950e+00, v11;
	v23 =	vadd.f32 $-1.975000020e+00, v11;
	v24 =	vmul.f32 v26, v26;
	[tilespmem:s25+$0x49F0] =	vst.add.f32.msk $0xffff, v15;
	v8 =	vpop (erf)  }
0x248: {  	v25 =	vadd.f32 $-2.512500050e+00, v11;
	v15 =	vmul.f32 v6, v6;
	v6 =	vadd.f32 $-2.243750100e+00, v11;
	[tilespmem:s25+$0x4A10] =	vst.add.f32.msk $0xffff, v10;
	v9 =	vpop (erf)  }
0x249: {  	v26 =	vadd.f32 $-3.049999950e+00, v11;
	v10 =	vadd.f32 $-2.781250000e+00, v11;
	v24 =	vmul.f32 $-1.600000000e+01, v24;
	[tilespmem:s25+$0x4A30] =	vst.add.f32.msk $0xffff, v13  }
0x24a: {  	v27 =	vadd.f32 $-3.587500100e+00, v11;
	v13 =	vmul.f32 v20, v20;
	v20 =	vadd.f32 $-3.318749900e+00, v11;
	[tilespmem:s25+$0x4A50] =	vst.add.f32.msk $0xffff, v12  }
0x24b: {  	v28 =	vadd.f32 $-4.125000000e+00, v11;
	v12 =	vadd.f32 $-3.856250050e+00, v11;
	v24 =	vmul.f32 $1.442695020e+00, v24;
	[tilespmem:s25+$0x4A70] =	vst.add.f32.msk $0xffff, v14  }
0x24c: {  	v14 =	vmul.f32 v21, v21;
	v21 =	vadd.f32 $-4.393750190e+00, v11;
	v11 =	vadd.f32 $-4.662499900e+00, v11;
	[tilespmem:s24+$0x4A90] =	vst.add.f32.msk $0xffff, v17  }
0x24d: {  	v17 =	vmul.f32 v22, v22;
	(erf) = vpow2.f32 v24;
	[tilespmem:s24+$0x4AB0] =	vst.add.f32.msk $0xffff, v16  }
0x24e: {  	v22 =	vmul.f32 v6, v6;
	v16 =	vmul.f32 v23, v23;
	[tilespmem:s24+$0x4AD0] =	vst.add.f32.msk $0xffff, v19;
	s24 =	smov.u32 s25;
	s25 =	smov.u32 s2  }
0x24f: {  	v10 =	vmul.f32 v10, v10;
	v19 =	vmul.f32 v25, v25  }
0x250: {  	v20 =	vmul.f32 v20, v20;
	v23 =	vmul.f32 v26, v26  }
0x251: {  	v12 =	vmul.f32 v12, v12;
	v6 =	vld.idx.msk [tilespmem:v18+s11+$0x0], $0xffff;
	v18 =	vmul.f32 v27, v27  }
0x252: {  	v24 =	vmul.f32 v28, v28;
	v21 =	vmul.f32 v21, v21  }
0x253: {  	v15 =	vmul.f32 $-1.600000000e+01, v15;
	v11 =	vmul.f32 v11, v11  }
0x254: {  	v13 =	vmul.f32 $-1.600000000e+01, v13;
	v14 =	vmul.f32 $-1.600000000e+01, v14  }
0x255: {  	v17 =	vmul.f32 $-1.600000000e+01, v17;
	v16 =	vmul.f32 $-1.600000000e+01, v16  }
0x256: {  	v26 =	vmul.f32 $-1.600000000e+01, v22;
	v27 =	vmul.f32 $-1.600000000e+01, v19;
	v19 =	vpop (erf)  }
0x257: {  	v10 =	vmul.f32 $-1.600000000e+01, v10;
	v25 =	vor.u32 s1, v1;
	v19 =	vmul.f32 v19, v6  }
0x258: {  	v28 =	vmul.f32 $-1.600000000e+01, v20;
	v23 =	vmul.f32 $-1.600000000e+01, v23  }
0x259: {  	v12 =	vmul.f32 $-1.600000000e+01, v12;
	v29 =	vmul.f32 $-1.600000000e+01, v18;
	[tilespmem:s25+$0x4AF0] =	vst.add.f32.msk $0xffff, v19  }
0x25a: {  	v24 =	vmul.f32 $-1.600000000e+01, v24;
	v30 =	vmul.f32 $-1.600000000e+01, v21  }
0x25b: {  	v31 =	vmul.f32 $1.442695020e+00, v15;
	v32 =	vmul.f32 $-1.600000000e+01, v11  }
0x25c: {  	v34 =	vmul.f32 $1.442695020e+00, v13;
	v22 =	vmul.f32 $1.442695020e+00, v14;
	v33 =	vld.idx.msk [tilespmem:v25+s10+$0x0], $0xffff  }
0x25d: {  	v21 =	vmul.f32 $1.442695020e+00, v17;
	v20 =	vmul.f32 $1.442695020e+00, v16  }
0x25e: {  	v18 =	vmul.f32 $1.442695020e+00, v27;
	v19 =	vmul.f32 $1.442695020e+00, v26  }
0x25f: {  	v17 =	vmul.f32 $1.442695020e+00, v10;
	v16 =	vmul.f32 $1.442695020e+00, v23  }
0x260: {  	v15 =	vmul.f32 $1.442695020e+00, v28;
	v14 =	vmul.f32 $1.442695020e+00, v29  }
0x261: {  	v13 =	vmul.f32 $1.442695020e+00, v12;
	v12 =	vmul.f32 $1.442695020e+00, v24  }
0x262: {  	v11 =	vmul.f32 $1.442695020e+00, v30;
	v23 =	vadd.f32 $-8.999999760e-01, v33;
	v24 =	vadd.f32 $-1.168750050e+00, v33  }
0x263: {  	v10 =	vmul.f32 $1.442695020e+00, v32;
	v26 =	vadd.f32 $-1.437500000e+00, v33;
	v27 =	vadd.f32 $-1.706249950e+00, v33  }
0x264: {  	v28 =	vadd.f32 $-1.975000020e+00, v33;
	v29 =	vadd.f32 $-2.243750100e+00, v33;
	(erf) = vpow2.f32 v31  }
0x265: {  	v30 =	vadd.f32 $-2.512500050e+00, v33;
	v31 =	vadd.f32 $-2.781250000e+00, v33;
	(erf) = vpow2.f32 v34  }
0x266: {  	v32 =	vmov s1;
	v35 =	vadd.f32 $-3.318749900e+00, v33;
	v34 =	vadd.f32 $-3.049999950e+00, v33  }
0x267: {  	v36 =	vmul.f32 v23, v23;
	v37 =	vmul.f32 v24, v24;
	v23 =	vadd.f32 $-3.587500100e+00, v33  }
0x268: {  	v26 =	vmul.f32 v26, v26;
	v27 =	vmul.f32 v27, v27;
	v24 =	vadd.f32 $-3.856250050e+00, v33  }
0x269: {  	v38 =	vadd.f32 $-4.125000000e+00, v33;
	v28 =	vmul.f32 v28, v28;
	v29 =	vmul.f32 v29, v29  }
0x26a: {  	v39 =	vadd.f32 $-4.393750190e+00, v33;
	v30 =	vmul.f32 v30, v30;
	v31 =	vmul.f32 v31, v31  }
0x26b: {  	v43 =	vmul.f32 v35, v35;
	v42 =	vmul.f32 v34, v34;
	v34 =	vadd.f32 $-4.662499900e+00, v33  }
0x26c: {  	v44 =	vmul.f32 v23, v23;
	v45 =	vmul.f32 v24, v24;
	v33 =	vadd.f32 $-4.931250100e+00, v33  }
0x26d: {  	v46 =	vmul.f32 v38, v38;
	v47 =	vmul.f32 v39, v39;
	v23 =	vpop (erf)  }
0x26e: {  	v49 =	vmul.f32 v34, v34;
	v50 =	vmul.f32 v33, v33;
	v48 =	vld.idx.msk [tilespmem:v32+s9+$0x0], $0xffff;
	v24 =	vpop (erf)  }
0x26f: {  	v35 =	vmul.f32 $-1.600000000e+01, v37;
	v34 =	vmul.f32 $-1.600000000e+01, v36  }
0x270: {  	v37 =	vmul.f32 $-1.600000000e+01, v26;
	v38 =	vmul.f32 $-1.600000000e+01, v27  }
0x271: {  	v39 =	vmul.f32 $-1.600000000e+01, v28;
	v40 =	vmul.f32 $-1.600000000e+01, v29  }
.Ltmp3:
0x272: {  	v41 =	vmul.f32 $-1.600000000e+01, v30;
	v36 =	vmul.f32 $-1.600000000e+01, v31;
	(pc) =	sbr.rel @p0 .LBB2_8-.Ltmp3, $4  }
0x273: {  	v33 =	vmul.f32 $-1.600000000e+01, v42;
	v32 =	vmul.f32 $-1.600000000e+01, v43  }
0x274: {  	v29 =	vmul.f32 $-1.600000000e+01, v45;
	v31 =	vmul.f32 $-1.600000000e+01, v44;
	(v2sf) =	vpush v48, $0x0  }
0x275: {  	v30 =	vmul.f32 $-1.600000000e+01, v46;
	v27 =	vmul.f32 $-1.600000000e+01, v47  }
0x276: {  	s1 =	sadd.s32 $0x1, s1;
	v28 =	vmul.f32 $-1.600000000e+01, v49;
	v26 =	vmul.f32 $-1.600000000e+01, v50  }
0x277: {  	v34 =	vmul.f32 $1.442695020e+00, v34;
	v35 =	vmul.f32 $1.442695020e+00, v35  }
0x278: {  	v37 =	vmul.f32 $1.442695020e+00, v37;
	v38 =	vmul.f32 $1.442695020e+00, v38  }
0x279: {  	v39 =	vmul.f32 $1.442695020e+00, v39;
	v40 =	vmul.f32 $1.442695020e+00, v40  }
0x27a: {  	v41 =	vmul.f32 $1.442695020e+00, v41;
	(erf) = vpow2.f32 v34  }
0x27b: {  	v55 =	vmul.f32 $1.442695020e+00, v36;
	(erf) = vpow2.f32 v35  }
0x27c: {  	v33 =	vmul.f32 $1.442695020e+00, v33;
	(erf) = vpow2.f32 v37  }
0x27d: {  	v32 =	vmul.f32 $1.442695020e+00, v32;
	(erf) = vpow2.f32 v38  }
0x27e: {  	v31 =	vmul.f32 $1.442695020e+00, v31;
	(erf) = vpow2.f32 v39  }
0x27f: {  	v25 =	vld.idx.msk [tilespmem:v25+s11+$0x0], $0xffff;
	v29 =	vmul.f32 $1.442695020e+00, v29;
	(erf) = vpow2.f32 v40  }
0x280: {  	v30 =	vmul.f32 $1.442695020e+00, v30;
	(erf) = vpow2.f32 v41  }
0x281: {  	v27 =	vmul.f32 $1.442695020e+00, v27;
	(erf) = vpow2.f32 v55  }
0x282: {  	v28 =	vmul.f32 $1.442695020e+00, v28;
	(erf) = vpow2.f32 v33  }
0x283: {  	v26 =	vmul.f32 $1.442695020e+00, v26;
	v56 =	vpop (erf);
	(erf) = vpow2.f32 v32;
	s1 =	spop (v2sf)  }
0x284: {  	v57 =	vmul.f32 v56, v25;
	v58 =	vpop (erf);
	(erf) = vpow2.f32 v31;
	s1 =	sshll.u32 s1, $0xB  }
0x285: {  	v59 =	vmul.f32 v58, v25;
	v60 =	vpop (erf);
	(erf) = vpow2.f32 v29;
	s1 =	sshra.s32 s1, $0x2  }
0x286: {  	v61 =	vmul.f32 v60, v25;
	v62 =	vpop (erf);
	(erf) = vpow2.f32 v30;
	[tilespmem:s1+$0x4900] =	vst.add.f32.msk $0xffff, v57  }
0x287: {  	[tilespmem:s1+$0x4920] =	vst.add.f32.msk $0xffff, v59;
	v63 =	vmul.f32 v62, v25;
	v33 =	vpop (erf);
	(erf) = vpow2.f32 v27  }
0x288: {  	[tilespmem:s1+$0x4940] =	vst.add.f32.msk $0xffff, v61;
	v34 =	vmul.f32 v33, v25;
	v35 =	vpop (erf);
	(erf) = vpow2.f32 v28  }
0x289: {  	[tilespmem:s1+$0x4960] =	vst.add.f32.msk $0xffff, v63;
	v36 =	vmul.f32 v35, v25;
	v37 =	vpop (erf);
	(erf) = vpow2.f32 v26  }
0x28a: {  	[tilespmem:s1+$0x4980] =	vst.add.f32.msk $0xffff, v34;
	v38 =	vmul.f32 v37, v25;
	v39 =	vpop (erf)  }
0x28b: {  	[tilespmem:s1+$0x49A0] =	vst.add.f32.msk $0xffff, v36;
	v40 =	vmul.f32 v39, v25;
	v41 =	vpop (erf)  }
0x28c: {  	[tilespmem:s1+$0x49C0] =	vst.add.f32.msk $0xffff, v38;
	v42 =	vmul.f32 v41, v25;
	v43 =	vpop (erf)  }
0x28d: {  	(erf) = vpow2.f32 v22;
	[tilespmem:s1+$0x49E0] =	vst.add.f32.msk $0xffff, v40;
	v44 =	vmul.f32 v43, v25;
	v45 =	vpop (erf)  }
0x28e: {  	(erf) = vpow2.f32 v21;
	[tilespmem:s1+$0x4A00] =	vst.add.f32.msk $0xffff, v42;
	v46 =	vmul.f32 v45, v25;
	v47 =	vpop (erf)  }
0x28f: {  	(erf) = vpow2.f32 v20;
	[tilespmem:s1+$0x4A20] =	vst.add.f32.msk $0xffff, v44;
	v48 =	vmul.f32 v47, v25;
	v49 =	vpop (erf)  }
0x290: {  	(erf) = vpow2.f32 v19;
	[tilespmem:s1+$0x4A40] =	vst.add.f32.msk $0xffff, v46;
	v50 =	vmul.f32 v49, v25;
	v51 =	vpop (erf)  }
0x291: {  	(erf) = vpow2.f32 v18;
	v18 =	vor.u32 s0, v4;
	[tilespmem:s1+$0x4A60] =	vst.add.f32.msk $0xffff, v48;
	v52 =	vmul.f32 v51, v25;
	v53 =	vpop (erf)  }
0x292: {  	(erf) = vpow2.f32 v17;
	[tilespmem:s1+$0x4A80] =	vst.add.f32.msk $0xffff, v50;
	v54 =	vmul.f32 v53, v25;
	v55 =	vpop (erf)  }
0x293: {  	(erf) = vpow2.f32 v16;
	[tilespmem:s1+$0x4AA0] =	vst.add.f32.msk $0xffff, v52;
	v56 =	vmul.f32 v55, v25  }
0x294: {  	v7 =	vmul.f32 v7, v5;
	(erf) = vpow2.f32 v15;
	[tilespmem:s1+$0x4AC0] =	vst.add.f32.msk $0xffff, v54  }
0x295: {  	v8 =	vmul.f32 v8, v5;
	(erf) = vpow2.f32 v14;
	[tilespmem:s1+$0x4AE0] =	vst.add.f32.msk $0xffff, v56  }
0x296: {  	v5 =	vmul.f32 v9, v5;
	v57 =	vpop (erf);
	(erf) = vpow2.f32 v13;
	v61 =	vld.idx.msk [tilespmem:v18+s10+$0x0], $0xffff  }
0x297: {  	v58 =	vmul.f32 v23, v6;
	v59 =	vpop (erf);
	(erf) = vpow2.f32 v12  }
0x298: {  	v12 =	vmul.f32 v24, v6;
	v16 =	vmul.f32 v57, v6;
	v60 =	vpop (erf)  }
0x299: {  	(erf) = vpow2.f32 v11;
	v63 =	vmul.f32 v59, v6;
	v62 =	vpop (erf)  }
0x29a: {  	(erf) = vpow2.f32 v10;
	v14 =	vmul.f32 v60, v6;
	v35 =	vpop (erf)  }
0x29b: {  	v17 =	vmul.f32 v62, v6;
	v15 =	vmul.f32 v35, v6;
	v36 =	vpop (erf);
	v39 =	vadd.f32 $-4.931250100e+00, v61  }
0x29c: {  	v19 =	vmul.f32 v36, v6;
	v37 =	vpop (erf);
	v41 =	vadd.f32 $-8.999999760e-01, v61;
	v43 =	vadd.f32 $-1.168750050e+00, v61  }
0x29d: {  	v20 =	vmul.f32 v37, v6;
	v38 =	vpop (erf);
	v44 =	vadd.f32 $-1.437500000e+00, v61;
	v45 =	vadd.f32 $-1.706249950e+00, v61  }
0x29e: {  	v21 =	vmul.f32 v38, v6;
	v40 =	vpop (erf);
	v46 =	vadd.f32 $-1.975000020e+00, v61;
	v47 =	vadd.f32 $-2.243750100e+00, v61  }
0x29f: {  	v48 =	vadd.f32 $-2.512500050e+00, v61;
	v49 =	vadd.f32 $-2.781250000e+00, v61;
	v23 =	vmul.f32 v40, v6;
	v42 =	vpop (erf)  }
0x2a0: {  	v50 =	vadd.f32 $-3.049999950e+00, v61;
	v22 =	vmul.f32 v39, v39;
	v24 =	vmul.f32 v42, v6  }
0x2a1: {  	v51 =	vadd.f32 $-3.318749900e+00, v61;
	v9 =	vmul.f32 v41, v41;
	v25 =	vmul.f32 v43, v43  }
0x2a2: {  	v52 =	vadd.f32 $-3.587500100e+00, v61;
	v26 =	vmul.f32 v44, v44;
	v27 =	vmul.f32 v45, v45  }
0x2a3: {  	v54 =	vadd.f32 $-3.856250050e+00, v61;
	v53 =	vmul.f32 v46, v46;
	v29 =	vmul.f32 v47, v47  }
0x2a4: {  	v55 =	vadd.f32 $-4.125000000e+00, v61;
	v30 =	vmul.f32 v48, v48;
	v31 =	vmul.f32 v49, v49  }
0x2a5: {  	v56 =	vadd.f32 $-4.393750190e+00, v61;
	v32 =	vmul.f32 v50, v50;
	v33 =	vmul.f32 v51, v51  }
0x2a6: {  	v11 =	vadd.f32 $-4.662499900e+00, v61;
	v34 =	vmul.f32 v52, v52;
	v28 =	vmul.f32 v54, v54  }
0x2a7: {  	v35 =	vmul.f32 v55, v55;
	v36 =	vmul.f32 v56, v56  }
0x2a8: {  	v11 =	vmul.f32 v11, v11;
	v22 =	vmul.f32 $-1.600000000e+01, v22  }
0x2a9: {  	v9 =	vmul.f32 $-1.600000000e+01, v9;
	v25 =	vmul.f32 $-1.600000000e+01, v25  }
0x2aa: {  	v26 =	vmul.f32 $-1.600000000e+01, v26;
	v27 =	vmul.f32 $-1.600000000e+01, v27  }
0x2ab: {  	v29 =	vmul.f32 $-1.600000000e+01, v29;
	v30 =	vmul.f32 $-1.600000000e+01, v30  }
0x2ac: {  	v31 =	vmul.f32 $-1.600000000e+01, v31;
	v32 =	vmul.f32 $-1.600000000e+01, v32  }
0x2ad: {  	[tilespmem:s25+$0x4910] =	vst.add.f32.msk $0xffff, v58;
	v58 =	vmul.f32 $-1.600000000e+01, v33;
	v59 =	vmul.f32 $-1.600000000e+01, v34  }
0x2ae: {  	v60 =	vmul.f32 $-1.600000000e+01, v28;
	v61 =	vmul.f32 $-1.600000000e+01, v35  }
0x2af: {  	[tilespmem:s25+$0x4970] =	vst.add.f32.msk $0xffff, v63;
	v62 =	vmul.f32 $-1.600000000e+01, v36;
	v63 =	vmul.f32 $-1.600000000e+01, v11  }
0x2b0: {  	[tilespmem:s24+$0x4A90] =	vst.add.f32.msk $0xffff, v7;
	v22 =	vmul.f32 $1.442695020e+00, v22;
	v9 =	vmul.f32 $1.442695020e+00, v9  }
0x2b1: {  	[tilespmem:s24+$0x4AB0] =	vst.add.f32.msk $0xffff, v8;
	v34 =	vmul.f32 $1.442695020e+00, v25;
	v35 =	vmul.f32 $1.442695020e+00, v26  }
0x2b2: {  	[tilespmem:s24+$0x4AD0] =	vst.add.f32.msk $0xffff, v5;
	v36 =	vmul.f32 $1.442695020e+00, v27;
	(erf) = vpow2.f32 v22  }
0x2b3: {  	v18 =	vld.idx.msk [tilespmem:v18+s11+$0x0], $0xffff;
	v37 =	vpop (erf);
	v22 =	vmul.f32 $-1.600000000e+01, v53;
	(erf) = vpow2.f32 v9  }
0x2b4: {  	[tilespmem:s25+$0x4930] =	vst.add.f32.msk $0xffff, v12;
	v38 =	vpop (erf);
	v42 =	vmul.f32 $1.442695020e+00, v29;
	(erf) = vpow2.f32 v34  }
0x2b5: {  	[tilespmem:s25+$0x4950] =	vst.add.f32.msk $0xffff, v16;
	v39 =	vpop (erf);
	v41 =	vmul.f32 $1.442695020e+00, v22;
	(erf) = vpow2.f32 v35  }
0x2b6: {  	[tilespmem:s25+$0x4990] =	vst.add.f32.msk $0xffff, v14;
	v43 =	vmul.f32 $1.442695020e+00, v30;
	(erf) = vpow2.f32 v36  }
0x2b7: {  	[tilespmem:s25+$0x49B0] =	vst.add.f32.msk $0xffff, v17;
	v44 =	vmul.f32 $1.442695020e+00, v31;
	(erf) = vpow2.f32 v41  }
0x2b8: {  	[tilespmem:s25+$0x49D0] =	vst.add.f32.msk $0xffff, v15;
	v45 =	vmul.f32 $1.442695020e+00, v32;
	(erf) = vpow2.f32 v42  }
0x2b9: {  	[tilespmem:s25+$0x49F0] =	vst.add.f32.msk $0xffff, v19;
	v46 =	vmul.f32 $1.442695020e+00, v58;
	(erf) = vpow2.f32 v43  }
0x2ba: {  	[tilespmem:s25+$0x4A10] =	vst.add.f32.msk $0xffff, v20;
	v7 =	vmul.f32 $1.442695020e+00, v59;
	(erf) = vpow2.f32 v44  }
0x2bb: {  	[tilespmem:s25+$0x4A30] =	vst.add.f32.msk $0xffff, v21;
	v47 =	vmul.f32 $1.442695020e+00, v60;
	v57 =	vpop (erf);
	(erf) = vpow2.f32 v45  }
0x2bc: {  	[tilespmem:s25+$0x4A50] =	vst.add.f32.msk $0xffff, v23;
	v40 =	vmul.f32 v57, v18;
	v48 =	vpop (erf);
	(erf) = vpow2.f32 v46  }
0x2bd: {  	[tilespmem:s25+$0x4A70] =	vst.add.f32.msk $0xffff, v24;
	v5 =	vpop (erf);
	(erf) = vpow2.f32 v7;
	v7 =	vmul.f32 v48, v18  }
0x2be: {  	[tilespmem:s1+$0x4AF0] =	vst.add.f32.msk $0xffff, v40;
	v49 =	vpop (erf);
	(erf) = vpow2.f32 v47;
	v5 =	vmul.f32 v5, v18  }
0x2bf: {  	v50 =	vmul.f32 $1.442695020e+00, v61;
	v51 =	vpop (erf);
	v9 =	vmul.f32 v49, v18;
	[tilespmem:s1+$0x4910] =	vst.add.f32.msk $0xffff, v7  }
0x2c0: {  	v7 =	vmul.f32 $1.442695020e+00, v62;
	v52 =	vpop (erf);
	v11 =	vmul.f32 v51, v18;
	[tilespmem:s1+$0x4930] =	vst.add.f32.msk $0xffff, v5  }
0x2c1: {  	(erf) = vpow2.f32 v50;
	v53 =	vpop (erf);
	v12 =	vmul.f32 v52, v18;
	[tilespmem:s1+$0x4950] =	vst.add.f32.msk $0xffff, v9  }
0x2c2: {  	v5 =	vmul.f32 $1.442695020e+00, v63;
	v54 =	vpop (erf);
	v55 =	vmul.f32 v53, v18;
	[tilespmem:s1+$0x4970] =	vst.add.f32.msk $0xffff, v11  }
0x2c3: {  	(erf) = vpow2.f32 v7;
	v7 =	vmul.f32 v54, v18;
	v56 =	vpop (erf);
	[tilespmem:s1+$0x4990] =	vst.add.f32.msk $0xffff, v12  }
0x2c4: {  	(erf) = vpow2.f32 v5;
	v5 =	vmul.f32 v56, v18;
	v57 =	vpop (erf);
	[tilespmem:s1+$0x49B0] =	vst.add.f32.msk $0xffff, v55  }
0x2c5: {  	v8 =	vmul.f32 v57, v18;
	v58 =	vpop (erf);
	[tilespmem:s1+$0x49D0] =	vst.add.f32.msk $0xffff, v7  }
0x2c6: {  	v7 =	vmul.f32 v58, v18;
	v59 =	vpop (erf);
	[tilespmem:s1+$0x49F0] =	vst.add.f32.msk $0xffff, v5  }
0x2c7: {  	v5 =	vmul.f32 v59, v18;
	v60 =	vpop (erf);
	[tilespmem:s1+$0x4A10] =	vst.add.f32.msk $0xffff, v8  }
0x2c8: {  	v61 =	vmul.f32 v60, v18;
	[tilespmem:s1+$0x4A30] =	vst.add.f32.msk $0xffff, v7;
	v7 =	vmul.f32 v37, v6  }
0x2c9: {  	[tilespmem:s1+$0x4A50] =	vst.add.f32.msk $0xffff, v5  }
0x2ca: {  	v5 =	vmul.f32 v38, v6;
	[tilespmem:s1+$0x4A70] =	vst.add.f32.msk $0xffff, v61  }
0x2cb: {  	v62 =	vpop (erf);
	v6 =	vmul.f32 v39, v6;
	[tilespmem:s25+$0x4A90] =	vst.add.f32.msk $0xffff, v7  }
0x2cc: {  	[tilespmem:s25+$0x4AB0] =	vst.add.f32.msk $0xffff, v5;
	v5 =	vmul.f32 v62, v18;
	v7 =	vpop (erf)  }
0x2cd: {  	[tilespmem:s25+$0x4AD0] =	vst.add.f32.msk $0xffff, v6;
	v63 =	vpop (erf);
	v6 =	vmul.f32 v7, v18  }
0x2ce: {  	[tilespmem:s1+$0x4A90] =	vst.add.f32.msk $0xffff, v5;
	v7 =	vmul.f32 v63, v18  }
0x2cf: {  	[tilespmem:s1+$0x4AB0] =	vst.add.f32.msk $0xffff, v6  }
0x2d0: {  	s24 =	simm.s32 $0x1;
	s25 =	simm.s32 $0x20;
	[tilespmem:s1+$0x4AD0] =	vst.add.f32.msk $0xffff, v7  }
.LBB2_10:
0x2d1: {  	v5 =	vor.u32 s24, v1  }
0x2d2: {  	s0 =	simm.s32 $0x0  }
0x2d3: {  	v17 =	vadd.s32 s0, v1;
	_ =	sdelay $0x2  }
0x2d4: {  	v10 =	vld.idx.msk [tilespmem:v5+s14+$0x0], $0xffff  }
0x2d5: {  	v11 =	vld.idx.msk [tilespmem:v5+s15+$0x0], $0xffff  }
0x2d6: {  	v18 =	vld.idx.msk [tilespmem:v17+s14+$0x0], $0xffff  }
0x2d7: {  	v19 =	vld.idx.msk [tilespmem:v17+s15+$0x0], $0xffff  }
0x2d8: {  	v12 =	vld.idx.msk [tilespmem:v5+s16+$0x0], $0xffff  }
0x2d9: {  	v20 =	vld.idx.msk [tilespmem:v17+s16+$0x0], $0xffff;
	_ =	sdelay $0x2  }
0x2da: {  	v8 =	vld.idx.msk [tilespmem:v5+s12+$0x0], $0xffff;
	v18 =	vmul.f32 v18, v10;
	v19 =	vmul.f32 v19, v11  }
0x2db: {  	v21 =	vld.idx.msk [tilespmem:v17+s12+$0x0], $0xffff  }
0x2dc: {  	v18 =	vadd.f32 v19, v18;
	v19 =	vmul.f32 v20, v12;
	_ =	sdelay $0x1  }
0x2dd: {  	v18 =	vadd.f32 v19, v18;
	_ =	sdelay $0x1  }
0x2de: {  	v19 =	vmul.f32 v21, v8;
	v18 =	vmul.f32 $9.499999880e-01, v18;
	_ =	sdelay $0x1  }
0x2df: {  	v18 =	vmul.f32 v18, v19;
	_ =	sdelay $0x1  }
0x2e0: {  	v19 =	vmul.f32 v18, v18;
	_ =	sdelay $0x1  }
0x2e1: {  	v19 =	vsub.f32 $1.000000000e+00, v19;
	_ =	sdelay $0x1  }
0x2e2: {  	v20 =	vshrl.u32 v19, $0x1;
	v21 =	vmul.f32 $5.000000000e-01, v19  }
0x2e3: {  	v20 =	vsub.s32 $0x5F3759DF, v20  }
0x2e4: {  	v22 =	vmul.f32 v20, v21;
	_ =	sdelay $0x1  }
0x2e5: {  	v7 =	vld.idx.msk [tilespmem:v5+s10+$0x0], $0xffff;
	v22 =	vmul.f32 v20, v22  }
0x2e6: {  	v23 =	vld.idx.msk [tilespmem:v17+s10+$0x0], $0xffff  }
0x2e7: {  	v22 =	vsub.f32 $1.500000000e+00, v22;
	_ =	sdelay $0x1  }
0x2e8: {  	v20 =	vmul.f32 v20, v22;
	_ =	sdelay $0x1  }
0x2e9: {  	v22 =	vadd.f32 v23, v7;
	v23 =	vmul.f32 v20, v21  }
0x2ea: {  	v9 =	vld.idx.msk [tilespmem:v5+s13+$0x0], $0xffff  }
0x2eb: {  	v17 =	vld.idx.msk [tilespmem:v17+s13+$0x0], $0xffff;
	v23 =	vmul.f32 v23, v20;
	_ =	sdelay $0x1  }
0x2ec: {  	v22 =	vmul.f32 $5.000000000e-01, v22;
	v23 =	vsub.f32 $1.500000000e+00, v23  }
0x2ed: {  	v18 =	vmul.f32 $5.000000000e-01, v18  }
0x2ee: {  	v24 =	vadd.f32 $-8.999999760e-01, v22;
	v20 =	vmul.f32 v23, v20  }
0x2ef: {  	v17 =	vmul.f32 v17, v9;
	v62 =	vmul.f32 $5.555702450e-01, v18;
	v25 =	vadd.f32 $-1.549999950e+00, v22  }
0x2f0: {  	v24 =	vmul.f32 v24, v24;
	v21 =	vmul.f32 v20, v21  }
0x2f1: {  	v35 =	vmul.f32 $1.950903530e-01, v18;
	v26 =	vadd.f32 $-2.200000050e+00, v22;
	v25 =	vmul.f32 v25, v25  }
0x2f2: {  	v23 =	vmul.f32 $-8.000000000e+00, v24;
	v21 =	vmul.f32 v21, v20  }
0x2f3: {  	v61 =	vmul.f32 v26, v26;
	v25 =	vmul.f32 $-8.000000000e+00, v25  }
0x2f4: {  	v27 =	vmul.f32 $5.555701850e-01, v18;
	v23 =	vmul.f32 $1.442695020e+00, v23;
	v21 =	vsub.f32 $1.500000000e+00, v21  }
0x2f5: {  	s1 =	sadd.s32 $0x0, s25;
	v24 =	vmul.f32 $-8.000000000e+00, v61;
	v25 =	vmul.f32 $1.442695020e+00, v25  }
0x2f6: {  	v63 =	vmov s1;
	(erf) = vpow2.f32 v23;
	v20 =	vmul.f32 v21, v20  }
0x2f7: {  	v22 =	vadd.f32 $-2.849999900e+00, v22;
	v24 =	vmul.f32 $1.442695020e+00, v24;
	v23 =	vmul.f32 $8.314695950e-01, v18  }
0x2f8: {  	v27 =	vsub.f32 $5.000000000e-01, v27;
	(erf) = vpow2.f32 v25;
	v19 =	vmul.f32 v20, v19  }
0x2f9: {  	v22 =	vmul.f32 v22, v22;
	v26 =	vsub.f32 $5.000000000e-01, v35;
	(erf) = vpow2.f32 v24  }
0x2fa: {  	v28 =	vadd.f32 $5.000000000e-01, v23;
	v21 =	vmul.f32 $9.807853100e-01, v18;
	v19 =	vmul.f32 $5.000000000e-01, v19  }
0x2fb: {  	v24 =	vadd.f32 $5.000000000e-01, v62;
	v23 =	vsub.f32 $5.000000000e-01, v23;
	v20 =	vmul.f32 $1.950903090e-01, v18  }
0x2fc: {  	v21 =	vadd.f32 $5.000000000e-01, v21;
	v18 =	vmul.f32 $9.807852500e-01, v18;
	v29 =	vmul.f32 $1.950903240e-01, v19  }
0x2fd: {  	v20 =	vadd.f32 $5.000000000e-01, v20;
	v30 =	vmul.f32 $5.555702450e-01, v19;
	v31 =	vmul.f32 $8.314695950e-01, v19  }
0x2fe: {  	v18 =	vsub.f32 $5.000000000e-01, v18;
	v32 =	vmul.f32 $9.807853100e-01, v19;
	v33 =	vmul.f32 $9.807852500e-01, v19  }
0x2ff: {  	v34 =	vpop (erf);
	v36 =	vmul.f32 $8.314696550e-01, v19;
	v21 =	vadd.f32 v29, v21;
	v28 =	vadd.f32 v30, v28  }
0x300: {  	v25 =	vld.idx.msk [tilespmem:v63+s17+$0x0], $0xffff;
	v34 =	vmul.f32 v34, v17;
	v24 =	vadd.f32 v31, v24;
	v20 =	vadd.f32 v32, v20  }
0x301: {  	v19 =	vmul.f32 $1.950903390e-01, v19;
	v26 =	vadd.f32 v33, v26;
	v27 =	vadd.f32 v36, v27  }
0x302: {  	v23 =	vadd.f32 v30, v23;
	v21 =	vmul.f32 v21, v21;
	v28 =	vmul.f32 v28, v28  }
0x303: {  	v18 =	vadd.f32 v19, v18;
	v24 =	vmul.f32 v24, v24;
	v20 =	vmul.f32 v20, v20  }
0x304: {  	v19 =	vmul.f32 v26, v26;
	v37 =	vmul.f32 v27, v27  }
0x305: {  	(v2sf) =	vpush v25, $0x0;
	v23 =	vmul.f32 v23, v23;
	v18 =	vmul.f32 v18, v18  }
0x306: {  	v21 =	vmul.f32 v21, v21;
	v38 =	vmul.f32 v28, v28  }
0x307: {  	v24 =	vmul.f32 v24, v24;
	v20 =	vmul.f32 v20, v20  }
0x308: {  	v19 =	vmul.f32 v19, v19;
	v26 =	vmul.f32 v37, v37  }
0x309: {  	v23 =	vmul.f32 v23, v23;
	v18 =	vmul.f32 v18, v18  }
0x30a: {  	v16 =	vor.u32 s24, v4;
	v21 =	vmul.f32 v21, v21;
	v25 =	vmul.f32 v38, v38  }
0x30b: {  	v24 =	vmul.f32 v24, v24;
	v20 =	vmul.f32 v20, v20  }
0x30c: {  	v19 =	vmul.f32 v19, v19;
	v26 =	vmul.f32 v26, v26  }
0x30d: {  	v23 =	vmul.f32 v23, v23;
	v18 =	vmul.f32 v18, v18  }
0x30e: {  	v21 =	vmul.f32 v21, v21;
	v25 =	vmul.f32 v25, v25  }
0x30f: {  	v6 =	vld.idx.msk [tilespmem:v16+s10+$0x0], $0xffff;
	v24 =	vmul.f32 v24, v24;
	v20 =	vmul.f32 v20, v20  }
0x310: {  	v13 =	vld.idx.msk [tilespmem:v16+s12+$0x0], $0xffff;
	v19 =	vmul.f32 v19, v19;
	v26 =	vmul.f32 v26, v26  }
0x311: {  	v5 =	vld.idx.msk [tilespmem:v16+s13+$0x0], $0xffff;
	v23 =	vmul.f32 v23, v23;
	v21 =	vmul.f32 v21, v21  }
0x312: {  	v14 =	vld.idx.msk [tilespmem:v16+s14+$0x0], $0xffff;
	v18 =	vmul.f32 v18, v18;
	v25 =	vmul.f32 v25, v25  }
0x313: {  	v15 =	vld.idx.msk [tilespmem:v16+s15+$0x0], $0xffff;
	v24 =	vmul.f32 v24, v24;
	v39 =	vmul.f32 v21, v34  }
0x314: {  	v16 =	vld.idx.msk [tilespmem:v16+s16+$0x0], $0xffff;
	s26 =	spop (v2sf);
	v20 =	vmul.f32 v20, v20;
	v40 =	vmul.f32 v25, v34  }
0x315: {  	v19 =	vmul.f32 v19, v19;
	v41 =	vmul.f32 v24, v34;
	[tilespmem:s26+$0x2100] =	vst.add.f32.msk $0xffff, v39  }
0x316: {  	v26 =	vmul.f32 v26, v26;
	v42 =	vmul.f32 v20, v34;
	[tilespmem:s26+$0x2120] =	vst.add.f32.msk $0xffff, v40  }
0x317: {  	v23 =	vmul.f32 v23, v23;
	v43 =	vmul.f32 v19, v34;
	[tilespmem:s26+$0x2140] =	vst.add.f32.msk $0xffff, v41  }
0x318: {  	v44 =	vpop (erf);
	v18 =	vmul.f32 v18, v18;
	v45 =	vmul.f32 v26, v34;
	[tilespmem:s26+$0x2160] =	vst.add.f32.msk $0xffff, v42  }
0x319: {  	v29 =	vmul.f32 v44, v17;
	v46 =	vmul.f32 v23, v34;
	[tilespmem:s26+$0x2180] =	vst.add.f32.msk $0xffff, v43  }
0x31a: {  	v22 =	vmul.f32 $-8.000000000e+00, v22;
	v47 =	vmul.f32 v18, v34;
	[tilespmem:s26+$0x21A0] =	vst.add.f32.msk $0xffff, v45  }
0x31b: {  	v48 =	vmul.f32 v21, v29;
	[tilespmem:s26+$0x21C0] =	vst.add.f32.msk $0xffff, v46  }
0x31c: {  	v22 =	vmul.f32 $1.442695020e+00, v22;
	v49 =	vmul.f32 v25, v29;
	[tilespmem:s26+$0x21E0] =	vst.add.f32.msk $0xffff, v47  }
0x31d: {  	v50 =	vmul.f32 v24, v29;
	[tilespmem:s26+$0x2200] =	vst.add.f32.msk $0xffff, v48  }
0x31e: {  	v51 =	vmul.f32 v20, v29;
	[tilespmem:s26+$0x2220] =	vst.add.f32.msk $0xffff, v49  }
0x31f: {  	(erf) = vpow2.f32 v22;
	v52 =	vmul.f32 v19, v29;
	[tilespmem:s26+$0x2240] =	vst.add.f32.msk $0xffff, v50  }
0x320: {  	v22 =	vpop (erf);
	v53 =	vmul.f32 v26, v29;
	[tilespmem:s26+$0x2260] =	vst.add.f32.msk $0xffff, v51  }
0x321: {  	v22 =	vmul.f32 v22, v17;
	v54 =	vmul.f32 v23, v29;
	[tilespmem:s26+$0x2280] =	vst.add.f32.msk $0xffff, v52  }
0x322: {  	v55 =	vmul.f32 v18, v29;
	[tilespmem:s26+$0x22A0] =	vst.add.f32.msk $0xffff, v53  }
0x323: {  	v56 =	vmul.f32 v21, v22;
	[tilespmem:s26+$0x22C0] =	vst.add.f32.msk $0xffff, v54  }
0x324: {  	v57 =	vmul.f32 v25, v22;
	[tilespmem:s26+$0x22E0] =	vst.add.f32.msk $0xffff, v55  }
0x325: {  	v58 =	vmul.f32 v24, v22;
	[tilespmem:s26+$0x2300] =	vst.add.f32.msk $0xffff, v56  }
0x326: {  	v59 =	vmul.f32 v20, v22;
	[tilespmem:s26+$0x2320] =	vst.add.f32.msk $0xffff, v57  }
0x327: {  	v60 =	vmul.f32 v19, v22;
	[tilespmem:s26+$0x2340] =	vst.add.f32.msk $0xffff, v58  }
0x328: {  	v62 =	vpop (erf);
	v61 =	vmul.f32 v26, v22;
	[tilespmem:s26+$0x2360] =	vst.add.f32.msk $0xffff, v59  }
0x329: {  	v17 =	vmul.f32 v62, v17;
	v63 =	vmul.f32 v23, v22;
	[tilespmem:s26+$0x2380] =	vst.add.f32.msk $0xffff, v60  }
0x32a: {  	v22 =	vmul.f32 v18, v22;
	[tilespmem:s26+$0x23A0] =	vst.add.f32.msk $0xffff, v61  }
0x32b: {  	v21 =	vmul.f32 v21, v17;
	[tilespmem:s26+$0x23C0] =	vst.add.f32.msk $0xffff, v63  }
0x32c: {  	v20 =	vmul.f32 v20, v17;
	[tilespmem:s26+$0x23E0] =	vst.add.f32.msk $0xffff, v22  }
0x32d: {  	[tilespmem:s26+$0x2400] =	vst.add.f32.msk $0xffff, v21;
	v21 =	vmul.f32 v24, v17  }
0x32e: {  	v22 =	vmul.f32 v25, v17;
	[tilespmem:s26+$0x2460] =	vst.add.f32.msk $0xffff, v20  }
0x32f: {  	[tilespmem:s26+$0x2440] =	vst.add.f32.msk $0xffff, v21;
	v21 =	vmul.f32 v19, v17  }
0x330: {  	v20 =	vmul.f32 v26, v17;
	[tilespmem:s26+$0x2420] =	vst.add.f32.msk $0xffff, v22;
	v19 =	vadd.s32 s0, v4  }
0x331: {  	[tilespmem:s26+$0x2480] =	vst.add.f32.msk $0xffff, v21;
	v21 =	vmul.f32 v23, v17  }
0x332: {  	[tilespmem:s26+$0x24A0] =	vst.add.f32.msk $0xffff, v20;
	v17 =	vmul.f32 v18, v17  }
0x333: {  	[tilespmem:s26+$0x24C0] =	vst.add.f32.msk $0xffff, v21  }
0x334: {  	[tilespmem:s26+$0x24E0] =	vst.add.f32.msk $0xffff, v17  }
0x335: {  	v17 =	vld.idx.msk [tilespmem:v19+s14+$0x0], $0xffff  }
0x336: {  	v18 =	vld.idx.msk [tilespmem:v19+s15+$0x0], $0xffff;
	_ =	sdelay $0x1  }
0x337: {  	v20 =	vld.idx.msk [tilespmem:v19+s16+$0x0], $0xffff;
	_ =	sdelay $0x2  }
0x338: {  	v17 =	vmul.f32 v17, v14;
	v18 =	vmul.f32 v18, v15  }
0x339: {  	v21 =	vld.idx.msk [tilespmem:v19+s12+$0x0], $0xffff  }
0x33a: {  	v17 =	vadd.f32 v18, v17;
	v18 =	vmul.f32 v20, v16;
	_ =	sdelay $0x1  }
0x33b: {  	v17 =	vadd.f32 v18, v17;
	_ =	sdelay $0x1  }
0x33c: {  	v18 =	vmul.f32 v21, v13;
	v17 =	vmul.f32 $9.499999880e-01, v17  }
0x33d: {  	p1 =	seq.s32 s24, $0x1  }
.Ltmp4:
0x33e: {  	v21 =	vmul.f32 v17, v18;
	(pc) =	sbr.rel @p1 .LBB2_11-.Ltmp4, $3  }
0x33f: {  	_ = 	snop  }
0x340: {  	v17 =	vmul.f32 v21, v21;
	_ =	sdelay $0x1  }
0x341: {  	p0 =	por $0x0, $0x0;
	s0 =	simm.s32 $0x1;
	v22 =	vsub.f32 $1.000000000e+00, v17  }
0x342: {  	_ = 	snop  }
0x343: {  	v17 =	vadd.s32 s0, v1;
	v18 =	vshrl.u32 v22, $0x1;
	v20 =	vmul.f32 $5.000000000e-01, v22  }
0x344: {  	v18 =	vsub.s32 $0x5F3759DF, v18  }
0x345: {  	v23 =	vmul.f32 v18, v20;
	_ =	sdelay $0x1  }
0x346: {  	v23 =	vmul.f32 v18, v23  }
0x347: {  	v24 =	vld.idx.msk [tilespmem:v17+s14+$0x0], $0xffff  }
0x348: {  	v25 =	vld.idx.msk [tilespmem:v17+s15+$0x0], $0xffff;
	v23 =	vsub.f32 $1.500000000e+00, v23;
	_ =	sdelay $0x1  }
0x349: {  	v26 =	vld.idx.msk [tilespmem:v17+s16+$0x0], $0xffff;
	v18 =	vmul.f32 v18, v23;
	_ =	sdelay $0x1  }
0x34a: {  	v23 =	vmul.f32 v18, v20  }
0x34b: {  	v24 =	vmul.f32 v24, v10;
	v25 =	vmul.f32 v25, v11  }
0x34c: {  	v27 =	vld.idx.msk [tilespmem:v17+s12+$0x0], $0xffff;
	v23 =	vmul.f32 v23, v18  }
0x34d: {  	v24 =	vadd.f32 v25, v24;
	v25 =	vmul.f32 v26, v12  }
0x34e: {  	v23 =	vsub.f32 $1.500000000e+00, v23  }
0x34f: {  	v26 =	vld.idx.msk [tilespmem:v19+s10+$0x0], $0xffff;
	v24 =	vadd.f32 v25, v24  }
0x350: {  	v18 =	vmul.f32 v23, v18  }
0x351: {  	v23 =	vmul.f32 $9.499999880e-01, v24;
	v24 =	vmul.f32 v27, v8;
	_ =	sdelay $0x1  }
0x352: {  	v20 =	vmul.f32 v18, v20;
	v29 =	vmul.f32 v23, v24  }
0x353: {  	v23 =	vadd.f32 v26, v6  }
0x354: {  	v20 =	vmul.f32 v20, v18;
	v24 =	vmul.f32 v29, v29  }
0x355: {  	v25 =	vmul.f32 $5.000000000e-01, v23;
	v29 =	vmul.f32 $5.000000000e-01, v29  }
0x356: {  	v26 =	vld.idx.msk [tilespmem:v17+s10+$0x0], $0xffff;
	v20 =	vsub.f32 $1.500000000e+00, v20;
	v30 =	vsub.f32 $1.000000000e+00, v24  }
0x357: {  	v23 =	vadd.f32 $-2.849999900e+00, v25;
	v49 =	vmul.f32 $9.807853100e-01, v29  }
0x358: {  	v18 =	vmul.f32 v20, v18;
	v20 =	vshrl.u32 v30, $0x1;
	v31 =	vmul.f32 $5.000000000e-01, v30  }
0x359: {  	v50 =	vmul.f32 $8.314695950e-01, v29;
	v51 =	vmul.f32 $5.555702450e-01, v29;
	v20 =	vsub.s32 $0x5F3759DF, v20  }
0x35a: {  	v24 =	vmul.f32 v23, v23;
	v27 =	vmul.f32 v20, v31  }
0x35b: {  	v37 =	vmul.f32 $1.950903530e-01, v29;
	v26 =	vadd.f32 v26, v7;
	v18 =	vmul.f32 v18, v22  }
0x35c: {  	v22 =	vadd.f32 $-8.999999760e-01, v25;
	v28 =	vmul.f32 $-8.000000000e+00, v24;
	v27 =	vmul.f32 v20, v27  }
0x35d: {  	v32 =	vadd.f32 $-1.549999950e+00, v25;
	v23 =	vmul.f32 $5.000000000e-01, v21;
	v48 =	vmul.f32 $5.000000000e-01, v26  }
0x35e: {  	v24 =	vmul.f32 v22, v22;
	v22 =	vmul.f32 $1.442695020e+00, v28;
	v33 =	vsub.f32 $1.500000000e+00, v27  }
0x35f: {  	v38 =	vmul.f32 $5.555701850e-01, v29;
	v25 =	vadd.f32 $-2.200000050e+00, v25;
	v26 =	vmul.f32 $8.314695950e-01, v23  }
0x360: {  	v34 =	vadd.f32 $-8.999999760e-01, v48;
	(erf) = vpow2.f32 v22;
	v22 =	vmul.f32 v20, v33  }
0x361: {  	v35 =	vadd.f32 $-2.200000050e+00, v48;
	v21 =	vmul.f32 $5.000000000e-01, v18;
	v18 =	vmul.f32 $9.807852500e-01, v23  }
0x362: {  	v25 =	vmul.f32 v25, v25;
	v33 =	vmul.f32 v22, v31  }
0x363: {  	v17 =	vld.idx.msk [tilespmem:v17+s13+$0x0], $0xffff;
	v34 =	vmul.f32 v34, v34;
	v35 =	vmul.f32 v35, v35  }
0x364: {  	v18 =	vsub.f32 $5.000000000e-01, v18;
	v28 =	vmul.f32 $1.950903390e-01, v21;
	v33 =	vmul.f32 v33, v22  }
0x365: {  	v27 =	vmul.f32 v32, v32;
	v32 =	vadd.f32 $-2.849999900e+00, v48;
	v24 =	vmul.f32 $-8.000000000e+00, v24  }
0x366: {  	v25 =	vmul.f32 $-8.000000000e+00, v25;
	v34 =	vmul.f32 $-8.000000000e+00, v34;
	v33 =	vsub.f32 $1.500000000e+00, v33  }
0x367: {  	v35 =	vmul.f32 $-8.000000000e+00, v35;
	v18 =	vadd.f32 v28, v18;
	v28 =	vmul.f32 $9.807853100e-01, v23  }
0x368: {  	v20 =	vld.idx.msk [tilespmem:v19+s13+$0x0], $0xffff;
	v19 =	vmul.f32 v17, v9;
	v33 =	vmul.f32 v33, v22  }
0x369: {  	v17 =	vadd.f32 $-1.549999950e+00, v48;
	v32 =	vmul.f32 v32, v32;
	v48 =	vmul.f32 $5.555702450e-01, v23  }
0x36a: {  	v34 =	vmul.f32 $1.442695020e+00, v34;
	v31 =	vmul.f32 v33, v31  }
0x36b: {  	v27 =	vmul.f32 $-8.000000000e+00, v27;
	v24 =	vmul.f32 $1.442695020e+00, v24  }
0x36c: {  	(erf) = vpow2.f32 v34;
	v31 =	vmul.f32 v31, v33  }
0x36d: {  	v25 =	vmul.f32 $1.442695020e+00, v25;
	v17 =	vmul.f32 v17, v17  }
0x36e: {  	v35 =	vmul.f32 $1.442695020e+00, v35;
	v18 =	vmul.f32 v18, v18;
	v31 =	vsub.f32 $1.500000000e+00, v31  }
0x36f: {  	s1 =	sadd.s32 $0x1, s25;
	v32 =	vmul.f32 $-8.000000000e+00, v32;
	v36 =	vmul.f32 $-8.000000000e+00, v17  }
0x370: {  	v52 =	vmov s1;
	v18 =	vmul.f32 v18, v18;
	v31 =	vmul.f32 v31, v33  }
0x371: {  	v39 =	vadd.f32 $5.000000000e-01, v50;
	v32 =	vmul.f32 $1.442695020e+00, v32;
	v36 =	vmul.f32 $1.442695020e+00, v36  }
0x372: {  	v37 =	vsub.f32 $5.000000000e-01, v37;
	v20 =	vmul.f32 v20, v5;
	v30 =	vmul.f32 v31, v30  }
0x373: {  	v38 =	vsub.f32 $5.000000000e-01, v38;
	v18 =	vmul.f32 v18, v18;
	(erf) = vpow2.f32 v36  }
0x374: {  	v34 =	vsub.f32 $5.000000000e-01, v50;
	v17 =	vpop (erf);
	(erf) = vpow2.f32 v35;
	v30 =	vmul.f32 $5.000000000e-01, v30  }
0x375: {  	v35 =	vadd.f32 $5.000000000e-01, v51;
	v45 =	vpop (erf);
	(erf) = vpow2.f32 v32;
	v31 =	vmul.f32 $1.950903090e-01, v29  }
0x376: {  	v33 =	vadd.f32 $5.000000000e-01, v49;
	v29 =	vmul.f32 $9.807852500e-01, v29;
	v40 =	vmul.f32 $1.950903240e-01, v30  }
0x377: {  	v31 =	vadd.f32 $5.000000000e-01, v31;
	v41 =	vmul.f32 $5.555702450e-01, v30;
	v42 =	vmul.f32 $8.314695950e-01, v30  }
0x378: {  	v29 =	vsub.f32 $5.000000000e-01, v29;
	v43 =	vmul.f32 $9.807853100e-01, v30;
	v44 =	vmul.f32 $9.807852500e-01, v30  }
0x379: {  	v53 =	vmul.f32 $8.314696550e-01, v30;
	v33 =	vadd.f32 v40, v33;
	v39 =	vadd.f32 v41, v39  }
0x37a: {  	v36 =	vld.idx.msk [tilespmem:v52+s17+$0x0], $0xffff;
	v45 =	vmul.f32 v45, v19;
	v35 =	vadd.f32 v42, v35;
	v31 =	vadd.f32 v43, v31  }
0x37b: {  	v30 =	vmul.f32 $1.950903390e-01, v30;
	v37 =	vadd.f32 v44, v37;
	v38 =	vadd.f32 v53, v38  }
0x37c: {  	v34 =	vadd.f32 v41, v34;
	v33 =	vmul.f32 v33, v33;
	v39 =	vmul.f32 v39, v39  }
0x37d: {  	v29 =	vadd.f32 v30, v29;
	v35 =	vmul.f32 v35, v35;
	v31 =	vmul.f32 v31, v31  }
0x37e: {  	v30 =	vmul.f32 v37, v37;
	v54 =	vmul.f32 v38, v38  }
0x37f: {  	(v2sf) =	vpush v36, $0x0;
	v34 =	vmul.f32 v34, v34;
	v29 =	vmul.f32 v29, v29  }
0x380: {  	v33 =	vmul.f32 v33, v33;
	v55 =	vmul.f32 v39, v39  }
0x381: {  	v35 =	vmul.f32 v35, v35;
	v31 =	vmul.f32 v31, v31  }
0x382: {  	v30 =	vmul.f32 v30, v30;
	v37 =	vmul.f32 v54, v54  }
0x383: {  	v34 =	vmul.f32 v34, v34;
	v29 =	vmul.f32 v29, v29  }
0x384: {  	v33 =	vmul.f32 v33, v33;
	v36 =	vmul.f32 v55, v55  }
0x385: {  	v35 =	vmul.f32 v35, v35;
	v31 =	vmul.f32 v31, v31  }
0x386: {  	v30 =	vmul.f32 v30, v30;
	v37 =	vmul.f32 v37, v37  }
0x387: {  	v34 =	vmul.f32 v34, v34;
	v29 =	vmul.f32 v29, v29  }
0x388: {  	v33 =	vmul.f32 v33, v33;
	v36 =	vmul.f32 v36, v36  }
0x389: {  	v35 =	vmul.f32 v35, v35;
	v31 =	vmul.f32 v31, v31  }
0x38a: {  	v30 =	vmul.f32 v30, v30;
	v37 =	vmul.f32 v37, v37  }
0x38b: {  	v34 =	vmul.f32 v34, v34;
	v33 =	vmul.f32 v33, v33  }
0x38c: {  	v29 =	vmul.f32 v29, v29;
	v36 =	vmul.f32 v36, v36  }
0x38d: {  	v35 =	vmul.f32 v35, v35;
	v56 =	vmul.f32 v33, v45  }
0x38e: {  	s28 =	spop (v2sf);
	v31 =	vmul.f32 v31, v31;
	v57 =	vmul.f32 v36, v45  }
0x38f: {  	v30 =	vmul.f32 v30, v30;
	v58 =	vmul.f32 v35, v45;
	[tilespmem:s28+$0x2100] =	vst.add.f32.msk $0xffff, v56  }
0x390: {  	v37 =	vmul.f32 v37, v37;
	v59 =	vmul.f32 v31, v45;
	[tilespmem:s28+$0x2120] =	vst.add.f32.msk $0xffff, v57  }
0x391: {  	v34 =	vmul.f32 v34, v34;
	v60 =	vmul.f32 v30, v45;
	[tilespmem:s28+$0x2140] =	vst.add.f32.msk $0xffff, v58  }
0x392: {  	v61 =	vpop (erf);
	v29 =	vmul.f32 v29, v29;
	v62 =	vmul.f32 v37, v45;
	[tilespmem:s28+$0x2160] =	vst.add.f32.msk $0xffff, v59  }
0x393: {  	v63 =	vmul.f32 v61, v19;
	v46 =	vmul.f32 v34, v45;
	[tilespmem:s28+$0x2180] =	vst.add.f32.msk $0xffff, v60  }
0x394: {  	v18 =	vmul.f32 v18, v18;
	v47 =	vmul.f32 v29, v45;
	[tilespmem:s28+$0x21A0] =	vst.add.f32.msk $0xffff, v62  }
0x395: {  	v17 =	vmul.f32 v17, v20;
	v49 =	vmul.f32 v33, v63;
	[tilespmem:s28+$0x21C0] =	vst.add.f32.msk $0xffff, v46  }
0x396: {  	v18 =	vmul.f32 v18, v18;
	v50 =	vmul.f32 v36, v63;
	[tilespmem:s28+$0x21E0] =	vst.add.f32.msk $0xffff, v47  }
0x397: {  	v27 =	vmul.f32 $1.442695020e+00, v27;
	v51 =	vmul.f32 v35, v63;
	[tilespmem:s28+$0x2200] =	vst.add.f32.msk $0xffff, v49  }
0x398: {  	v22 =	vmul.f32 v18, v17;
	v52 =	vmul.f32 v31, v63;
	[tilespmem:s28+$0x2220] =	vst.add.f32.msk $0xffff, v50  }
0x399: {  	v43 =	vmul.f32 $1.950903090e-01, v23;
	v54 =	vpop (erf);
	v53 =	vmul.f32 v30, v63;
	[tilespmem:s28+$0x2240] =	vst.add.f32.msk $0xffff, v51  }
0x39a: {  	v42 =	vadd.f32 $5.000000000e-01, v48;
	v32 =	vmul.f32 v54, v19;
	v48 =	vpop (erf);
	v55 =	vmul.f32 v37, v63;
	[tilespmem:s28+$0x2260] =	vst.add.f32.msk $0xffff, v52  }
0x39b: {  	v54 =	vmul.f32 v48, v19;
	v38 =	vmul.f32 v29, v63;
	[tilespmem:s28+$0x2280] =	vst.add.f32.msk $0xffff, v53  }
0x39c: {  	(erf) = vpow2.f32 v24;
	v19 =	vmul.f32 v34, v32;
	[tilespmem:s28+$0x22A0] =	vst.add.f32.msk $0xffff, v55  }
0x39d: {  	(erf) = vpow2.f32 v27;
	v27 =	vmul.f32 v34, v54;
	[tilespmem:s28+$0x22E0] =	vst.add.f32.msk $0xffff, v38  }
0x39e: {  	v44 =	vmul.f32 $1.950903530e-01, v23;
	v56 =	vmul.f32 v34, v63;
	[tilespmem:s28+$0x23C0] =	vst.add.f32.msk $0xffff, v19  }
0x39f: {  	v23 =	vmul.f32 $5.555701850e-01, v23;
	v57 =	vmul.f32 v33, v32;
	[tilespmem:s28+$0x24C0] =	vst.add.f32.msk $0xffff, v27  }
0x3a0: {  	(erf) = vpow2.f32 v25;
	v58 =	vmul.f32 v36, v32;
	[tilespmem:s28+$0x22C0] =	vst.add.f32.msk $0xffff, v56  }
0x3a1: {  	v59 =	vmul.f32 v35, v32;
	v60 =	vmul.f32 $1.950903240e-01, v21;
	[tilespmem:s28+$0x2300] =	vst.add.f32.msk $0xffff, v57  }
0x3a2: {  	v28 =	vadd.f32 $5.000000000e-01, v28;
	v62 =	vmul.f32 v31, v32;
	v46 =	vmul.f32 $5.555702450e-01, v21;
	[tilespmem:s28+$0x2320] =	vst.add.f32.msk $0xffff, v58  }
0x3a3: {  	v61 =	vadd.f32 $5.000000000e-01, v26;
	v63 =	vmul.f32 v30, v32;
	v47 =	vmul.f32 $8.314695950e-01, v21;
	[tilespmem:s28+$0x2340] =	vst.add.f32.msk $0xffff, v59  }
0x3a4: {  	v26 =	vsub.f32 $5.000000000e-01, v26;
	v52 =	vmul.f32 v37, v32;
	v49 =	vmul.f32 $9.807853100e-01, v21;
	[tilespmem:s28+$0x2360] =	vst.add.f32.msk $0xffff, v62  }
0x3a5: {  	v44 =	vsub.f32 $5.000000000e-01, v44;
	v32 =	vmul.f32 v29, v32;
	v55 =	vmul.f32 $9.807852500e-01, v21;
	[tilespmem:s28+$0x2380] =	vst.add.f32.msk $0xffff, v63  }
0x3a6: {  	v23 =	vsub.f32 $5.000000000e-01, v23;
	v33 =	vmul.f32 v33, v54;
	v21 =	vmul.f32 $8.314696550e-01, v21;
	[tilespmem:s28+$0x23A0] =	vst.add.f32.msk $0xffff, v52  }
0x3a7: {  	v53 =	vadd.f32 $5.000000000e-01, v43;
	v19 =	vmul.f32 v36, v54;
	v31 =	vmul.f32 v31, v54;
	[tilespmem:s28+$0x23E0] =	vst.add.f32.msk $0xffff, v32  }
0x3a8: {  	v30 =	vmul.f32 v30, v54;
	v29 =	vmul.f32 v29, v54;
	v28 =	vadd.f32 v60, v28;
	[tilespmem:s28+$0x2400] =	vst.add.f32.msk $0xffff, v33  }
0x3a9: {  	v56 =	vadd.f32 v46, v61;
	v57 =	vmul.f32 v35, v54;
	v58 =	vadd.f32 v47, v42;
	[tilespmem:s28+$0x2420] =	vst.add.f32.msk $0xffff, v19  }
0x3aa: {  	v24 =	vadd.f32 v46, v26;
	v26 =	vmul.f32 v37, v54;
	[tilespmem:s28+$0x2460] =	vst.add.f32.msk $0xffff, v31;
	v19 =	vadd.s32 s0, v4  }
0x3ab: {  	v59 =	vadd.f32 v49, v53;
	v25 =	vadd.f32 v55, v44;
	[tilespmem:s28+$0x2480] =	vst.add.f32.msk $0xffff, v30;
	v28 =	vmul.f32 v28, v28  }
0x3ac: {  	v21 =	vadd.f32 v21, v23;
	[tilespmem:s28+$0x24A0] =	vst.add.f32.msk $0xffff, v26;
	v23 =	vmul.f32 v56, v56;
	v26 =	vmul.f32 v58, v58  }
0x3ad: {  	[tilespmem:s28+$0x24E0] =	vst.add.f32.msk $0xffff, v29;
	v27 =	vmul.f32 v59, v59;
	v25 =	vmul.f32 v25, v25  }
0x3ae: {  	[tilespmem:s28+$0x2440] =	vst.add.f32.msk $0xffff, v57;
	v21 =	vmul.f32 v21, v21;
	v24 =	vmul.f32 v24, v24  }
0x3af: {  	v28 =	vmul.f32 v28, v28;
	v23 =	vmul.f32 v23, v23;
	v29 =	vld.idx.msk [tilespmem:v19+s14+$0x0], $0xffff  }
0x3b0: {  	v26 =	vmul.f32 v26, v26;
	v27 =	vmul.f32 v27, v27;
	v30 =	vld.idx.msk [tilespmem:v19+s15+$0x0], $0xffff  }
0x3b1: {  	v25 =	vmul.f32 v25, v25;
	v21 =	vmul.f32 v21, v21  }
0x3b2: {  	v24 =	vmul.f32 v24, v24;
	v31 =	vld.idx.msk [tilespmem:v19+s16+$0x0], $0xffff;
	v28 =	vmul.f32 v28, v28  }
0x3b3: {  	v23 =	vmul.f32 v23, v23;
	v26 =	vmul.f32 v26, v26  }
0x3b4: {  	v27 =	vmul.f32 v27, v27;
	v25 =	vmul.f32 v25, v25  }
0x3b5: {  	v32 =	vld.idx.msk [tilespmem:v19+s12+$0x0], $0xffff;
	v29 =	vmul.f32 v29, v14;
	v30 =	vmul.f32 v30, v15  }
0x3b6: {  	v21 =	vmul.f32 v21, v21;
	v24 =	vmul.f32 v24, v24  }
0x3b7: {  	v28 =	vmul.f32 v28, v28;
	v29 =	vadd.f32 v30, v29;
	v30 =	vmul.f32 v31, v16  }
0x3b8: {  	v23 =	vmul.f32 v23, v23;
	v26 =	vmul.f32 v26, v26  }
0x3b9: {  	v25 =	vmul.f32 v25, v25;
	v60 =	vmul.f32 v24, v24;
	v29 =	vadd.f32 v30, v29  }
0x3ba: {  	v24 =	vmul.f32 v32, v13;
	v31 =	vmul.f32 v21, v21  }
0x3bb: {  	v61 =	vpop (erf);
	v30 =	vmul.f32 v27, v27;
	v21 =	vmul.f32 $9.499999880e-01, v29  }
0x3bc: {  	p1 =	seq.s32 s24, $0x2;
	v32 =	vmul.f32 v61, v20;
	v27 =	vmul.f32 v26, v26  }
.Ltmp5:
0x3bd: {  	v29 =	vmul.f32 v28, v28;
	v21 =	vmul.f32 v21, v24;
	(pc) =	sbr.rel @p1 .LBB2_18-.Ltmp5, $4  }
0x3be: {  	v28 =	vmul.f32 v23, v23;
	v26 =	vmul.f32 v30, v30  }
0x3bf: {  	v23 =	vmul.f32 v31, v31;
	v30 =	vpop (erf);
	v62 =	vmul.f32 v21, v21  }
0x3c0: {  	v24 =	vmul.f32 v25, v25;
	v25 =	vmul.f32 v60, v60;
	v63 =	vpop (erf)  }
0x3c1: {  	s29 =	simm.s32 $0x2;
	p0 =	por $0x1, $0x1;
	[tilespmem:s26+$0x24F0] =	vst.add.f32.msk $0xffff, v22;
	v31 =	vmul.f32 v30, v20;
	v20 =	vmul.f32 v63, v20;
	v22 =	vsub.f32 $1.000000000e+00, v62  }
.LBB2_19:
0x3c2: {  	v30 =	vadd.s32 s29, v1;
	v33 =	vmul.f32 v29, v32;
	v34 =	vmul.f32 v28, v32;
	s0 =	smov.u32 s29  }
0x3c3: {  	v37 =	vmul.f32 v27, v32;
	v35 =	vshrl.u32 v22, $0x1;
	v36 =	vmul.f32 $5.000000000e-01, v22  }
0x3c4: {  	v38 =	vmul.f32 v24, v32;
	v35 =	vsub.s32 $0x5F3759DF, v35;
	[tilespmem:s26+$0x2110] =	vst.add.f32.msk $0xffff, v33;
	v33 =	vmul.f32 v26, v32  }
0x3c5: {  	v39 =	vmul.f32 v35, v36;
	[tilespmem:s26+$0x2130] =	vst.add.f32.msk $0xffff, v34;
	v34 =	vmul.f32 v23, v32  }
0x3c6: {  	[tilespmem:s26+$0x2150] =	vst.add.f32.msk $0xffff, v37;
	v37 =	vmul.f32 v25, v32;
	v32 =	vmul.f32 v18, v32  }
0x3c7: {  	v41 =	vmul.f32 v29, v31;
	v40 =	vld.idx.msk [tilespmem:v30+s14+$0x0], $0xffff;
	v39 =	vmul.f32 v35, v39  }
0x3c8: {  	v43 =	vmul.f32 v28, v31;
	v44 =	vmul.f32 v27, v31;
	v42 =	vld.idx.msk [tilespmem:v30+s15+$0x0], $0xffff  }
0x3c9: {  	v45 =	vmul.f32 v24, v31;
	v39 =	vsub.f32 $1.500000000e+00, v39;
	[tilespmem:s26+$0x2170] =	vst.add.f32.msk $0xffff, v33;
	v33 =	vmul.f32 v26, v31  }
0x3ca: {  	v47 =	vmul.f32 v23, v31;
	v48 =	vmul.f32 v25, v31;
	v46 =	vld.idx.msk [tilespmem:v30+s16+$0x0], $0xffff  }
0x3cb: {  	v31 =	vmul.f32 v18, v31;
	v35 =	vmul.f32 v35, v39;
	[tilespmem:s26+$0x2190] =	vst.add.f32.msk $0xffff, v38  }
0x3cc: {  	v38 =	vmul.f32 v28, v20;
	[tilespmem:s26+$0x21B0] =	vst.add.f32.msk $0xffff, v34;
	v34 =	vmul.f32 v29, v20  }
0x3cd: {  	v39 =	vmul.f32 v35, v36;
	[tilespmem:s26+$0x21D0] =	vst.add.f32.msk $0xffff, v37;
	v37 =	vmul.f32 v27, v20  }
0x3ce: {  	v40 =	vmul.f32 v40, v10;
	v42 =	vmul.f32 v42, v11;
	v49 =	vld.idx.msk [tilespmem:v30+s12+$0x0], $0xffff  }
0x3cf: {  	v39 =	vmul.f32 v39, v35;
	[tilespmem:s26+$0x21F0] =	vst.add.f32.msk $0xffff, v32;
	v32 =	vmul.f32 v26, v20  }
0x3d0: {  	v50 =	vmul.f32 v24, v20;
	v40 =	vadd.f32 v42, v40;
	v42 =	vmul.f32 v46, v12;
	v46 =	vld.idx.msk [tilespmem:v19+s10+$0x0], $0xffff  }
0x3d1: {  	v51 =	vmul.f32 v25, v20;
	v39 =	vsub.f32 $1.500000000e+00, v39;
	[tilespmem:s26+$0x2210] =	vst.add.f32.msk $0xffff, v41;
	v41 =	vmul.f32 v23, v20  }
0x3d2: {  	v18 =	vmul.f32 v18, v20;
	v40 =	vadd.f32 v42, v40;
	v20 =	vmul.f32 v29, v17;
	[tilespmem:s26+$0x2230] =	vst.add.f32.msk $0xffff, v43  }
0x3d3: {  	v28 =	vmul.f32 v28, v17;
	v29 =	vmul.f32 v39, v35;
	[tilespmem:s26+$0x2250] =	vst.add.f32.msk $0xffff, v44  }
0x3d4: {  	v35 =	vmul.f32 $9.499999880e-01, v40;
	v39 =	vmul.f32 v49, v8;
	[tilespmem:s26+$0x2270] =	vst.add.f32.msk $0xffff, v33  }
0x3d5: {  	v27 =	vmul.f32 v27, v17;
	v33 =	vmul.f32 v29, v36;
	[tilespmem:s26+$0x2290] =	vst.add.f32.msk $0xffff, v45  }
0x3d6: {  	v26 =	vmul.f32 v26, v17;
	v35 =	vmul.f32 v35, v39;
	v36 =	vadd.f32 v46, v6;
	[tilespmem:s26+$0x22B0] =	vst.add.f32.msk $0xffff, v47  }
0x3d7: {  	v39 =	vmul.f32 v24, v17;
	v33 =	vmul.f32 v33, v29;
	[tilespmem:s26+$0x22D0] =	vst.add.f32.msk $0xffff, v48  }
0x3d8: {  	v24 =	vmul.f32 v35, v35;
	v36 =	vmul.f32 $5.000000000e-01, v36;
	[tilespmem:s26+$0x22F0] =	vst.add.f32.msk $0xffff, v31  }
0x3d9: {  	v31 =	vsub.f32 $1.500000000e+00, v33;
	[tilespmem:s26+$0x2310] =	vst.add.f32.msk $0xffff, v34;
	v33 =	vmul.f32 v23, v17;
	v17 =	vmul.f32 v25, v17  }
0x3da: {  	v34 =	vsub.f32 $1.000000000e+00, v24;
	v23 =	vadd.f32 $-2.849999900e+00, v36;
	[tilespmem:s26+$0x2330] =	vst.add.f32.msk $0xffff, v38  }
0x3db: {  	v25 =	vadd.f32 $-8.999999760e-01, v36;
	v24 =	vmul.f32 v31, v29;
	v29 =	vadd.f32 $-1.549999950e+00, v36;
	[tilespmem:s26+$0x2350] =	vst.add.f32.msk $0xffff, v37  }
0x3dc: {  	v37 =	vshrl.u32 v34, $0x1;
	v38 =	vmul.f32 $5.000000000e-01, v34;
	v23 =	vmul.f32 v23, v23;
	v31 =	vld.idx.msk [tilespmem:v30+s10+$0x0], $0xffff  }
0x3dd: {  	v37 =	vsub.s32 $0x5F3759DF, v37;
	v24 =	vmul.f32 v24, v22;
	v22 =	vmul.f32 $5.000000000e-01, v21;
	[tilespmem:s26+$0x2370] =	vst.add.f32.msk $0xffff, v32  }
0x3de: {  	v36 =	vadd.f32 $-2.200000050e+00, v36;
	v32 =	vmul.f32 v37, v38;
	v40 =	vmul.f32 $-8.000000000e+00, v23;
	[tilespmem:s26+$0x2390] =	vst.add.f32.msk $0xffff, v50  }
0x3df: {  	v21 =	vmul.f32 $5.000000000e-01, v24;
	v24 =	vmul.f32 $9.807852500e-01, v22;
	[tilespmem:s26+$0x23B0] =	vst.add.f32.msk $0xffff, v41  }
0x3e0: {  	v23 =	vmul.f32 v25, v25;
	v32 =	vmul.f32 v37, v32;
	[tilespmem:s26+$0x23D0] =	vst.add.f32.msk $0xffff, v51  }
0x3e1: {  	v40 =	vmul.f32 $1.442695020e+00, v40;
	v30 =	vld.idx.msk [tilespmem:v30+s13+$0x0], $0xffff;
	v41 =	vsub.f32 $5.000000000e-01, v24;
	v42 =	vmul.f32 $1.950903390e-01, v21  }
0x3e2: {  	v25 =	vmul.f32 v29, v29;
	v32 =	vsub.f32 $1.500000000e+00, v32;
	v31 =	vadd.f32 v31, v7;
	[tilespmem:s26+$0x23F0] =	vst.add.f32.msk $0xffff, v18  }
0x3e3: {  	v24 =	vmul.f32 v36, v36;
	v18 =	vadd.f32 v42, v41;
	(erf) = vpow2.f32 v40;
	[tilespmem:s26+$0x2410] =	vst.add.f32.msk $0xffff, v20  }
0x3e4: {  	v29 =	vmul.f32 v37, v32;
	v31 =	vmul.f32 $5.000000000e-01, v31;
	[tilespmem:s26+$0x2430] =	vst.add.f32.msk $0xffff, v28  }
0x3e5: {  	v28 =	vmul.f32 $9.807853100e-01, v22;
	v20 =	vld.idx.msk [tilespmem:v19+s13+$0x0], $0xffff;
	v18 =	vmul.f32 v18, v18  }
0x3e6: {  	v37 =	vmul.f32 $8.314695950e-01, v22;
	v32 =	vmul.f32 v29, v38;
	v36 =	vadd.f32 $-8.999999760e-01, v31;
	[tilespmem:s26+$0x2450] =	vst.add.f32.msk $0xffff, v27  }
0x3e7: {  	v19 =	vmul.f32 v30, v9;
	v27 =	vadd.f32 $-1.549999950e+00, v31;
	v18 =	vmul.f32 v18, v18;
	[tilespmem:s26+$0x2470] =	vst.add.f32.msk $0xffff, v26  }
0x3e8: {  	v26 =	vmul.f32 v32, v29;
	v30 =	vmul.f32 v36, v36;
	v32 =	vadd.f32 $-2.200000050e+00, v31;
	[tilespmem:s26+$0x2490] =	vst.add.f32.msk $0xffff, v39  }
0x3e9: {  	v36 =	vmul.f32 v27, v27;
	v27 =	vadd.f32 $5.000000000e-01, v28;
	v18 =	vmul.f32 v18, v18;
	[tilespmem:s26+$0x24B0] =	vst.add.f32.msk $0xffff, v33  }
0x3ea: {  	v26 =	vsub.f32 $1.500000000e+00, v26;
	v30 =	vmul.f32 $-8.000000000e+00, v30;
	v32 =	vmul.f32 v32, v32;
	[tilespmem:s26+$0x24D0] =	vst.add.f32.msk $0xffff, v17;
	s26 =	smov.u32 s28  }
0x3eb: {  	v28 =	vadd.f32 $5.000000000e-01, v37;
	v20 =	vmul.f32 v20, v5;
	v18 =	vmul.f32 v18, v18  }
0x3ec: {  	s29 =	sadd.s32 $0x1, s29;
	v33 =	vmul.f32 v26, v29;
	v29 =	vmul.f32 $-8.000000000e+00, v36;
	v26 =	vsub.f32 $5.000000000e-01, v37;
	v17 =	vpop (erf)  }
0x3ed: {  	p1 =	seq.s32 s24, s29;
	v17 =	vmul.f32 v17, v20;
	v18 =	vmul.f32 v18, v18  }
0x3ee: {  	v32 =	vmul.f32 $-8.000000000e+00, v32;
	v36 =	vmul.f32 v33, v38  }
0x3ef: {  	v30 =	vmul.f32 $1.442695020e+00, v30;
	v37 =	vmul.f32 v18, v17  }
0x3f0: {  	v29 =	vmul.f32 $1.442695020e+00, v29;
	v36 =	vmul.f32 v36, v33  }
0x3f1: {  	v31 =	vadd.f32 $-2.849999900e+00, v31;
	v32 =	vmul.f32 $1.442695020e+00, v32;
	(erf) = vpow2.f32 v30;
	[tilespmem:s26+$0x24F0] =	vst.add.f32.msk $0xffff, v37  }
0x3f2: {  	v35 =	vmul.f32 $5.000000000e-01, v35;
	v30 =	vsub.f32 $1.500000000e+00, v36;
	(erf) = vpow2.f32 v29  }
0x3f3: {  	v29 =	vmul.f32 v31, v31;
	(erf) = vpow2.f32 v32  }
0x3f4: {  	v31 =	vmul.f32 $9.807853100e-01, v35;
	v30 =	vmul.f32 v30, v33  }
0x3f5: {  	v32 =	vmul.f32 $8.314695950e-01, v35;
	v33 =	vmul.f32 $5.555702450e-01, v35  }
0x3f6: {  	s1 =	sadd.s32 s0, s25;
	v30 =	vmul.f32 v30, v34;
	v34 =	vmul.f32 $1.950903090e-01, v35  }
0x3f7: {  	v38 =	vmul.f32 $5.555701850e-01, v35;
	v36 =	vmov s1;
	v37 =	vmul.f32 $1.950903530e-01, v35  }
0x3f8: {  	v31 =	vadd.f32 $5.000000000e-01, v31;
	v39 =	vadd.f32 $5.000000000e-01, v32;
	v30 =	vmul.f32 $5.000000000e-01, v30  }
0x3f9: {  	v33 =	vadd.f32 $5.000000000e-01, v33;
	v35 =	vmul.f32 $9.807852500e-01, v35;
	v34 =	vadd.f32 $5.000000000e-01, v34  }
0x3fa: {  	v38 =	vsub.f32 $5.000000000e-01, v38;
	v37 =	vsub.f32 $5.000000000e-01, v37;
	v40 =	vmul.f32 $1.950903240e-01, v30;
	v41 =	vpop (erf)  }
0x3fb: {  	v32 =	vsub.f32 $5.000000000e-01, v32;
	v42 =	vmul.f32 $5.555702450e-01, v30;
	v43 =	vmul.f32 $8.314695950e-01, v30;
	v44 =	vpop (erf)  }
0x3fc: {  	v35 =	vsub.f32 $5.000000000e-01, v35;
	v45 =	vmul.f32 $9.807853100e-01, v30;
	v46 =	vmul.f32 $9.807852500e-01, v30;
	v47 =	vpop (erf)  }
0x3fd: {  	v31 =	vadd.f32 v40, v31;
	v39 =	vadd.f32 v42, v39;
	v40 =	vmul.f32 $8.314696550e-01, v30;
	v36 =	vld.idx.msk [tilespmem:v36+s17+$0x0], $0xffff  }
0x3fe: {  	v41 =	vmul.f32 v41, v19;
	v33 =	vadd.f32 v43, v33;
	v34 =	vadd.f32 v45, v34  }
0x3ff: {  	v37 =	vadd.f32 v46, v37;
	v30 =	vmul.f32 $1.950903390e-01, v30;
	v38 =	vadd.f32 v40, v38  }
0x400: {  	v32 =	vadd.f32 v42, v32;
	v31 =	vmul.f32 v31, v31;
	v39 =	vmul.f32 v39, v39  }
0x401: {  	v33 =	vmul.f32 v33, v33;
	v34 =	vmul.f32 v34, v34;
	v30 =	vadd.f32 v30, v35  }
0x402: {  	v35 =	vmul.f32 v37, v37;
	v37 =	vmul.f32 v38, v38  }
0x403: {  	v32 =	vmul.f32 v32, v32;
	v30 =	vmul.f32 v30, v30;
	(v2sf) =	vpush v36, $0x0  }
0x404: {  	v31 =	vmul.f32 v31, v31;
	v36 =	vmul.f32 v39, v39  }
0x405: {  	v33 =	vmul.f32 v33, v33;
	v34 =	vmul.f32 v34, v34  }
0x406: {  	v35 =	vmul.f32 v35, v35;
	v37 =	vmul.f32 v37, v37  }
0x407: {  	v32 =	vmul.f32 v32, v32;
	v30 =	vmul.f32 v30, v30  }
0x408: {  	v31 =	vmul.f32 v31, v31;
	v36 =	vmul.f32 v36, v36  }
0x409: {  	v33 =	vmul.f32 v33, v33;
	v34 =	vmul.f32 v34, v34  }
0x40a: {  	v35 =	vmul.f32 v35, v35;
	v37 =	vmul.f32 v37, v37  }
0x40b: {  	v32 =	vmul.f32 v32, v32;
	v30 =	vmul.f32 v30, v30  }
0x40c: {  	v31 =	vmul.f32 v31, v31;
	v36 =	vmul.f32 v36, v36  }
0x40d: {  	v33 =	vmul.f32 v33, v33;
	v34 =	vmul.f32 v34, v34  }
0x40e: {  	v35 =	vmul.f32 v35, v35;
	v37 =	vmul.f32 v37, v37  }
0x40f: {  	v32 =	vmul.f32 v32, v32;
	v31 =	vmul.f32 v31, v31  }
0x410: {  	v30 =	vmul.f32 v30, v30;
	v36 =	vmul.f32 v36, v36  }
0x411: {  	v33 =	vmul.f32 v33, v33;
	v38 =	vmul.f32 v31, v41  }
0x412: {  	v34 =	vmul.f32 v34, v34;
	v39 =	vmul.f32 v36, v41;
	s28 =	spop (v2sf)  }
0x413: {  	v35 =	vmul.f32 v35, v35;
	[tilespmem:s28+$0x2100] =	vst.add.f32.msk $0xffff, v38;
	v38 =	vmul.f32 v33, v41  }
0x414: {  	v37 =	vmul.f32 v37, v37;
	[tilespmem:s28+$0x2120] =	vst.add.f32.msk $0xffff, v39;
	v39 =	vmul.f32 v34, v41  }
0x415: {  	v32 =	vmul.f32 v32, v32;
	[tilespmem:s28+$0x2140] =	vst.add.f32.msk $0xffff, v38;
	v38 =	vmul.f32 v35, v41  }
0x416: {  	v30 =	vmul.f32 v30, v30;
	[tilespmem:s28+$0x2160] =	vst.add.f32.msk $0xffff, v39;
	v39 =	vmul.f32 v37, v41  }
0x417: {  	v40 =	vmul.f32 v44, v19;
	[tilespmem:s28+$0x2180] =	vst.add.f32.msk $0xffff, v38;
	v38 =	vmul.f32 v32, v41  }
0x418: {  	[tilespmem:s28+$0x21A0] =	vst.add.f32.msk $0xffff, v39;
	v39 =	vmul.f32 v30, v41;
	v41 =	vmul.f32 $5.555702450e-01, v22  }
0x419: {  	v29 =	vmul.f32 $-8.000000000e+00, v29;
	[tilespmem:s28+$0x21C0] =	vst.add.f32.msk $0xffff, v38;
	v38 =	vmul.f32 v31, v40  }
0x41a: {  	v42 =	vmul.f32 $1.950903090e-01, v22;
	[tilespmem:s28+$0x21E0] =	vst.add.f32.msk $0xffff, v39;
	v39 =	vmul.f32 v36, v40;
	v41 =	vadd.f32 $5.000000000e-01, v41  }
0x41b: {  	v29 =	vmul.f32 $1.442695020e+00, v29;
	[tilespmem:s28+$0x2200] =	vst.add.f32.msk $0xffff, v38;
	v38 =	vmul.f32 v33, v40  }
0x41c: {  	v43 =	vmul.f32 $1.950903530e-01, v22;
	v42 =	vadd.f32 $5.000000000e-01, v42;
	[tilespmem:s28+$0x2220] =	vst.add.f32.msk $0xffff, v39;
	v39 =	vmul.f32 v34, v40  }
0x41d: {  	[tilespmem:s28+$0x2240] =	vst.add.f32.msk $0xffff, v38;
	v38 =	vmul.f32 v35, v40;
	(erf) = vpow2.f32 v29  }
0x41e: {  	v22 =	vmul.f32 $5.555701850e-01, v22;
	v29 =	vmul.f32 v37, v40;
	[tilespmem:s28+$0x2260] =	vst.add.f32.msk $0xffff, v39;
	v39 =	vsub.f32 $5.000000000e-01, v43  }
0x41f: {  	v43 =	vmul.f32 v47, v19;
	[tilespmem:s28+$0x2280] =	vst.add.f32.msk $0xffff, v38;
	v38 =	vmul.f32 v32, v40  }
0x420: {  	v23 =	vmul.f32 $-8.000000000e+00, v23;
	v22 =	vsub.f32 $5.000000000e-01, v22;
	[tilespmem:s28+$0x22A0] =	vst.add.f32.msk $0xffff, v29;
	v29 =	vmul.f32 v30, v40  }
0x421: {  	v25 =	vmul.f32 $-8.000000000e+00, v25;
	[tilespmem:s28+$0x22C0] =	vst.add.f32.msk $0xffff, v38;
	v38 =	vmul.f32 v31, v43  }
0x422: {  	v24 =	vmul.f32 $-8.000000000e+00, v24;
	[tilespmem:s28+$0x22E0] =	vst.add.f32.msk $0xffff, v29;
	v29 =	vmul.f32 v36, v43  }
0x423: {  	v40 =	vmul.f32 $1.950903240e-01, v21;
	[tilespmem:s28+$0x2300] =	vst.add.f32.msk $0xffff, v38;
	v38 =	vmul.f32 v33, v43  }
0x424: {  	v44 =	vmul.f32 $5.555702450e-01, v21;
	[tilespmem:s28+$0x2320] =	vst.add.f32.msk $0xffff, v29;
	v29 =	vmul.f32 v34, v43  }
0x425: {  	v27 =	vadd.f32 v40, v27;
	v40 =	vmul.f32 $8.314695950e-01, v21;
	[tilespmem:s28+$0x2340] =	vst.add.f32.msk $0xffff, v38;
	v38 =	vmul.f32 v35, v43  }
0x426: {  	v46 =	vmul.f32 $9.807853100e-01, v21;
	v28 =	vadd.f32 v44, v28;
	[tilespmem:s28+$0x2360] =	vst.add.f32.msk $0xffff, v29;
	v29 =	vmul.f32 v37, v43;
	v45 =	vpop (erf)  }
0x427: {  	v45 =	vmul.f32 v45, v19;
	[tilespmem:s28+$0x2380] =	vst.add.f32.msk $0xffff, v38;
	v19 =	vmul.f32 v32, v43;
	v38 =	vadd.f32 v40, v41  }
0x428: {  	v40 =	vadd.f32 v46, v42;
	v41 =	vmul.f32 $9.807852500e-01, v21;
	[tilespmem:s28+$0x23A0] =	vst.add.f32.msk $0xffff, v29;
	v29 =	vmul.f32 v30, v43  }
0x429: {  	v26 =	vadd.f32 v44, v26;
	v21 =	vmul.f32 $8.314696550e-01, v21;
	[tilespmem:s28+$0x23C0] =	vst.add.f32.msk $0xffff, v19;
	v19 =	vmul.f32 v31, v45  }
0x42a: {  	v23 =	vmul.f32 $1.442695020e+00, v23;
	v31 =	vadd.f32 v41, v39;
	[tilespmem:s28+$0x23E0] =	vst.add.f32.msk $0xffff, v29;
	v29 =	vmul.f32 v36, v45  }
0x42b: {  	v25 =	vmul.f32 $1.442695020e+00, v25;
	v21 =	vadd.f32 v21, v22;
	[tilespmem:s28+$0x2400] =	vst.add.f32.msk $0xffff, v19;
	v19 =	vmul.f32 v33, v45  }
0x42c: {  	v24 =	vmul.f32 $1.442695020e+00, v24;
	v22 =	vmul.f32 v34, v45;
	[tilespmem:s28+$0x2420] =	vst.add.f32.msk $0xffff, v29  }
0x42d: {  	v29 =	vmul.f32 v35, v45;
	[tilespmem:s28+$0x2440] =	vst.add.f32.msk $0xffff, v19;
	(erf) = vpow2.f32 v23  }
0x42e: {  	v19 =	vadd.s32 s0, v4;
	[tilespmem:s28+$0x2460] =	vst.add.f32.msk $0xffff, v22;
	v22 =	vmul.f32 v37, v45;
	(erf) = vpow2.f32 v25  }
0x42f: {  	v23 =	vmul.f32 v32, v45;
	[tilespmem:s28+$0x2480] =	vst.add.f32.msk $0xffff, v29;
	(erf) = vpow2.f32 v24  }
0x430: {  	v24 =	vmul.f32 v27, v27;
	[tilespmem:s28+$0x24A0] =	vst.add.f32.msk $0xffff, v22;
	v22 =	vmul.f32 v30, v45  }
0x431: {  	v25 =	vmul.f32 v38, v38;
	[tilespmem:s28+$0x24C0] =	vst.add.f32.msk $0xffff, v23;
	v23 =	vmul.f32 v28, v28  }
0x432: {  	v27 =	vmul.f32 v31, v31;
	[tilespmem:s28+$0x24E0] =	vst.add.f32.msk $0xffff, v22;
	v22 =	vmul.f32 v40, v40  }
0x433: {  	v26 =	vmul.f32 v26, v26;
	v21 =	vmul.f32 v21, v21;
	v28 =	vld.idx.msk [tilespmem:v19+s14+$0x0], $0xffff  }
0x434: {  	v24 =	vmul.f32 v24, v24;
	v23 =	vmul.f32 v23, v23;
	v29 =	vld.idx.msk [tilespmem:v19+s15+$0x0], $0xffff  }
0x435: {  	v25 =	vmul.f32 v25, v25;
	v22 =	vmul.f32 v22, v22  }
0x436: {  	v21 =	vmul.f32 v21, v21;
	v27 =	vmul.f32 v27, v27;
	v30 =	vld.idx.msk [tilespmem:v19+s16+$0x0], $0xffff;
	v31 =	vpop (erf)  }
0x437: {  	v26 =	vmul.f32 v26, v26;
	v24 =	vmul.f32 v24, v24;
	v33 =	vpop (erf)  }
0x438: {  	v25 =	vmul.f32 v25, v25;
	v23 =	vmul.f32 v23, v23;
	v34 =	vpop (erf)  }
0x439: {  	v27 =	vmul.f32 v27, v27;
	v22 =	vmul.f32 v22, v22  }
0x43a: {  	v28 =	vmul.f32 v28, v14;
	v29 =	vmul.f32 v29, v15;
	v32 =	vld.idx.msk [tilespmem:v19+s12+$0x0], $0xffff  }
0x43b: {  	v26 =	vmul.f32 v26, v26;
	v21 =	vmul.f32 v21, v21  }
0x43c: {  	v24 =	vmul.f32 v24, v24;
	v28 =	vadd.f32 v29, v28;
	v29 =	vmul.f32 v30, v16  }
0x43d: {  	v25 =	vmul.f32 v25, v25;
	v23 =	vmul.f32 v23, v23  }
0x43e: {  	v22 =	vmul.f32 v22, v22;
	v30 =	vmul.f32 v27, v27;
	v28 =	vadd.f32 v29, v28  }
0x43f: {  	v36 =	vmul.f32 v26, v26;
	v35 =	vmul.f32 v21, v21  }
0x440: {  	v21 =	vmul.f32 $9.499999880e-01, v28;
	v26 =	vmul.f32 v32, v13  }
0x441: {  	v29 =	vmul.f32 v24, v24;
	v28 =	vmul.f32 v23, v23  }
.Ltmp6:
0x442: {  	v27 =	vmul.f32 v25, v25;
	v21 =	vmul.f32 v21, v26;
	(pc) =	sbr.rel @!p1 .LBB2_19-.Ltmp6, $4  }
0x443: {  	v24 =	vmul.f32 v30, v30;
	v26 =	vmul.f32 v22, v22  }
0x444: {  	v23 =	vmul.f32 v35, v35;
	v22 =	vmul.f32 v21, v21  }
0x445: {  	v25 =	vmul.f32 v36, v36;
	v32 =	vmul.f32 v31, v20  }
0x446: {  	v31 =	vmul.f32 v33, v20;
	v20 =	vmul.f32 v34, v20;
	v22 =	vsub.f32 $1.000000000e+00, v22  }
0x447: {  	s0 =	smov.u32 s26;
	s26 =	smov.u32 s28  }
.LBB2_21:
0x448: {  	v7 =	vshrl.u32 v22, $0x1;
	v8 =	vmul.f32 $5.000000000e-01, v22  }
0x449: {  	v11 =	vmul.f32 @p0 v29, v32;
	v12 =	vmul.f32 @p0 v28, v32;
	v7 =	vsub.s32 $0x5F3759DF, v7  }
0x44a: {  	v13 =	vmul.f32 @p0 v26, v32;
	v9 =	vmul.f32 v7, v8  }
0x44b: {  	v14 =	vmul.f32 @p0 v24, v32;
	v15 =	vmul.f32 @p0 v23, v32  }
0x44c: {  	v16 =	vmul.f32 @p0 v25, v32;
	v9 =	vmul.f32 v7, v9  }
0x44d: {  	v30 =	vmul.f32 @p0 v29, v31;
	v33 =	vmul.f32 @p0 v27, v31  }
0x44e: {  	v10 =	vld.idx.msk [tilespmem:v19+s10+$0x0], $0xffff;
	v34 =	vmul.f32 @p0 v26, v31;
	v35 =	vmul.f32 @p0 v24, v31;
	v9 =	vsub.f32 $1.500000000e+00, v9  }
0x44f: {  	v37 =	vmul.f32 @p0 v23, v31;
	v21 =	vmul.f32 $5.000000000e-01, v21  }
0x450: {  	v38 =	vmul.f32 @p0 v29, v20;
	v7 =	vmul.f32 v7, v9  }
0x451: {  	v39 =	vmul.f32 @p0 v28, v20;
	v41 =	vmul.f32 @p0 v27, v20  }
0x452: {  	v42 =	vmul.f32 @p0 v26, v20;
	v9 =	vmul.f32 v7, v8  }
0x453: {  	v43 =	vmul.f32 @p0 v24, v20;
	v26 =	vmul.f32 @p0 v26, v17;
	v6 =	vadd.f32 v10, v6  }
0x454: {  	v24 =	vmul.f32 @p0 v24, v17;
	v9 =	vmul.f32 v9, v7  }
0x455: {  	[tilespmem:s0+$0x2110] =	vst.add.f32.msk @p0 $0xffff, v11;
	v11 =	vmul.f32 @p0 v25, v17;
	v6 =	vmul.f32 $5.000000000e-01, v6  }
0x456: {  	v62 =	vmul.f32 $9.807853100e-01, v21;
	v63 =	vmul.f32 $8.314695950e-01, v21;
	v9 =	vsub.f32 $1.500000000e+00, v9  }
0x457: {  	v52 =	vmul.f32 $5.555702450e-01, v21;
	v54 =	vmul.f32 $1.950903090e-01, v21;
	v36 =	vadd.f32 $-2.849999900e+00, v6  }
0x458: {  	v10 =	vmul.f32 @p0 v18, v32;
	v61 =	vadd.f32 $-2.200000050e+00, v6;
	v7 =	vmul.f32 v9, v7  }
0x459: {  	v57 =	vadd.f32 $-8.999999760e-01, v6;
	v59 =	vadd.f32 $-1.549999950e+00, v6;
	v36 =	vmul.f32 v36, v36  }
0x45a: {  	v49 =	vmul.f32 v61, v61;
	v8 =	vmul.f32 v7, v8  }
0x45b: {  	v58 =	vmul.f32 v57, v57;
	v48 =	vmul.f32 v59, v59  }
0x45c: {  	[tilespmem:s0+$0x2130] =	vst.add.f32.msk @p0 $0xffff, v12;
	v12 =	vmul.f32 $-8.000000000e+00, v49;
	v8 =	vmul.f32 v8, v7  }
0x45d: {  	v57 =	vmul.f32 $1.950903530e-01, v21;
	v9 =	vmul.f32 @p0 v27, v32  }
0x45e: {  	v55 =	vmul.f32 $-8.000000000e+00, v36;
	v12 =	vmul.f32 $1.442695020e+00, v12;
	v8 =	vsub.f32 $1.500000000e+00, v8  }
0x45f: {  	v32 =	vmul.f32 @p0 v28, v31;
	[tilespmem:s0+$0x2150] =	vst.add.f32.msk @p0 $0xffff, v9;
	v9 =	vmul.f32 $-8.000000000e+00, v48  }
0x460: {  	v28 =	vmul.f32 @p0 v28, v17;
	v7 =	vmul.f32 v8, v7  }
0x461: {  	v56 =	vld.idx.msk [tilespmem:v19+s13+$0x0], $0xffff;
	v27 =	vmul.f32 @p0 v27, v17;
	v9 =	vmul.f32 $1.442695020e+00, v9  }
0x462: {  	[tilespmem:s0+$0x2170] =	vst.add.f32.msk @p0 $0xffff, v13;
	v8 =	vmul.f32 @p0 v25, v31;
	v7 =	vmul.f32 v7, v22  }
0x463: {  	[tilespmem:s0+$0x2190] =	vst.add.f32.msk @p0 $0xffff, v14;
	v22 =	vmul.f32 @p0 v18, v31;
	v31 =	vmul.f32 $1.442695020e+00, v55  }
0x464: {  	[tilespmem:s0+$0x21B0] =	vst.add.f32.msk @p0 $0xffff, v15;
	v18 =	vmul.f32 @p0 v18, v20;
	v36 =	vmul.f32 $5.000000000e-01, v7  }
0x465: {  	[tilespmem:s0+$0x21D0] =	vst.add.f32.msk @p0 $0xffff, v16;
	v50 =	vadd.f32 $5.000000000e-01, v62;
	v7 =	vmul.f32 $9.807852500e-01, v21;
	(erf) = vpow2.f32 v31  }
0x466: {  	[tilespmem:s0+$0x2210] =	vst.add.f32.msk @p0 $0xffff, v30;
	v51 =	vadd.f32 $5.000000000e-01, v63;
	v31 =	vmul.f32 @p0 v23, v20;
	v23 =	vmul.f32 @p0 v23, v17  }
0x467: {  	[tilespmem:s0+$0x2250] =	vst.add.f32.msk @p0 $0xffff, v33;
	v7 =	vsub.f32 $5.000000000e-01, v7;
	v40 =	vmul.f32 $1.950903390e-01, v36;
	v55 =	vmul.f32 $1.950903240e-01, v36  }
0x468: {  	[tilespmem:s0+$0x2270] =	vst.add.f32.msk @p0 $0xffff, v34;
	v53 =	vsub.f32 $5.000000000e-01, v63;
	v59 =	vmul.f32 $8.314695950e-01, v36;
	v61 =	vmul.f32 $9.807853100e-01, v36  }
0x469: {  	[tilespmem:s0+$0x2290] =	vst.add.f32.msk @p0 $0xffff, v35;
	v62 =	vmul.f32 $9.807852500e-01, v36;
	v7 =	vadd.f32 v40, v7;
	v40 =	vmul.f32 @p0 v25, v20  }
0x46a: {  	[tilespmem:s0+$0x22B0] =	vst.add.f32.msk @p0 $0xffff, v37;
	v20 =	vmul.f32 @p0 v29, v17;
	v17 =	vmul.f32 $-8.000000000e+00, v58;
	v25 =	vsub.f32 $5.000000000e-01, v57  }
0x46b: {  	[tilespmem:s0+$0x2310] =	vst.add.f32.msk @p0 $0xffff, v38;
	v58 =	vmul.f32 $5.555701850e-01, v21;
	v13 =	vadd.f32 v55, v50;
	v7 =	vmul.f32 v7, v7  }
0x46c: {  	[tilespmem:s0+$0x2230] =	vst.add.f32.msk @p0 $0xffff, v32;
	v63 =	vmul.f32 $8.314696550e-01, v36;
	v17 =	vmul.f32 $1.442695020e+00, v17;
	v32 =	vadd.f32 v62, v25  }
0x46d: {  	[tilespmem:s0+$0x21F0] =	vst.add.f32.msk @p0 $0xffff, v10;
	v10 =	vsub.f32 $5.000000000e-01, v58;
	v33 =	vmul.f32 v13, v13;
	v7 =	vmul.f32 v7, v7  }
0x46e: {  	[tilespmem:s0+$0x22D0] =	vst.add.f32.msk @p0 $0xffff, v8;
	(erf) = vpow2.f32 v17;
	v8 =	vmul.f32 v32, v32  }
0x46f: {  	[tilespmem:s0+$0x2330] =	vst.add.f32.msk @p0 $0xffff, v39;
	v10 =	vadd.f32 v63, v10;
	(erf) = vpow2.f32 v9;
	v9 =	vmul.f32 v33, v33  }
0x470: {  	[tilespmem:s0+$0x2350] =	vst.add.f32.msk @p0 $0xffff, v41;
	v44 =	vmul.f32 v7, v7;
	v7 =	vmul.f32 v56, v5  }
0x471: {  	[tilespmem:s0+$0x2370] =	vst.add.f32.msk @p0 $0xffff, v42;
	v5 =	vpop (erf);
	(erf) = vpow2.f32 v12;
	v10 =	vmul.f32 v10, v10  }
0x472: {  	[tilespmem:s0+$0x2390] =	vst.add.f32.msk @p0 $0xffff, v43;
	v56 =	vadd.f32 $5.000000000e-01, v52;
	v8 =	vmul.f32 v8, v8;
	v9 =	vmul.f32 v9, v9  }
0x473: {  	[tilespmem:s0+$0x2470] =	vst.add.f32.msk @p0 $0xffff, v26;
	v29 =	vadd.f32 $5.000000000e-01, v54;
	v60 =	vmul.f32 v44, v44;
	v5 =	vmul.f32 v5, v7  }
0x474: {  	[tilespmem:s0+$0x2490] =	vst.add.f32.msk @p0 $0xffff, v24;
	v16 =	vadd.f32 v59, v56;
	v10 =	vmul.f32 v10, v10;
	v8 =	vmul.f32 v8, v8  }
0x475: {  	[tilespmem:s0+$0x24D0] =	vst.add.f32.msk @p0 $0xffff, v11;
	v17 =	vadd.f32 v61, v29;
	v9 =	vmul.f32 v9, v9;
	v6 =	vmul.f32 v60, v60  }
0x476: {  	[tilespmem:s0+$0x2430] =	vst.add.f32.msk @p0 $0xffff, v28;
	v60 =	vmul.f32 $5.555702450e-01, v36;
	v35 =	vmul.f32 v16, v16  }
0x477: {  	[tilespmem:s0+$0x2450] =	vst.add.f32.msk @p0 $0xffff, v27;
	v36 =	vmul.f32 v17, v17;
	v10 =	vmul.f32 v10, v10  }
0x478: {  	[tilespmem:s0+$0x22F0] =	vst.add.f32.msk @p0 $0xffff, v22;
	v8 =	vmul.f32 v8, v8;
	v9 =	vmul.f32 v9, v9  }
0x479: {  	[tilespmem:s0+$0x23F0] =	vst.add.f32.msk @p0 $0xffff, v18;
	v19 =	vmul.f32 v6, v5;
	v14 =	vadd.f32 v60, v51;
	v13 =	vmul.f32 v35, v35  }
0x47a: {  	[tilespmem:s0+$0x23B0] =	vst.add.f32.msk @p0 $0xffff, v31;
	v15 =	vadd.f32 v60, v53;
	v10 =	vmul.f32 v10, v10;
	v8 =	vmul.f32 v8, v8;
	v37 =	vpop (erf)  }
0x47b: {  	[tilespmem:s0+$0x24B0] =	vst.add.f32.msk @p0 $0xffff, v23;
	v34 =	vmul.f32 v14, v14;
	v16 =	vmul.f32 v37, v7  }
0x47c: {  	[tilespmem:s0+$0x23D0] =	vst.add.f32.msk @p0 $0xffff, v40;
	v15 =	vmul.f32 v15, v15;
	v14 =	vmul.f32 v36, v36  }
0x47d: {  	[tilespmem:s0+$0x2410] =	vst.add.f32.msk @p0 $0xffff, v20;
	v10 =	vmul.f32 v10, v10;
	v44 =	vpop (erf);
	v39 =	vmul.f32 v9, v16  }
0x47e: {  	[tilespmem:s26+$0x24F0] =	vst.add.f32.msk $0xffff, v19;
	v46 =	vmul.f32 v44, v7;
	v43 =	vmul.f32 v8, v16  }
0x47f: {  	v13 =	vmul.f32 v13, v13;
	v45 =	vmul.f32 v10, v16;
	[tilespmem:s26+$0x2110] =	vst.add.f32.msk $0xffff, v39  }
0x480: {  	v12 =	vmul.f32 v34, v34;
	v48 =	vmul.f32 v9, v46;
	[tilespmem:s26+$0x2190] =	vst.add.f32.msk $0xffff, v43  }
0x481: {  	v53 =	vpop (erf);
	v13 =	vmul.f32 v13, v13;
	v52 =	vmul.f32 v8, v46;
	[tilespmem:s26+$0x21B0] =	vst.add.f32.msk $0xffff, v45  }
0x482: {  	v7 =	vmul.f32 v53, v7;
	v54 =	vmul.f32 v10, v46;
	[tilespmem:s26+$0x2210] =	vst.add.f32.msk $0xffff, v48  }
0x483: {  	v38 =	vmul.f32 v13, v13;
	v13 =	vmul.f32 v6, v46;
	[tilespmem:s26+$0x2290] =	vst.add.f32.msk $0xffff, v52  }
0x484: {  	v15 =	vmul.f32 v15, v15;
	v56 =	vmul.f32 v9, v7;
	[tilespmem:s26+$0x22B0] =	vst.add.f32.msk $0xffff, v54  }
0x485: {  	v14 =	vmul.f32 v14, v14;
	v60 =	vmul.f32 v8, v7;
	[tilespmem:s26+$0x22F0] =	vst.add.f32.msk $0xffff, v13  }
0x486: {  	v12 =	vmul.f32 v12, v12;
	v61 =	vmul.f32 v10, v7;
	[tilespmem:s26+$0x2310] =	vst.add.f32.msk $0xffff, v56  }
0x487: {  	v14 =	vmul.f32 v14, v14;
	v8 =	vmul.f32 v8, v5;
	[tilespmem:s26+$0x2390] =	vst.add.f32.msk $0xffff, v60  }
0x488: {  	v15 =	vmul.f32 v15, v15;
	v41 =	vmul.f32 v38, v16;
	[tilespmem:s26+$0x23B0] =	vst.add.f32.msk $0xffff, v61  }
0x489: {  	v14 =	vmul.f32 v14, v14;
	v50 =	vmul.f32 v38, v46;
	[tilespmem:s26+$0x2490] =	vst.add.f32.msk $0xffff, v8  }
0x48a: {  	v12 =	vmul.f32 v12, v12;
	v58 =	vmul.f32 v38, v7;
	[tilespmem:s26+$0x2150] =	vst.add.f32.msk $0xffff, v41  }
0x48b: {  	v15 =	vmul.f32 v15, v15;
	v42 =	vmul.f32 v14, v16;
	[tilespmem:s26+$0x2250] =	vst.add.f32.msk $0xffff, v50  }
0x48c: {  	v12 =	vmul.f32 v12, v12;
	v51 =	vmul.f32 v14, v46;
	[tilespmem:s26+$0x2350] =	vst.add.f32.msk $0xffff, v58  }
0x48d: {  	v15 =	vmul.f32 v15, v15;
	v59 =	vmul.f32 v14, v7;
	[tilespmem:s26+$0x2170] =	vst.add.f32.msk $0xffff, v42  }
0x48e: {  	v40 =	vmul.f32 v12, v16;
	[tilespmem:s26+$0x2270] =	vst.add.f32.msk $0xffff, v51  }
0x48f: {  	v47 =	vmul.f32 v15, v16;
	[tilespmem:s26+$0x2370] =	vst.add.f32.msk $0xffff, v59  }
0x490: {  	v16 =	vmul.f32 v6, v16;
	[tilespmem:s26+$0x2130] =	vst.add.f32.msk $0xffff, v40  }
0x491: {  	v49 =	vmul.f32 v12, v46;
	[tilespmem:s26+$0x21D0] =	vst.add.f32.msk $0xffff, v47  }
0x492: {  	v55 =	vmul.f32 v15, v46;
	[tilespmem:s26+$0x21F0] =	vst.add.f32.msk $0xffff, v16  }
0x493: {  	v57 =	vmul.f32 v12, v7;
	[tilespmem:s26+$0x2230] =	vst.add.f32.msk $0xffff, v49  }
0x494: {  	v62 =	vmul.f32 v15, v7;
	[tilespmem:s26+$0x22D0] =	vst.add.f32.msk $0xffff, v55  }
0x495: {  	v6 =	vmul.f32 v6, v7;
	[tilespmem:s26+$0x2330] =	vst.add.f32.msk $0xffff, v57  }
0x496: {  	v7 =	vmul.f32 v9, v5;
	[tilespmem:s26+$0x23D0] =	vst.add.f32.msk $0xffff, v62  }
0x497: {  	v63 =	vmul.f32 v12, v5;
	[tilespmem:s26+$0x23F0] =	vst.add.f32.msk $0xffff, v6  }
0x498: {  	v6 =	vmul.f32 v38, v5;
	[tilespmem:s26+$0x2410] =	vst.add.f32.msk $0xffff, v7  }
0x499: {  	v7 =	vmul.f32 v14, v5;
	[tilespmem:s26+$0x2430] =	vst.add.f32.msk $0xffff, v63  }
0x49a: {  	[tilespmem:s26+$0x2450] =	vst.add.f32.msk $0xffff, v6;
	v6 =	vmul.f32 v10, v5  }
0x49b: {  	[tilespmem:s26+$0x2470] =	vst.add.f32.msk $0xffff, v7;
	v5 =	vmul.f32 v15, v5  }
0x49c: {  	[tilespmem:s26+$0x24B0] =	vst.add.f32.msk $0xffff, v6  }
0x49d: {  	[tilespmem:s26+$0x24D0] =	vst.add.f32.msk $0xffff, v5  }
0x49e: {  	s24 =	sadd.s32 $0x1, s24  }
0x49f: {  	p0 =	seq.s32 s24, $0x20  }
.Ltmp7:
0x4a0: {  	_ = 	snop;
	(pc) =	sbr.rel @!p0 .LBB2_10-.Ltmp7, $4  }
.Ltmp8:
0x4a1: {  	_ = 	snop;
	(pc) =	sbr.rel @p0 .LBB2_13-.Ltmp8, $4  }
0x4a2: {  	_ = 	snop  }
0x4a3: {  	_ = 	snop  }
0x4a4: {  	s25 =	sadd.s32 $0x20, s25  }
0x4a5: {  	_ = 	snop  }
.LBB2_11:
.Ltmp9:
0x4a6: {  	(pc) =	sbr.rel .LBB2_21-.Ltmp9, $2  }
0x4a7: {  	_ =	sdelay $0x2  }
0x4a8: {  	_ = 	snop  }
.LBB2_18:
.Ltmp10:
0x4a9: {  	(pc) =	sbr.rel .LBB2_21-.Ltmp10, $2  }
0x4aa: {  	_ =	sdelay $0x2  }
0x4ab: {  	s0 =	smov.u32 s26;
	s26 =	smov.u32 s28  }
.LBB2_13:
0x4ac: {  	s28 =	simm.s32 $0x0  }
0x4ad: {  	v44 =	vor.u32 s28, v1;
	_ =	sdelay $0x4  }
0x4ae: {  	v5 =	vld.idx.msk [tilespmem:v44+s18+$0x0], $0xffff  }
0x4af: {  	v45 =	vor.u32 s28, v4;
	_ =	sdelay $0x2  }
0x4b0: {  	s5 =	simm.s32 $0x59A0  }
0x4b1: {  	[tilespmem:s5+$0xFFFFFF60] =	vst v5  }
0x4b2: {  	v28 =	vor.u32 $0x400, v1;
	v5 =	vld.idx.msk [tilespmem:v45+s18+$0x0], $0xffff  }
0x4b3: {  	v47 =	vor.u32 s28, v28;
	_ =	sdelay $0x3  }
0x4b4: {  	[tilespmem:s5+$0xFFFFFF70] =	vst v5  }
0x4b5: {  	v31 =	vor.u32 $0x600, v1;
	v5 =	vld.idx.msk [tilespmem:v47+s18+$0x0], $0xffff  }
0x4b6: {  	v46 =	vor.u32 s28, v31;
	_ =	sdelay $0x1  }
0x4b7: {  	s3 =	simm.s32 $0x1  }
0x4b8: {  	v16 =	vor.u32 s3, v1  }
0x4b9: {  	[tilespmem:s5+$0xFFFFFF80] =	vst v5  }
0x4ba: {  	v32 =	vor.u32 $0x800, v1;
	v5 =	vld.idx.msk [tilespmem:v46+s18+$0x0], $0xffff  }
0x4bb: {  	v6 =	vor.u32 s28, v32;
	_ =	sdelay $0x1  }
0x4bc: {  	v7 =	vld.idx.msk [tilespmem:v16+s18+$0x0], $0xffff  }
0x4bd: {  	v11 =	vor.u32 s3, v4  }
0x4be: {  	[tilespmem:s5+$0xFFFFFF90] =	vst v5  }
0x4bf: {  	v33 =	vor.u32 $0xA00, v1;
	v5 =	vld.idx.msk [tilespmem:v6+s18+$0x0], $0xffff  }
0x4c0: {  	s4 =	simm.s32 $0x5AE0;
	v6 =	vor.u32 s28, v33  }
0x4c1: {  	[tilespmem:s4+$0xFFFFFF60] =	vst v7  }
0x4c2: {  	v7 =	vld.idx.msk [tilespmem:v11+s18+$0x0], $0xffff  }
0x4c3: {  	v10 =	vor.u32 s3, v28  }
0x4c4: {  	[tilespmem:s5+$0xFFFFFFA0] =	vst v5  }
0x4c5: {  	v36 =	vor.u32 $0xC00, v1;
	v5 =	vld.idx.msk [tilespmem:v6+s18+$0x0], $0xffff  }
0x4c6: {  	v6 =	vor.u32 s28, v36  }
0x4c7: {  	[tilespmem:s4+$0xFFFFFF70] =	vst v7  }
0x4c8: {  	v7 =	vld.idx.msk [tilespmem:v10+s18+$0x0], $0xffff  }
0x4c9: {  	v9 =	vor.u32 s3, v31  }
0x4ca: {  	s20 =	simm.s32 $0x2;
	[tilespmem:s5+$0xFFFFFFB0] =	vst v5  }
0x4cb: {  	v41 =	vor.u32 $0xE00, v1;
	v8 =	vor.u32 s20, v1;
	v5 =	vld.idx.msk [tilespmem:v6+s18+$0x0], $0xffff  }
0x4cc: {  	v6 =	vor.u32 s28, v41  }
0x4cd: {  	[tilespmem:s4+$0xFFFFFF80] =	vst v7  }
0x4ce: {  	v12 =	vld.idx.msk [tilespmem:v9+s18+$0x0], $0xffff  }
0x4cf: {  	v13 =	vor.u32 s3, v32  }
0x4d0: {  	v14 =	vld.idx.msk [tilespmem:v8+s18+$0x0], $0xffff;
	[tilespmem:s5+$0xFFFFFFC0] =	vst v5  }
0x4d1: {  	v39 =	vor.u32 $0x1000, v1;
	v7 =	vor.u32 s20, v4;
	v5 =	vld.idx.msk [tilespmem:v6+s18+$0x0], $0xffff  }
0x4d2: {  	v6 =	vor.u32 s28, v39  }
0x4d3: {  	[tilespmem:s4+$0xFFFFFF90] =	vst v12  }
0x4d4: {  	s0 =	simm.s32 $0x5C20;
	v12 =	vld.idx.msk [tilespmem:v13+s18+$0x0], $0xffff  }
0x4d5: {  	[tilespmem:s0+$0xFFFFFF60] =	vst v14;
	v13 =	vor.u32 s3, v33  }
0x4d6: {  	v14 =	vld.idx.msk [tilespmem:v7+s18+$0x0], $0xffff;
	[tilespmem:s5+$0xFFFFFFD0] =	vst v5  }
0x4d7: {  	v42 =	vor.u32 $0x1200, v1;
	v5 =	vld.idx.msk [tilespmem:v6+s18+$0x0], $0xffff;
	v6 =	vor.u32 s20, v28  }
0x4d8: {  	v15 =	vor.u32 s28, v42  }
0x4d9: {  	[tilespmem:s4+$0xFFFFFFA0] =	vst v12  }
0x4da: {  	v12 =	vld.idx.msk [tilespmem:v13+s18+$0x0], $0xffff  }
0x4db: {  	s7 =	sand.u32 $0x3FC0, s28;
	[tilespmem:s0+$0xFFFFFF70] =	vst v14;
	v13 =	vor.u32 s3, v36  }
0x4dc: {  	v14 =	vld.idx.msk [tilespmem:v6+s18+$0x0], $0xffff;
	[tilespmem:s7+$0x5980] =	vst v5  }
0x4dd: {  	v37 =	vor.u32 $0x1400, v1;
	v5 =	vor.u32 s20, v31;
	v17 =	vld.idx.msk [tilespmem:v15+s18+$0x0], $0xffff  }
0x4de: {  	v18 =	vor.u32 s28, v37  }
0x4df: {  	s26 =	simm.s32 $0x3;
	[tilespmem:s4+$0xFFFFFFB0] =	vst v12  }
0x4e0: {  	v12 =	vld.idx.msk [tilespmem:v13+s18+$0x0], $0xffff;
	v15 =	vor.u32 s26, v1  }
0x4e1: {  	v13 =	vor.u32 s3, v41;
	[tilespmem:s0+$0xFFFFFF80] =	vst v14  }
0x4e2: {  	v14 =	vld.idx.msk [tilespmem:v5+s18+$0x0], $0xffff;
	[tilespmem:s5+$0xFFFFFFF0] =	vst v17  }
0x4e3: {  	v38 =	vor.u32 $0x1600, v1;
	v17 =	vld.idx.msk [tilespmem:v18+s18+$0x0], $0xffff;
	v18 =	vor.u32 s20, v32  }
0x4e4: {  	v19 =	vor.u32 s28, v38  }
0x4e5: {  	[tilespmem:s4+$0xFFFFFFC0] =	vst v12;
	v20 =	vld.idx.msk [tilespmem:v15+s18+$0x0], $0xffff  }
0x4e6: {  	v12 =	vld.idx.msk [tilespmem:v13+s18+$0x0], $0xffff;
	v13 =	vor.u32 s26, v4  }
0x4e7: {  	[tilespmem:s0+$0xFFFFFF90] =	vst v14;
	v14 =	vor.u32 s3, v39  }
0x4e8: {  	v18 =	vld.idx.msk [tilespmem:v18+s18+$0x0], $0xffff;
	[tilespmem:s5+$0x0] =	vst v17  }
0x4e9: {  	s25 =	simm.s32 $0x5D60;
	v35 =	vor.u32 $0x1800, v1;
	v17 =	vld.idx.msk [tilespmem:v19+s18+$0x0], $0xffff;
	v19 =	vor.u32 s20, v33  }
0x4ea: {  	[tilespmem:s25+$0xFFFFFF60] =	vst v20;
	v20 =	vor.u32 s28, v35  }
0x4eb: {  	[tilespmem:s4+$0xFFFFFFD0] =	vst v12;
	v21 =	vld.idx.msk [tilespmem:v13+s18+$0x0], $0xffff  }
0x4ec: {  	v12 =	vor.u32 s26, v28;
	v14 =	vld.idx.msk [tilespmem:v14+s18+$0x0], $0xffff  }
0x4ed: {  	[tilespmem:s0+$0xFFFFFFA0] =	vst v18;
	v18 =	vor.u32 s3, v42  }
0x4ee: {  	v19 =	vld.idx.msk [tilespmem:v19+s18+$0x0], $0xffff;
	[tilespmem:s5+$0x10] =	vst v17  }
0x4ef: {  	s1 =	simm.s32 $0x140;
	v34 =	vor.u32 $0x1A00, v1;
	v17 =	vld.idx.msk [tilespmem:v20+s18+$0x0], $0xffff;
	v20 =	vor.u32 s20, v36  }
0x4f0: {  	s6 =	sand.u32 $0x3FC0, s1;
	[tilespmem:s25+$0xFFFFFF70] =	vst v21;
	v21 =	vor.u32 s28, v34  }
0x4f1: {  	v22 =	vld.idx.msk [tilespmem:v12+s18+$0x0], $0xffff;
	[tilespmem:s6+$0x5980] =	vst v14  }
0x4f2: {  	v14 =	vor.u32 s26, v31;
	v23 =	vld.idx.msk [tilespmem:v18+s18+$0x0], $0xffff  }
0x4f3: {  	s1 =	simm.s32 $0x4;
	[tilespmem:s0+$0xFFFFFFB0] =	vst v19;
	v19 =	vor.u32 s3, v37  }
0x4f4: {  	v18 =	vor.u32 s1, v1;
	v20 =	vld.idx.msk [tilespmem:v20+s18+$0x0], $0xffff;
	[tilespmem:s5+$0x20] =	vst v17  }
0x4f5: {  	v29 =	vor.u32 $0x1C00, v1;
	v17 =	vld.idx.msk [tilespmem:v21+s18+$0x0], $0xffff;
	v21 =	vor.u32 s20, v41  }
0x4f6: {  	[tilespmem:s25+$0xFFFFFF80] =	vst v22;
	v22 =	vor.u32 s28, v29  }
0x4f7: {  	v24 =	vld.idx.msk [tilespmem:v14+s18+$0x0], $0xffff;
	[tilespmem:s4+$0xFFFFFFF0] =	vst v23  }
0x4f8: {  	v23 =	vor.u32 s26, v32;
	v19 =	vld.idx.msk [tilespmem:v19+s18+$0x0], $0xffff  }
0x4f9: {  	v26 =	vld.idx.msk [tilespmem:v18+s18+$0x0], $0xffff;
	[tilespmem:s0+$0xFFFFFFC0] =	vst v20;
	v20 =	vor.u32 s3, v38  }
0x4fa: {  	v21 =	vld.idx.msk [tilespmem:v21+s18+$0x0], $0xffff;
	[tilespmem:s5+$0x30] =	vst v17;
	v17 =	vor.u32 s1, v4  }
0x4fb: {  	v25 =	vor.u32 $0x1E00, v1;
	v27 =	vor.u32 s20, v39;
	v22 =	vld.idx.msk [tilespmem:v22+s18+$0x0], $0xffff  }
0x4fc: {  	[tilespmem:s25+$0xFFFFFF90] =	vst v24;
	v24 =	vor.u32 s28, v25  }
0x4fd: {  	s2 =	simm.s32 $0x5EA0;
	v23 =	vld.idx.msk [tilespmem:v23+s18+$0x0], $0xffff;
	[tilespmem:s4+$0x0] =	vst v19  }
0x4fe: {  	v30 =	vor.u32 s26, v33;
	[tilespmem:s2+$0xFFFFFF60] =	vst v26;
	v20 =	vld.idx.msk [tilespmem:v20+s18+$0x0], $0xffff  }
0x4ff: {  	v40 =	vld.idx.msk [tilespmem:v17+s18+$0x0], $0xffff;
	[tilespmem:s0+$0xFFFFFFD0] =	vst v21;
	v21 =	vor.u32 s3, v35  }
0x500: {  	v19 =	vor.u32 s1, v28;
	v27 =	vld.idx.msk [tilespmem:v27+s18+$0x0], $0xffff;
	[tilespmem:s5+$0x40] =	vst v22  }
0x501: {  	v26 =	vor.u32 $0x2000, v1;
	v22 =	vld.idx.msk [tilespmem:v24+s18+$0x0], $0xffff;
	v24 =	vor.u32 s20, v42  }
0x502: {  	[tilespmem:s25+$0xFFFFFFA0] =	vst v23;
	v23 =	vor.u32 s28, v26  }
0x503: {  	s8 =	simm.s32 $0x280;
	v30 =	vld.idx.msk [tilespmem:v30+s18+$0x0], $0xffff;
	[tilespmem:s4+$0x10] =	vst v20  }
0x504: {  	v59 =	vor.u32 s26, v36;
	s31 =	sand.u32 $0x3FC0, s8;
	v21 =	vld.idx.msk [tilespmem:v21+s18+$0x0], $0xffff;
	[tilespmem:s2+$0xFFFFFF70] =	vst v40  }
0x505: {  	v48 =	vor.u32 s3, v34;
	v43 =	vld.idx.msk [tilespmem:v19+s18+$0x0], $0xffff;
	[tilespmem:s31+$0x5980] =	vst v27  }
0x506: {  	v20 =	vor.u32 s1, v31;
	v24 =	vld.idx.msk [tilespmem:v24+s18+$0x0], $0xffff;
	[tilespmem:s5+$0x50] =	vst v22  }
0x507: {  	v27 =	vor.u32 $0x2200, v1;
	v22 =	vld.idx.msk [tilespmem:v23+s18+$0x0], $0xffff;
	v23 =	vor.u32 s20, v37  }
0x508: {  	s21 =	simm.s32 $0x5;
	[tilespmem:s25+$0xFFFFFFB0] =	vst v30;
	v30 =	vor.u32 s28, v27  }
0x509: {  	v40 =	vld.idx.msk [tilespmem:v59+s18+$0x0], $0xffff;
	[tilespmem:s4+$0x20] =	vst v21;
	v21 =	vor.u32 s21, v1  }
0x50a: {  	v60 =	vor.u32 s26, v41;
	v48 =	vld.idx.msk [tilespmem:v48+s18+$0x0], $0xffff;
	[tilespmem:s2+$0xFFFFFF80] =	vst v43  }
0x50b: {  	v49 =	vld.idx.msk [tilespmem:v20+s18+$0x0], $0xffff;
	[tilespmem:s0+$0xFFFFFFF0] =	vst v24;
	v24 =	vor.u32 s3, v29  }
0x50c: {  	v50 =	vor.u32 s1, v32;
	v23 =	vld.idx.msk [tilespmem:v23+s18+$0x0], $0xffff;
	[tilespmem:s7+$0x5A00] =	vst v22  }
0x50d: {  	v52 =	vor.u32 s20, v38;
	v51 =	vld.idx.msk [tilespmem:v30+s18+$0x0], $0xffff;
	v30 =	vor.u32 $0x2400, v1  }
0x50e: {  	[tilespmem:s25+$0xFFFFFFC0] =	vst v40;
	v53 =	vld.idx.msk [tilespmem:v21+s18+$0x0], $0xffff;
	v61 =	vor.u32 s28, v30  }
0x50f: {  	v22 =	vor.u32 s21, v4;
	v43 =	vld.idx.msk [tilespmem:v60+s18+$0x0], $0xffff;
	[tilespmem:s4+$0x30] =	vst v48  }
0x510: {  	v62 =	vor.u32 s26, v39;
	v24 =	vld.idx.msk [tilespmem:v24+s18+$0x0], $0xffff;
	[tilespmem:s2+$0xFFFFFF90] =	vst v49  }
0x511: {  	v63 =	vor.u32 s3, v25;
	v49 =	vld.idx.msk [tilespmem:v50+s18+$0x0], $0xffff;
	[tilespmem:s0+$0x0] =	vst v23  }
0x512: {  	s22 =	simm.s32 $0x5FE0;
	v57 =	vor.u32 s1, v33;
	v40 =	vor.u32 $0x2600, v1;
	v52 =	vld.idx.msk [tilespmem:v52+s18+$0x0], $0xffff;
	[tilespmem:s5+$0x70] =	vst v51  }
0x513: {  	v54 =	vor.u32 s20, v35;
	v59 =	vor.u32 s28, v40;
	s28 =	simm.s32 $0x6;
	[tilespmem:s22+$0xFFFFFF60] =	vst v53;
	v58 =	vld.idx.msk [tilespmem:v61+s18+$0x0], $0xffff  }
0x514: {  	[tilespmem:s25+$0xFFFFFFD0] =	vst v43;
	v43 =	vor.u32 s28, v1;
	v55 =	vld.idx.msk [tilespmem:v22+s18+$0x0], $0xffff  }
0x515: {  	v48 =	vld.idx.msk [tilespmem:v62+s18+$0x0], $0xffff;
	[tilespmem:s4+$0x40] =	vst v24  }
0x516: {  	v23 =	vor.u32 s21, v28;
	v24 =	vld.idx.msk [tilespmem:v63+s18+$0x0], $0xffff;
	[tilespmem:s2+$0xFFFFFFA0] =	vst v49  }
0x517: {  	v49 =	vor.u32 s26, v42;
	v50 =	vld.idx.msk [tilespmem:v57+s18+$0x0], $0xffff;
	[tilespmem:s0+$0x10] =	vst v52  }
0x518: {  	s8 =	simm.s32 $0x3C0;
	v60 =	vor.u32 s3, v26;
	v52 =	vld.idx.msk [tilespmem:v54+s18+$0x0], $0xffff;
	[tilespmem:s5+$0x80] =	vst v58  }
0x519: {  	s30 =	sand.u32 $0x3FC0, s8;
	v61 =	vor.u32 s1, v36;
	v57 =	vld.idx.msk [tilespmem:v43+s18+$0x0], $0xffff;
	[tilespmem:s22+$0xFFFFFF70] =	vst v55  }
0x51a: {  	v63 =	vor.u32 s20, v34;
	v62 =	vld.idx.msk [tilespmem:v59+s18+$0x0], $0xffff;
	[tilespmem:s30+$0x5980] =	vst v48  }
0x51b: {  	v56 =	vld.idx.msk [tilespmem:v23+s18+$0x0], $0xffff;
	[tilespmem:s4+$0x50] =	vst v24  }
0x51c: {  	v48 =	vld.idx.msk [tilespmem:v49+s18+$0x0], $0xffff;
	v24 =	vor.u32 s21, v31;
	[tilespmem:s2+$0xFFFFFFB0] =	vst v50  }
0x51d: {  	s29 =	simm.s32 $0x6120;
	v49 =	vld.idx.msk [tilespmem:v60+s18+$0x0], $0xffff;
	v60 =	vor.u32 s26, v37;
	[tilespmem:s0+$0x20] =	vst v52  }
0x51e: {  	v51 =	vld.idx.msk [tilespmem:v61+s18+$0x0], $0xffff;
	v61 =	vor.u32 s3, v27;
	[tilespmem:s29+$0xFFFFFF60] =	vst v57  }
0x51f: {  	v53 =	vld.idx.msk [tilespmem:v63+s18+$0x0], $0xffff;
	[tilespmem:s5+$0x90] =	vst v62;
	v62 =	vor.u32 s1, v41  }
0x520: {  	v63 =	vor.u32 s20, v29;
	[tilespmem:s22+$0xFFFFFF80] =	vst v56;
	v55 =	vld.idx.msk [tilespmem:v44+s19+$0x0], $0xffff  }
0x521: {  	v44 =	vor.u32 s28, v4;
	v56 =	vld.idx.msk [tilespmem:v24+s18+$0x0], $0xffff;
	[tilespmem:s25+$0xFFFFFFF0] =	vst v48  }
0x522: {  	v50 =	vld.idx.msk [tilespmem:v60+s18+$0x0], $0xffff;
	[tilespmem:s6+$0x5A00] =	vst v49  }
0x523: {  	v60 =	vor.u32 s21, v32;
	v52 =	vld.idx.msk [tilespmem:v61+s18+$0x0], $0xffff;
	[tilespmem:s2+$0xFFFFFFC0] =	vst v51  }
0x524: {  	s24 =	simm.s32 $0x5120;
	v61 =	vor.u32 s26, v38;
	v54 =	vld.idx.msk [tilespmem:v62+s18+$0x0], $0xffff;
	[tilespmem:s0+$0x30] =	vst v53  }
0x525: {  	v62 =	vor.u32 s3, v30;
	v48 =	vld.idx.msk [tilespmem:v63+s18+$0x0], $0xffff;
	[tilespmem:s24+$0xFFFFFFE0] =	vst v55  }
0x526: {  	v63 =	vor.u32 s1, v39;
	v57 =	vld.idx.msk [tilespmem:v44+s18+$0x0], $0xffff;
	[tilespmem:s22+$0xFFFFFF90] =	vst v56  }
0x527: {  	v56 =	vld.idx.msk [tilespmem:v45+s19+$0x0], $0xffff;
	v45 =	vor.u32 s28, v28;
	[tilespmem:s25+$0x0] =	vst v50  }
0x528: {  	v49 =	vld.idx.msk [tilespmem:v60+s18+$0x0], $0xffff;
	v60 =	vor.u32 s20, v25;
	[tilespmem:s4+$0x70] =	vst v52  }
0x529: {  	v51 =	vld.idx.msk [tilespmem:v61+s18+$0x0], $0xffff;
	[tilespmem:s2+$0xFFFFFFD0] =	vst v54  }
0x52a: {  	v61 =	vor.u32 s21, v33;
	v53 =	vld.idx.msk [tilespmem:v62+s18+$0x0], $0xffff;
	[tilespmem:s0+$0x40] =	vst v48  }
0x52b: {  	v62 =	vor.u32 s26, v35;
	v55 =	vld.idx.msk [tilespmem:v63+s18+$0x0], $0xffff;
	[tilespmem:s29+$0xFFFFFF70] =	vst v57  }
0x52c: {  	v63 =	vor.u32 s3, v40;
	[tilespmem:s24+$0xFFFFFFF0] =	vst v56;
	v57 =	vld.idx.msk [tilespmem:v45+s18+$0x0], $0xffff  }
0x52d: {  	v50 =	vld.idx.msk [tilespmem:v60+s18+$0x0], $0xffff;
	[tilespmem:s22+$0xFFFFFFA0] =	vst v49;
	v49 =	vor.u32 s1, v42  }
0x52e: {  	v47 =	vld.idx.msk [tilespmem:v47+s19+$0x0], $0xffff;
	[tilespmem:s25+$0x10] =	vst v51;
	v51 =	vor.u32 s20, v26  }
0x52f: {  	s6 =	simm.s32 $0x500;
	v56 =	vld.idx.msk [tilespmem:v61+s18+$0x0], $0xffff  }
0x530: {  	s5 =	sand.u32 $0x3FC0, s6;
	v59 =	vld.idx.msk [tilespmem:v62+s18+$0x0], $0xffff;
	[tilespmem:s4+$0x80] =	vst v53;
	v53 =	vor.u32 s21, v36  }
0x531: {  	v60 =	vor.u32 s26, v34;
	v48 =	vld.idx.msk [tilespmem:v63+s18+$0x0], $0xffff;
	[tilespmem:s5+$0x5980] =	vst v55  }
0x532: {  	v54 =	vld.idx.msk [tilespmem:v49+s18+$0x0], $0xffff;
	[tilespmem:s0+$0x50] =	vst v50  }
0x533: {  	v58 =	vor.u32 s28, v31;
	[tilespmem:s24+$0x0] =	vst v47;
	v52 =	vld.idx.msk [tilespmem:v51+s18+$0x0], $0xffff  }
0x534: {  	v55 =	vor.u32 s1, v37;
	[tilespmem:s22+$0xFFFFFFB0] =	vst v56;
	v50 =	vld.idx.msk [tilespmem:v46+s19+$0x0], $0xffff  }
0x535: {  	s3 =	simm.s32 $0x7;
	v56 =	vld.idx.msk [tilespmem:v53+s18+$0x0], $0xffff;
	[tilespmem:s25+$0x20] =	vst v59;
	v53 =	vor.u32 s20, v27  }
0x536: {  	s7 =	simm.s32 $0x8;
	v47 =	vor.u32 s3, v1;
	v46 =	vmov v58;
	v51 =	vld.idx.msk [tilespmem:v60+s18+$0x0], $0xffff;
	[tilespmem:s4+$0x90] =	vst v48  }
.LBB2_14:
0x537: {  	p0 =	sne.s32 s7, $0x1F;
	[tilespmem:s29+$0xFFFFFF80] =	vst v57;
	v48 =	vor.u32 s21, v41;
	v49 =	vld.idx.msk [tilespmem:v16+s19+$0x0], $0xffff;
	v16 =	vmovc v8;
	v8 =	vmov v15;
	v15 =	vmov v18;
	s4 =	smov.u32 s2;
	s2 =	smov.u32 s22  }
0x538: {  	v18 =	vmovc v21;
	v21 =	vmov v43;
	v43 =	vmov v47;
	s22 =	smov.u32 s29;
	v57 =	vld.idx.msk [tilespmem:v58+s18+$0x0], $0xffff;
	[tilespmem:s4+$0xFFFFFFF0] =	vst v54;
	v54 =	vor.u32 s26, v29  }
0x539: {  	v55 =	vld.idx.msk [tilespmem:v55+s18+$0x0], $0xffff;
	[tilespmem:s31+$0x5A00] =	vst v52;
	s31 =	smov.u32 s30;
	s30 =	smov.u32 s5  }
0x53a: {  	v52 =	vor.u32 s28, v32;
	v53 =	vld.idx.msk [tilespmem:v53+s18+$0x0], $0xffff;
	[tilespmem:s24+$0x10] =	vst v50  }
0x53b: {  	v50 =	vor.u32 s1, v38;
	v47 =	vld.idx.msk [tilespmem:v47+s18+$0x0], $0xffff;
	[tilespmem:s2+$0xFFFFFFC0] =	vst v56  }
0x53c: {  	s24 =	sadd.s32 $0x40, s24;
	v48 =	vld.idx.msk [tilespmem:v48+s18+$0x0], $0xffff;
	[tilespmem:s25+$0x30] =	vst v51;
	v51 =	vor.u32 s20, v30  }
0x53d: {  	v56 =	vor.u32 s3, v4;
	v54 =	vld.idx.msk [tilespmem:v54+s18+$0x0], $0xffff;
	[tilespmem:s24+$0xFFFFFFE0] =	vst v49  }
0x53e: {  	v49 =	vor.u32 s21, v39;
	[tilespmem:s29+$0xFFFFFF90] =	vst v57;
	v57 =	vld.idx.msk [tilespmem:v11+s19+$0x0], $0xffff;
	v11 =	vmovc v7;
	v7 =	vmov v13;
	v13 =	vmov v17  }
0x53f: {  	v17 =	vmovc v22;
	v22 =	vmov v44;
	v44 =	vmov v56;
	v52 =	vld.idx.msk [tilespmem:v52+s18+$0x0], $0xffff;
	[tilespmem:s4+$0x0] =	vst v55;
	v55 =	vor.u32 s26, v25  }
0x540: {  	s29 =	sadd.s32 $0x140, s29;
	v50 =	vld.idx.msk [tilespmem:v50+s18+$0x0], $0xffff;
	[tilespmem:s0+$0x70] =	vst v53  }
0x541: {  	[tilespmem:s29+$0xFFFFFF60] =	vst v47;
	v47 =	vor.u32 s28, v33;
	v51 =	vld.idx.msk [tilespmem:v51+s18+$0x0], $0xffff  }
0x542: {  	v53 =	vld.idx.msk [tilespmem:v56+s18+$0x0], $0xffff;
	[tilespmem:s2+$0xFFFFFFD0] =	vst v48;
	v48 =	vor.u32 s1, v35  }
0x543: {  	v49 =	vld.idx.msk [tilespmem:v49+s18+$0x0], $0xffff;
	[tilespmem:s25+$0x40] =	vst v54;
	v54 =	vor.u32 s20, v40;
	s20 =	smov.u32 s26;
	s26 =	smov.u32 s1;
	s1 =	smov.u32 s21  }
0x544: {  	v56 =	vor.u32 s3, v28;
	s21 =	smov.u32 s28;
	s28 =	smov.u32 s3;
	s3 =	smov.u32 s7;
	v55 =	vld.idx.msk [tilespmem:v55+s18+$0x0], $0xffff;
	[tilespmem:s24+$0xFFFFFFF0] =	vst v57  }
0x545: {  	[tilespmem:s22+$0xFFFFFFA0] =	vst v52;
	v52 =	vor.u32 s1, v42;
	v59 =	vld.idx.msk [tilespmem:v10+s19+$0x0], $0xffff;
	v10 =	vmovc v6;
	v6 =	vmov v12;
	v12 =	vmov v19  }
0x546: {  	v19 =	vmovc v23;
	v23 =	vmov v45;
	v45 =	vmov v56;
	v47 =	vld.idx.msk [tilespmem:v47+s18+$0x0], $0xffff;
	[tilespmem:s4+$0x10] =	vst v50;
	v50 =	vor.u32 s20, v26  }
0x547: {  	s6 =	sadd.s32 $0x140, s6;
	v48 =	vld.idx.msk [tilespmem:v48+s18+$0x0], $0xffff;
	[tilespmem:s0+$0x80] =	vst v51  }
0x548: {  	s5 =	sand.u32 $0x3FC0, s6;
	v51 =	vor.u32 s21, v36;
	[tilespmem:s29+$0xFFFFFF70] =	vst v53;
	v60 =	vld.idx.msk [tilespmem:v54+s18+$0x0], $0xffff  }
0x549: {  	v57 =	vld.idx.msk [tilespmem:v56+s18+$0x0], $0xffff;
	[tilespmem:s5+$0x5980] =	vst v49;
	v49 =	vor.u32 s26, v34  }
.Ltmp11:
0x54a: {  	v54 =	vld.idx.msk [tilespmem:v52+s18+$0x0], $0xffff;
	[tilespmem:s25+$0x50] =	vst v55;
	(pc) =	sbr.rel @p0 .LBB2_14-.Ltmp11, $4  }
0x54b: {  	v58 =	vor.u32 s28, v31;
	v52 =	vld.idx.msk [tilespmem:v50+s18+$0x0], $0xffff;
	[tilespmem:s24+$0x0] =	vst v59  }
0x54c: {  	v55 =	vor.u32 s1, v37;
	[tilespmem:s22+$0xFFFFFFB0] =	vst v47;
	v50 =	vld.idx.msk [tilespmem:v9+s19+$0x0], $0xffff;
	v9 =	vmovc v5;
	v5 =	vmov v14;
	v14 =	vmov v20  }
0x54d: {  	v53 =	vor.u32 s20, v27;
	v20 =	vmovc v24;
	v24 =	vmov v46;
	v46 =	vmov v58;
	v56 =	vld.idx.msk [tilespmem:v51+s18+$0x0], $0xffff;
	[tilespmem:s4+$0x20] =	vst v48  }
0x54e: {  	s7 =	sadd.s32 $0x1, s7;
	v47 =	vor.u32 s3, v1;
	v51 =	vld.idx.msk [tilespmem:v49+s18+$0x0], $0xffff;
	[tilespmem:s0+$0x90] =	vst v60;
	s0 =	smov.u32 s25;
	s25 =	smov.u32 s4  }
0x54f: {  	_ =	sdelay $0x3  }
0x550: {  	v48 =	vld.idx.msk [tilespmem:v47+s18+$0x0], $0xffff  }
0x551: {  	v49 =	vor.u32 s3, v4;
	_ =	sdelay $0x2  }
0x552: {  	s4 =	sadd.s32 $0x140, s29  }
0x553: {  	[tilespmem:s4+$0xFFFFFF60] =	vst v48  }
0x554: {  	v59 =	vld.idx.msk [tilespmem:v49+s18+$0x0], $0xffff  }
0x555: {  	v48 =	vor.u32 s3, v28;
	_ =	sdelay $0x3  }
0x556: {  	[tilespmem:s4+$0xFFFFFF70] =	vst v59  }
0x557: {  	v59 =	vld.idx.msk [tilespmem:v48+s18+$0x0], $0xffff  }
0x558: {  	v28 =	vor.u32 s3, v31;
	_ =	sdelay $0x2  }
0x559: {  	[tilespmem:s29+$0xFFFFFF80] =	vst v57  }
0x55a: {  	v63 =	vld.idx.msk [tilespmem:v58+s18+$0x0], $0xffff;
	[tilespmem:s4+$0xFFFFFF80] =	vst v59  }
0x55b: {  	v60 =	vor.u32 s28, v32;
	v61 =	vld.idx.msk [tilespmem:v28+s18+$0x0], $0xffff  }
0x55c: {  	v62 =	vor.u32 s3, v32;
	_ =	sdelay $0x2  }
0x55d: {  	[tilespmem:s29+$0xFFFFFF90] =	vst v63  }
0x55e: {  	v31 =	vld.idx.msk [tilespmem:v60+s18+$0x0], $0xffff;
	[tilespmem:s4+$0xFFFFFF90] =	vst v61  }
0x55f: {  	v63 =	vor.u32 s28, v33;
	v32 =	vld.idx.msk [tilespmem:v62+s18+$0x0], $0xffff  }
0x560: {  	v58 =	vor.u32 s3, v33;
	_ =	sdelay $0x2  }
0x561: {  	[tilespmem:s29+$0xFFFFFFA0] =	vst v31  }
0x562: {  	v31 =	vld.idx.msk [tilespmem:v63+s18+$0x0], $0xffff;
	[tilespmem:s4+$0xFFFFFFA0] =	vst v32  }
0x563: {  	v59 =	vor.u32 s28, v36;
	v33 =	vld.idx.msk [tilespmem:v58+s18+$0x0], $0xffff  }
0x564: {  	v60 =	vor.u32 s3, v36;
	_ =	sdelay $0x2  }
0x565: {  	[tilespmem:s29+$0xFFFFFFB0] =	vst v31;
	v61 =	vor.u32 s21, v41  }
0x566: {  	v32 =	vld.idx.msk [tilespmem:v59+s18+$0x0], $0xffff;
	[tilespmem:s4+$0xFFFFFFB0] =	vst v33  }
0x567: {  	v62 =	vor.u32 s28, v41;
	v36 =	vld.idx.msk [tilespmem:v60+s18+$0x0], $0xffff  }
0x568: {  	v63 =	vor.u32 s3, v41  }
0x569: {  	[tilespmem:s22+$0xFFFFFFC0] =	vst v56  }
0x56a: {  	v31 =	vld.idx.msk [tilespmem:v61+s18+$0x0], $0xffff  }
0x56b: {  	v56 =	vor.u32 s21, v39;
	[tilespmem:s29+$0xFFFFFFC0] =	vst v32  }
0x56c: {  	v33 =	vld.idx.msk [tilespmem:v62+s18+$0x0], $0xffff;
	[tilespmem:s4+$0xFFFFFFC0] =	vst v36  }
0x56d: {  	v57 =	vor.u32 s28, v39;
	v41 =	vld.idx.msk [tilespmem:v63+s18+$0x0], $0xffff  }
0x56e: {  	v58 =	vor.u32 s3, v39  }
0x56f: {  	[tilespmem:s22+$0xFFFFFFD0] =	vst v31  }
0x570: {  	v31 =	vld.idx.msk [tilespmem:v56+s18+$0x0], $0xffff  }
0x571: {  	v59 =	vor.u32 s21, v42;
	[tilespmem:s29+$0xFFFFFFD0] =	vst v33  }
0x572: {  	v33 =	vld.idx.msk [tilespmem:v57+s18+$0x0], $0xffff;
	[tilespmem:s4+$0xFFFFFFD0] =	vst v41  }
0x573: {  	s6 =	sadd.s32 $0x140, s6;
	v60 =	vor.u32 s28, v42;
	v39 =	vld.idx.msk [tilespmem:v58+s18+$0x0], $0xffff  }
0x574: {  	s7 =	sand.u32 $0x3FC0, s6;
	v61 =	vor.u32 s3, v42  }
0x575: {  	s8 =	sadd.s32 $0x140, s6;
	[tilespmem:s7+$0x5980] =	vst v31  }
0x576: {  	s6 =	sand.u32 $0x3FC0, s8;
	s8 =	sadd.s32 $0x140, s8;
	v31 =	vld.idx.msk [tilespmem:v59+s18+$0x0], $0xffff  }
0x577: {  	s8 =	sand.u32 $0x3FC0, s8;
	v62 =	vor.u32 s21, v37;
	[tilespmem:s6+$0x5980] =	vst v33  }
0x578: {  	v33 =	vld.idx.msk [tilespmem:v60+s18+$0x0], $0xffff;
	[tilespmem:s8+$0x5980] =	vst v39  }
0x579: {  	v63 =	vor.u32 s28, v37;
	v39 =	vld.idx.msk [tilespmem:v61+s18+$0x0], $0xffff  }
0x57a: {  	[tilespmem:s2+$0xFFFFFFF0] =	vst v54;
	v56 =	vor.u32 s3, v37  }
0x57b: {  	v57 =	vld.idx.msk [tilespmem:v55+s18+$0x0], $0xffff;
	[tilespmem:s22+$0xFFFFFFF0] =	vst v31  }
0x57c: {  	v32 =	vld.idx.msk [tilespmem:v62+s18+$0x0], $0xffff;
	v58 =	vor.u32 s1, v38  }
0x57d: {  	v59 =	vor.u32 s21, v38;
	[tilespmem:s29+$0xFFFFFFF0] =	vst v33  }
0x57e: {  	v36 =	vld.idx.msk [tilespmem:v63+s18+$0x0], $0xffff;
	[tilespmem:s4+$0xFFFFFFF0] =	vst v39  }
0x57f: {  	v60 =	vor.u32 s28, v38;
	v37 =	vld.idx.msk [tilespmem:v56+s18+$0x0], $0xffff  }
0x580: {  	[tilespmem:s2+$0x0] =	vst v57;
	v61 =	vor.u32 s3, v38  }
0x581: {  	[tilespmem:s22+$0x0] =	vst v32;
	v31 =	vld.idx.msk [tilespmem:v58+s18+$0x0], $0xffff  }
0x582: {  	v62 =	vor.u32 s1, v35;
	v33 =	vld.idx.msk [tilespmem:v59+s18+$0x0], $0xffff  }
0x583: {  	v63 =	vor.u32 s21, v35;
	[tilespmem:s29+$0x0] =	vst v36  }
0x584: {  	v39 =	vld.idx.msk [tilespmem:v60+s18+$0x0], $0xffff;
	[tilespmem:s4+$0x0] =	vst v37  }
0x585: {  	v54 =	vor.u32 s28, v35;
	v38 =	vld.idx.msk [tilespmem:v61+s18+$0x0], $0xffff  }
0x586: {  	[tilespmem:s2+$0x10] =	vst v31;
	v56 =	vor.u32 s3, v35  }
0x587: {  	[tilespmem:s22+$0x10] =	vst v33;
	v31 =	vld.idx.msk [tilespmem:v62+s18+$0x0], $0xffff  }
0x588: {  	[tilespmem:s31+$0x5A00] =	vst v52;
	v58 =	vor.u32 s1, v34;
	v33 =	vld.idx.msk [tilespmem:v63+s18+$0x0], $0xffff  }
0x589: {  	v59 =	vor.u32 s21, v34;
	[tilespmem:s29+$0x10] =	vst v39  }
0x58a: {  	v52 =	vor.u32 s26, v29;
	v37 =	vld.idx.msk [tilespmem:v54+s18+$0x0], $0xffff;
	[tilespmem:s4+$0x10] =	vst v38  }
0x58b: {  	v60 =	vor.u32 s28, v34;
	v35 =	vld.idx.msk [tilespmem:v56+s18+$0x0], $0xffff  }
0x58c: {  	v55 =	vld.idx.msk [tilespmem:v53+s18+$0x0], $0xffff;
	v62 =	vor.u32 s3, v34;
	[tilespmem:s2+$0x20] =	vst v31  }
0x58d: {  	v57 =	vor.u32 s20, v30;
	[tilespmem:s22+$0x20] =	vst v33;
	v32 =	vld.idx.msk [tilespmem:v58+s18+$0x0], $0xffff  }
0x58e: {  	[tilespmem:s25+$0x30] =	vst v51;
	v53 =	vor.u32 s1, v29;
	v36 =	vld.idx.msk [tilespmem:v59+s18+$0x0], $0xffff  }
0x58f: {  	v31 =	vld.idx.msk [tilespmem:v52+s18+$0x0], $0xffff;
	[tilespmem:s29+$0x20] =	vst v37  }
0x590: {  	v54 =	vor.u32 s21, v29;
	v38 =	vld.idx.msk [tilespmem:v60+s18+$0x0], $0xffff;
	[tilespmem:s4+$0x20] =	vst v35  }
0x591: {  	[tilespmem:s0+$0x70] =	vst v55;
	v55 =	vor.u32 s28, v29;
	v34 =	vld.idx.msk [tilespmem:v62+s18+$0x0], $0xffff  }
0x592: {  	v61 =	vld.idx.msk [tilespmem:v57+s18+$0x0], $0xffff;
	[tilespmem:s2+$0x30] =	vst v32;
	v56 =	vor.u32 s3, v29  }
0x593: {  	v57 =	vor.u32 s26, v25;
	[tilespmem:s22+$0x30] =	vst v36;
	v33 =	vld.idx.msk [tilespmem:v53+s18+$0x0], $0xffff  }
0x594: {  	v16 =	vld.idx.msk [tilespmem:v16+s19+$0x0], $0xffff;
	v58 =	vor.u32 s1, v25;
	[tilespmem:s25+$0x40] =	vst v31  }
0x595: {  	v63 =	vor.u32 s20, v40;
	v37 =	vld.idx.msk [tilespmem:v54+s18+$0x0], $0xffff;
	[tilespmem:s29+$0x30] =	vst v38  }
0x596: {  	v59 =	vor.u32 s21, v25;
	v35 =	vld.idx.msk [tilespmem:v55+s18+$0x0], $0xffff;
	[tilespmem:s4+$0x30] =	vst v34  }
0x597: {  	[tilespmem:s0+$0x80] =	vst v61;
	v60 =	vor.u32 s28, v25;
	v29 =	vld.idx.msk [tilespmem:v56+s18+$0x0], $0xffff  }
0x598: {  	v61 =	vor.u32 s3, v25;
	v31 =	vld.idx.msk [tilespmem:v57+s18+$0x0], $0xffff;
	[tilespmem:s2+$0x40] =	vst v33  }
0x599: {  	[tilespmem:s24+$0x10] =	vst v50;
	v33 =	vld.idx.msk [tilespmem:v58+s18+$0x0], $0xffff  }
0x59a: {  	v39 =	vld.idx.msk [tilespmem:v63+s18+$0x0], $0xffff;
	v63 =	vor.u32 s1, v26;
	[tilespmem:s22+$0x40] =	vst v37  }
0x59b: {  	v37 =	vld.idx.msk [tilespmem:v59+s18+$0x0], $0xffff;
	v62 =	vor.u32 s26, v26;
	[tilespmem:s29+$0x40] =	vst v35  }
0x59c: {  	s31 =	sadd.s32 $0x40, s24;
	v41 =	vor.u32 s21, v26;
	v34 =	vld.idx.msk [tilespmem:v60+s18+$0x0], $0xffff;
	[tilespmem:s4+$0x40] =	vst v29  }
0x59d: {  	[tilespmem:s31+$0xFFFFFFE0] =	vst v16;
	v42 =	vor.u32 s28, v26;
	v25 =	vld.idx.msk [tilespmem:v61+s18+$0x0], $0xffff  }
0x59e: {  	v50 =	vor.u32 s3, v26;
	v11 =	vld.idx.msk [tilespmem:v11+s19+$0x0], $0xffff;
	[tilespmem:s2+$0x50] =	vst v33  }
0x59f: {  	[tilespmem:s25+$0x50] =	vst v31;
	v33 =	vld.idx.msk [tilespmem:v63+s18+$0x0], $0xffff  }
0x5a0: {  	v52 =	vor.u32 s1, v27;
	[tilespmem:s22+$0x50] =	vst v37;
	v31 =	vld.idx.msk [tilespmem:v62+s18+$0x0], $0xffff  }
0x5a1: {  	v51 =	vor.u32 s26, v27;
	v35 =	vld.idx.msk [tilespmem:v41+s18+$0x0], $0xffff;
	[tilespmem:s29+$0x50] =	vst v34  }
0x5a2: {  	v53 =	vor.u32 s21, v27;
	v29 =	vld.idx.msk [tilespmem:v42+s18+$0x0], $0xffff;
	[tilespmem:s4+$0x50] =	vst v25  }
0x5a3: {  	[tilespmem:s31+$0xFFFFFFF0] =	vst v11;
	v54 =	vor.u32 s28, v27;
	v25 =	vld.idx.msk [tilespmem:v50+s18+$0x0], $0xffff  }
0x5a4: {  	v55 =	vor.u32 s3, v27;
	[tilespmem:s5+$0x5A00] =	vst v33  }
0x5a5: {  	[tilespmem:s30+$0x5A00] =	vst v31;
	v58 =	vld.idx.msk [tilespmem:v52+s18+$0x0], $0xffff  }
0x5a6: {  	v59 =	vor.u32 s1, v30;
	[tilespmem:s7+$0x5A00] =	vst v35;
	v56 =	vld.idx.msk [tilespmem:v51+s18+$0x0], $0xffff  }
0x5a7: {  	v57 =	vor.u32 s26, v30;
	v60 =	vld.idx.msk [tilespmem:v53+s18+$0x0], $0xffff;
	[tilespmem:s6+$0x5A00] =	vst v29  }
0x5a8: {  	v61 =	vor.u32 s21, v30;
	v16 =	vld.idx.msk [tilespmem:v54+s18+$0x0], $0xffff;
	[tilespmem:s8+$0x5A00] =	vst v25  }
0x5a9: {  	[tilespmem:s0+$0x90] =	vst v39;
	v62 =	vor.u32 s28, v30;
	v26 =	vld.idx.msk [tilespmem:v55+s18+$0x0], $0xffff  }
0x5aa: {  	v10 =	vld.idx.msk [tilespmem:v10+s19+$0x0], $0xffff;
	v63 =	vor.u32 s3, v30;
	[tilespmem:s2+$0x70] =	vst v58  }
0x5ab: {  	[tilespmem:s25+$0x70] =	vst v56;
	v29 =	vld.idx.msk [tilespmem:v59+s18+$0x0], $0xffff  }
0x5ac: {  	v38 =	vor.u32 s1, v40;
	[tilespmem:s22+$0x70] =	vst v60;
	v36 =	vld.idx.msk [tilespmem:v57+s18+$0x0], $0xffff  }
0x5ad: {  	v37 =	vor.u32 s26, v40;
	[tilespmem:s29+$0x70] =	vst v16;
	v25 =	vld.idx.msk [tilespmem:v61+s18+$0x0], $0xffff  }
0x5ae: {  	v39 =	vor.u32 s21, v40;
	v11 =	vld.idx.msk [tilespmem:v62+s18+$0x0], $0xffff;
	[tilespmem:s4+$0x70] =	vst v26  }
0x5af: {  	[tilespmem:s31+$0x0] =	vst v10;
	v41 =	vor.u32 s28, v40;
	v42 =	vld.idx.msk [tilespmem:v63+s18+$0x0], $0xffff  }
0x5b0: {  	v9 =	vld.idx.msk [tilespmem:v9+s19+$0x0], $0xffff;
	v50 =	vor.u32 s3, v40;
	[tilespmem:s2+$0x80] =	vst v29  }
0x5b1: {  	[tilespmem:s25+$0x80] =	vst v36;
	v29 =	vld.idx.msk [tilespmem:v38+s18+$0x0], $0xffff  }
0x5b2: {  	v30 =	vld.idx.msk [tilespmem:v37+s18+$0x0], $0xffff;
	[tilespmem:s22+$0x80] =	vst v25  }
0x5b3: {  	[tilespmem:s29+$0x80] =	vst v11;
	v16 =	vld.idx.msk [tilespmem:v39+s18+$0x0], $0xffff  }
0x5b4: {  	v11 =	vld.idx.msk [tilespmem:v41+s18+$0x0], $0xffff;
	[tilespmem:s4+$0x80] =	vst v42  }
0x5b5: {  	[tilespmem:s31+$0x10] =	vst v9;
	v51 =	vld.idx.msk [tilespmem:v50+s18+$0x0], $0xffff  }
0x5b6: {  	v8 =	vld.idx.msk [tilespmem:v8+s19+$0x0], $0xffff;
	[tilespmem:s2+$0x90] =	vst v29  }
0x5b7: {  	[tilespmem:s25+$0x90] =	vst v30;
	v53 =	vld.idx.msk [tilespmem:v18+s19+$0x0], $0xffff  }
0x5b8: {  	v52 =	vld.idx.msk [tilespmem:v15+s19+$0x0], $0xffff;
	[tilespmem:s22+$0x90] =	vst v16  }
0x5b9: {  	s0 =	sadd.s32 $0x40, s31;
	[tilespmem:s29+$0x90] =	vst v11;
	v16 =	vld.idx.msk [tilespmem:v21+s19+$0x0], $0xffff  }
0x5ba: {  	s20 =	sadd.s32 $0x40, s0;
	v11 =	vld.idx.msk [tilespmem:v43+s19+$0x0], $0xffff;
	[tilespmem:s4+$0x90] =	vst v51  }
0x5bb: {  	[tilespmem:s0+$0xFFFFFFE0] =	vst v8;
	s21 =	sadd.s32 $0x40, s20;
	v54 =	vld.idx.msk [tilespmem:v47+s19+$0x0], $0xffff  }
0x5bc: {  	v7 =	vld.idx.msk [tilespmem:v7+s19+$0x0], $0xffff;
	[tilespmem:s21+$0xFFFFFFE0] =	vst v53  }
0x5bd: {  	[tilespmem:s20+$0xFFFFFFE0] =	vst v52;
	s22 =	sadd.s32 $0x40, s21;
	v56 =	vld.idx.msk [tilespmem:v17+s19+$0x0], $0xffff  }
0x5be: {  	v55 =	vld.idx.msk [tilespmem:v13+s19+$0x0], $0xffff;
	s24 =	sadd.s32 $0x40, s22;
	[tilespmem:s22+$0xFFFFFFE0] =	vst v16  }
0x5bf: {  	s25 =	sadd.s32 $0x40, s24;
	[tilespmem:s24+$0xFFFFFFE0] =	vst v11;
	v57 =	vld.idx.msk [tilespmem:v22+s19+$0x0], $0xffff  }
0x5c0: {  	v11 =	vld.idx.msk [tilespmem:v44+s19+$0x0], $0xffff;
	[tilespmem:s25+$0xFFFFFFE0] =	vst v54  }
0x5c1: {  	[tilespmem:s0+$0xFFFFFFF0] =	vst v7;
	v7 =	vld.idx.msk [tilespmem:v49+s19+$0x0], $0xffff  }
0x5c2: {  	v6 =	vld.idx.msk [tilespmem:v6+s19+$0x0], $0xffff;
	[tilespmem:s21+$0xFFFFFFF0] =	vst v56  }
0x5c3: {  	[tilespmem:s20+$0xFFFFFFF0] =	vst v55;
	v59 =	vld.idx.msk [tilespmem:v19+s19+$0x0], $0xffff  }
0x5c4: {  	v58 =	vld.idx.msk [tilespmem:v12+s19+$0x0], $0xffff;
	[tilespmem:s22+$0xFFFFFFF0] =	vst v57  }
0x5c5: {  	[tilespmem:s24+$0xFFFFFFF0] =	vst v11;
	v60 =	vld.idx.msk [tilespmem:v23+s19+$0x0], $0xffff  }
0x5c6: {  	v11 =	vld.idx.msk [tilespmem:v45+s19+$0x0], $0xffff;
	[tilespmem:s25+$0xFFFFFFF0] =	vst v7  }
0x5c7: {  	[tilespmem:s0+$0x0] =	vst v6;
	v6 =	vld.idx.msk [tilespmem:v48+s19+$0x0], $0xffff  }
0x5c8: {  	v5 =	vld.idx.msk [tilespmem:v5+s19+$0x0], $0xffff;
	[tilespmem:s21+$0x0] =	vst v59  }
0x5c9: {  	[tilespmem:s20+$0x0] =	vst v58;
	v61 =	vld.idx.msk [tilespmem:v20+s19+$0x0], $0xffff  }
0x5ca: {  	[tilespmem:s22+$0x0] =	vst v60;
	v7 =	vld.idx.msk [tilespmem:v14+s19+$0x0], $0xffff  }
0x5cb: {  	[tilespmem:s24+$0x0] =	vst v11;
	v62 =	vld.idx.msk [tilespmem:v24+s19+$0x0], $0xffff  }
0x5cc: {  	v63 =	vld.idx.msk [tilespmem:v46+s19+$0x0], $0xffff;
	[tilespmem:s25+$0x0] =	vst v6  }
0x5cd: {  	[tilespmem:s0+$0x10] =	vst v5;
	v5 =	vld.idx.msk [tilespmem:v28+s19+$0x0], $0xffff  }
0x5ce: {  	[tilespmem:s21+$0x10] =	vst v61  }
0x5cf: {  	[tilespmem:s20+$0x10] =	vst v7  }
0x5d0: {  	[tilespmem:s22+$0x10] =	vst v62  }
0x5d1: {  	[tilespmem:s24+$0x10] =	vst v63  }
0x5d2: {  	s26 =	simm.s32 $0x400;
	[tilespmem:s25+$0x10] =	vst v5  }
0x5d3: {  	s28 =	simm.s32 $0x5100;
	s2 =	simm.s32 $0x1;
	s0 =	rddreg [dreg:$0x7]  }
0x5d4: {  	[hbm4b:s0+s9] =	stream.strided.scatter [tilespmem:s28], [sflag:$0x1], $0x800, s26, s9, $0x38;
	[tilespmem:$0x8100] =	vst v63  }
0x5d5: {  	_ =	swait.ge [sflag:s2], $0x800  }
0x5d6: {  	[sflag:s2] =	ssyncset.done $0x0  }
0x5d7: {  	s30 =	simm.s32 $0x5900;
	s29 =	rddreg [dreg:$0x8];
	[sflag:s2] =	ssyncadd.s32 $0xFFFFF800  }
0x5d8: {  	[hbm4b:s29+s9] =	stream.strided.scatter [tilespmem:s30], [sflag:$0x1], $0x2800, s26, s9, $0x38;
	[tilespmem:$0x8100] =	vst v63  }
0x5d9: {  	_ =	swait.ge [sflag:s2], $0x2800  }
0x5da: {  	s23 =	sadd.s32 $0x1, s23;
	s31 =	rddreg [dreg:$0x9]  }
0x5db: {  	p0 =	sne.s32 s23, s31  }
.Ltmp12:
0x5dc: {  	_ = 	snop;
	(pc) =	sbr.rel @p0 .LBB2_1-.Ltmp12, $3  }
0x5dd: {  	_ =	sdelay $0x1  }
0x5de: {  	[sflag:s2] =	ssyncset.done $0x0  }
0x5df: {  	[sflag:s2] =	ssyncadd.s32 $0xFFFFD800  }
0x5e0: {  	_ =	sfence.sel $0x180000  }
0x5e1: {  	[bflag:$0x0] =	sbarrier.arrive $0xFFFF  }
0x5e2: {  	_ =	strace $0x90000047  }
0x5e3: {  	s0 =	stileid.u32;
	[bflag:$0x2] =	sbarrier.arrive $0xFFFF  }
0x5e4: {  	p0 =	sne.s32 s0, $0x0;
	s0 =	rddreg [dreg:$0x4]  }
0x5e5: {  	s0 =	sadd.s32 @!p0 $0x100000, s0  }
0x5e6: {  	[sflag:s0] =	ssyncadd.tile.s32 @!p0 $0x1;
	_ =	shalt  }
.Lfunc_end2:
_tile_overlayer_lowered:
.L_overlay_start_2:
0x5e7: {  	(tag) =	ssettag $0x2  }
0x5e8: {  	s0 =	rddreg [dreg:$0x0];
	s2 =	stileid.u32  }
0x5e9: {  	s1 =	rddreg [dreg:$0x1];
	p0 =	sne.s32 s2, $0x0  }
0x5ea: {  	s3 =	rddreg [dreg:$0x2];
	[bflag:$0x3] =	sbarrier.arrive $0xFFFF;
	s2 =	simm.s32 @!p0 $0x1C01  }
0x5eb: {  	[timem:s3], [sflag:s2] =	dma.local @!p0 [hbm:s0], s1  }
0x5ec: {  	s0 =	simm.s32 @!p0 $0x1  }
0x5ed: {  	_ =	swait.ge @!p0 [sflag:s0], s1  }
0x5ee: {  	s1 =	ssub.s32 @!p0 $0x0, s1;
	[sflag:s0] =	ssyncset.done @!p0 $0x0  }
0x5ef: {  	[sflag:s0] =	ssyncadd.s32 @!p0 s1  }
0x5f0: {  	[bflag:$0x3] =	sbarrier.arrive $0xFFFF  }
0x5f1: {  	_ =	shalt  }

</sc_bundles>
